<compile_context>
chip_gen: v7x
topology: tpu7x:2x2x1
jax: 0.10.2.dev20260603
libtpu: 0.0.44.dev20260713+nightly
codegen_flags: <defaults>
</compile_context>

<pallas_src>
import functools

import jax
import jax.numpy as jnp
from jax import lax
from jax.experimental import pallas as pl
from jax.experimental.pallas import tpu as pltpu
from jax.experimental.pallas import tpu_sc as plsc

N = 10000
E = 320000
D = 128
H = 128
C = 10
NUM_LAYERS = 3
G = 64

NC = 2
NS = 16
NW = NC * NS
K = 80
CHUNKS = 125
NGRP = 5
GRP = CHUNKS // NGRP
NBUF = 4
TAIL = GRP - (GRP // NBUF) * NBUF
NPAD = 10240
ROWS_PER_TILE = NPAD // NS

_SC_MESH = plsc.VectorSubcoreMesh(
    core_axis_name="c", subcore_axis_name="s", num_cores=NC, num_subcores=NS)


@functools.partial(
    pl.kernel,
    out_type=jax.ShapeDtypeStruct((NC, NPAD, H), jnp.float32),
    mesh=_SC_MESH,
    scratch_types=[
        pltpu.VMEM((GRP, K), jnp.int32),
        pltpu.VMEM((GRP, K), jnp.int32),
        [pltpu.VMEM((K, H), jnp.float32) for _ in range(NBUF)],
        pltpu.VMEM_SHARED((NPAD, H), jnp.float32),
        pltpu.SemaphoreType.DMA,
        pltpu.SemaphoreType.DMA,
    ],
)
def _sc_segment_sum(h_hbm, src_hbm, dst_hbm, out_hbm,
                    src_v, dst_v, rows, acc, gsem, isem):
    cid = lax.axis_index("c")
    sid = lax.axis_index("s")
    wid = sid * NC + cid
    z0 = sid * ROWS_PER_TILE

    def zbody(r, carry):
        rows[0][r // 8, pl.ds((r % 8) * 16, 16)] = jnp.zeros((16,),
                                                             jnp.float32)
        return carry

    lax.fori_loop(0, K * 8, zbody, 0)
    for q in range(ROWS_PER_TILE // K):
        pltpu.sync_copy(rows[0], acc.at[pl.ds(z0 + q * K, K)])
    plsc.subcore_barrier()

    def group(g, carry):
        csrc = pltpu.async_copy(src_hbm.at[wid].at[g], src_v, isem)
        cdst = pltpu.async_copy(dst_hbm.at[wid].at[g], dst_v, isem)
        csrc.wait()
        for b in range(NBUF - 1):
            pltpu.async_copy(h_hbm.at[src_v.at[b]], rows[b], gsem)
        cdst.wait()

        def body(t, carry2):
            for b in range(NBUF):
                j = NBUF * t + b
                pltpu.make_async_copy(h_hbm.at[src_v.at[j]], rows[b],
                                      gsem).wait()

                @pl.when(j + NBUF - 1 < GRP)
                def _():
                    pltpu.async_copy(
                        h_hbm.at[src_v.at[j + NBUF - 1]],
                        rows[(b + NBUF - 1) % NBUF], gsem)

                pltpu.sync_copy(rows[b], acc.at[dst_v.at[j]], add=True)
            return carry2

        lax.fori_loop(0, GRP // NBUF, body, 0)
        for b in range(TAIL):
            j = (GRP // NBUF) * NBUF + b
            pltpu.make_async_copy(h_hbm.at[src_v.at[j]], rows[j % NBUF],
                                  gsem).wait()
            pltpu.sync_copy(rows[j % NBUF], acc.at[dst_v.at[j]], add=True)
        return carry

    lax.fori_loop(0, NGRP, group, 0)
    plsc.subcore_barrier()
    pltpu.sync_copy(acc.at[pl.ds(z0, ROWS_PER_TILE)],
                    out_hbm.at[cid].at[pl.ds(z0, ROWS_PER_TILE)])


_BLK = 2000
_NBLK = N // _BLK
_DEF = lax.Precision.DEFAULT
_HIGH = lax.Precision.HIGHEST


def _bn_coeffs(stats, gamma, beta):
    mu = stats[0:1] / N
    var = stats[1:2] / N - mu * mu
    a = gamma * lax.rsqrt(var + 1e-5)
    return a, beta - a * mu


def _compute_block(agg0_ref, agg1_ref, h_ref, wrel_ref, wroot_ref, brel_ref,
                   batch_ref, stats_scr, psum_scr, cnt_scr, i):
    agg = agg0_ref[0] + agg1_ref[0]
    h = h_ref[...]
    y = lax.dot_general(agg, wrel_ref[...], (((1,), (0,)), ((), ())),
                        precision=_DEF)
    y += lax.dot_general(h, wroot_ref[...], (((1,), (0,)), ((), ())),
                         precision=_DEF)
    y = jnp.maximum(y + brel_ref[...], 0.0)
    onehot = (batch_ref[...] ==
              lax.broadcasted_iota(jnp.int32, (1, G), 1)).astype(jnp.float32)
    ps = lax.dot_general(onehot, y, (((0,), (0,)), ((), ())), precision=_HIGH)
    cnt = lax.dot_general(onehot, jnp.ones((_BLK, 1), jnp.float32),
                          (((0,), (0,)), ((), ())), precision=_HIGH)
    ssum = jnp.sum(y, axis=0, keepdims=True)
    ssq = jnp.sum(y * y, axis=0, keepdims=True)
    st = jnp.concatenate(
        [ssum, ssq, jnp.zeros((6, H), jnp.float32)], axis=0)

    @pl.when(i == 0)
    def _():
        stats_scr[...] = jnp.zeros_like(stats_scr)
        psum_scr[...] = jnp.zeros_like(psum_scr)
        cnt_scr[...] = jnp.zeros_like(cnt_scr)

    stats_scr[...] += st
    psum_scr[...] += ps
    cnt_scr[...] += cnt
    return y


def _head_out(stats_scr, psum_scr, cnt_scr, gamma_ref, beta_ref,
              fcw_ref, fcb_ref, feat_ref, logit_ref):
    a, c = _bn_coeffs(stats_scr[...], gamma_ref[...], beta_ref[...])
    cnt = cnt_scr[...]
    mean = psum_scr[...] / jnp.maximum(cnt, 1.0)
    feat = jnp.where(cnt > 0.0, a * mean + c, 0.0)
    feat_ref[...] = feat
    logit_ref[...] = lax.dot_general(
        feat, fcw_ref[...], (((1,), (0,)), ((), ())),
        precision=_DEF) + fcb_ref[...]


def _fused_body(agg0_ref, agg1_ref, h_ref, wrel_ref, wroot_ref, brel_ref,
                batch_ref, gamma_ref, beta_ref, fcw_ref, fcb_ref,
                hbn_ref, feat_ref, logit_ref,
                y_scr, stats_scr, psum_scr, cnt_scr):
    i = pl.program_id(0)

    @pl.when(i < _NBLK)
    def _():
        y = _compute_block(agg0_ref, agg1_ref, h_ref, wrel_ref, wroot_ref,
                           brel_ref, batch_ref, stats_scr, psum_scr,
                           cnt_scr, i)
        y_scr[pl.ds(i * _BLK, _BLK), :] = y

    @pl.when(i == _NBLK - 1)
    def _():
        _head_out(stats_scr, psum_scr, cnt_scr, gamma_ref, beta_ref,
                  fcw_ref, fcb_ref, feat_ref, logit_ref)

    @pl.when(i >= _NBLK)
    def _():
        a, c = _bn_coeffs(stats_scr[...], gamma_ref[...], beta_ref[...])
        y = y_scr[pl.ds((i - _NBLK) * _BLK, _BLK), :]
        hbn_ref[...] = a * y + c


def _last_body(agg0_ref, agg1_ref, h_ref, wrel_ref, wroot_ref, brel_ref,
               batch_ref, gamma_ref, beta_ref, fcw_ref, fcb_ref,
               feat_ref, logit_ref,
               stats_scr, psum_scr, cnt_scr):
    i = pl.program_id(0)
    _compute_block(agg0_ref, agg1_ref, h_ref, wrel_ref, wroot_ref,
                   brel_ref, batch_ref, stats_scr, psum_scr, cnt_scr, i)

    @pl.when(i == _NBLK - 1)
    def _():
        _head_out(stats_scr, psum_scr, cnt_scr, gamma_ref, beta_ref,
                  fcw_ref, fcb_ref, feat_ref, logit_ref)


def _layer_in_specs(clamped):
    ix = (lambda i: (0, jnp.minimum(i, _NBLK - 1), 0)) if clamped else \
         (lambda i: (0, i, 0))
    ix1 = (lambda i: (1, jnp.minimum(i, _NBLK - 1), 0)) if clamped else \
          (lambda i: (1, i, 0))
    rx = (lambda i: (jnp.minimum(i, _NBLK - 1), 0)) if clamped else \
         (lambda i: (i, 0))
    return [
        pl.BlockSpec((1, _BLK, H), ix),
        pl.BlockSpec((1, _BLK, H), ix1),
        pl.BlockSpec((_BLK, H), rx),
        pl.BlockSpec((H, H), lambda i: (0, 0)),
        pl.BlockSpec((H, H), lambda i: (0, 0)),
        pl.BlockSpec((1, H), lambda i: (0, 0)),
        pl.BlockSpec((_BLK, 1), rx),
        pl.BlockSpec((1, H), lambda i: (0, 0)),
        pl.BlockSpec((1, H), lambda i: (0, 0)),
        pl.BlockSpec((H, C), lambda i: (0, 0)),
        pl.BlockSpec((1, C), lambda i: (0, 0)),
    ]


_fused_layer = pl.pallas_call(
    _fused_body,
    grid=(2 * _NBLK,),
    in_specs=_layer_in_specs(clamped=True),
    out_specs=[
        pl.BlockSpec((_BLK, H), lambda i: (jnp.maximum(i - _NBLK, 0), 0)),
        pl.BlockSpec((G, H), lambda i: (0, 0)),
        pl.BlockSpec((G, C), lambda i: (0, 0)),
    ],
    out_shape=[
        jax.ShapeDtypeStruct((N, H), jnp.float32),
        jax.ShapeDtypeStruct((G, H), jnp.float32),
        jax.ShapeDtypeStruct((G, C), jnp.float32),
    ],
    scratch_shapes=[
        pltpu.VMEM((N, H), jnp.float32),
        pltpu.VMEM((8, H), jnp.float32),
        pltpu.VMEM((G, H), jnp.float32),
        pltpu.VMEM((G, 1), jnp.float32),
    ],
)

_last_layer = pl.pallas_call(
    _last_body,
    grid=(_NBLK,),
    in_specs=_layer_in_specs(clamped=False),
    out_specs=[
        pl.BlockSpec((G, H), lambda i: (0, 0)),
        pl.BlockSpec((G, C), lambda i: (0, 0)),
    ],
    out_shape=[
        jax.ShapeDtypeStruct((G, H), jnp.float32),
        jax.ShapeDtypeStruct((G, C), jnp.float32),
    ],
    scratch_shapes=[
        pltpu.VMEM((8, H), jnp.float32),
        pltpu.VMEM((G, H), jnp.float32),
        pltpu.VMEM((G, 1), jnp.float32),
    ],
)


def kernel(x_paper, W_rel, b_rel, W_root, bn_gamma, bn_beta, fc_W, fc_b,
           edge_index_paper, batch_paper):
    src = edge_index_paper[0]
    dst = edge_index_paper[1]
    src_p = src.reshape(NW, NGRP, GRP, K)
    dst_p = dst.reshape(NW, NGRP, GRP, K)
    batch2d = batch_paper.reshape(N, 1)
    gamma = bn_gamma.reshape(1, H)
    beta = bn_beta.reshape(1, H)

    h = x_paper
    feats = []
    outs = []
    for l in range(NUM_LAYERS):
        agg_parts = _sc_segment_sum(h, src_p, dst_p)
        args = (agg_parts, agg_parts, h, W_rel[l], W_root[l],
                b_rel[l].reshape(1, H), batch2d, gamma, beta,
                fc_W[l], fc_b[l].reshape(1, C))
        if l + 1 < NUM_LAYERS:
            h, feat, logit = _fused_layer(*args)
        else:
            feat, logit = _last_layer(*args)
        feats.append(feat)
        outs.append(logit)
    return (tuple(outs), tuple(feats))

# --- scband reference (transcript-rebuilt; emitter-appended) ---
"""Pipeline reference for scband-self-distillation-graph-conv-gnn-77326591197423 (READ-ONLY COPY).

The authoritative reference and input builder live on the scoring server;
editing this copy changes nothing except your own understanding.
"""

import jax, jax.numpy as jnp
import numpy as np

N = 10000   # nodes
E = 320000  # edges
D = 128     # input features
H = 128     # hidden channels
C = 10      # num classes
L = 3       # num layers
G = 64      # graphs in batch


def setup_inputs(seed: int = 0) -> dict:
    key = jax.random.key(seed)
    ks = jax.random.split(key, 8)
    x_paper = jax.random.normal(ks[0], (N, D), dtype=jnp.float32)
    edge_index_paper = jax.random.randint(ks[1], (2, E), 0, N, dtype=jnp.int32)
    batch_paper = jnp.sort(jax.random.randint(ks[2], (N,), 0, G, dtype=jnp.int32))
    # GraphConv params per layer: lin_rel (W + b) applied to aggregated messages,
    # lin_root (W, no bias) applied to root features. in=D=H for all layers.
    W_rel = jax.random.normal(ks[3], (L, D, H), dtype=jnp.float32) * 0.05
    b_rel = jnp.zeros((L, H), dtype=jnp.float32)
    W_root = jax.random.normal(ks[4], (L, D, H), dtype=jnp.float32) * 0.05
    # Single node type -> single shared BatchNorm (ModuleDict keyed by node type, reused each layer)
    bn_gamma = jnp.ones((H,), dtype=jnp.float32)
    bn_beta = jnp.zeros((H,), dtype=jnp.float32)
    # One classifier head per layer
    fc_W = jax.random.normal(ks[5], (L, H, C), dtype=jnp.float32) * 0.05
    fc_b = jnp.zeros((L, C), dtype=jnp.float32)
    return {
        'x_paper': x_paper,
        'W_rel': W_rel, 'b_rel': b_rel, 'W_root': W_root,
        'bn_gamma': bn_gamma, 'bn_beta': bn_beta,
        'fc_W': fc_W, 'fc_b': fc_b,
        'edge_index_paper': edge_index_paper,
        'batch_paper': batch_paper,
    }


def reference(x_paper, W_rel, b_rel, W_root, bn_gamma, bn_beta, fc_W, fc_b,
              edge_index_paper, batch_paper):
    src = edge_index_paper[0]
    dst = edge_index_paper[1]
    h = x_paper
    feature_list = []
    for l in range(L):
        # GraphConv (aggr='add'): out = lin_rel(sum_{j in N(i)} x_j) + lin_root(x_i)
        msgs = jnp.take(h, src, axis=0)
        agg = jax.ops.segment_sum(msgs, dst, num_segments=N)
        h = agg @ W_rel[l] + b_rel[l] + h @ W_root[l]
        h = jax.nn.relu(h)
        # BatchNorm over nodes (training-mode batch statistics, eps=1e-5, biased var)
        mu = jnp.mean(h, axis=0)
        var = jnp.var(h, axis=0)
        h = bn_gamma * (h - mu) / jnp.sqrt(var + 1e-5) + bn_beta
        # global mean pool over graphs
        s = jax.ops.segment_sum(h, batch_paper, num_segments=G)
        cnt = jax.ops.segment_sum(jnp.ones((N, 1), h.dtype), batch_paper, num_segments=G)
        feature_list.append(s / jnp.maximum(cnt, 1.0))
    # per-layer classification heads (dropout skipped: deterministic/eval reference)
    output_list = [feature_list[l] @ fc_W[l] + fc_b[l] for l in range(L)]
    return (tuple(output_list), tuple(feature_list))

if __name__ == "__main__":
    import jax
    _d = setup_inputs()
    print(jax.jit(kernel)(*tuple(_d.values())))

</pallas_src>

<mosaic_0001>
#map = affine_map<(d0, d1) -> (0, 0)>
#map1 = affine_map<(d0, d1) -> (0, 0, 0, 0)>
#map2 = affine_map<(d0, d1) -> (0, 0, 0)>
module attributes {stable_mosaic.version = 14 : i64} {
  func.func @_sc_segment_sum(%arg0: i32, %arg1: i32, %arg2: memref<10000x128xf32, #tpu.memory_space<hbm>>, %arg3: memref<32x5x25x80xi32, #tpu.memory_space<hbm>>, %arg4: memref<32x5x25x80xi32, #tpu.memory_space<hbm>>, %arg5: memref<2x10240x128xf32, #tpu.memory_space<hbm>>, %arg6: memref<25x80xi32, #tpu.memory_space<vmem>>, %arg7: memref<25x80xi32, #tpu.memory_space<vmem>>, %arg8: memref<80x128xf32, #tpu.memory_space<vmem>>, %arg9: memref<80x128xf32, #tpu.memory_space<vmem>>, %arg10: memref<80x128xf32, #tpu.memory_space<vmem>>, %arg11: memref<80x128xf32, #tpu.memory_space<vmem>>, %arg12: memref<10240x128xf32, #tpu.memory_space<vmem_shared>>, %arg13: memref<!tpu.dma_semaphore, #tpu.memory_space<semaphore_mem>>, %arg14: memref<!tpu.dma_semaphore, #tpu.memory_space<semaphore_mem>>) attributes {dimension_semantics = [#tpu.dimension_semantics<core_parallel>, #tpu.dimension_semantics<subcore_parallel>], iteration_bounds = array<i64: 2, 16>, scalar_prefetch = 0 : i64, scratch_operands = 9 : i64, tpu.core_type = #tpu.core_type<sc_vector_subcore>, window_params = [{transform_indices = #map}, {transform_indices = #map1}, {transform_indices = #map1}, {transform_indices = #map2}]} {
    %mul3A = arith.constant 2 : i32
    %mul3A_0 = arith.muli %arg1, %mul3A : i32
    %add3A = arith.addi %mul3A_0, %arg0 : i32
    %mul3A_1 = arith.constant 640 : i32
    %mul3A_2 = arith.muli %arg1, %mul3A_1 : i32
    %scan3A = arith.constant 0 : i32
    %scan3A_3 = arith.constant 0 : i32
    %scan3A_4 = arith.constant 640 : i32
    %scan3A_5 = arith.addi %scan3A_3, %scan3A_4 : i32
    %scan3A_6 = arith.constant 1 : i32
    scf.for %scan3A_31 = %scan3A_3 to %scan3A_5 step %scan3A_6  : i32 {
      %broadcast_in_dim3A = arith.constant 0.000000e+00 : f32
      %broadcast_in_dim3A_32 = vector.broadcast %broadcast_in_dim3A : f32 to vector<16xf32>
      %jit3A = arith.constant 8 : i32
      %div3A = arith.divsi %scan3A_31, %jit3A : i32
      %sign3A = arith.constant 0 : i32
      %sign3A_33 = arith.cmpi sgt, %scan3A_31, %sign3A : i32
      %sign3A_34 = arith.extui %sign3A_33 : i1 to i32
      %sign3A_35 = arith.constant 0 : i32
      %sign3A_36 = arith.cmpi slt, %scan3A_31, %sign3A_35 : i32
      %sign3A_37 = arith.extui %sign3A_36 : i1 to i32
      %sign3A_38 = arith.subi %sign3A_34, %sign3A_37 : i32
      %sign3A_39 = arith.constant 0 : i32
      %sign3A_40 = arith.cmpi sgt, %jit3A, %sign3A_39 : i32
      %sign3A_41 = arith.extui %sign3A_40 : i1 to i32
      %sign3A_42 = arith.constant 0 : i32
      %sign3A_43 = arith.cmpi slt, %jit3A, %sign3A_42 : i32
      %sign3A_44 = arith.extui %sign3A_43 : i1 to i32
      %sign3A_45 = arith.subi %sign3A_41, %sign3A_44 : i32
      %ne3A = arith.cmpi ne, %sign3A_38, %sign3A_45 : i32
      %rem3A = arith.remsi %scan3A_31, %jit3A : i32
      %ne3A_46 = arith.constant 0 : i32
      %ne3A_47 = arith.cmpi ne, %rem3A, %ne3A_46 : i32
      %and3A = arith.andi %ne3A, %ne3A_47 : i1
      %sub3A = arith.constant 1 : i32
      %sub3A_48 = arith.subi %div3A, %sub3A : i32
      %select_n3A = arith.select %and3A, %sub3A_48, %div3A : i32
      %jit3A_49 = arith.constant 8 : i32
      %eq3A = arith.constant 0 : i32
      %eq3A_50 = arith.cmpi eq, %jit3A_49, %eq3A : i32
      %jit3A_51 = arith.constant 1 : i32
      %select_n3A_52 = arith.select %eq3A_50, %jit3A_51, %jit3A_49 : i32
      %rem3A_53 = arith.remsi %scan3A_31, %select_n3A_52 : i32
      %ne3A_54 = arith.constant 0 : i32
      %ne3A_55 = arith.cmpi ne, %rem3A_53, %ne3A_54 : i32
      %lt3A = arith.constant 0 : i32
      %lt3A_56 = arith.cmpi slt, %rem3A_53, %lt3A : i32
      %lt3A_57 = arith.constant 0 : i32
      %lt3A_58 = arith.cmpi slt, %select_n3A_52, %lt3A_57 : i32
      %ne3A_59 = arith.xori %lt3A_56, %lt3A_58 : i1
      %and3A_60 = arith.andi %ne3A_59, %ne3A_55 : i1
      %add3A_61 = arith.addi %rem3A_53, %select_n3A_52 : i32
      %select_n3A_62 = arith.select %and3A_60, %add3A_61, %rem3A_53 : i32
      %mul3A_63 = arith.constant 16 : i32
      %mul3A_64 = arith.muli %select_n3A_62, %mul3A_63 : i32
      %swap3A = arith.index_cast %select_n3A : i32 to index
      %swap3A_65 = arith.index_cast %mul3A_64 : i32 to index
      %swap3A_66 = tpu.vector_load %arg8[%swap3A, %swap3A_65] {strides = array<i32>} : memref<80x128xf32, #tpu.memory_space<vmem>>, vector<1x16xf32>,
      %swap3A_67 = vector.shape_cast %swap3A_66 : vector<1x16xf32> to vector<16xf32>
      %swap3A_68 = vector.shape_cast %broadcast_in_dim3A_32 : vector<16xf32> to vector<1x16xf32>
      tpu.vector_store %arg8[%swap3A, %swap3A_65], %swap3A_68 {strides = array<i32>} : memref<80x128xf32, #tpu.memory_space<vmem>>, vector<1x16xf32>,
    }
    %scan3A_7 = arith.constant 640 : i32
    %add3A_8 = arith.constant 0 : i32
    %add3A_9 = arith.addi %mul3A_2, %add3A_8 : i32
    "tpu.region"() ({
      %run_scoped3A = tpu.sem_alloc : memref<!tpu.dma_semaphore, #tpu.memory_space<semaphore_mem>>
      %dma_start3A = arith.constant 0 : i32
      %dma_start3A_31 = tpu.memref_slice %arg12[%add3A_9, %dma_start3A] : memref<10240x128xf32, #tpu.memory_space<vmem_shared>> -> memref<80x128xf32, #tpu.memory_space<vmem_shared>>
      %dma_start3A_32 = arith.constant 0 : i32
      %dma_start3A_33 = tpu.memref_slice %arg12[%add3A_9, %dma_start3A_32] : memref<10240x128xf32, #tpu.memory_space<vmem_shared>> -> memref<80x128xf32, #tpu.memory_space<vmem_shared>>
      tpu.enqueue_dma source(%arg8 : memref<80x128xf32, #tpu.memory_space<vmem>>) target(%dma_start3A_33 : memref<80x128xf32, #tpu.memory_space<vmem_shared>>) target_semaphore(%run_scoped3A : memref<!tpu.dma_semaphore, #tpu.memory_space<semaphore_mem>>)
      %dma_wait3A = arith.constant 0 : i32
      %dma_wait3A_34 = tpu.memref_slice %arg12[%add3A_9, %dma_wait3A] : memref<10240x128xf32, #tpu.memory_space<vmem_shared>> -> memref<80x128xf32, #tpu.memory_space<vmem_shared>>
      %dma_wait3A_35 = arith.constant 0 : i32
      %dma_wait3A_36 = tpu.memref_slice %arg12[%add3A_9, %dma_wait3A_35] : memref<10240x128xf32, #tpu.memory_space<vmem_shared>> -> memref<80x128xf32, #tpu.memory_space<vmem_shared>>
      tpu.wait_dma2 semaphore(%run_scoped3A : memref<!tpu.dma_semaphore, #tpu.memory_space<semaphore_mem>>) src(%arg8 : memref<80x128xf32, #tpu.memory_space<vmem>>) dst(%dma_wait3A_36 : memref<80x128xf32, #tpu.memory_space<vmem_shared>>)
      tpu.yield
    }) : () -> ()
    %add3A_10 = arith.constant 80 : i32
    %add3A_11 = arith.addi %mul3A_2, %add3A_10 : i32
    "tpu.region"() ({
      %run_scoped3A = tpu.sem_alloc : memref<!tpu.dma_semaphore, #tpu.memory_space<semaphore_mem>>
      %dma_start3A = arith.constant 0 : i32
      %dma_start3A_31 = tpu.memref_slice %arg12[%add3A_11, %dma_start3A] : memref<10240x128xf32, #tpu.memory_space<vmem_shared>> -> memref<80x128xf32, #tpu.memory_space<vmem_shared>>
      %dma_start3A_32 = arith.constant 0 : i32
      %dma_start3A_33 = tpu.memref_slice %arg12[%add3A_11, %dma_start3A_32] : memref<10240x128xf32, #tpu.memory_space<vmem_shared>> -> memref<80x128xf32, #tpu.memory_space<vmem_shared>>
      tpu.enqueue_dma source(%arg8 : memref<80x128xf32, #tpu.memory_space<vmem>>) target(%dma_start3A_33 : memref<80x128xf32, #tpu.memory_space<vmem_shared>>) target_semaphore(%run_scoped3A : memref<!tpu.dma_semaphore, #tpu.memory_space<semaphore_mem>>)
      %dma_wait3A = arith.constant 0 : i32
      %dma_wait3A_34 = tpu.memref_slice %arg12[%add3A_11, %dma_wait3A] : memref<10240x128xf32, #tpu.memory_space<vmem_shared>> -> memref<80x128xf32, #tpu.memory_space<vmem_shared>>
      %dma_wait3A_35 = arith.constant 0 : i32
      %dma_wait3A_36 = tpu.memref_slice %arg12[%add3A_11, %dma_wait3A_35] : memref<10240x128xf32, #tpu.memory_space<vmem_shared>> -> memref<80x128xf32, #tpu.memory_space<vmem_shared>>
      tpu.wait_dma2 semaphore(%run_scoped3A : memref<!tpu.dma_semaphore, #tpu.memory_space<semaphore_mem>>) src(%arg8 : memref<80x128xf32, #tpu.memory_space<vmem>>) dst(%dma_wait3A_36 : memref<80x128xf32, #tpu.memory_space<vmem_shared>>)
      tpu.yield
    }) : () -> ()
    %add3A_12 = arith.constant 160 : i32
    %add3A_13 = arith.addi %mul3A_2, %add3A_12 : i32
    "tpu.region"() ({
      %run_scoped3A = tpu.sem_alloc : memref<!tpu.dma_semaphore, #tpu.memory_space<semaphore_mem>>
      %dma_start3A = arith.constant 0 : i32
      %dma_start3A_31 = tpu.memref_slice %arg12[%add3A_13, %dma_start3A] : memref<10240x128xf32, #tpu.memory_space<vmem_shared>> -> memref<80x128xf32, #tpu.memory_space<vmem_shared>>
      %dma_start3A_32 = arith.constant 0 : i32
      %dma_start3A_33 = tpu.memref_slice %arg12[%add3A_13, %dma_start3A_32] : memref<10240x128xf32, #tpu.memory_space<vmem_shared>> -> memref<80x128xf32, #tpu.memory_space<vmem_shared>>
      tpu.enqueue_dma source(%arg8 : memref<80x128xf32, #tpu.memory_space<vmem>>) target(%dma_start3A_33 : memref<80x128xf32, #tpu.memory_space<vmem_shared>>) target_semaphore(%run_scoped3A : memref<!tpu.dma_semaphore, #tpu.memory_space<semaphore_mem>>)
      %dma_wait3A = arith.constant 0 : i32
      %dma_wait3A_34 = tpu.memref_slice %arg12[%add3A_13, %dma_wait3A] : memref<10240x128xf32, #tpu.memory_space<vmem_shared>> -> memref<80x128xf32, #tpu.memory_space<vmem_shared>>
      %dma_wait3A_35 = arith.constant 0 : i32
      %dma_wait3A_36 = tpu.memref_slice %arg12[%add3A_13, %dma_wait3A_35] : memref<10240x128xf32, #tpu.memory_space<vmem_shared>> -> memref<80x128xf32, #tpu.memory_space<vmem_shared>>
      tpu.wait_dma2 semaphore(%run_scoped3A : memref<!tpu.dma_semaphore, #tpu.memory_space<semaphore_mem>>) src(%arg8 : memref<80x128xf32, #tpu.memory_space<vmem>>) dst(%dma_wait3A_36 : memref<80x128xf32, #tpu.memory_space<vmem_shared>>)
      tpu.yield
    }) : () -> ()
    %add3A_14 = arith.constant 240 : i32
    %add3A_15 = arith.addi %mul3A_2, %add3A_14 : i32
    "tpu.region"() ({
      %run_scoped3A = tpu.sem_alloc : memref<!tpu.dma_semaphore, #tpu.memory_space<semaphore_mem>>
      %dma_start3A = arith.constant 0 : i32
      %dma_start3A_31 = tpu.memref_slice %arg12[%add3A_15, %dma_start3A] : memref<10240x128xf32, #tpu.memory_space<vmem_shared>> -> memref<80x128xf32, #tpu.memory_space<vmem_shared>>
      %dma_start3A_32 = arith.constant 0 : i32
      %dma_start3A_33 = tpu.memref_slice %arg12[%add3A_15, %dma_start3A_32] : memref<10240x128xf32, #tpu.memory_space<vmem_shared>> -> memref<80x128xf32, #tpu.memory_space<vmem_shared>>
      tpu.enqueue_dma source(%arg8 : memref<80x128xf32, #tpu.memory_space<vmem>>) target(%dma_start3A_33 : memref<80x128xf32, #tpu.memory_space<vmem_shared>>) target_semaphore(%run_scoped3A : memref<!tpu.dma_semaphore, #tpu.memory_space<semaphore_mem>>)
      %dma_wait3A = arith.constant 0 : i32
      %dma_wait3A_34 = tpu.memref_slice %arg12[%add3A_15, %dma_wait3A] : memref<10240x128xf32, #tpu.memory_space<vmem_shared>> -> memref<80x128xf32, #tpu.memory_space<vmem_shared>>
      %dma_wait3A_35 = arith.constant 0 : i32
      %dma_wait3A_36 = tpu.memref_slice %arg12[%add3A_15, %dma_wait3A_35] : memref<10240x128xf32, #tpu.memory_space<vmem_shared>> -> memref<80x128xf32, #tpu.memory_space<vmem_shared>>
      tpu.wait_dma2 semaphore(%run_scoped3A : memref<!tpu.dma_semaphore, #tpu.memory_space<semaphore_mem>>) src(%arg8 : memref<80x128xf32, #tpu.memory_space<vmem>>) dst(%dma_wait3A_36 : memref<80x128xf32, #tpu.memory_space<vmem_shared>>)
      tpu.yield
    }) : () -> ()
    %add3A_16 = arith.constant 320 : i32
    %add3A_17 = arith.addi %mul3A_2, %add3A_16 : i32
    "tpu.region"() ({
      %run_scoped3A = tpu.sem_alloc : memref<!tpu.dma_semaphore, #tpu.memory_space<semaphore_mem>>
      %dma_start3A = arith.constant 0 : i32
      %dma_start3A_31 = tpu.memref_slice %arg12[%add3A_17, %dma_start3A] : memref<10240x128xf32, #tpu.memory_space<vmem_shared>> -> memref<80x128xf32, #tpu.memory_space<vmem_shared>>
      %dma_start3A_32 = arith.constant 0 : i32
      %dma_start3A_33 = tpu.memref_slice %arg12[%add3A_17, %dma_start3A_32] : memref<10240x128xf32, #tpu.memory_space<vmem_shared>> -> memref<80x128xf32, #tpu.memory_space<vmem_shared>>
      tpu.enqueue_dma source(%arg8 : memref<80x128xf32, #tpu.memory_space<vmem>>) target(%dma_start3A_33 : memref<80x128xf32, #tpu.memory_space<vmem_shared>>) target_semaphore(%run_scoped3A : memref<!tpu.dma_semaphore, #tpu.memory_space<semaphore_mem>>)
      %dma_wait3A = arith.constant 0 : i32
      %dma_wait3A_34 = tpu.memref_slice %arg12[%add3A_17, %dma_wait3A] : memref<10240x128xf32, #tpu.memory_space<vmem_shared>> -> memref<80x128xf32, #tpu.memory_space<vmem_shared>>
      %dma_wait3A_35 = arith.constant 0 : i32
      %dma_wait3A_36 = tpu.memref_slice %arg12[%add3A_17, %dma_wait3A_35] : memref<10240x128xf32, #tpu.memory_space<vmem_shared>> -> memref<80x128xf32, #tpu.memory_space<vmem_shared>>
      tpu.wait_dma2 semaphore(%run_scoped3A : memref<!tpu.dma_semaphore, #tpu.memory_space<semaphore_mem>>) src(%arg8 : memref<80x128xf32, #tpu.memory_space<vmem>>) dst(%dma_wait3A_36 : memref<80x128xf32, #tpu.memory_space<vmem_shared>>)
      tpu.yield
    }) : () -> ()
    %add3A_18 = arith.constant 400 : i32
    %add3A_19 = arith.addi %mul3A_2, %add3A_18 : i32
    "tpu.region"() ({
      %run_scoped3A = tpu.sem_alloc : memref<!tpu.dma_semaphore, #tpu.memory_space<semaphore_mem>>
      %dma_start3A = arith.constant 0 : i32
      %dma_start3A_31 = tpu.memref_slice %arg12[%add3A_19, %dma_start3A] : memref<10240x128xf32, #tpu.memory_space<vmem_shared>> -> memref<80x128xf32, #tpu.memory_space<vmem_shared>>
      %dma_start3A_32 = arith.constant 0 : i32
      %dma_start3A_33 = tpu.memref_slice %arg12[%add3A_19, %dma_start3A_32] : memref<10240x128xf32, #tpu.memory_space<vmem_shared>> -> memref<80x128xf32, #tpu.memory_space<vmem_shared>>
      tpu.enqueue_dma source(%arg8 : memref<80x128xf32, #tpu.memory_space<vmem>>) target(%dma_start3A_33 : memref<80x128xf32, #tpu.memory_space<vmem_shared>>) target_semaphore(%run_scoped3A : memref<!tpu.dma_semaphore, #tpu.memory_space<semaphore_mem>>)
      %dma_wait3A = arith.constant 0 : i32
      %dma_wait3A_34 = tpu.memref_slice %arg12[%add3A_19, %dma_wait3A] : memref<10240x128xf32, #tpu.memory_space<vmem_shared>> -> memref<80x128xf32, #tpu.memory_space<vmem_shared>>
      %dma_wait3A_35 = arith.constant 0 : i32
      %dma_wait3A_36 = tpu.memref_slice %arg12[%add3A_19, %dma_wait3A_35] : memref<10240x128xf32, #tpu.memory_space<vmem_shared>> -> memref<80x128xf32, #tpu.memory_space<vmem_shared>>
      tpu.wait_dma2 semaphore(%run_scoped3A : memref<!tpu.dma_semaphore, #tpu.memory_space<semaphore_mem>>) src(%arg8 : memref<80x128xf32, #tpu.memory_space<vmem>>) dst(%dma_wait3A_36 : memref<80x128xf32, #tpu.memory_space<vmem_shared>>)
      tpu.yield
    }) : () -> ()
    %add3A_20 = arith.constant 480 : i32
    %add3A_21 = arith.addi %mul3A_2, %add3A_20 : i32
    "tpu.region"() ({
      %run_scoped3A = tpu.sem_alloc : memref<!tpu.dma_semaphore, #tpu.memory_space<semaphore_mem>>
      %dma_start3A = arith.constant 0 : i32
      %dma_start3A_31 = tpu.memref_slice %arg12[%add3A_21, %dma_start3A] : memref<10240x128xf32, #tpu.memory_space<vmem_shared>> -> memref<80x128xf32, #tpu.memory_space<vmem_shared>>
      %dma_start3A_32 = arith.constant 0 : i32
      %dma_start3A_33 = tpu.memref_slice %arg12[%add3A_21, %dma_start3A_32] : memref<10240x128xf32, #tpu.memory_space<vmem_shared>> -> memref<80x128xf32, #tpu.memory_space<vmem_shared>>
      tpu.enqueue_dma source(%arg8 : memref<80x128xf32, #tpu.memory_space<vmem>>) target(%dma_start3A_33 : memref<80x128xf32, #tpu.memory_space<vmem_shared>>) target_semaphore(%run_scoped3A : memref<!tpu.dma_semaphore, #tpu.memory_space<semaphore_mem>>)
      %dma_wait3A = arith.constant 0 : i32
      %dma_wait3A_34 = tpu.memref_slice %arg12[%add3A_21, %dma_wait3A] : memref<10240x128xf32, #tpu.memory_space<vmem_shared>> -> memref<80x128xf32, #tpu.memory_space<vmem_shared>>
      %dma_wait3A_35 = arith.constant 0 : i32
      %dma_wait3A_36 = tpu.memref_slice %arg12[%add3A_21, %dma_wait3A_35] : memref<10240x128xf32, #tpu.memory_space<vmem_shared>> -> memref<80x128xf32, #tpu.memory_space<vmem_shared>>
      tpu.wait_dma2 semaphore(%run_scoped3A : memref<!tpu.dma_semaphore, #tpu.memory_space<semaphore_mem>>) src(%arg8 : memref<80x128xf32, #tpu.memory_space<vmem>>) dst(%dma_wait3A_36 : memref<80x128xf32, #tpu.memory_space<vmem_shared>>)
      tpu.yield
    }) : () -> ()
    %add3A_22 = arith.constant 560 : i32
    %add3A_23 = arith.addi %mul3A_2, %add3A_22 : i32
    "tpu.region"() ({
      %run_scoped3A = tpu.sem_alloc : memref<!tpu.dma_semaphore, #tpu.memory_space<semaphore_mem>>
      %dma_start3A = arith.constant 0 : i32
      %dma_start3A_31 = tpu.memref_slice %arg12[%add3A_23, %dma_start3A] : memref<10240x128xf32, #tpu.memory_space<vmem_shared>> -> memref<80x128xf32, #tpu.memory_space<vmem_shared>>
      %dma_start3A_32 = arith.constant 0 : i32
      %dma_start3A_33 = tpu.memref_slice %arg12[%add3A_23, %dma_start3A_32] : memref<10240x128xf32, #tpu.memory_space<vmem_shared>> -> memref<80x128xf32, #tpu.memory_space<vmem_shared>>
      tpu.enqueue_dma source(%arg8 : memref<80x128xf32, #tpu.memory_space<vmem>>) target(%dma_start3A_33 : memref<80x128xf32, #tpu.memory_space<vmem_shared>>) target_semaphore(%run_scoped3A : memref<!tpu.dma_semaphore, #tpu.memory_space<semaphore_mem>>)
      %dma_wait3A = arith.constant 0 : i32
      %dma_wait3A_34 = tpu.memref_slice %arg12[%add3A_23, %dma_wait3A] : memref<10240x128xf32, #tpu.memory_space<vmem_shared>> -> memref<80x128xf32, #tpu.memory_space<vmem_shared>>
      %dma_wait3A_35 = arith.constant 0 : i32
      %dma_wait3A_36 = tpu.memref_slice %arg12[%add3A_23, %dma_wait3A_35] : memref<10240x128xf32, #tpu.memory_space<vmem_shared>> -> memref<80x128xf32, #tpu.memory_space<vmem_shared>>
      tpu.wait_dma2 semaphore(%run_scoped3A : memref<!tpu.dma_semaphore, #tpu.memory_space<semaphore_mem>>) src(%arg8 : memref<80x128xf32, #tpu.memory_space<vmem>>) dst(%dma_wait3A_36 : memref<80x128xf32, #tpu.memory_space<vmem_shared>>)
      tpu.yield
    }) : () -> ()
    %barrier3A = arith.constant 0 : index
    tpu.barrier barrier_id(%barrier3A)
    %scan3A_24 = arith.constant 0 : i32
    %scan3A_25 = arith.constant 0 : i32
    %scan3A_26 = arith.constant 5 : i32
    %scan3A_27 = arith.addi %scan3A_25, %scan3A_26 : i32
    %scan3A_28 = arith.constant 1 : i32
    scf.for %scan3A_31 = %scan3A_25 to %scan3A_27 step %scan3A_28  : i32 {
      %dma_start3A = arith.constant 0 : i32
      %dma_start3A_32 = arith.constant 0 : i32
      %dma_start3A_33 = arith.constant 0 : i32
      %dma_start3A_34 = tpu.memref_slice %arg3[%add3A, %dma_start3A, %dma_start3A_32, %dma_start3A_33] : memref<32x5x25x80xi32, #tpu.memory_space<hbm>> -> memref<1x5x25x80xi32, #tpu.memory_space<hbm>>
      %dma_start3A_35 = tpu.memref_squeeze %dma_start3A_34 : memref<1x5x25x80xi32, #tpu.memory_space<hbm>> -> memref<5x25x80xi32, #tpu.memory_space<hbm>>
      %dma_start3A_36 = arith.constant 0 : i32
      %dma_start3A_37 = arith.constant 0 : i32
      %dma_start3A_38 = tpu.memref_slice %dma_start3A_35[%scan3A_31, %dma_start3A_36, %dma_start3A_37] : memref<5x25x80xi32, #tpu.memory_space<hbm>> -> memref<1x25x80xi32, #tpu.memory_space<hbm>>
      %dma_start3A_39 = tpu.memref_squeeze %dma_start3A_38 : memref<1x25x80xi32, #tpu.memory_space<hbm>> -> memref<25x80xi32, #tpu.memory_space<hbm>>
      %dma_start3A_40 = arith.constant 0 : i32
      %dma_start3A_41 = arith.constant 0 : i32
      %dma_start3A_42 = arith.constant 0 : i32
      %dma_start3A_43 = tpu.memref_slice %arg3[%add3A, %dma_start3A_40, %dma_start3A_41, %dma_start3A_42] : memref<32x5x25x80xi32, #tpu.memory_space<hbm>> -> memref<1x5x25x80xi32, #tpu.memory_space<hbm>>
      %dma_start3A_44 = tpu.memref_squeeze %dma_start3A_43 : memref<1x5x25x80xi32, #tpu.memory_space<hbm>> -> memref<5x25x80xi32, #tpu.memory_space<hbm>>
      %dma_start3A_45 = arith.constant 0 : i32
      %dma_start3A_46 = arith.constant 0 : i32
      %dma_start3A_47 = tpu.memref_slice %dma_start3A_44[%scan3A_31, %dma_start3A_45, %dma_start3A_46] : memref<5x25x80xi32, #tpu.memory_space<hbm>> -> memref<1x25x80xi32, #tpu.memory_space<hbm>>
      %dma_start3A_48 = tpu.memref_squeeze %dma_start3A_47 : memref<1x25x80xi32, #tpu.memory_space<hbm>> -> memref<25x80xi32, #tpu.memory_space<hbm>>
      tpu.enqueue_dma source(%dma_start3A_48 : memref<25x80xi32, #tpu.memory_space<hbm>>) target(%arg6 : memref<25x80xi32, #tpu.memory_space<vmem>>) target_semaphore(%arg14 : memref<!tpu.dma_semaphore, #tpu.memory_space<semaphore_mem>>)
      %dma_start3A_49 = arith.constant 0 : i32
      %dma_start3A_50 = arith.constant 0 : i32
      %dma_start3A_51 = arith.constant 0 : i32
      %dma_start3A_52 = tpu.memref_slice %arg4[%add3A, %dma_start3A_49, %dma_start3A_50, %dma_start3A_51] : memref<32x5x25x80xi32, #tpu.memory_space<hbm>> -> memref<1x5x25x80xi32, #tpu.memory_space<hbm>>
      %dma_start3A_53 = tpu.memref_squeeze %dma_start3A_52 : memref<1x5x25x80xi32, #tpu.memory_space<hbm>> -> memref<5x25x80xi32, #tpu.memory_space<hbm>>
      %dma_start3A_54 = arith.constant 0 : i32
      %dma_start3A_55 = arith.constant 0 : i32
      %dma_start3A_56 = tpu.memref_slice %dma_start3A_53[%scan3A_31, %dma_start3A_54, %dma_start3A_55] : memref<5x25x80xi32, #tpu.memory_space<hbm>> -> memref<1x25x80xi32, #tpu.memory_space<hbm>>
      %dma_start3A_57 = tpu.memref_squeeze %dma_start3A_56 : memref<1x25x80xi32, #tpu.memory_space<hbm>> -> memref<25x80xi32, #tpu.memory_space<hbm>>
      %dma_start3A_58 = arith.constant 0 : i32
      %dma_start3A_59 = arith.constant 0 : i32
      %dma_start3A_60 = arith.constant 0 : i32
      %dma_start3A_61 = tpu.memref_slice %arg4[%add3A, %dma_start3A_58, %dma_start3A_59, %dma_start3A_60] : memref<32x5x25x80xi32, #tpu.memory_space<hbm>> -> memref<1x5x25x80xi32, #tpu.memory_space<hbm>>
      %dma_start3A_62 = tpu.memref_squeeze %dma_start3A_61 : memref<1x5x25x80xi32, #tpu.memory_space<hbm>> -> memref<5x25x80xi32, #tpu.memory_space<hbm>>
      %dma_start3A_63 = arith.constant 0 : i32
      %dma_start3A_64 = arith.constant 0 : i32
      %dma_start3A_65 = tpu.memref_slice %dma_start3A_62[%scan3A_31, %dma_start3A_63, %dma_start3A_64] : memref<5x25x80xi32, #tpu.memory_space<hbm>> -> memref<1x25x80xi32, #tpu.memory_space<hbm>>
      %dma_start3A_66 = tpu.memref_squeeze %dma_start3A_65 : memref<1x25x80xi32, #tpu.memory_space<hbm>> -> memref<25x80xi32, #tpu.memory_space<hbm>>
      tpu.enqueue_dma source(%dma_start3A_66 : memref<25x80xi32, #tpu.memory_space<hbm>>) target(%arg7 : memref<25x80xi32, #tpu.memory_space<vmem>>) target_semaphore(%arg14 : memref<!tpu.dma_semaphore, #tpu.memory_space<semaphore_mem>>)
      %dma_wait3A = arith.constant 0 : i32
      %dma_wait3A_67 = arith.constant 0 : i32
      %dma_wait3A_68 = arith.constant 0 : i32
      %dma_wait3A_69 = tpu.memref_slice %arg3[%add3A, %dma_wait3A, %dma_wait3A_67, %dma_wait3A_68] : memref<32x5x25x80xi32, #tpu.memory_space<hbm>> -> memref<1x5x25x80xi32, #tpu.memory_space<hbm>>
      %dma_wait3A_70 = tpu.memref_squeeze %dma_wait3A_69 : memref<1x5x25x80xi32, #tpu.memory_space<hbm>> -> memref<5x25x80xi32, #tpu.memory_space<hbm>>
      %dma_wait3A_71 = arith.constant 0 : i32
      %dma_wait3A_72 = arith.constant 0 : i32
      %dma_wait3A_73 = tpu.memref_slice %dma_wait3A_70[%scan3A_31, %dma_wait3A_71, %dma_wait3A_72] : memref<5x25x80xi32, #tpu.memory_space<hbm>> -> memref<1x25x80xi32, #tpu.memory_space<hbm>>
      %dma_wait3A_74 = tpu.memref_squeeze %dma_wait3A_73 : memref<1x25x80xi32, #tpu.memory_space<hbm>> -> memref<25x80xi32, #tpu.memory_space<hbm>>
      %dma_wait3A_75 = arith.constant 0 : i32
      %dma_wait3A_76 = arith.constant 0 : i32
      %dma_wait3A_77 = arith.constant 0 : i32
      %dma_wait3A_78 = tpu.memref_slice %arg3[%add3A, %dma_wait3A_75, %dma_wait3A_76, %dma_wait3A_77] : memref<32x5x25x80xi32, #tpu.memory_space<hbm>> -> memref<1x5x25x80xi32, #tpu.memory_space<hbm>>
      %dma_wait3A_79 = tpu.memref_squeeze %dma_wait3A_78 : memref<1x5x25x80xi32, #tpu.memory_space<hbm>> -> memref<5x25x80xi32, #tpu.memory_space<hbm>>
      %dma_wait3A_80 = arith.constant 0 : i32
      %dma_wait3A_81 = arith.constant 0 : i32
      %dma_wait3A_82 = tpu.memref_slice %dma_wait3A_79[%scan3A_31, %dma_wait3A_80, %dma_wait3A_81] : memref<5x25x80xi32, #tpu.memory_space<hbm>> -> memref<1x25x80xi32, #tpu.memory_space<hbm>>
      %dma_wait3A_83 = tpu.memref_squeeze %dma_wait3A_82 : memref<1x25x80xi32, #tpu.memory_space<hbm>> -> memref<25x80xi32, #tpu.memory_space<hbm>>
      tpu.wait_dma2 semaphore(%arg14 : memref<!tpu.dma_semaphore, #tpu.memory_space<semaphore_mem>>) src(%dma_wait3A_83 : memref<25x80xi32, #tpu.memory_space<hbm>>) dst(%arg6 : memref<25x80xi32, #tpu.memory_space<vmem>>)
      %dma_start3A_84 = arith.constant 0 : i32
      %dma_start3A_85 = arith.constant 0 : i32
      %dma_start3A_86 = tpu.memref_slice %arg6[%dma_start3A_84, %dma_start3A_85] : memref<25x80xi32, #tpu.memory_space<vmem>> -> memref<1x80xi32, #tpu.memory_space<vmem>>
      %dma_start3A_87 = tpu.memref_squeeze %dma_start3A_86 : memref<1x80xi32, #tpu.memory_space<vmem>> -> memref<80xi32, #tpu.memory_space<vmem>>
      %dma_start3A_88 = arith.constant 0 : i32
      %dma_start3A_89 = arith.constant 0 : i32
      %dma_start3A_90 = tpu.memref_slice %arg2[%dma_start3A_88, %dma_start3A_89] : memref<10000x128xf32, #tpu.memory_space<hbm>> -> memref<10000x128xf32, #tpu.memory_space<hbm>>
      tpu.enqueue_indirect_dma source(%dma_start3A_90 : memref<10000x128xf32, #tpu.memory_space<hbm>>) target(%arg8 : memref<80x128xf32, #tpu.memory_space<vmem>>) offsets(%dma_start3A_87 : memref<80xi32, #tpu.memory_space<vmem>>) semaphore(%arg13 : memref<!tpu.dma_semaphore, #tpu.memory_space<semaphore_mem>>)
      %dma_start3A_91 = arith.constant 1 : i32
      %dma_start3A_92 = arith.constant 0 : i32
      %dma_start3A_93 = tpu.memref_slice %arg6[%dma_start3A_91, %dma_start3A_92] : memref<25x80xi32, #tpu.memory_space<vmem>> -> memref<1x80xi32, #tpu.memory_space<vmem>>
      %dma_start3A_94 = tpu.memref_squeeze %dma_start3A_93 : memref<1x80xi32, #tpu.memory_space<vmem>> -> memref<80xi32, #tpu.memory_space<vmem>>
      %dma_start3A_95 = arith.constant 0 : i32
      %dma_start3A_96 = arith.constant 0 : i32
      %dma_start3A_97 = tpu.memref_slice %arg2[%dma_start3A_95, %dma_start3A_96] : memref<10000x128xf32, #tpu.memory_space<hbm>> -> memref<10000x128xf32, #tpu.memory_space<hbm>>
      tpu.enqueue_indirect_dma source(%dma_start3A_97 : memref<10000x128xf32, #tpu.memory_space<hbm>>) target(%arg9 : memref<80x128xf32, #tpu.memory_space<vmem>>) offsets(%dma_start3A_94 : memref<80xi32, #tpu.memory_space<vmem>>) semaphore(%arg13 : memref<!tpu.dma_semaphore, #tpu.memory_space<semaphore_mem>>)
      %dma_start3A_98 = arith.constant 2 : i32
      %dma_start3A_99 = arith.constant 0 : i32
      %dma_start3A_100 = tpu.memref_slice %arg6[%dma_start3A_98, %dma_start3A_99] : memref<25x80xi32, #tpu.memory_space<vmem>> -> memref<1x80xi32, #tpu.memory_space<vmem>>
      %dma_start3A_101 = tpu.memref_squeeze %dma_start3A_100 : memref<1x80xi32, #tpu.memory_space<vmem>> -> memref<80xi32, #tpu.memory_space<vmem>>
      %dma_start3A_102 = arith.constant 0 : i32
      %dma_start3A_103 = arith.constant 0 : i32
      %dma_start3A_104 = tpu.memref_slice %arg2[%dma_start3A_102, %dma_start3A_103] : memref<10000x128xf32, #tpu.memory_space<hbm>> -> memref<10000x128xf32, #tpu.memory_space<hbm>>
      tpu.enqueue_indirect_dma source(%dma_start3A_104 : memref<10000x128xf32, #tpu.memory_space<hbm>>) target(%arg10 : memref<80x128xf32, #tpu.memory_space<vmem>>) offsets(%dma_start3A_101 : memref<80xi32, #tpu.memory_space<vmem>>) semaphore(%arg13 : memref<!tpu.dma_semaphore, #tpu.memory_space<semaphore_mem>>)
      %dma_wait3A_105 = arith.constant 0 : i32
      %dma_wait3A_106 = arith.constant 0 : i32
      %dma_wait3A_107 = arith.constant 0 : i32
      %dma_wait3A_108 = tpu.memref_slice %arg4[%add3A, %dma_wait3A_105, %dma_wait3A_106, %dma_wait3A_107] : memref<32x5x25x80xi32, #tpu.memory_space<hbm>> -> memref<1x5x25x80xi32, #tpu.memory_space<hbm>>
      %dma_wait3A_109 = tpu.memref_squeeze %dma_wait3A_108 : memref<1x5x25x80xi32, #tpu.memory_space<hbm>> -> memref<5x25x80xi32, #tpu.memory_space<hbm>>
      %dma_wait3A_110 = arith.constant 0 : i32
      %dma_wait3A_111 = arith.constant 0 : i32
      %dma_wait3A_112 = tpu.memref_slice %dma_wait3A_109[%scan3A_31, %dma_wait3A_110, %dma_wait3A_111] : memref<5x25x80xi32, #tpu.memory_space<hbm>> -> memref<1x25x80xi32, #tpu.memory_space<hbm>>
      %dma_wait3A_113 = tpu.memref_squeeze %dma_wait3A_112 : memref<1x25x80xi32, #tpu.memory_space<hbm>> -> memref<25x80xi32, #tpu.memory_space<hbm>>
      %dma_wait3A_114 = arith.constant 0 : i32
      %dma_wait3A_115 = arith.constant 0 : i32
      %dma_wait3A_116 = arith.constant 0 : i32
      %dma_wait3A_117 = tpu.memref_slice %arg4[%add3A, %dma_wait3A_114, %dma_wait3A_115, %dma_wait3A_116] : memref<32x5x25x80xi32, #tpu.memory_space<hbm>> -> memref<1x5x25x80xi32, #tpu.memory_space<hbm>>
      %dma_wait3A_118 = tpu.memref_squeeze %dma_wait3A_117 : memref<1x5x25x80xi32, #tpu.memory_space<hbm>> -> memref<5x25x80xi32, #tpu.memory_space<hbm>>
      %dma_wait3A_119 = arith.constant 0 : i32
      %dma_wait3A_120 = arith.constant 0 : i32
      %dma_wait3A_121 = tpu.memref_slice %dma_wait3A_118[%scan3A_31, %dma_wait3A_119, %dma_wait3A_120] : memref<5x25x80xi32, #tpu.memory_space<hbm>> -> memref<1x25x80xi32, #tpu.memory_space<hbm>>
      %dma_wait3A_122 = tpu.memref_squeeze %dma_wait3A_121 : memref<1x25x80xi32, #tpu.memory_space<hbm>> -> memref<25x80xi32, #tpu.memory_space<hbm>>
      tpu.wait_dma2 semaphore(%arg14 : memref<!tpu.dma_semaphore, #tpu.memory_space<semaphore_mem>>) src(%dma_wait3A_122 : memref<25x80xi32, #tpu.memory_space<hbm>>) dst(%arg7 : memref<25x80xi32, #tpu.memory_space<vmem>>)
      %scan3A_123 = arith.constant 0 : i32
      %scan3A_124 = arith.constant 0 : i32
      %scan3A_125 = arith.constant 6 : i32
      %scan3A_126 = arith.addi %scan3A_124, %scan3A_125 : i32
      %scan3A_127 = arith.constant 1 : i32
      scf.for %scan3A_136 = %scan3A_124 to %scan3A_126 step %scan3A_127  : i32 {
        %mul3A_137 = arith.constant 4 : i32
        %mul3A_138 = arith.muli %mul3A_137, %scan3A_136 : i32
        %add3A_139 = arith.constant 0 : i32
        %add3A_140 = arith.addi %mul3A_138, %add3A_139 : i32
        %dma_wait3A_141 = arith.constant 0 : i32
        %dma_wait3A_142 = tpu.memref_slice %arg6[%add3A_140, %dma_wait3A_141] : memref<25x80xi32, #tpu.memory_space<vmem>> -> memref<1x80xi32, #tpu.memory_space<vmem>>
        %dma_wait3A_143 = tpu.memref_squeeze %dma_wait3A_142 : memref<1x80xi32, #tpu.memory_space<vmem>> -> memref<80xi32, #tpu.memory_space<vmem>>
        %dma_wait3A_144 = arith.constant 0 : i32
        %dma_wait3A_145 = arith.constant 0 : i32
        %dma_wait3A_146 = tpu.memref_slice %arg2[%dma_wait3A_144, %dma_wait3A_145] : memref<10000x128xf32, #tpu.memory_space<hbm>> -> memref<10000x128xf32, #tpu.memory_space<hbm>>
        tpu.wait_indirect_dma semaphore(%arg13 : memref<!tpu.dma_semaphore, #tpu.memory_space<semaphore_mem>>) src(%dma_wait3A_146 : memref<10000x128xf32, #tpu.memory_space<hbm>>) dst(%arg8 : memref<80x128xf32, #tpu.memory_space<vmem>>)
        %add3A_147 = arith.constant 4 : i32
        %add3A_148 = arith.addi %add3A_140, %add3A_147 : i32
        %sub3A = arith.constant 1 : i32
        %sub3A_149 = arith.subi %add3A_148, %sub3A : i32
        %lt3A = arith.constant 25 : i32
        %lt3A_150 = arith.cmpi slt, %sub3A_149, %lt3A : i32
        %convert_element_type3A = arith.extui %lt3A_150 : i1 to i32
        %cond3A = arith.constant 0 : i32
        %cond3A_151 = arith.cmpi ne, %convert_element_type3A, %cond3A : i32
        scf.if %cond3A_151 {
          %add3A_209 = arith.constant 4 : i32
          %add3A_210 = arith.addi %add3A_140, %add3A_209 : i32
          %sub3A_211 = arith.constant 1 : i32
          %sub3A_212 = arith.subi %add3A_210, %sub3A_211 : i32
          %dma_start3A_213 = arith.constant 0 : i32
          %dma_start3A_214 = tpu.memref_slice %arg6[%sub3A_212, %dma_start3A_213] : memref<25x80xi32, #tpu.memory_space<vmem>> -> memref<1x80xi32, #tpu.memory_space<vmem>>
          %dma_start3A_215 = tpu.memref_squeeze %dma_start3A_214 : memref<1x80xi32, #tpu.memory_space<vmem>> -> memref<80xi32, #tpu.memory_space<vmem>>
          %dma_start3A_216 = arith.constant 0 : i32
          %dma_start3A_217 = arith.constant 0 : i32
          %dma_start3A_218 = tpu.memref_slice %arg2[%dma_start3A_216, %dma_start3A_217] : memref<10000x128xf32, #tpu.memory_space<hbm>> -> memref<10000x128xf32, #tpu.memory_space<hbm>>
          tpu.enqueue_indirect_dma source(%dma_start3A_218 : memref<10000x128xf32, #tpu.memory_space<hbm>>) target(%arg11 : memref<80x128xf32, #tpu.memory_space<vmem>>) offsets(%dma_start3A_215 : memref<80xi32, #tpu.memory_space<vmem>>) semaphore(%arg13 : memref<!tpu.dma_semaphore, #tpu.memory_space<semaphore_mem>>)
        } else {
        }
        "tpu.region"() ({
          %run_scoped3A_209 = tpu.sem_alloc : memref<!tpu.dma_semaphore, #tpu.memory_space<semaphore_mem>>
          %dma_start3A_210 = arith.constant 0 : i32
          %dma_start3A_211 = tpu.memref_slice %arg7[%add3A_140, %dma_start3A_210] : memref<25x80xi32, #tpu.memory_space<vmem>> -> memref<1x80xi32, #tpu.memory_space<vmem>>
          %dma_start3A_212 = tpu.memref_squeeze %dma_start3A_211 : memref<1x80xi32, #tpu.memory_space<vmem>> -> memref<80xi32, #tpu.memory_space<vmem>>
          %dma_start3A_213 = arith.constant 0 : i32
          %dma_start3A_214 = arith.constant 0 : i32
          %dma_start3A_215 = tpu.memref_slice %arg12[%dma_start3A_213, %dma_start3A_214] : memref<10240x128xf32, #tpu.memory_space<vmem_shared>> -> memref<10240x128xf32, #tpu.memory_space<vmem_shared>>
          tpu.enqueue_indirect_dma source(%arg8 : memref<80x128xf32, #tpu.memory_space<vmem>>) target(%dma_start3A_215 : memref<10240x128xf32, #tpu.memory_space<vmem_shared>>) offsets(%dma_start3A_212 : memref<80xi32, #tpu.memory_space<vmem>>) semaphore(%run_scoped3A_209 : memref<!tpu.dma_semaphore, #tpu.memory_space<semaphore_mem>>) {add = true}
          %dma_wait3A_216 = arith.constant 0 : i32
          %dma_wait3A_217 = tpu.memref_slice %arg7[%add3A_140, %dma_wait3A_216] : memref<25x80xi32, #tpu.memory_space<vmem>> -> memref<1x80xi32, #tpu.memory_space<vmem>>
          %dma_wait3A_218 = tpu.memref_squeeze %dma_wait3A_217 : memref<1x80xi32, #tpu.memory_space<vmem>> -> memref<80xi32, #tpu.memory_space<vmem>>
          %dma_wait3A_219 = arith.constant 0 : i32
          %dma_wait3A_220 = arith.constant 0 : i32
          %dma_wait3A_221 = tpu.memref_slice %arg12[%dma_wait3A_219, %dma_wait3A_220] : memref<10240x128xf32, #tpu.memory_space<vmem_shared>> -> memref<10240x128xf32, #tpu.memory_space<vmem_shared>>
          tpu.wait_indirect_dma semaphore(%run_scoped3A_209 : memref<!tpu.dma_semaphore, #tpu.memory_space<semaphore_mem>>) src(%arg8 : memref<80x128xf32, #tpu.memory_space<vmem>>) dst(%dma_wait3A_221 : memref<10240x128xf32, #tpu.memory_space<vmem_shared>>)
          tpu.yield
        }) : () -> ()
        %mul3A_152 = arith.constant 4 : i32
        %mul3A_153 = arith.muli %mul3A_152, %scan3A_136 : i32
        %add3A_154 = arith.constant 1 : i32
        %add3A_155 = arith.addi %mul3A_153, %add3A_154 : i32
        %dma_wait3A_156 = arith.constant 0 : i32
        %dma_wait3A_157 = tpu.memref_slice %arg6[%add3A_155, %dma_wait3A_156] : memref<25x80xi32, #tpu.memory_space<vmem>> -> memref<1x80xi32, #tpu.memory_space<vmem>>
        %dma_wait3A_158 = tpu.memref_squeeze %dma_wait3A_157 : memref<1x80xi32, #tpu.memory_space<vmem>> -> memref<80xi32, #tpu.memory_space<vmem>>
        %dma_wait3A_159 = arith.constant 0 : i32
        %dma_wait3A_160 = arith.constant 0 : i32
        %dma_wait3A_161 = tpu.memref_slice %arg2[%dma_wait3A_159, %dma_wait3A_160] : memref<10000x128xf32, #tpu.memory_space<hbm>> -> memref<10000x128xf32, #tpu.memory_space<hbm>>
        tpu.wait_indirect_dma semaphore(%arg13 : memref<!tpu.dma_semaphore, #tpu.memory_space<semaphore_mem>>) src(%dma_wait3A_161 : memref<10000x128xf32, #tpu.memory_space<hbm>>) dst(%arg9 : memref<80x128xf32, #tpu.memory_space<vmem>>)
        %add3A_162 = arith.constant 4 : i32
        %add3A_163 = arith.addi %add3A_155, %add3A_162 : i32
        %sub3A_164 = arith.constant 1 : i32
        %sub3A_165 = arith.subi %add3A_163, %sub3A_164 : i32
        %lt3A_166 = arith.constant 25 : i32
        %lt3A_167 = arith.cmpi slt, %sub3A_165, %lt3A_166 : i32
        %convert_element_type3A_168 = arith.extui %lt3A_167 : i1 to i32
        %cond3A_169 = arith.constant 0 : i32
        %cond3A_170 = arith.cmpi ne, %convert_element_type3A_168, %cond3A_169 : i32
        scf.if %cond3A_170 {
          %add3A_209 = arith.constant 4 : i32
          %add3A_210 = arith.addi %add3A_155, %add3A_209 : i32
          %sub3A_211 = arith.constant 1 : i32
          %sub3A_212 = arith.subi %add3A_210, %sub3A_211 : i32
          %dma_start3A_213 = arith.constant 0 : i32
          %dma_start3A_214 = tpu.memref_slice %arg6[%sub3A_212, %dma_start3A_213] : memref<25x80xi32, #tpu.memory_space<vmem>> -> memref<1x80xi32, #tpu.memory_space<vmem>>
          %dma_start3A_215 = tpu.memref_squeeze %dma_start3A_214 : memref<1x80xi32, #tpu.memory_space<vmem>> -> memref<80xi32, #tpu.memory_space<vmem>>
          %dma_start3A_216 = arith.constant 0 : i32
          %dma_start3A_217 = arith.constant 0 : i32
          %dma_start3A_218 = tpu.memref_slice %arg2[%dma_start3A_216, %dma_start3A_217] : memref<10000x128xf32, #tpu.memory_space<hbm>> -> memref<10000x128xf32, #tpu.memory_space<hbm>>
          tpu.enqueue_indirect_dma source(%dma_start3A_218 : memref<10000x128xf32, #tpu.memory_space<hbm>>) target(%arg8 : memref<80x128xf32, #tpu.memory_space<vmem>>) offsets(%dma_start3A_215 : memref<80xi32, #tpu.memory_space<vmem>>) semaphore(%arg13 : memref<!tpu.dma_semaphore, #tpu.memory_space<semaphore_mem>>)
        } else {
        }
        "tpu.region"() ({
          %run_scoped3A_209 = tpu.sem_alloc : memref<!tpu.dma_semaphore, #tpu.memory_space<semaphore_mem>>
          %dma_start3A_210 = arith.constant 0 : i32
          %dma_start3A_211 = tpu.memref_slice %arg7[%add3A_155, %dma_start3A_210] : memref<25x80xi32, #tpu.memory_space<vmem>> -> memref<1x80xi32, #tpu.memory_space<vmem>>
          %dma_start3A_212 = tpu.memref_squeeze %dma_start3A_211 : memref<1x80xi32, #tpu.memory_space<vmem>> -> memref<80xi32, #tpu.memory_space<vmem>>
          %dma_start3A_213 = arith.constant 0 : i32
          %dma_start3A_214 = arith.constant 0 : i32
          %dma_start3A_215 = tpu.memref_slice %arg12[%dma_start3A_213, %dma_start3A_214] : memref<10240x128xf32, #tpu.memory_space<vmem_shared>> -> memref<10240x128xf32, #tpu.memory_space<vmem_shared>>
          tpu.enqueue_indirect_dma source(%arg9 : memref<80x128xf32, #tpu.memory_space<vmem>>) target(%dma_start3A_215 : memref<10240x128xf32, #tpu.memory_space<vmem_shared>>) offsets(%dma_start3A_212 : memref<80xi32, #tpu.memory_space<vmem>>) semaphore(%run_scoped3A_209 : memref<!tpu.dma_semaphore, #tpu.memory_space<semaphore_mem>>) {add = true}
          %dma_wait3A_216 = arith.constant 0 : i32
          %dma_wait3A_217 = tpu.memref_slice %arg7[%add3A_155, %dma_wait3A_216] : memref<25x80xi32, #tpu.memory_space<vmem>> -> memref<1x80xi32, #tpu.memory_space<vmem>>
          %dma_wait3A_218 = tpu.memref_squeeze %dma_wait3A_217 : memref<1x80xi32, #tpu.memory_space<vmem>> -> memref<80xi32, #tpu.memory_space<vmem>>
          %dma_wait3A_219 = arith.constant 0 : i32
          %dma_wait3A_220 = arith.constant 0 : i32
          %dma_wait3A_221 = tpu.memref_slice %arg12[%dma_wait3A_219, %dma_wait3A_220] : memref<10240x128xf32, #tpu.memory_space<vmem_shared>> -> memref<10240x128xf32, #tpu.memory_space<vmem_shared>>
          tpu.wait_indirect_dma semaphore(%run_scoped3A_209 : memref<!tpu.dma_semaphore, #tpu.memory_space<semaphore_mem>>) src(%arg9 : memref<80x128xf32, #tpu.memory_space<vmem>>) dst(%dma_wait3A_221 : memref<10240x128xf32, #tpu.memory_space<vmem_shared>>)
          tpu.yield
        }) : () -> ()
        %mul3A_171 = arith.constant 4 : i32
        %mul3A_172 = arith.muli %mul3A_171, %scan3A_136 : i32
        %add3A_173 = arith.constant 2 : i32
        %add3A_174 = arith.addi %mul3A_172, %add3A_173 : i32
        %dma_wait3A_175 = arith.constant 0 : i32
        %dma_wait3A_176 = tpu.memref_slice %arg6[%add3A_174, %dma_wait3A_175] : memref<25x80xi32, #tpu.memory_space<vmem>> -> memref<1x80xi32, #tpu.memory_space<vmem>>
        %dma_wait3A_177 = tpu.memref_squeeze %dma_wait3A_176 : memref<1x80xi32, #tpu.memory_space<vmem>> -> memref<80xi32, #tpu.memory_space<vmem>>
        %dma_wait3A_178 = arith.constant 0 : i32
        %dma_wait3A_179 = arith.constant 0 : i32
        %dma_wait3A_180 = tpu.memref_slice %arg2[%dma_wait3A_178, %dma_wait3A_179] : memref<10000x128xf32, #tpu.memory_space<hbm>> -> memref<10000x128xf32, #tpu.memory_space<hbm>>
        tpu.wait_indirect_dma semaphore(%arg13 : memref<!tpu.dma_semaphore, #tpu.memory_space<semaphore_mem>>) src(%dma_wait3A_180 : memref<10000x128xf32, #tpu.memory_space<hbm>>) dst(%arg10 : memref<80x128xf32, #tpu.memory_space<vmem>>)
        %add3A_181 = arith.constant 4 : i32
        %add3A_182 = arith.addi %add3A_174, %add3A_181 : i32
        %sub3A_183 = arith.constant 1 : i32
        %sub3A_184 = arith.subi %add3A_182, %sub3A_183 : i32
        %lt3A_185 = arith.constant 25 : i32
        %lt3A_186 = arith.cmpi slt, %sub3A_184, %lt3A_185 : i32
        %convert_element_type3A_187 = arith.extui %lt3A_186 : i1 to i32
        %cond3A_188 = arith.constant 0 : i32
        %cond3A_189 = arith.cmpi ne, %convert_element_type3A_187, %cond3A_188 : i32
        scf.if %cond3A_189 {
          %add3A_209 = arith.constant 4 : i32
          %add3A_210 = arith.addi %add3A_174, %add3A_209 : i32
          %sub3A_211 = arith.constant 1 : i32
          %sub3A_212 = arith.subi %add3A_210, %sub3A_211 : i32
          %dma_start3A_213 = arith.constant 0 : i32
          %dma_start3A_214 = tpu.memref_slice %arg6[%sub3A_212, %dma_start3A_213] : memref<25x80xi32, #tpu.memory_space<vmem>> -> memref<1x80xi32, #tpu.memory_space<vmem>>
          %dma_start3A_215 = tpu.memref_squeeze %dma_start3A_214 : memref<1x80xi32, #tpu.memory_space<vmem>> -> memref<80xi32, #tpu.memory_space<vmem>>
          %dma_start3A_216 = arith.constant 0 : i32
          %dma_start3A_217 = arith.constant 0 : i32
          %dma_start3A_218 = tpu.memref_slice %arg2[%dma_start3A_216, %dma_start3A_217] : memref<10000x128xf32, #tpu.memory_space<hbm>> -> memref<10000x128xf32, #tpu.memory_space<hbm>>
          tpu.enqueue_indirect_dma source(%dma_start3A_218 : memref<10000x128xf32, #tpu.memory_space<hbm>>) target(%arg9 : memref<80x128xf32, #tpu.memory_space<vmem>>) offsets(%dma_start3A_215 : memref<80xi32, #tpu.memory_space<vmem>>) semaphore(%arg13 : memref<!tpu.dma_semaphore, #tpu.memory_space<semaphore_mem>>)
        } else {
        }
        "tpu.region"() ({
          %run_scoped3A_209 = tpu.sem_alloc : memref<!tpu.dma_semaphore, #tpu.memory_space<semaphore_mem>>
          %dma_start3A_210 = arith.constant 0 : i32
          %dma_start3A_211 = tpu.memref_slice %arg7[%add3A_174, %dma_start3A_210] : memref<25x80xi32, #tpu.memory_space<vmem>> -> memref<1x80xi32, #tpu.memory_space<vmem>>
          %dma_start3A_212 = tpu.memref_squeeze %dma_start3A_211 : memref<1x80xi32, #tpu.memory_space<vmem>> -> memref<80xi32, #tpu.memory_space<vmem>>
          %dma_start3A_213 = arith.constant 0 : i32
          %dma_start3A_214 = arith.constant 0 : i32
          %dma_start3A_215 = tpu.memref_slice %arg12[%dma_start3A_213, %dma_start3A_214] : memref<10240x128xf32, #tpu.memory_space<vmem_shared>> -> memref<10240x128xf32, #tpu.memory_space<vmem_shared>>
          tpu.enqueue_indirect_dma source(%arg10 : memref<80x128xf32, #tpu.memory_space<vmem>>) target(%dma_start3A_215 : memref<10240x128xf32, #tpu.memory_space<vmem_shared>>) offsets(%dma_start3A_212 : memref<80xi32, #tpu.memory_space<vmem>>) semaphore(%run_scoped3A_209 : memref<!tpu.dma_semaphore, #tpu.memory_space<semaphore_mem>>) {add = true}
          %dma_wait3A_216 = arith.constant 0 : i32
          %dma_wait3A_217 = tpu.memref_slice %arg7[%add3A_174, %dma_wait3A_216] : memref<25x80xi32, #tpu.memory_space<vmem>> -> memref<1x80xi32, #tpu.memory_space<vmem>>
          %dma_wait3A_218 = tpu.memref_squeeze %dma_wait3A_217 : memref<1x80xi32, #tpu.memory_space<vmem>> -> memref<80xi32, #tpu.memory_space<vmem>>
          %dma_wait3A_219 = arith.constant 0 : i32
          %dma_wait3A_220 = arith.constant 0 : i32
          %dma_wait3A_221 = tpu.memref_slice %arg12[%dma_wait3A_219, %dma_wait3A_220] : memref<10240x128xf32, #tpu.memory_space<vmem_shared>> -> memref<10240x128xf32, #tpu.memory_space<vmem_shared>>
          tpu.wait_indirect_dma semaphore(%run_scoped3A_209 : memref<!tpu.dma_semaphore, #tpu.memory_space<semaphore_mem>>) src(%arg10 : memref<80x128xf32, #tpu.memory_space<vmem>>) dst(%dma_wait3A_221 : memref<10240x128xf32, #tpu.memory_space<vmem_shared>>)
          tpu.yield
        }) : () -> ()
        %mul3A_190 = arith.constant 4 : i32
        %mul3A_191 = arith.muli %mul3A_190, %scan3A_136 : i32
        %add3A_192 = arith.constant 3 : i32
        %add3A_193 = arith.addi %mul3A_191, %add3A_192 : i32
        %dma_wait3A_194 = arith.constant 0 : i32
        %dma_wait3A_195 = tpu.memref_slice %arg6[%add3A_193, %dma_wait3A_194] : memref<25x80xi32, #tpu.memory_space<vmem>> -> memref<1x80xi32, #tpu.memory_space<vmem>>
        %dma_wait3A_196 = tpu.memref_squeeze %dma_wait3A_195 : memref<1x80xi32, #tpu.memory_space<vmem>> -> memref<80xi32, #tpu.memory_space<vmem>>
        %dma_wait3A_197 = arith.constant 0 : i32
        %dma_wait3A_198 = arith.constant 0 : i32
        %dma_wait3A_199 = tpu.memref_slice %arg2[%dma_wait3A_197, %dma_wait3A_198] : memref<10000x128xf32, #tpu.memory_space<hbm>> -> memref<10000x128xf32, #tpu.memory_space<hbm>>
        tpu.wait_indirect_dma semaphore(%arg13 : memref<!tpu.dma_semaphore, #tpu.memory_space<semaphore_mem>>) src(%dma_wait3A_199 : memref<10000x128xf32, #tpu.memory_space<hbm>>) dst(%arg11 : memref<80x128xf32, #tpu.memory_space<vmem>>)
        %add3A_200 = arith.constant 4 : i32
        %add3A_201 = arith.addi %add3A_193, %add3A_200 : i32
        %sub3A_202 = arith.constant 1 : i32
        %sub3A_203 = arith.subi %add3A_201, %sub3A_202 : i32
        %lt3A_204 = arith.constant 25 : i32
        %lt3A_205 = arith.cmpi slt, %sub3A_203, %lt3A_204 : i32
        %convert_element_type3A_206 = arith.extui %lt3A_205 : i1 to i32
        %cond3A_207 = arith.constant 0 : i32
        %cond3A_208 = arith.cmpi ne, %convert_element_type3A_206, %cond3A_207 : i32
        scf.if %cond3A_208 {
          %add3A_209 = arith.constant 4 : i32
          %add3A_210 = arith.addi %add3A_193, %add3A_209 : i32
          %sub3A_211 = arith.constant 1 : i32
          %sub3A_212 = arith.subi %add3A_210, %sub3A_211 : i32
          %dma_start3A_213 = arith.constant 0 : i32
          %dma_start3A_214 = tpu.memref_slice %arg6[%sub3A_212, %dma_start3A_213] : memref<25x80xi32, #tpu.memory_space<vmem>> -> memref<1x80xi32, #tpu.memory_space<vmem>>
          %dma_start3A_215 = tpu.memref_squeeze %dma_start3A_214 : memref<1x80xi32, #tpu.memory_space<vmem>> -> memref<80xi32, #tpu.memory_space<vmem>>
          %dma_start3A_216 = arith.constant 0 : i32
          %dma_start3A_217 = arith.constant 0 : i32
          %dma_start3A_218 = tpu.memref_slice %arg2[%dma_start3A_216, %dma_start3A_217] : memref<10000x128xf32, #tpu.memory_space<hbm>> -> memref<10000x128xf32, #tpu.memory_space<hbm>>
          tpu.enqueue_indirect_dma source(%dma_start3A_218 : memref<10000x128xf32, #tpu.memory_space<hbm>>) target(%arg10 : memref<80x128xf32, #tpu.memory_space<vmem>>) offsets(%dma_start3A_215 : memref<80xi32, #tpu.memory_space<vmem>>) semaphore(%arg13 : memref<!tpu.dma_semaphore, #tpu.memory_space<semaphore_mem>>)
        } else {
        }
        "tpu.region"() ({
          %run_scoped3A_209 = tpu.sem_alloc : memref<!tpu.dma_semaphore, #tpu.memory_space<semaphore_mem>>
          %dma_start3A_210 = arith.constant 0 : i32
          %dma_start3A_211 = tpu.memref_slice %arg7[%add3A_193, %dma_start3A_210] : memref<25x80xi32, #tpu.memory_space<vmem>> -> memref<1x80xi32, #tpu.memory_space<vmem>>
          %dma_start3A_212 = tpu.memref_squeeze %dma_start3A_211 : memref<1x80xi32, #tpu.memory_space<vmem>> -> memref<80xi32, #tpu.memory_space<vmem>>
          %dma_start3A_213 = arith.constant 0 : i32
          %dma_start3A_214 = arith.constant 0 : i32
          %dma_start3A_215 = tpu.memref_slice %arg12[%dma_start3A_213, %dma_start3A_214] : memref<10240x128xf32, #tpu.memory_space<vmem_shared>> -> memref<10240x128xf32, #tpu.memory_space<vmem_shared>>
          tpu.enqueue_indirect_dma source(%arg11 : memref<80x128xf32, #tpu.memory_space<vmem>>) target(%dma_start3A_215 : memref<10240x128xf32, #tpu.memory_space<vmem_shared>>) offsets(%dma_start3A_212 : memref<80xi32, #tpu.memory_space<vmem>>) semaphore(%run_scoped3A_209 : memref<!tpu.dma_semaphore, #tpu.memory_space<semaphore_mem>>) {add = true}
          %dma_wait3A_216 = arith.constant 0 : i32
          %dma_wait3A_217 = tpu.memref_slice %arg7[%add3A_193, %dma_wait3A_216] : memref<25x80xi32, #tpu.memory_space<vmem>> -> memref<1x80xi32, #tpu.memory_space<vmem>>
          %dma_wait3A_218 = tpu.memref_squeeze %dma_wait3A_217 : memref<1x80xi32, #tpu.memory_space<vmem>> -> memref<80xi32, #tpu.memory_space<vmem>>
          %dma_wait3A_219 = arith.constant 0 : i32
          %dma_wait3A_220 = arith.constant 0 : i32
          %dma_wait3A_221 = tpu.memref_slice %arg12[%dma_wait3A_219, %dma_wait3A_220] : memref<10240x128xf32, #tpu.memory_space<vmem_shared>> -> memref<10240x128xf32, #tpu.memory_space<vmem_shared>>
          tpu.wait_indirect_dma semaphore(%run_scoped3A_209 : memref<!tpu.dma_semaphore, #tpu.memory_space<semaphore_mem>>) src(%arg11 : memref<80x128xf32, #tpu.memory_space<vmem>>) dst(%dma_wait3A_221 : memref<10240x128xf32, #tpu.memory_space<vmem_shared>>)
          tpu.yield
        }) : () -> ()
      }
      %scan3A_128 = arith.constant 6 : i32
      %dma_wait3A_129 = arith.constant 24 : i32
      %dma_wait3A_130 = arith.constant 0 : i32
      %dma_wait3A_131 = tpu.memref_slice %arg6[%dma_wait3A_129, %dma_wait3A_130] : memref<25x80xi32, #tpu.memory_space<vmem>> -> memref<1x80xi32, #tpu.memory_space<vmem>>
      %dma_wait3A_132 = tpu.memref_squeeze %dma_wait3A_131 : memref<1x80xi32, #tpu.memory_space<vmem>> -> memref<80xi32, #tpu.memory_space<vmem>>
      %dma_wait3A_133 = arith.constant 0 : i32
      %dma_wait3A_134 = arith.constant 0 : i32
      %dma_wait3A_135 = tpu.memref_slice %arg2[%dma_wait3A_133, %dma_wait3A_134] : memref<10000x128xf32, #tpu.memory_space<hbm>> -> memref<10000x128xf32, #tpu.memory_space<hbm>>
      tpu.wait_indirect_dma semaphore(%arg13 : memref<!tpu.dma_semaphore, #tpu.memory_space<semaphore_mem>>) src(%dma_wait3A_135 : memref<10000x128xf32, #tpu.memory_space<hbm>>) dst(%arg8 : memref<80x128xf32, #tpu.memory_space<vmem>>)
      %run_scoped3A = arith.constant 24 : i32
      "tpu.region"() ({
        %run_scoped3A_136 = tpu.sem_alloc : memref<!tpu.dma_semaphore, #tpu.memory_space<semaphore_mem>>
        %dma_start3A_137 = arith.constant 0 : i32
        %dma_start3A_138 = tpu.memref_slice %arg7[%run_scoped3A, %dma_start3A_137] : memref<25x80xi32, #tpu.memory_space<vmem>> -> memref<1x80xi32, #tpu.memory_space<vmem>>
        %dma_start3A_139 = tpu.memref_squeeze %dma_start3A_138 : memref<1x80xi32, #tpu.memory_space<vmem>> -> memref<80xi32, #tpu.memory_space<vmem>>
        %dma_start3A_140 = arith.constant 0 : i32
        %dma_start3A_141 = arith.constant 0 : i32
        %dma_start3A_142 = tpu.memref_slice %arg12[%dma_start3A_140, %dma_start3A_141] : memref<10240x128xf32, #tpu.memory_space<vmem_shared>> -> memref<10240x128xf32, #tpu.memory_space<vmem_shared>>
        tpu.enqueue_indirect_dma source(%arg8 : memref<80x128xf32, #tpu.memory_space<vmem>>) target(%dma_start3A_142 : memref<10240x128xf32, #tpu.memory_space<vmem_shared>>) offsets(%dma_start3A_139 : memref<80xi32, #tpu.memory_space<vmem>>) semaphore(%run_scoped3A_136 : memref<!tpu.dma_semaphore, #tpu.memory_space<semaphore_mem>>) {add = true}
        %dma_wait3A_143 = arith.constant 0 : i32
        %dma_wait3A_144 = tpu.memref_slice %arg7[%run_scoped3A, %dma_wait3A_143] : memref<25x80xi32, #tpu.memory_space<vmem>> -> memref<1x80xi32, #tpu.memory_space<vmem>>
        %dma_wait3A_145 = tpu.memref_squeeze %dma_wait3A_144 : memref<1x80xi32, #tpu.memory_space<vmem>> -> memref<80xi32, #tpu.memory_space<vmem>>
        %dma_wait3A_146 = arith.constant 0 : i32
        %dma_wait3A_147 = arith.constant 0 : i32
        %dma_wait3A_148 = tpu.memref_slice %arg12[%dma_wait3A_146, %dma_wait3A_147] : memref<10240x128xf32, #tpu.memory_space<vmem_shared>> -> memref<10240x128xf32, #tpu.memory_space<vmem_shared>>
        tpu.wait_indirect_dma semaphore(%run_scoped3A_136 : memref<!tpu.dma_semaphore, #tpu.memory_space<semaphore_mem>>) src(%arg8 : memref<80x128xf32, #tpu.memory_space<vmem>>) dst(%dma_wait3A_148 : memref<10240x128xf32, #tpu.memory_space<vmem_shared>>)
        tpu.yield
      }) : () -> ()
    }
    %scan3A_29 = arith.constant 5 : i32
    %barrier3A_30 = arith.constant 0 : index
    tpu.barrier barrier_id(%barrier3A_30)
    "tpu.region"() ({
      %run_scoped3A = tpu.sem_alloc : memref<!tpu.dma_semaphore, #tpu.memory_space<semaphore_mem>>
      %dma_start3A = arith.constant 0 : i32
      %dma_start3A_31 = arith.constant 0 : i32
      %dma_start3A_32 = tpu.memref_slice %arg5[%arg0, %dma_start3A, %dma_start3A_31] : memref<2x10240x128xf32, #tpu.memory_space<hbm>> -> memref<1x10240x128xf32, #tpu.memory_space<hbm>>
      %dma_start3A_33 = tpu.memref_squeeze %dma_start3A_32 : memref<1x10240x128xf32, #tpu.memory_space<hbm>> -> memref<10240x128xf32, #tpu.memory_space<hbm>>
      %dma_start3A_34 = arith.constant 0 : i32
      %dma_start3A_35 = tpu.memref_slice %dma_start3A_33[%mul3A_2, %dma_start3A_34] : memref<10240x128xf32, #tpu.memory_space<hbm>> -> memref<640x128xf32, #tpu.memory_space<hbm>>
      %dma_start3A_36 = arith.constant 0 : i32
      %dma_start3A_37 = tpu.memref_slice %arg12[%mul3A_2, %dma_start3A_36] : memref<10240x128xf32, #tpu.memory_space<vmem_shared>> -> memref<640x128xf32, #tpu.memory_space<vmem_shared>>
      tpu.enqueue_dma source(%dma_start3A_37 : memref<640x128xf32, #tpu.memory_space<vmem_shared>>) target(%dma_start3A_35 : memref<640x128xf32, #tpu.memory_space<hbm>>) target_semaphore(%run_scoped3A : memref<!tpu.dma_semaphore, #tpu.memory_space<semaphore_mem>>)
      %dma_wait3A = arith.constant 0 : i32
      %dma_wait3A_38 = arith.constant 0 : i32
      %dma_wait3A_39 = tpu.memref_slice %arg5[%arg0, %dma_wait3A, %dma_wait3A_38] : memref<2x10240x128xf32, #tpu.memory_space<hbm>> -> memref<1x10240x128xf32, #tpu.memory_space<hbm>>
      %dma_wait3A_40 = tpu.memref_squeeze %dma_wait3A_39 : memref<1x10240x128xf32, #tpu.memory_space<hbm>> -> memref<10240x128xf32, #tpu.memory_space<hbm>>
      %dma_wait3A_41 = arith.constant 0 : i32
      %dma_wait3A_42 = tpu.memref_slice %dma_wait3A_40[%mul3A_2, %dma_wait3A_41] : memref<10240x128xf32, #tpu.memory_space<hbm>> -> memref<640x128xf32, #tpu.memory_space<hbm>>
      %dma_wait3A_43 = arith.constant 0 : i32
      %dma_wait3A_44 = tpu.memref_slice %arg12[%mul3A_2, %dma_wait3A_43] : memref<10240x128xf32, #tpu.memory_space<vmem_shared>> -> memref<640x128xf32, #tpu.memory_space<vmem_shared>>
      tpu.wait_dma2 semaphore(%run_scoped3A : memref<!tpu.dma_semaphore, #tpu.memory_space<semaphore_mem>>) src(%dma_wait3A_44 : memref<640x128xf32, #tpu.memory_space<vmem_shared>>) dst(%dma_wait3A_42 : memref<640x128xf32, #tpu.memory_space<hbm>>)
      tpu.yield
    }) : () -> ()
    return
  }
}

#map = affine_map<(d0, d1) -> (0, 0)>
#map1 = affine_map<(d0, d1) -> (0, 0, 0, 0)>
#map2 = affine_map<(d0, d1) -> (0, 0, 0)>
module attributes {stable_mosaic.version = 14 : i64} {
  func.func @_sc_segment_sum(%arg0: i32, %arg1: i32, %arg2: memref<10000x128xf32, #tpu.memory_space<hbm>>, %arg3: memref<32x5x25x80xi32, #tpu.memory_space<hbm>>, %arg4: memref<32x5x25x80xi32, #tpu.memory_space<hbm>>, %arg5: memref<2x10240x128xf32, #tpu.memory_space<hbm>>, %arg6: memref<25x80xi32, #tpu.memory_space<vmem>>, %arg7: memref<25x80xi32, #tpu.memory_space<vmem>>, %arg8: memref<80x128xf32, #tpu.memory_space<vmem>>, %arg9: memref<80x128xf32, #tpu.memory_space<vmem>>, %arg10: memref<80x128xf32, #tpu.memory_space<vmem>>, %arg11: memref<80x128xf32, #tpu.memory_space<vmem>>, %arg12: memref<10240x128xf32, #tpu.memory_space<vmem_shared>>, %arg13: memref<!tpu.dma_semaphore, #tpu.memory_space<semaphore_mem>>, %arg14: memref<!tpu.dma_semaphore, #tpu.memory_space<semaphore_mem>>) attributes {dimension_semantics = [#tpu.dimension_semantics<core_parallel>, #tpu.dimension_semantics<subcore_parallel>], iteration_bounds = array<i64: 2, 16>, scalar_prefetch = 0 : i64, scratch_operands = 9 : i64, tpu.core_type = #tpu.core_type<sc_vector_subcore>, window_params = [{transform_indices = #map}, {transform_indices = #map1}, {transform_indices = #map1}, {transform_indices = #map2}]} {
    %mul3A = arith.constant 2 : i32
    %mul3A_0 = arith.muli %arg1, %mul3A : i32
    %add3A = arith.addi %mul3A_0, %arg0 : i32
    %mul3A_1 = arith.constant 640 : i32
    %mul3A_2 = arith.muli %arg1, %mul3A_1 : i32
    %scan3A = arith.constant 0 : i32
    %scan3A_3 = arith.constant 0 : i32
    %scan3A_4 = arith.constant 640 : i32
    %scan3A_5 = arith.addi %scan3A_3, %scan3A_4 : i32
    %scan3A_6 = arith.constant 1 : i32
    scf.for %scan3A_31 = %scan3A_3 to %scan3A_5 step %scan3A_6  : i32 {
      %broadcast_in_dim3A = arith.constant 0.000000e+00 : f32
      %broadcast_in_dim3A_32 = vector.broadcast %broadcast_in_dim3A : f32 to vector<16xf32>
      %jit3A = arith.constant 8 : i32
      %div3A = arith.divsi %scan3A_31, %jit3A : i32
      %sign3A = arith.constant 0 : i32
      %sign3A_33 = arith.cmpi sgt, %scan3A_31, %sign3A : i32
      %sign3A_34 = arith.extui %sign3A_33 : i1 to i32
      %sign3A_35 = arith.constant 0 : i32
      %sign3A_36 = arith.cmpi slt, %scan3A_31, %sign3A_35 : i32
      %sign3A_37 = arith.extui %sign3A_36 : i1 to i32
      %sign3A_38 = arith.subi %sign3A_34, %sign3A_37 : i32
      %sign3A_39 = arith.constant 0 : i32
      %sign3A_40 = arith.cmpi sgt, %jit3A, %sign3A_39 : i32
      %sign3A_41 = arith.extui %sign3A_40 : i1 to i32
      %sign3A_42 = arith.constant 0 : i32
      %sign3A_43 = arith.cmpi slt, %jit3A, %sign3A_42 : i32
      %sign3A_44 = arith.extui %sign3A_43 : i1 to i32
      %sign3A_45 = arith.subi %sign3A_41, %sign3A_44 : i32
      %ne3A = arith.cmpi ne, %sign3A_38, %sign3A_45 : i32
      %rem3A = arith.remsi %scan3A_31, %jit3A : i32
      %ne3A_46 = arith.constant 0 : i32
      %ne3A_47 = arith.cmpi ne, %rem3A, %ne3A_46 : i32
      %and3A = arith.andi %ne3A, %ne3A_47 : i1
      %sub3A = arith.constant 1 : i32
      %sub3A_48 = arith.subi %div3A, %sub3A : i32
      %select_n3A = arith.select %and3A, %sub3A_48, %div3A : i32
      %jit3A_49 = arith.constant 8 : i32
      %eq3A = arith.constant 0 : i32
      %eq3A_50 = arith.cmpi eq, %jit3A_49, %eq3A : i32
      %jit3A_51 = arith.constant 1 : i32
      %select_n3A_52 = arith.select %eq3A_50, %jit3A_51, %jit3A_49 : i32
      %rem3A_53 = arith.remsi %scan3A_31, %select_n3A_52 : i32
      %ne3A_54 = arith.constant 0 : i32
      %ne3A_55 = arith.cmpi ne, %rem3A_53, %ne3A_54 : i32
      %lt3A = arith.constant 0 : i32
      %lt3A_56 = arith.cmpi slt, %rem3A_53, %lt3A : i32
      %lt3A_57 = arith.constant 0 : i32
      %lt3A_58 = arith.cmpi slt, %select_n3A_52, %lt3A_57 : i32
      %ne3A_59 = arith.xori %lt3A_56, %lt3A_58 : i1
      %and3A_60 = arith.andi %ne3A_59, %ne3A_55 : i1
      %add3A_61 = arith.addi %rem3A_53, %select_n3A_52 : i32
      %select_n3A_62 = arith.select %and3A_60, %add3A_61, %rem3A_53 : i32
      %mul3A_63 = arith.constant 16 : i32
      %mul3A_64 = arith.muli %select_n3A_62, %mul3A_63 : i32
      %swap3A = arith.index_cast %select_n3A : i32 to index
      %swap3A_65 = arith.index_cast %mul3A_64 : i32 to index
      %swap3A_66 = tpu.vector_load %arg8[%swap3A, %swap3A_65] {strides = array<i32>} : memref<80x128xf32, #tpu.memory_space<vmem>>, vector<1x16xf32>,
      %swap3A_67 = vector.shape_cast %swap3A_66 : vector<1x16xf32> to vector<16xf32>
      %swap3A_68 = vector.shape_cast %broadcast_in_dim3A_32 : vector<16xf32> to vector<1x16xf32>
      tpu.vector_store %arg8[%swap3A, %swap3A_65], %swap3A_68 {strides = array<i32>} : memref<80x128xf32, #tpu.memory_space<vmem>>, vector<1x16xf32>,
    }
    %scan3A_7 = arith.constant 640 : i32
    %add3A_8 = arith.constant 0 : i32
    %add3A_9 = arith.addi %mul3A_2, %add3A_8 : i32
    "tpu.region"() ({
      %run_scoped3A = tpu.sem_alloc : memref<!tpu.dma_semaphore, #tpu.memory_space<semaphore_mem>>
      %dma_start3A = arith.constant 0 : i32
      %dma_start3A_31 = tpu.memref_slice %arg12[%add3A_9, %dma_start3A] : memref<10240x128xf32, #tpu.memory_space<vmem_shared>> -> memref<80x128xf32, #tpu.memory_space<vmem_shared>>
      %dma_start3A_32 = arith.constant 0 : i32
      %dma_start3A_33 = tpu.memref_slice %arg12[%add3A_9, %dma_start3A_32] : memref<10240x128xf32, #tpu.memory_space<vmem_shared>> -> memref<80x128xf32, #tpu.memory_space<vmem_shared>>
      tpu.enqueue_dma source(%arg8 : memref<80x128xf32, #tpu.memory_space<vmem>>) target(%dma_start3A_33 : memref<80x128xf32, #tpu.memory_space<vmem_shared>>) target_semaphore(%run_scoped3A : memref<!tpu.dma_semaphore, #tpu.memory_space<semaphore_mem>>)
      %dma_wait3A = arith.constant 0 : i32
      %dma_wait3A_34 = tpu.memref_slice %arg12[%add3A_9, %dma_wait3A] : memref<10240x128xf32, #tpu.memory_space<vmem_shared>> -> memref<80x128xf32, #tpu.memory_space<vmem_shared>>
      %dma_wait3A_35 = arith.constant 0 : i32
      %dma_wait3A_36 = tpu.memref_slice %arg12[%add3A_9, %dma_wait3A_35] : memref<10240x128xf32, #tpu.memory_space<vmem_shared>> -> memref<80x128xf32, #tpu.memory_space<vmem_shared>>
      tpu.wait_dma2 semaphore(%run_scoped3A : memref<!tpu.dma_semaphore, #tpu.memory_space<semaphore_mem>>) src(%arg8 : memref<80x128xf32, #tpu.memory_space<vmem>>) dst(%dma_wait3A_36 : memref<80x128xf32, #tpu.memory_space<vmem_shared>>)
      tpu.yield
    }) : () -> ()
    %add3A_10 = arith.constant 80 : i32
    %add3A_11 = arith.addi %mul3A_2, %add3A_10 : i32
    "tpu.region"() ({
      %run_scoped3A = tpu.sem_alloc : memref<!tpu.dma_semaphore, #tpu.memory_space<semaphore_mem>>
      %dma_start3A = arith.constant 0 : i32
      %dma_start3A_31 = tpu.memref_slice %arg12[%add3A_11, %dma_start3A] : memref<10240x128xf32, #tpu.memory_space<vmem_shared>> -> memref<80x128xf32, #tpu.memory_space<vmem_shared>>
      %dma_start3A_32 = arith.constant 0 : i32
      %dma_start3A_33 = tpu.memref_slice %arg12[%add3A_11, %dma_start3A_32] : memref<10240x128xf32, #tpu.memory_space<vmem_shared>> -> memref<80x128xf32, #tpu.memory_space<vmem_shared>>
      tpu.enqueue_dma source(%arg8 : memref<80x128xf32, #tpu.memory_space<vmem>>) target(%dma_start3A_33 : memref<80x128xf32, #tpu.memory_space<vmem_shared>>) target_semaphore(%run_scoped3A : memref<!tpu.dma_semaphore, #tpu.memory_space<semaphore_mem>>)
      %dma_wait3A = arith.constant 0 : i32
      %dma_wait3A_34 = tpu.memref_slice %arg12[%add3A_11, %dma_wait3A] : memref<10240x128xf32, #tpu.memory_space<vmem_shared>> -> memref<80x128xf32, #tpu.memory_space<vmem_shared>>
      %dma_wait3A_35 = arith.constant 0 : i32
      %dma_wait3A_36 = tpu.memref_slice %arg12[%add3A_11, %dma_wait3A_35] : memref<10240x128xf32, #tpu.memory_space<vmem_shared>> -> memref<80x128xf32, #tpu.memory_space<vmem_shared>>
      tpu.wait_dma2 semaphore(%run_scoped3A : memref<!tpu.dma_semaphore, #tpu.memory_space<semaphore_mem>>) src(%arg8 : memref<80x128xf32, #tpu.memory_space<vmem>>) dst(%dma_wait3A_36 : memref<80x128xf32, #tpu.memory_space<vmem_shared>>)
      tpu.yield
    }) : () -> ()
    %add3A_12 = arith.constant 160 : i32
    %add3A_13 = arith.addi %mul3A_2, %add3A_12 : i32
    "tpu.region"() ({
      %run_scoped3A = tpu.sem_alloc : memref<!tpu.dma_semaphore, #tpu.memory_space<semaphore_mem>>
      %dma_start3A = arith.constant 0 : i32
      %dma_start3A_31 = tpu.memref_slice %arg12[%add3A_13, %dma_start3A] : memref<10240x128xf32, #tpu.memory_space<vmem_shared>> -> memref<80x128xf32, #tpu.memory_space<vmem_shared>>
      %dma_start3A_32 = arith.constant 0 : i32
      %dma_start3A_33 = tpu.memref_slice %arg12[%add3A_13, %dma_start3A_32] : memref<10240x128xf32, #tpu.memory_space<vmem_shared>> -> memref<80x128xf32, #tpu.memory_space<vmem_shared>>
      tpu.enqueue_dma source(%arg8 : memref<80x128xf32, #tpu.memory_space<vmem>>) target(%dma_start3A_33 : memref<80x128xf32, #tpu.memory_space<vmem_shared>>) target_semaphore(%run_scoped3A : memref<!tpu.dma_semaphore, #tpu.memory_space<semaphore_mem>>)
      %dma_wait3A = arith.constant 0 : i32
      %dma_wait3A_34 = tpu.memref_slice %arg12[%add3A_13, %dma_wait3A] : memref<10240x128xf32, #tpu.memory_space<vmem_shared>> -> memref<80x128xf32, #tpu.memory_space<vmem_shared>>
      %dma_wait3A_35 = arith.constant 0 : i32
      %dma_wait3A_36 = tpu.memref_slice %arg12[%add3A_13, %dma_wait3A_35] : memref<10240x128xf32, #tpu.memory_space<vmem_shared>> -> memref<80x128xf32, #tpu.memory_space<vmem_shared>>
      tpu.wait_dma2 semaphore(%run_scoped3A : memref<!tpu.dma_semaphore, #tpu.memory_space<semaphore_mem>>) src(%arg8 : memref<80x128xf32, #tpu.memory_space<vmem>>) dst(%dma_wait3A_36 : memref<80x128xf32, #tpu.memory_space<vmem_shared>>)
      tpu.yield
    }) : () -> ()
    %add3A_14 = arith.constant 240 : i32
    %add3A_15 = arith.addi %mul3A_2, %add3A_14 : i32
    "tpu.region"() ({
      %run_scoped3A = tpu.sem_alloc : memref<!tpu.dma_semaphore, #tpu.memory_space<semaphore_mem>>
      %dma_start3A = arith.constant 0 : i32
      %dma_start3A_31 = tpu.memref_slice %arg12[%add3A_15, %dma_start3A] : memref<10240x128xf32, #tpu.memory_space<vmem_shared>> -> memref<80x128xf32, #tpu.memory_space<vmem_shared>>
      %dma_start3A_32 = arith.constant 0 : i32
      %dma_start3A_33 = tpu.memref_slice %arg12[%add3A_15, %dma_start3A_32] : memref<10240x128xf32, #tpu.memory_space<vmem_shared>> -> memref<80x128xf32, #tpu.memory_space<vmem_shared>>
      tpu.enqueue_dma source(%arg8 : memref<80x128xf32, #tpu.memory_space<vmem>>) target(%dma_start3A_33 : memref<80x128xf32, #tpu.memory_space<vmem_shared>>) target_semaphore(%run_scoped3A : memref<!tpu.dma_semaphore, #tpu.memory_space<semaphore_mem>>)
      %dma_wait3A = arith.constant 0 : i32
      %dma_wait3A_34 = tpu.memref_slice %arg12[%add3A_15, %dma_wait3A] : memref<10240x128xf32, #tpu.memory_space<vmem_shared>> -> memref<80x128xf32, #tpu.memory_space<vmem_shared>>
      %dma_wait3A_35 = arith.constant 0 : i32
      %dma_wait3A_36 = tpu.memref_slice %arg12[%add3A_15, %dma_wait3A_35] : memref<10240x128xf32, #tpu.memory_space<vmem_shared>> -> memref<80x128xf32, #tpu.memory_space<vmem_shared>>
      tpu.wait_dma2 semaphore(%run_scoped3A : memref<!tpu.dma_semaphore, #tpu.memory_space<semaphore_mem>>) src(%arg8 : memref<80x128xf32, #tpu.memory_space<vmem>>) dst(%dma_wait3A_36 : memref<80x128xf32, #tpu.memory_space<vmem_shared>>)
      tpu.yield
    }) : () -> ()
    %add3A_16 = arith.constant 320 : i32
    %add3A_17 = arith.addi %mul3A_2, %add3A_16 : i32
    "tpu.region"() ({
      %run_scoped3A = tpu.sem_alloc : memref<!tpu.dma_semaphore, #tpu.memory_space<semaphore_mem>>
      %dma_start3A = arith.constant 0 : i32
      %dma_start3A_31 = tpu.memref_slice %arg12[%add3A_17, %dma_start3A] : memref<10240x128xf32, #tpu.memory_space<vmem_shared>> -> memref<80x128xf32, #tpu.memory_space<vmem_shared>>
      %dma_start3A_32 = arith.constant 0 : i32
      %dma_start3A_33 = tpu.memref_slice %arg12[%add3A_17, %dma_start3A_32] : memref<10240x128xf32, #tpu.memory_space<vmem_shared>> -> memref<80x128xf32, #tpu.memory_space<vmem_shared>>
      tpu.enqueue_dma source(%arg8 : memref<80x128xf32, #tpu.memory_space<vmem>>) target(%dma_start3A_33 : memref<80x128xf32, #tpu.memory_space<vmem_shared>>) target_semaphore(%run_scoped3A : memref<!tpu.dma_semaphore, #tpu.memory_space<semaphore_mem>>)
      %dma_wait3A = arith.constant 0 : i32
      %dma_wait3A_34 = tpu.memref_slice %arg12[%add3A_17, %dma_wait3A] : memref<10240x128xf32, #tpu.memory_space<vmem_shared>> -> memref<80x128xf32, #tpu.memory_space<vmem_shared>>
      %dma_wait3A_35 = arith.constant 0 : i32
      %dma_wait3A_36 = tpu.memref_slice %arg12[%add3A_17, %dma_wait3A_35] : memref<10240x128xf32, #tpu.memory_space<vmem_shared>> -> memref<80x128xf32, #tpu.memory_space<vmem_shared>>
      tpu.wait_dma2 semaphore(%run_scoped3A : memref<!tpu.dma_semaphore, #tpu.memory_space<semaphore_mem>>) src(%arg8 : memref<80x128xf32, #tpu.memory_space<vmem>>) dst(%dma_wait3A_36 : memref<80x128xf32, #tpu.memory_space<vmem_shared>>)
      tpu.yield
    }) : () -> ()
    %add3A_18 = arith.constant 400 : i32
    %add3A_19 = arith.addi %mul3A_2, %add3A_18 : i32
    "tpu.region"() ({
      %run_scoped3A = tpu.sem_alloc : memref<!tpu.dma_semaphore, #tpu.memory_space<semaphore_mem>>
      %dma_start3A = arith.constant 0 : i32
      %dma_start3A_31 = tpu.memref_slice %arg12[%add3A_19, %dma_start3A] : memref<10240x128xf32, #tpu.memory_space<vmem_shared>> -> memref<80x128xf32, #tpu.memory_space<vmem_shared>>
      %dma_start3A_32 = arith.constant 0 : i32
      %dma_start3A_33 = tpu.memref_slice %arg12[%add3A_19, %dma_start3A_32] : memref<10240x128xf32, #tpu.memory_space<vmem_shared>> -> memref<80x128xf32, #tpu.memory_space<vmem_shared>>
      tpu.enqueue_dma source(%arg8 : memref<80x128xf32, #tpu.memory_space<vmem>>) target(%dma_start3A_33 : memref<80x128xf32, #tpu.memory_space<vmem_shared>>) target_semaphore(%run_scoped3A : memref<!tpu.dma_semaphore, #tpu.memory_space<semaphore_mem>>)
      %dma_wait3A = arith.constant 0 : i32
      %dma_wait3A_34 = tpu.memref_slice %arg12[%add3A_19, %dma_wait3A] : memref<10240x128xf32, #tpu.memory_space<vmem_shared>> -> memref<80x128xf32, #tpu.memory_space<vmem_shared>>
      %dma_wait3A_35 = arith.constant 0 : i32
      %dma_wait3A_36 = tpu.memref_slice %arg12[%add3A_19, %dma_wait3A_35] : memref<10240x128xf32, #tpu.memory_space<vmem_shared>> -> memref<80x128xf32, #tpu.memory_space<vmem_shared>>
      tpu.wait_dma2 semaphore(%run_scoped3A : memref<!tpu.dma_semaphore, #tpu.memory_space<semaphore_mem>>) src(%arg8 : memref<80x128xf32, #tpu.memory_space<vmem>>) dst(%dma_wait3A_36 : memref<80x128xf32, #tpu.memory_space<vmem_shared>>)
      tpu.yield
    }) : () -> ()
    %add3A_20 = arith.constant 480 : i32
    %add3A_21 = arith.addi %mul3A_2, %add3A_20 : i32
    "tpu.region"() ({
      %run_scoped3A = tpu.sem_alloc : memref<!tpu.dma_semaphore, #tpu.memory_space<semaphore_mem>>
      %dma_start3A = arith.constant 0 : i32
      %dma_start3A_31 = tpu.memref_slice %arg12[%add3A_21, %dma_start3A] : memref<10240x128xf32, #tpu.memory_space<vmem_shared>> -> memref<80x128xf32, #tpu.memory_space<vmem_shared>>
      %dma_start3A_32 = arith.constant 0 : i32
      %dma_start3A_33 = tpu.memref_slice %arg12[%add3A_21, %dma_start3A_32] : memref<10240x128xf32, #tpu.memory_space<vmem_shared>> -> memref<80x128xf32, #tpu.memory_space<vmem_shared>>
      tpu.enqueue_dma source(%arg8 : memref<80x128xf32, #tpu.memory_space<vmem>>) target(%dma_start3A_33 : memref<80x128xf32, #tpu.memory_space<vmem_shared>>) target_semaphore(%run_scoped3A : memref<!tpu.dma_semaphore, #tpu.memory_space<semaphore_mem>>)
      %dma_wait3A = arith.constant 0 : i32
      %dma_wait3A_34 = tpu.memref_slice %arg12[%add3A_21, %dma_wait3A] : memref<10240x128xf32, #tpu.memory_space<vmem_shared>> -> memref<80x128xf32, #tpu.memory_space<vmem_shared>>
      %dma_wait3A_35 = arith.constant 0 : i32
      %dma_wait3A_36 = tpu.memref_slice %arg12[%add3A_21, %dma_wait3A_35] : memref<10240x128xf32, #tpu.memory_space<vmem_shared>> -> memref<80x128xf32, #tpu.memory_space<vmem_shared>>
      tpu.wait_dma2 semaphore(%run_scoped3A : memref<!tpu.dma_semaphore, #tpu.memory_space<semaphore_mem>>) src(%arg8 : memref<80x128xf32, #tpu.memory_space<vmem>>) dst(%dma_wait3A_36 : memref<80x128xf32, #tpu.memory_space<vmem_shared>>)
      tpu.yield
    }) : () -> ()
    %add3A_22 = arith.constant 560 : i32
    %add3A_23 = arith.addi %mul3A_2, %add3A_22 : i32
    "tpu.region"() ({
      %run_scoped3A = tpu.sem_alloc : memref<!tpu.dma_semaphore, #tpu.memory_space<semaphore_mem>>
      %dma_start3A = arith.constant 0 : i32
      %dma_start3A_31 = tpu.memref_slice %arg12[%add3A_23, %dma_start3A] : memref<10240x128xf32, #tpu.memory_space<vmem_shared>> -> memref<80x128xf32, #tpu.memory_space<vmem_shared>>
      %dma_start3A_32 = arith.constant 0 : i32
      %dma_start3A_33 = tpu.memref_slice %arg12[%add3A_23, %dma_start3A_32] : memref<10240x128xf32, #tpu.memory_space<vmem_shared>> -> memref<80x128xf32, #tpu.memory_space<vmem_shared>>
      tpu.enqueue_dma source(%arg8 : memref<80x128xf32, #tpu.memory_space<vmem>>) target(%dma_start3A_33 : memref<80x128xf32, #tpu.memory_space<vmem_shared>>) target_semaphore(%run_scoped3A : memref<!tpu.dma_semaphore, #tpu.memory_space<semaphore_mem>>)
      %dma_wait3A = arith.constant 0 : i32
      %dma_wait3A_34 = tpu.memref_slice %arg12[%add3A_23, %dma_wait3A] : memref<10240x128xf32, #tpu.memory_space<vmem_shared>> -> memref<80x128xf32, #tpu.memory_space<vmem_shared>>
      %dma_wait3A_35 = arith.constant 0 : i32
      %dma_wait3A_36 = tpu.memref_slice %arg12[%add3A_23, %dma_wait3A_35] : memref<10240x128xf32, #tpu.memory_space<vmem_shared>> -> memref<80x128xf32, #tpu.memory_space<vmem_shared>>
      tpu.wait_dma2 semaphore(%run_scoped3A : memref<!tpu.dma_semaphore, #tpu.memory_space<semaphore_mem>>) src(%arg8 : memref<80x128xf32, #tpu.memory_space<vmem>>) dst(%dma_wait3A_36 : memref<80x128xf32, #tpu.memory_space<vmem_shared>>)
      tpu.yield
    }) : () -> ()
    %barrier3A = arith.constant 0 : index
    tpu.barrier barrier_id(%barrier3A)
    %scan3A_24 = arith.constant 0 : i32
    %scan3A_25 = arith.constant 0 : i32
    %scan3A_26 = arith.constant 5 : i32
    %scan3A_27 = arith.addi %scan3A_25, %scan3A_26 : i32
    %scan3A_28 = arith.constant 1 : i32
    scf.for %scan3A_31 = %scan3A_25 to %scan3A_27 step %scan3A_28  : i32 {
      %dma_start3A = arith.constant 0 : i32
      %dma_start3A_32 = arith.constant 0 : i32
      %dma_start3A_33 = arith.constant 0 : i32
      %dma_start3A_34 = tpu.memref_slice %arg3[%add3A, %dma_start3A, %dma_start3A_32, %dma_start3A_33] : memref<32x5x25x80xi32, #tpu.memory_space<hbm>> -> memref<1x5x25x80xi32, #tpu.memory_space<hbm>>
      %dma_start3A_35 = tpu.memref_squeeze %dma_start3A_34 : memref<1x5x25x80xi32, #tpu.memory_space<hbm>> -> memref<5x25x80xi32, #tpu.memory_space<hbm>>
      %dma_start3A_36 = arith.constant 0 : i32
      %dma_start3A_37 = arith.constant 0 : i32
      %dma_start3A_38 = tpu.memref_slice %dma_start3A_35[%scan3A_31, %dma_start3A_36, %dma_start3A_37] : memref<5x25x80xi32, #tpu.memory_space<hbm>> -> memref<1x25x80xi32, #tpu.memory_space<hbm>>
      %dma_start3A_39 = tpu.memref_squeeze %dma_start3A_38 : memref<1x25x80xi32, #tpu.memory_space<hbm>> -> memref<25x80xi32, #tpu.memory_space<hbm>>
      %dma_start3A_40 = arith.constant 0 : i32
      %dma_start3A_41 = arith.constant 0 : i32
      %dma_start3A_42 = arith.constant 0 : i32
      %dma_start3A_43 = tpu.memref_slice %arg3[%add3A, %dma_start3A_40, %dma_start3A_41, %dma_start3A_42] : memref<32x5x25x80xi32, #tpu.memory_space<hbm>> -> memref<1x5x25x80xi32, #tpu.memory_space<hbm>>
      %dma_start3A_44 = tpu.memref_squeeze %dma_start3A_43 : memref<1x5x25x80xi32, #tpu.memory_space<hbm>> -> memref<5x25x80xi32, #tpu.memory_space<hbm>>
      %dma_start3A_45 = arith.constant 0 : i32
      %dma_start3A_46 = arith.constant 0 : i32
      %dma_start3A_47 = tpu.memref_slice %dma_start3A_44[%scan3A_31, %dma_start3A_45, %dma_start3A_46] : memref<5x25x80xi32, #tpu.memory_space<hbm>> -> memref<1x25x80xi32, #tpu.memory_space<hbm>>
      %dma_start3A_48 = tpu.memref_squeeze %dma_start3A_47 : memref<1x25x80xi32, #tpu.memory_space<hbm>> -> memref<25x80xi32, #tpu.memory_space<hbm>>
      tpu.enqueue_dma source(%dma_start3A_48 : memref<25x80xi32, #tpu.memory_space<hbm>>) target(%arg6 : memref<25x80xi32, #tpu.memory_space<vmem>>) target_semaphore(%arg14 : memref<!tpu.dma_semaphore, #tpu.memory_space<semaphore_mem>>)
      %dma_start3A_49 = arith.constant 0 : i32
      %dma_start3A_50 = arith.constant 0 : i32
      %dma_start3A_51 = arith.constant 0 : i32
      %dma_start3A_52 = tpu.memref_slice %arg4[%add3A, %dma_start3A_49, %dma_start3A_50, %dma_start3A_51] : memref<32x5x25x80xi32, #tpu.memory_space<hbm>> -> memref<1x5x25x80xi32, #tpu.memory_space<hbm>>
      %dma_start3A_53 = tpu.memref_squeeze %dma_start3A_52 : memref<1x5x25x80xi32, #tpu.memory_space<hbm>> -> memref<5x25x80xi32, #tpu.memory_space<hbm>>
      %dma_start3A_54 = arith.constant 0 : i32
      %dma_start3A_55 = arith.constant 0 : i32
      %dma_start3A_56 = tpu.memref_slice %dma_start3A_53[%scan3A_31, %dma_start3A_54, %dma_start3A_55] : memref<5x25x80xi32, #tpu.memory_space<hbm>> -> memref<1x25x80xi32, #tpu.memory_space<hbm>>
      %dma_start3A_57 = tpu.memref_squeeze %dma_start3A_56 : memref<1x25x80xi32, #tpu.memory_space<hbm>> -> memref<25x80xi32, #tpu.memory_space<hbm>>
      %dma_start3A_58 = arith.constant 0 : i32
      %dma_start3A_59 = arith.constant 0 : i32
      %dma_start3A_60 = arith.constant 0 : i32
      %dma_start3A_61 = tpu.memref_slice %arg4[%add3A, %dma_start3A_58, %dma_start3A_59, %dma_start3A_60] : memref<32x5x25x80xi32, #tpu.memory_space<hbm>> -> memref<1x5x25x80xi32, #tpu.memory_space<hbm>>
      %dma_start3A_62 = tpu.memref_squeeze %dma_start3A_61 : memref<1x5x25x80xi32, #tpu.memory_space<hbm>> -> memref<5x25x80xi32, #tpu.memory_space<hbm>>
      %dma_start3A_63 = arith.constant 0 : i32
      %dma_start3A_64 = arith.constant 0 : i32
      %dma_start3A_65 = tpu.memref_slice %dma_start3A_62[%scan3A_31, %dma_start3A_63, %dma_start3A_64] : memref<5x25x80xi32, #tpu.memory_space<hbm>> -> memref<1x25x80xi32, #tpu.memory_space<hbm>>
      %dma_start3A_66 = tpu.memref_squeeze %dma_start3A_65 : memref<1x25x80xi32, #tpu.memory_space<hbm>> -> memref<25x80xi32, #tpu.memory_space<hbm>>
      tpu.enqueue_dma source(%dma_start3A_66 : memref<25x80xi32, #tpu.memory_space<hbm>>) target(%arg7 : memref<25x80xi32, #tpu.memory_space<vmem>>) target_semaphore(%arg14 : memref<!tpu.dma_semaphore, #tpu.memory_space<semaphore_mem>>)
      %dma_wait3A = arith.constant 0 : i32
      %dma_wait3A_67 = arith.constant 0 : i32
      %dma_wait3A_68 = arith.constant 0 : i32
      %dma_wait3A_69 = tpu.memref_slice %arg3[%add3A, %dma_wait3A, %dma_wait3A_67, %dma_wait3A_68] : memref<32x5x25x80xi32, #tpu.memory_space<hbm>> -> memref<1x5x25x80xi32, #tpu.memory_space<hbm>>
      %dma_wait3A_70 = tpu.memref_squeeze %dma_wait3A_69 : memref<1x5x25x80xi32, #tpu.memory_space<hbm>> -> memref<5x25x80xi32, #tpu.memory_space<hbm>>
      %dma_wait3A_71 = arith.constant 0 : i32
      %dma_wait3A_72 = arith.constant 0 : i32
      %dma_wait3A_73 = tpu.memref_slice %dma_wait3A_70[%scan3A_31, %dma_wait3A_71, %dma_wait3A_72] : memref<5x25x80xi32, #tpu.memory_space<hbm>> -> memref<1x25x80xi32, #tpu.memory_space<hbm>>
      %dma_wait3A_74 = tpu.memref_squeeze %dma_wait3A_73 : memref<1x25x80xi32, #tpu.memory_space<hbm>> -> memref<25x80xi32, #tpu.memory_space<hbm>>
      %dma_wait3A_75 = arith.constant 0 : i32
      %dma_wait3A_76 = arith.constant 0 : i32
      %dma_wait3A_77 = arith.constant 0 : i32
      %dma_wait3A_78 = tpu.memref_slice %arg3[%add3A, %dma_wait3A_75, %dma_wait3A_76, %dma_wait3A_77] : memref<32x5x25x80xi32, #tpu.memory_space<hbm>> -> memref<1x5x25x80xi32, #tpu.memory_space<hbm>>
      %dma_wait3A_79 = tpu.memref_squeeze %dma_wait3A_78 : memref<1x5x25x80xi32, #tpu.memory_space<hbm>> -> memref<5x25x80xi32, #tpu.memory_space<hbm>>
      %dma_wait3A_80 = arith.constant 0 : i32
      %dma_wait3A_81 = arith.constant 0 : i32
      %dma_wait3A_82 = tpu.memref_slice %dma_wait3A_79[%scan3A_31, %dma_wait3A_80, %dma_wait3A_81] : memref<5x25x80xi32, #tpu.memory_space<hbm>> -> memref<1x25x80xi32, #tpu.memory_space<hbm>>
      %dma_wait3A_83 = tpu.memref_squeeze %dma_wait3A_82 : memref<1x25x80xi32, #tpu.memory_space<hbm>> -> memref<25x80xi32, #tpu.memory_space<hbm>>
      tpu.wait_dma2 semaphore(%arg14 : memref<!tpu.dma_semaphore, #tpu.memory_space<semaphore_mem>>) src(%dma_wait3A_83 : memref<25x80xi32, #tpu.memory_space<hbm>>) dst(%arg6 : memref<25x80xi32, #tpu.memory_space<vmem>>)
      %dma_start3A_84 = arith.constant 0 : i32
      %dma_start3A_85 = arith.constant 0 : i32
      %dma_start3A_86 = tpu.memref_slice %arg6[%dma_start3A_84, %dma_start3A_85] : memref<25x80xi32, #tpu.memory_space<vmem>> -> memref<1x80xi32, #tpu.memory_space<vmem>>
      %dma_start3A_87 = tpu.memref_squeeze %dma_start3A_86 : memref<1x80xi32, #tpu.memory_space<vmem>> -> memref<80xi32, #tpu.memory_space<vmem>>
      %dma_start3A_88 = arith.constant 0 : i32
      %dma_start3A_89 = arith.constant 0 : i32
      %dma_start3A_90 = tpu.memref_slice %arg2[%dma_start3A_88, %dma_start3A_89] : memref<10000x128xf32, #tpu.memory_space<hbm>> -> memref<10000x128xf32, #tpu.memory_space<hbm>>
      tpu.enqueue_indirect_dma source(%dma_start3A_90 : memref<10000x128xf32, #tpu.memory_space<hbm>>) target(%arg8 : memref<80x128xf32, #tpu.memory_space<vmem>>) offsets(%dma_start3A_87 : memref<80xi32, #tpu.memory_space<vmem>>) semaphore(%arg13 : memref<!tpu.dma_semaphore, #tpu.memory_space<semaphore_mem>>)
      %dma_start3A_91 = arith.constant 1 : i32
      %dma_start3A_92 = arith.constant 0 : i32
      %dma_start3A_93 = tpu.memref_slice %arg6[%dma_start3A_91, %dma_start3A_92] : memref<25x80xi32, #tpu.memory_space<vmem>> -> memref<1x80xi32, #tpu.memory_space<vmem>>
      %dma_start3A_94 = tpu.memref_squeeze %dma_start3A_93 : memref<1x80xi32, #tpu.memory_space<vmem>> -> memref<80xi32, #tpu.memory_space<vmem>>
      %dma_start3A_95 = arith.constant 0 : i32
      %dma_start3A_96 = arith.constant 0 : i32
      %dma_start3A_97 = tpu.memref_slice %arg2[%dma_start3A_95, %dma_start3A_96] : memref<10000x128xf32, #tpu.memory_space<hbm>> -> memref<10000x128xf32, #tpu.memory_space<hbm>>
      tpu.enqueue_indirect_dma source(%dma_start3A_97 : memref<10000x128xf32, #tpu.memory_space<hbm>>) target(%arg9 : memref<80x128xf32, #tpu.memory_space<vmem>>) offsets(%dma_start3A_94 : memref<80xi32, #tpu.memory_space<vmem>>) semaphore(%arg13 : memref<!tpu.dma_semaphore, #tpu.memory_space<semaphore_mem>>)
      %dma_start3A_98 = arith.constant 2 : i32
      %dma_start3A_99 = arith.constant 0 : i32
      %dma_start3A_100 = tpu.memref_slice %arg6[%dma_start3A_98, %dma_start3A_99] : memref<25x80xi32, #tpu.memory_space<vmem>> -> memref<1x80xi32, #tpu.memory_space<vmem>>
      %dma_start3A_101 = tpu.memref_squeeze %dma_start3A_100 : memref<1x80xi32, #tpu.memory_space<vmem>> -> memref<80xi32, #tpu.memory_space<vmem>>
      %dma_start3A_102 = arith.constant 0 : i32
      %dma_start3A_103 = arith.constant 0 : i32
      %dma_start3A_104 = tpu.memref_slice %arg2[%dma_start3A_102, %dma_start3A_103] : memref<10000x128xf32, #tpu.memory_space<hbm>> -> memref<10000x128xf32, #tpu.memory_space<hbm>>
      tpu.enqueue_indirect_dma source(%dma_start3A_104 : memref<10000x128xf32, #tpu.memory_space<hbm>>) target(%arg10 : memref<80x128xf32, #tpu.memory_space<vmem>>) offsets(%dma_start3A_101 : memref<80xi32, #tpu.memory_space<vmem>>) semaphore(%arg13 : memref<!tpu.dma_semaphore, #tpu.memory_space<semaphore_mem>>)
      %dma_wait3A_105 = arith.constant 0 : i32
      %dma_wait3A_106 = arith.constant 0 : i32
      %dma_wait3A_107 = arith.constant 0 : i32
      %dma_wait3A_108 = tpu.memref_slice %arg4[%add3A, %dma_wait3A_105, %dma_wait3A_106, %dma_wait3A_107] : memref<32x5x25x80xi32, #tpu.memory_space<hbm>> -> memref<1x5x25x80xi32, #tpu.memory_space<hbm>>
      %dma_wait3A_109 = tpu.memref_squeeze %dma_wait3A_108 : memref<1x5x25x80xi32, #tpu.memory_space<hbm>> -> memref<5x25x80xi32, #tpu.memory_space<hbm>>
      %dma_wait3A_110 = arith.constant 0 : i32
      %dma_wait3A_111 = arith.constant 0 : i32
      %dma_wait3A_112 = tpu.memref_slice %dma_wait3A_109[%scan3A_31, %dma_wait3A_110, %dma_wait3A_111] : memref<5x25x80xi32, #tpu.memory_space<hbm>> -> memref<1x25x80xi32, #tpu.memory_space<hbm>>
      %dma_wait3A_113 = tpu.memref_squeeze %dma_wait3A_112 : memref<1x25x80xi32, #tpu.memory_space<hbm>> -> memref<25x80xi32, #tpu.memory_space<hbm>>
      %dma_wait3A_114 = arith.constant 0 : i32
      %dma_wait3A_115 = arith.constant 0 : i32
      %dma_wait3A_116 = arith.constant 0 : i32
      %dma_wait3A_117 = tpu.memref_slice %arg4[%add3A, %dma_wait3A_114, %dma_wait3A_115, %dma_wait3A_116] : memref<32x5x25x80xi32, #tpu.memory_space<hbm>> -> memref<1x5x25x80xi32, #tpu.memory_space<hbm>>
      %dma_wait3A_118 = tpu.memref_squeeze %dma_wait3A_117 : memref<1x5x25x80xi32, #tpu.memory_space<hbm>> -> memref<5x25x80xi32, #tpu.memory_space<hbm>>
      %dma_wait3A_119 = arith.constant 0 : i32
      %dma_wait3A_120 = arith.constant 0 : i32
      %dma_wait3A_121 = tpu.memref_slice %dma_wait3A_118[%scan3A_31, %dma_wait3A_119, %dma_wait3A_120] : memref<5x25x80xi32, #tpu.memory_space<hbm>> -> memref<1x25x80xi32, #tpu.memory_space<hbm>>
      %dma_wait3A_122 = tpu.memref_squeeze %dma_wait3A_121 : memref<1x25x80xi32, #tpu.memory_space<hbm>> -> memref<25x80xi32, #tpu.memory_space<hbm>>
      tpu.wait_dma2 semaphore(%arg14 : memref<!tpu.dma_semaphore, #tpu.memory_space<semaphore_mem>>) src(%dma_wait3A_122 : memref<25x80xi32, #tpu.memory_space<hbm>>) dst(%arg7 : memref<25x80xi32, #tpu.memory_space<vmem>>)
      %scan3A_123 = arith.constant 0 : i32
      %scan3A_124 = arith.constant 0 : i32
      %scan3A_125 = arith.constant 6 : i32
      %scan3A_126 = arith.addi %scan3A_124, %scan3A_125 : i32
      %scan3A_127 = arith.constant 1 : i32
      scf.for %scan3A_136 = %scan3A_124 to %scan3A_126 step %scan3A_127  : i32 {
        %mul3A_137 = arith.constant 4 : i32
        %mul3A_138 = arith.muli %mul3A_137, %scan3A_136 : i32
        %add3A_139 = arith.constant 0 : i32
        %add3A_140 = arith.addi %mul3A_138, %add3A_139 : i32
        %dma_wait3A_141 = arith.constant 0 : i32
        %dma_wait3A_142 = tpu.memref_slice %arg6[%add3A_140, %dma_wait3A_141] : memref<25x80xi32, #tpu.memory_space<vmem>> -> memref<1x80xi32, #tpu.memory_space<vmem>>
        %dma_wait3A_143 = tpu.memref_squeeze %dma_wait3A_142 : memref<1x80xi32, #tpu.memory_space<vmem>> -> memref<80xi32, #tpu.memory_space<vmem>>
        %dma_wait3A_144 = arith.constant 0 : i32
        %dma_wait3A_145 = arith.constant 0 : i32
        %dma_wait3A_146 = tpu.memref_slice %arg2[%dma_wait3A_144, %dma_wait3A_145] : memref<10000x128xf32, #tpu.memory_space<hbm>> -> memref<10000x128xf32, #tpu.memory_space<hbm>>
        tpu.wait_indirect_dma semaphore(%arg13 : memref<!tpu.dma_semaphore, #tpu.memory_space<semaphore_mem>>) src(%dma_wait3A_146 : memref<10000x128xf32, #tpu.memory_space<hbm>>) dst(%arg8 : memref<80x128xf32, #tpu.memory_space<vmem>>)
        %add3A_147 = arith.constant 4 : i32
        %add3A_148 = arith.addi %add3A_140, %add3A_147 : i32
        %sub3A = arith.constant 1 : i32
        %sub3A_149 = arith.subi %add3A_148, %sub3A : i32
        %lt3A = arith.constant 25 : i32
        %lt3A_150 = arith.cmpi slt, %sub3A_149, %lt3A : i32
        %convert_element_type3A = arith.extui %lt3A_150 : i1 to i32
        %cond3A = arith.constant 0 : i32
        %cond3A_151 = arith.cmpi ne, %convert_element_type3A, %cond3A : i32
        scf.if %cond3A_151 {
          %add3A_209 = arith.constant 4 : i32
          %add3A_210 = arith.addi %add3A_140, %add3A_209 : i32
          %sub3A_211 = arith.constant 1 : i32
          %sub3A_212 = arith.subi %add3A_210, %sub3A_211 : i32
          %dma_start3A_213 = arith.constant 0 : i32
          %dma_start3A_214 = tpu.memref_slice %arg6[%sub3A_212, %dma_start3A_213] : memref<25x80xi32, #tpu.memory_space<vmem>> -> memref<1x80xi32, #tpu.memory_space<vmem>>
          %dma_start3A_215 = tpu.memref_squeeze %dma_start3A_214 : memref<1x80xi32, #tpu.memory_space<vmem>> -> memref<80xi32, #tpu.memory_space<vmem>>
          %dma_start3A_216 = arith.constant 0 : i32
          %dma_start3A_217 = arith.constant 0 : i32
          %dma_start3A_218 = tpu.memref_slice %arg2[%dma_start3A_216, %dma_start3A_217] : memref<10000x128xf32, #tpu.memory_space<hbm>> -> memref<10000x128xf32, #tpu.memory_space<hbm>>
          tpu.enqueue_indirect_dma source(%dma_start3A_218 : memref<10000x128xf32, #tpu.memory_space<hbm>>) target(%arg11 : memref<80x128xf32, #tpu.memory_space<vmem>>) offsets(%dma_start3A_215 : memref<80xi32, #tpu.memory_space<vmem>>) semaphore(%arg13 : memref<!tpu.dma_semaphore, #tpu.memory_space<semaphore_mem>>)
        } else {
        }
        "tpu.region"() ({
          %run_scoped3A_209 = tpu.sem_alloc : memref<!tpu.dma_semaphore, #tpu.memory_space<semaphore_mem>>
          %dma_start3A_210 = arith.constant 0 : i32
          %dma_start3A_211 = tpu.memref_slice %arg7[%add3A_140, %dma_start3A_210] : memref<25x80xi32, #tpu.memory_space<vmem>> -> memref<1x80xi32, #tpu.memory_space<vmem>>
          %dma_start3A_212 = tpu.memref_squeeze %dma_start3A_211 : memref<1x80xi32, #tpu.memory_space<vmem>> -> memref<80xi32, #tpu.memory_space<vmem>>
          %dma_start3A_213 = arith.constant 0 : i32
          %dma_start3A_214 = arith.constant 0 : i32
          %dma_start3A_215 = tpu.memref_slice %arg12[%dma_start3A_213, %dma_start3A_214] : memref<10240x128xf32, #tpu.memory_space<vmem_shared>> -> memref<10240x128xf32, #tpu.memory_space<vmem_shared>>
          tpu.enqueue_indirect_dma source(%arg8 : memref<80x128xf32, #tpu.memory_space<vmem>>) target(%dma_start3A_215 : memref<10240x128xf32, #tpu.memory_space<vmem_shared>>) offsets(%dma_start3A_212 : memref<80xi32, #tpu.memory_space<vmem>>) semaphore(%run_scoped3A_209 : memref<!tpu.dma_semaphore, #tpu.memory_space<semaphore_mem>>) {add = true}
          %dma_wait3A_216 = arith.constant 0 : i32
          %dma_wait3A_217 = tpu.memref_slice %arg7[%add3A_140, %dma_wait3A_216] : memref<25x80xi32, #tpu.memory_space<vmem>> -> memref<1x80xi32, #tpu.memory_space<vmem>>
          %dma_wait3A_218 = tpu.memref_squeeze %dma_wait3A_217 : memref<1x80xi32, #tpu.memory_space<vmem>> -> memref<80xi32, #tpu.memory_space<vmem>>
          %dma_wait3A_219 = arith.constant 0 : i32
          %dma_wait3A_220 = arith.constant 0 : i32
          %dma_wait3A_221 = tpu.memref_slice %arg12[%dma_wait3A_219, %dma_wait3A_220] : memref<10240x128xf32, #tpu.memory_space<vmem_shared>> -> memref<10240x128xf32, #tpu.memory_space<vmem_shared>>
          tpu.wait_indirect_dma semaphore(%run_scoped3A_209 : memref<!tpu.dma_semaphore, #tpu.memory_space<semaphore_mem>>) src(%arg8 : memref<80x128xf32, #tpu.memory_space<vmem>>) dst(%dma_wait3A_221 : memref<10240x128xf32, #tpu.memory_space<vmem_shared>>)
          tpu.yield
        }) : () -> ()
        %mul3A_152 = arith.constant 4 : i32
        %mul3A_153 = arith.muli %mul3A_152, %scan3A_136 : i32
        %add3A_154 = arith.constant 1 : i32
        %add3A_155 = arith.addi %mul3A_153, %add3A_154 : i32
        %dma_wait3A_156 = arith.constant 0 : i32
        %dma_wait3A_157 = tpu.memref_slice %arg6[%add3A_155, %dma_wait3A_156] : memref<25x80xi32, #tpu.memory_space<vmem>> -> memref<1x80xi32, #tpu.memory_space<vmem>>
        %dma_wait3A_158 = tpu.memref_squeeze %dma_wait3A_157 : memref<1x80xi32, #tpu.memory_space<vmem>> -> memref<80xi32, #tpu.memory_space<vmem>>
        %dma_wait3A_159 = arith.constant 0 : i32
        %dma_wait3A_160 = arith.constant 0 : i32
        %dma_wait3A_161 = tpu.memref_slice %arg2[%dma_wait3A_159, %dma_wait3A_160] : memref<10000x128xf32, #tpu.memory_space<hbm>> -> memref<10000x128xf32, #tpu.memory_space<hbm>>
        tpu.wait_indirect_dma semaphore(%arg13 : memref<!tpu.dma_semaphore, #tpu.memory_space<semaphore_mem>>) src(%dma_wait3A_161 : memref<10000x128xf32, #tpu.memory_space<hbm>>) dst(%arg9 : memref<80x128xf32, #tpu.memory_space<vmem>>)
        %add3A_162 = arith.constant 4 : i32
        %add3A_163 = arith.addi %add3A_155, %add3A_162 : i32
        %sub3A_164 = arith.constant 1 : i32
        %sub3A_165 = arith.subi %add3A_163, %sub3A_164 : i32
        %lt3A_166 = arith.constant 25 : i32
        %lt3A_167 = arith.cmpi slt, %sub3A_165, %lt3A_166 : i32
        %convert_element_type3A_168 = arith.extui %lt3A_167 : i1 to i32
        %cond3A_169 = arith.constant 0 : i32
        %cond3A_170 = arith.cmpi ne, %convert_element_type3A_168, %cond3A_169 : i32
        scf.if %cond3A_170 {
          %add3A_209 = arith.constant 4 : i32
          %add3A_210 = arith.addi %add3A_155, %add3A_209 : i32
          %sub3A_211 = arith.constant 1 : i32
          %sub3A_212 = arith.subi %add3A_210, %sub3A_211 : i32
          %dma_start3A_213 = arith.constant 0 : i32
          %dma_start3A_214 = tpu.memref_slice %arg6[%sub3A_212, %dma_start3A_213] : memref<25x80xi32, #tpu.memory_space<vmem>> -> memref<1x80xi32, #tpu.memory_space<vmem>>
          %dma_start3A_215 = tpu.memref_squeeze %dma_start3A_214 : memref<1x80xi32, #tpu.memory_space<vmem>> -> memref<80xi32, #tpu.memory_space<vmem>>
          %dma_start3A_216 = arith.constant 0 : i32
          %dma_start3A_217 = arith.constant 0 : i32
          %dma_start3A_218 = tpu.memref_slice %arg2[%dma_start3A_216, %dma_start3A_217] : memref<10000x128xf32, #tpu.memory_space<hbm>> -> memref<10000x128xf32, #tpu.memory_space<hbm>>
          tpu.enqueue_indirect_dma source(%dma_start3A_218 : memref<10000x128xf32, #tpu.memory_space<hbm>>) target(%arg8 : memref<80x128xf32, #tpu.memory_space<vmem>>) offsets(%dma_start3A_215 : memref<80xi32, #tpu.memory_space<vmem>>) semaphore(%arg13 : memref<!tpu.dma_semaphore, #tpu.memory_space<semaphore_mem>>)
        } else {
        }
        "tpu.region"() ({
          %run_scoped3A_209 = tpu.sem_alloc : memref<!tpu.dma_semaphore, #tpu.memory_space<semaphore_mem>>
          %dma_start3A_210 = arith.constant 0 : i32
          %dma_start3A_211 = tpu.memref_slice %arg7[%add3A_155, %dma_start3A_210] : memref<25x80xi32, #tpu.memory_space<vmem>> -> memref<1x80xi32, #tpu.memory_space<vmem>>
          %dma_start3A_212 = tpu.memref_squeeze %dma_start3A_211 : memref<1x80xi32, #tpu.memory_space<vmem>> -> memref<80xi32, #tpu.memory_space<vmem>>
          %dma_start3A_213 = arith.constant 0 : i32
          %dma_start3A_214 = arith.constant 0 : i32
          %dma_start3A_215 = tpu.memref_slice %arg12[%dma_start3A_213, %dma_start3A_214] : memref<10240x128xf32, #tpu.memory_space<vmem_shared>> -> memref<10240x128xf32, #tpu.memory_space<vmem_shared>>
          tpu.enqueue_indirect_dma source(%arg9 : memref<80x128xf32, #tpu.memory_space<vmem>>) target(%dma_start3A_215 : memref<10240x128xf32, #tpu.memory_space<vmem_shared>>) offsets(%dma_start3A_212 : memref<80xi32, #tpu.memory_space<vmem>>) semaphore(%run_scoped3A_209 : memref<!tpu.dma_semaphore, #tpu.memory_space<semaphore_mem>>) {add = true}
          %dma_wait3A_216 = arith.constant 0 : i32
          %dma_wait3A_217 = tpu.memref_slice %arg7[%add3A_155, %dma_wait3A_216] : memref<25x80xi32, #tpu.memory_space<vmem>> -> memref<1x80xi32, #tpu.memory_space<vmem>>
          %dma_wait3A_218 = tpu.memref_squeeze %dma_wait3A_217 : memref<1x80xi32, #tpu.memory_space<vmem>> -> memref<80xi32, #tpu.memory_space<vmem>>
          %dma_wait3A_219 = arith.constant 0 : i32
          %dma_wait3A_220 = arith.constant 0 : i32
          %dma_wait3A_221 = tpu.memref_slice %arg12[%dma_wait3A_219, %dma_wait3A_220] : memref<10240x128xf32, #tpu.memory_space<vmem_shared>> -> memref<10240x128xf32, #tpu.memory_space<vmem_shared>>
          tpu.wait_indirect_dma semaphore(%run_scoped3A_209 : memref<!tpu.dma_semaphore, #tpu.memory_space<semaphore_mem>>) src(%arg9 : memref<80x128xf32, #tpu.memory_space<vmem>>) dst(%dma_wait3A_221 : memref<10240x128xf32, #tpu.memory_space<vmem_shared>>)
          tpu.yield
        }) : () -> ()
        %mul3A_171 = arith.constant 4 : i32
        %mul3A_172 = arith.muli %mul3A_171, %scan3A_136 : i32
        %add3A_173 = arith.constant 2 : i32
        %add3A_174 = arith.addi %mul3A_172, %add3A_173 : i32
        %dma_wait3A_175 = arith.constant 0 : i32
        %dma_wait3A_176 = tpu.memref_slice %arg6[%add3A_174, %dma_wait3A_175] : memref<25x80xi32, #tpu.memory_space<vmem>> -> memref<1x80xi32, #tpu.memory_space<vmem>>
        %dma_wait3A_177 = tpu.memref_squeeze %dma_wait3A_176 : memref<1x80xi32, #tpu.memory_space<vmem>> -> memref<80xi32, #tpu.memory_space<vmem>>
        %dma_wait3A_178 = arith.constant 0 : i32
        %dma_wait3A_179 = arith.constant 0 : i32
        %dma_wait3A_180 = tpu.memref_slice %arg2[%dma_wait3A_178, %dma_wait3A_179] : memref<10000x128xf32, #tpu.memory_space<hbm>> -> memref<10000x128xf32, #tpu.memory_space<hbm>>
        tpu.wait_indirect_dma semaphore(%arg13 : memref<!tpu.dma_semaphore, #tpu.memory_space<semaphore_mem>>) src(%dma_wait3A_180 : memref<10000x128xf32, #tpu.memory_space<hbm>>) dst(%arg10 : memref<80x128xf32, #tpu.memory_space<vmem>>)
        %add3A_181 = arith.constant 4 : i32
        %add3A_182 = arith.addi %add3A_174, %add3A_181 : i32
        %sub3A_183 = arith.constant 1 : i32
        %sub3A_184 = arith.subi %add3A_182, %sub3A_183 : i32
        %lt3A_185 = arith.constant 25 : i32
        %lt3A_186 = arith.cmpi slt, %sub3A_184, %lt3A_185 : i32
        %convert_element_type3A_187 = arith.extui %lt3A_186 : i1 to i32
        %cond3A_188 = arith.constant 0 : i32
        %cond3A_189 = arith.cmpi ne, %convert_element_type3A_187, %cond3A_188 : i32
        scf.if %cond3A_189 {
          %add3A_209 = arith.constant 4 : i32
          %add3A_210 = arith.addi %add3A_174, %add3A_209 : i32
          %sub3A_211 = arith.constant 1 : i32
          %sub3A_212 = arith.subi %add3A_210, %sub3A_211 : i32
          %dma_start3A_213 = arith.constant 0 : i32
          %dma_start3A_214 = tpu.memref_slice %arg6[%sub3A_212, %dma_start3A_213] : memref<25x80xi32, #tpu.memory_space<vmem>> -> memref<1x80xi32, #tpu.memory_space<vmem>>
          %dma_start3A_215 = tpu.memref_squeeze %dma_start3A_214 : memref<1x80xi32, #tpu.memory_space<vmem>> -> memref<80xi32, #tpu.memory_space<vmem>>
          %dma_start3A_216 = arith.constant 0 : i32
          %dma_start3A_217 = arith.constant 0 : i32
          %dma_start3A_218 = tpu.memref_slice %arg2[%dma_start3A_216, %dma_start3A_217] : memref<10000x128xf32, #tpu.memory_space<hbm>> -> memref<10000x128xf32, #tpu.memory_space<hbm>>
          tpu.enqueue_indirect_dma source(%dma_start3A_218 : memref<10000x128xf32, #tpu.memory_space<hbm>>) target(%arg9 : memref<80x128xf32, #tpu.memory_space<vmem>>) offsets(%dma_start3A_215 : memref<80xi32, #tpu.memory_space<vmem>>) semaphore(%arg13 : memref<!tpu.dma_semaphore, #tpu.memory_space<semaphore_mem>>)
        } else {
        }
        "tpu.region"() ({
          %run_scoped3A_209 = tpu.sem_alloc : memref<!tpu.dma_semaphore, #tpu.memory_space<semaphore_mem>>
          %dma_start3A_210 = arith.constant 0 : i32
          %dma_start3A_211 = tpu.memref_slice %arg7[%add3A_174, %dma_start3A_210] : memref<25x80xi32, #tpu.memory_space<vmem>> -> memref<1x80xi32, #tpu.memory_space<vmem>>
          %dma_start3A_212 = tpu.memref_squeeze %dma_start3A_211 : memref<1x80xi32, #tpu.memory_space<vmem>> -> memref<80xi32, #tpu.memory_space<vmem>>
          %dma_start3A_213 = arith.constant 0 : i32
          %dma_start3A_214 = arith.constant 0 : i32
          %dma_start3A_215 = tpu.memref_slice %arg12[%dma_start3A_213, %dma_start3A_214] : memref<10240x128xf32, #tpu.memory_space<vmem_shared>> -> memref<10240x128xf32, #tpu.memory_space<vmem_shared>>
          tpu.enqueue_indirect_dma source(%arg10 : memref<80x128xf32, #tpu.memory_space<vmem>>) target(%dma_start3A_215 : memref<10240x128xf32, #tpu.memory_space<vmem_shared>>) offsets(%dma_start3A_212 : memref<80xi32, #tpu.memory_space<vmem>>) semaphore(%run_scoped3A_209 : memref<!tpu.dma_semaphore, #tpu.memory_space<semaphore_mem>>) {add = true}
          %dma_wait3A_216 = arith.constant 0 : i32
          %dma_wait3A_217 = tpu.memref_slice %arg7[%add3A_174, %dma_wait3A_216] : memref<25x80xi32, #tpu.memory_space<vmem>> -> memref<1x80xi32, #tpu.memory_space<vmem>>
          %dma_wait3A_218 = tpu.memref_squeeze %dma_wait3A_217 : memref<1x80xi32, #tpu.memory_space<vmem>> -> memref<80xi32, #tpu.memory_space<vmem>>
          %dma_wait3A_219 = arith.constant 0 : i32
          %dma_wait3A_220 = arith.constant 0 : i32
          %dma_wait3A_221 = tpu.memref_slice %arg12[%dma_wait3A_219, %dma_wait3A_220] : memref<10240x128xf32, #tpu.memory_space<vmem_shared>> -> memref<10240x128xf32, #tpu.memory_space<vmem_shared>>
          tpu.wait_indirect_dma semaphore(%run_scoped3A_209 : memref<!tpu.dma_semaphore, #tpu.memory_space<semaphore_mem>>) src(%arg10 : memref<80x128xf32, #tpu.memory_space<vmem>>) dst(%dma_wait3A_221 : memref<10240x128xf32, #tpu.memory_space<vmem_shared>>)
          tpu.yield
        }) : () -> ()
        %mul3A_190 = arith.constant 4 : i32
        %mul3A_191 = arith.muli %mul3A_190, %scan3A_136 : i32
        %add3A_192 = arith.constant 3 : i32
        %add3A_193 = arith.addi %mul3A_191, %add3A_192 : i32
        %dma_wait3A_194 = arith.constant 0 : i32
        %dma_wait3A_195 = tpu.memref_slice %arg6[%add3A_193, %dma_wait3A_194] : memref<25x80xi32, #tpu.memory_space<vmem>> -> memref<1x80xi32, #tpu.memory_space<vmem>>
        %dma_wait3A_196 = tpu.memref_squeeze %dma_wait3A_195 : memref<1x80xi32, #tpu.memory_space<vmem>> -> memref<80xi32, #tpu.memory_space<vmem>>
        %dma_wait3A_197 = arith.constant 0 : i32
        %dma_wait3A_198 = arith.constant 0 : i32
        %dma_wait3A_199 = tpu.memref_slice %arg2[%dma_wait3A_197, %dma_wait3A_198] : memref<10000x128xf32, #tpu.memory_space<hbm>> -> memref<10000x128xf32, #tpu.memory_space<hbm>>
        tpu.wait_indirect_dma semaphore(%arg13 : memref<!tpu.dma_semaphore, #tpu.memory_space<semaphore_mem>>) src(%dma_wait3A_199 : memref<10000x128xf32, #tpu.memory_space<hbm>>) dst(%arg11 : memref<80x128xf32, #tpu.memory_space<vmem>>)
        %add3A_200 = arith.constant 4 : i32
        %add3A_201 = arith.addi %add3A_193, %add3A_200 : i32
        %sub3A_202 = arith.constant 1 : i32
        %sub3A_203 = arith.subi %add3A_201, %sub3A_202 : i32
        %lt3A_204 = arith.constant 25 : i32
        %lt3A_205 = arith.cmpi slt, %sub3A_203, %lt3A_204 : i32
        %convert_element_type3A_206 = arith.extui %lt3A_205 : i1 to i32
        %cond3A_207 = arith.constant 0 : i32
        %cond3A_208 = arith.cmpi ne, %convert_element_type3A_206, %cond3A_207 : i32
        scf.if %cond3A_208 {
          %add3A_209 = arith.constant 4 : i32
          %add3A_210 = arith.addi %add3A_193, %add3A_209 : i32
          %sub3A_211 = arith.constant 1 : i32
          %sub3A_212 = arith.subi %add3A_210, %sub3A_211 : i32
          %dma_start3A_213 = arith.constant 0 : i32
          %dma_start3A_214 = tpu.memref_slice %arg6[%sub3A_212, %dma_start3A_213] : memref<25x80xi32, #tpu.memory_space<vmem>> -> memref<1x80xi32, #tpu.memory_space<vmem>>
          %dma_start3A_215 = tpu.memref_squeeze %dma_start3A_214 : memref<1x80xi32, #tpu.memory_space<vmem>> -> memref<80xi32, #tpu.memory_space<vmem>>
          %dma_start3A_216 = arith.constant 0 : i32
          %dma_start3A_217 = arith.constant 0 : i32
          %dma_start3A_218 = tpu.memref_slice %arg2[%dma_start3A_216, %dma_start3A_217] : memref<10000x128xf32, #tpu.memory_space<hbm>> -> memref<10000x128xf32, #tpu.memory_space<hbm>>
          tpu.enqueue_indirect_dma source(%dma_start3A_218 : memref<10000x128xf32, #tpu.memory_space<hbm>>) target(%arg10 : memref<80x128xf32, #tpu.memory_space<vmem>>) offsets(%dma_start3A_215 : memref<80xi32, #tpu.memory_space<vmem>>) semaphore(%arg13 : memref<!tpu.dma_semaphore, #tpu.memory_space<semaphore_mem>>)
        } else {
        }
        "tpu.region"() ({
          %run_scoped3A_209 = tpu.sem_alloc : memref<!tpu.dma_semaphore, #tpu.memory_space<semaphore_mem>>
          %dma_start3A_210 = arith.constant 0 : i32
          %dma_start3A_211 = tpu.memref_slice %arg7[%add3A_193, %dma_start3A_210] : memref<25x80xi32, #tpu.memory_space<vmem>> -> memref<1x80xi32, #tpu.memory_space<vmem>>
          %dma_start3A_212 = tpu.memref_squeeze %dma_start3A_211 : memref<1x80xi32, #tpu.memory_space<vmem>> -> memref<80xi32, #tpu.memory_space<vmem>>
          %dma_start3A_213 = arith.constant 0 : i32
          %dma_start3A_214 = arith.constant 0 : i32
          %dma_start3A_215 = tpu.memref_slice %arg12[%dma_start3A_213, %dma_start3A_214] : memref<10240x128xf32, #tpu.memory_space<vmem_shared>> -> memref<10240x128xf32, #tpu.memory_space<vmem_shared>>
          tpu.enqueue_indirect_dma source(%arg11 : memref<80x128xf32, #tpu.memory_space<vmem>>) target(%dma_start3A_215 : memref<10240x128xf32, #tpu.memory_space<vmem_shared>>) offsets(%dma_start3A_212 : memref<80xi32, #tpu.memory_space<vmem>>) semaphore(%run_scoped3A_209 : memref<!tpu.dma_semaphore, #tpu.memory_space<semaphore_mem>>) {add = true}
          %dma_wait3A_216 = arith.constant 0 : i32
          %dma_wait3A_217 = tpu.memref_slice %arg7[%add3A_193, %dma_wait3A_216] : memref<25x80xi32, #tpu.memory_space<vmem>> -> memref<1x80xi32, #tpu.memory_space<vmem>>
          %dma_wait3A_218 = tpu.memref_squeeze %dma_wait3A_217 : memref<1x80xi32, #tpu.memory_space<vmem>> -> memref<80xi32, #tpu.memory_space<vmem>>
          %dma_wait3A_219 = arith.constant 0 : i32
          %dma_wait3A_220 = arith.constant 0 : i32
          %dma_wait3A_221 = tpu.memref_slice %arg12[%dma_wait3A_219, %dma_wait3A_220] : memref<10240x128xf32, #tpu.memory_space<vmem_shared>> -> memref<10240x128xf32, #tpu.memory_space<vmem_shared>>
          tpu.wait_indirect_dma semaphore(%run_scoped3A_209 : memref<!tpu.dma_semaphore, #tpu.memory_space<semaphore_mem>>) src(%arg11 : memref<80x128xf32, #tpu.memory_space<vmem>>) dst(%dma_wait3A_221 : memref<10240x128xf32, #tpu.memory_space<vmem_shared>>)
          tpu.yield
        }) : () -> ()
      }
      %scan3A_128 = arith.constant 6 : i32
      %dma_wait3A_129 = arith.constant 24 : i32
      %dma_wait3A_130 = arith.constant 0 : i32
      %dma_wait3A_131 = tpu.memref_slice %arg6[%dma_wait3A_129, %dma_wait3A_130] : memref<25x80xi32, #tpu.memory_space<vmem>> -> memref<1x80xi32, #tpu.memory_space<vmem>>
      %dma_wait3A_132 = tpu.memref_squeeze %dma_wait3A_131 : memref<1x80xi32, #tpu.memory_space<vmem>> -> memref<80xi32, #tpu.memory_space<vmem>>
      %dma_wait3A_133 = arith.constant 0 : i32
      %dma_wait3A_134 = arith.constant 0 : i32
      %dma_wait3A_135 = tpu.memref_slice %arg2[%dma_wait3A_133, %dma_wait3A_134] : memref<10000x128xf32, #tpu.memory_space<hbm>> -> memref<10000x128xf32, #tpu.memory_space<hbm>>
      tpu.wait_indirect_dma semaphore(%arg13 : memref<!tpu.dma_semaphore, #tpu.memory_space<semaphore_mem>>) src(%dma_wait3A_135 : memref<10000x128xf32, #tpu.memory_space<hbm>>) dst(%arg8 : memref<80x128xf32, #tpu.memory_space<vmem>>)
      %run_scoped3A = arith.constant 24 : i32
      "tpu.region"() ({
        %run_scoped3A_136 = tpu.sem_alloc : memref<!tpu.dma_semaphore, #tpu.memory_space<semaphore_mem>>
        %dma_start3A_137 = arith.constant 0 : i32
        %dma_start3A_138 = tpu.memref_slice %arg7[%run_scoped3A, %dma_start3A_137] : memref<25x80xi32, #tpu.memory_space<vmem>> -> memref<1x80xi32, #tpu.memory_space<vmem>>
        %dma_start3A_139 = tpu.memref_squeeze %dma_start3A_138 : memref<1x80xi32, #tpu.memory_space<vmem>> -> memref<80xi32, #tpu.memory_space<vmem>>
        %dma_start3A_140 = arith.constant 0 : i32
        %dma_start3A_141 = arith.constant 0 : i32
        %dma_start3A_142 = tpu.memref_slice %arg12[%dma_start3A_140, %dma_start3A_141] : memref<10240x128xf32, #tpu.memory_space<vmem_shared>> -> memref<10240x128xf32, #tpu.memory_space<vmem_shared>>
        tpu.enqueue_indirect_dma source(%arg8 : memref<80x128xf32, #tpu.memory_space<vmem>>) target(%dma_start3A_142 : memref<10240x128xf32, #tpu.memory_space<vmem_shared>>) offsets(%dma_start3A_139 : memref<80xi32, #tpu.memory_space<vmem>>) semaphore(%run_scoped3A_136 : memref<!tpu.dma_semaphore, #tpu.memory_space<semaphore_mem>>) {add = true}
        %dma_wait3A_143 = arith.constant 0 : i32
        %dma_wait3A_144 = tpu.memref_slice %arg7[%run_scoped3A, %dma_wait3A_143] : memref<25x80xi32, #tpu.memory_space<vmem>> -> memref<1x80xi32, #tpu.memory_space<vmem>>
        %dma_wait3A_145 = tpu.memref_squeeze %dma_wait3A_144 : memref<1x80xi32, #tpu.memory_space<vmem>> -> memref<80xi32, #tpu.memory_space<vmem>>
        %dma_wait3A_146 = arith.constant 0 : i32
        %dma_wait3A_147 = arith.constant 0 : i32
        %dma_wait3A_148 = tpu.memref_slice %arg12[%dma_wait3A_146, %dma_wait3A_147] : memref<10240x128xf32, #tpu.memory_space<vmem_shared>> -> memref<10240x128xf32, #tpu.memory_space<vmem_shared>>
        tpu.wait_indirect_dma semaphore(%run_scoped3A_136 : memref<!tpu.dma_semaphore, #tpu.memory_space<semaphore_mem>>) src(%arg8 : memref<80x128xf32, #tpu.memory_space<vmem>>) dst(%dma_wait3A_148 : memref<10240x128xf32, #tpu.memory_space<vmem_shared>>)
        tpu.yield
      }) : () -> ()
    }
    %scan3A_29 = arith.constant 5 : i32
    %barrier3A_30 = arith.constant 0 : index
    tpu.barrier barrier_id(%barrier3A_30)
    "tpu.region"() ({
      %run_scoped3A = tpu.sem_alloc : memref<!tpu.dma_semaphore, #tpu.memory_space<semaphore_mem>>
      %dma_start3A = arith.constant 0 : i32
      %dma_start3A_31 = arith.constant 0 : i32
      %dma_start3A_32 = tpu.memref_slice %arg5[%arg0, %dma_start3A, %dma_start3A_31] : memref<2x10240x128xf32, #tpu.memory_space<hbm>> -> memref<1x10240x128xf32, #tpu.memory_space<hbm>>
      %dma_start3A_33 = tpu.memref_squeeze %dma_start3A_32 : memref<1x10240x128xf32, #tpu.memory_space<hbm>> -> memref<10240x128xf32, #tpu.memory_space<hbm>>
      %dma_start3A_34 = arith.constant 0 : i32
      %dma_start3A_35 = tpu.memref_slice %dma_start3A_33[%mul3A_2, %dma_start3A_34] : memref<10240x128xf32, #tpu.memory_space<hbm>> -> memref<640x128xf32, #tpu.memory_space<hbm>>
      %dma_start3A_36 = arith.constant 0 : i32
      %dma_start3A_37 = tpu.memref_slice %arg12[%mul3A_2, %dma_start3A_36] : memref<10240x128xf32, #tpu.memory_space<vmem_shared>> -> memref<640x128xf32, #tpu.memory_space<vmem_shared>>
      tpu.enqueue_dma source(%dma_start3A_37 : memref<640x128xf32, #tpu.memory_space<vmem_shared>>) target(%dma_start3A_35 : memref<640x128xf32, #tpu.memory_space<hbm>>) target_semaphore(%run_scoped3A : memref<!tpu.dma_semaphore, #tpu.memory_space<semaphore_mem>>)
      %dma_wait3A = arith.constant 0 : i32
      %dma_wait3A_38 = arith.constant 0 : i32
      %dma_wait3A_39 = tpu.memref_slice %arg5[%arg0, %dma_wait3A, %dma_wait3A_38] : memref<2x10240x128xf32, #tpu.memory_space<hbm>> -> memref<1x10240x128xf32, #tpu.memory_space<hbm>>
      %dma_wait3A_40 = tpu.memref_squeeze %dma_wait3A_39 : memref<1x10240x128xf32, #tpu.memory_space<hbm>> -> memref<10240x128xf32, #tpu.memory_space<hbm>>
      %dma_wait3A_41 = arith.constant 0 : i32
      %dma_wait3A_42 = tpu.memref_slice %dma_wait3A_40[%mul3A_2, %dma_wait3A_41] : memref<10240x128xf32, #tpu.memory_space<hbm>> -> memref<640x128xf32, #tpu.memory_space<hbm>>
      %dma_wait3A_43 = arith.constant 0 : i32
      %dma_wait3A_44 = tpu.memref_slice %arg12[%mul3A_2, %dma_wait3A_43] : memref<10240x128xf32, #tpu.memory_space<vmem_shared>> -> memref<640x128xf32, #tpu.memory_space<vmem_shared>>
      tpu.wait_dma2 semaphore(%run_scoped3A : memref<!tpu.dma_semaphore, #tpu.memory_space<semaphore_mem>>) src(%dma_wait3A_44 : memref<640x128xf32, #tpu.memory_space<vmem_shared>>) dst(%dma_wait3A_42 : memref<640x128xf32, #tpu.memory_space<hbm>>)
      tpu.yield
    }) : () -> ()
    return
  }
}

#map = affine_map<(d0, d1) -> (0, 0)>
#map1 = affine_map<(d0, d1) -> (0, 0, 0, 0)>
#map2 = affine_map<(d0, d1) -> (0, 0, 0)>
module attributes {stable_mosaic.version = 14 : i64} {
  func.func @_sc_segment_sum(%arg0: i32, %arg1: i32, %arg2: memref<10000x128xf32, #tpu.memory_space<hbm>>, %arg3: memref<32x5x25x80xi32, #tpu.memory_space<hbm>>, %arg4: memref<32x5x25x80xi32, #tpu.memory_space<hbm>>, %arg5: memref<2x10240x128xf32, #tpu.memory_space<hbm>>, %arg6: memref<25x80xi32, #tpu.memory_space<vmem>>, %arg7: memref<25x80xi32, #tpu.memory_space<vmem>>, %arg8: memref<80x128xf32, #tpu.memory_space<vmem>>, %arg9: memref<80x128xf32, #tpu.memory_space<vmem>>, %arg10: memref<80x128xf32, #tpu.memory_space<vmem>>, %arg11: memref<80x128xf32, #tpu.memory_space<vmem>>, %arg12: memref<10240x128xf32, #tpu.memory_space<vmem_shared>>, %arg13: memref<!tpu.dma_semaphore, #tpu.memory_space<semaphore_mem>>, %arg14: memref<!tpu.dma_semaphore, #tpu.memory_space<semaphore_mem>>) attributes {dimension_semantics = [#tpu.dimension_semantics<core_parallel>, #tpu.dimension_semantics<subcore_parallel>], iteration_bounds = array<i64: 2, 16>, scalar_prefetch = 0 : i64, scratch_operands = 9 : i64, tpu.core_type = #tpu.core_type<sc_vector_subcore>, window_params = [{transform_indices = #map}, {transform_indices = #map1}, {transform_indices = #map1}, {transform_indices = #map2}]} {
    %mul3A = arith.constant 2 : i32
    %mul3A_0 = arith.muli %arg1, %mul3A : i32
    %add3A = arith.addi %mul3A_0, %arg0 : i32
    %mul3A_1 = arith.constant 640 : i32
    %mul3A_2 = arith.muli %arg1, %mul3A_1 : i32
    %scan3A = arith.constant 0 : i32
    %scan3A_3 = arith.constant 0 : i32
    %scan3A_4 = arith.constant 640 : i32
    %scan3A_5 = arith.addi %scan3A_3, %scan3A_4 : i32
    %scan3A_6 = arith.constant 1 : i32
    scf.for %scan3A_31 = %scan3A_3 to %scan3A_5 step %scan3A_6  : i32 {
      %broadcast_in_dim3A = arith.constant 0.000000e+00 : f32
      %broadcast_in_dim3A_32 = vector.broadcast %broadcast_in_dim3A : f32 to vector<16xf32>
      %jit3A = arith.constant 8 : i32
      %div3A = arith.divsi %scan3A_31, %jit3A : i32
      %sign3A = arith.constant 0 : i32
      %sign3A_33 = arith.cmpi sgt, %scan3A_31, %sign3A : i32
      %sign3A_34 = arith.extui %sign3A_33 : i1 to i32
      %sign3A_35 = arith.constant 0 : i32
      %sign3A_36 = arith.cmpi slt, %scan3A_31, %sign3A_35 : i32
      %sign3A_37 = arith.extui %sign3A_36 : i1 to i32
      %sign3A_38 = arith.subi %sign3A_34, %sign3A_37 : i32
      %sign3A_39 = arith.constant 0 : i32
      %sign3A_40 = arith.cmpi sgt, %jit3A, %sign3A_39 : i32
      %sign3A_41 = arith.extui %sign3A_40 : i1 to i32
      %sign3A_42 = arith.constant 0 : i32
      %sign3A_43 = arith.cmpi slt, %jit3A, %sign3A_42 : i32
      %sign3A_44 = arith.extui %sign3A_43 : i1 to i32
      %sign3A_45 = arith.subi %sign3A_41, %sign3A_44 : i32
      %ne3A = arith.cmpi ne, %sign3A_38, %sign3A_45 : i32
      %rem3A = arith.remsi %scan3A_31, %jit3A : i32
      %ne3A_46 = arith.constant 0 : i32
      %ne3A_47 = arith.cmpi ne, %rem3A, %ne3A_46 : i32
      %and3A = arith.andi %ne3A, %ne3A_47 : i1
      %sub3A = arith.constant 1 : i32
      %sub3A_48 = arith.subi %div3A, %sub3A : i32
      %select_n3A = arith.select %and3A, %sub3A_48, %div3A : i32
      %jit3A_49 = arith.constant 8 : i32
      %eq3A = arith.constant 0 : i32
      %eq3A_50 = arith.cmpi eq, %jit3A_49, %eq3A : i32
      %jit3A_51 = arith.constant 1 : i32
      %select_n3A_52 = arith.select %eq3A_50, %jit3A_51, %jit3A_49 : i32
      %rem3A_53 = arith.remsi %scan3A_31, %select_n3A_52 : i32
      %ne3A_54 = arith.constant 0 : i32
      %ne3A_55 = arith.cmpi ne, %rem3A_53, %ne3A_54 : i32
      %lt3A = arith.constant 0 : i32
      %lt3A_56 = arith.cmpi slt, %rem3A_53, %lt3A : i32
      %lt3A_57 = arith.constant 0 : i32
      %lt3A_58 = arith.cmpi slt, %select_n3A_52, %lt3A_57 : i32
      %ne3A_59 = arith.xori %lt3A_56, %lt3A_58 : i1
      %and3A_60 = arith.andi %ne3A_59, %ne3A_55 : i1
      %add3A_61 = arith.addi %rem3A_53, %select_n3A_52 : i32
      %select_n3A_62 = arith.select %and3A_60, %add3A_61, %rem3A_53 : i32
      %mul3A_63 = arith.constant 16 : i32
      %mul3A_64 = arith.muli %select_n3A_62, %mul3A_63 : i32
      %swap3A = arith.index_cast %select_n3A : i32 to index
      %swap3A_65 = arith.index_cast %mul3A_64 : i32 to index
      %swap3A_66 = tpu.vector_load %arg8[%swap3A, %swap3A_65] {strides = array<i32>} : memref<80x128xf32, #tpu.memory_space<vmem>>, vector<1x16xf32>,
      %swap3A_67 = vector.shape_cast %swap3A_66 : vector<1x16xf32> to vector<16xf32>
      %swap3A_68 = vector.shape_cast %broadcast_in_dim3A_32 : vector<16xf32> to vector<1x16xf32>
      tpu.vector_store %arg8[%swap3A, %swap3A_65], %swap3A_68 {strides = array<i32>} : memref<80x128xf32, #tpu.memory_space<vmem>>, vector<1x16xf32>,
    }
    %scan3A_7 = arith.constant 640 : i32
    %add3A_8 = arith.constant 0 : i32
    %add3A_9 = arith.addi %mul3A_2, %add3A_8 : i32
    "tpu.region"() ({
      %run_scoped3A = tpu.sem_alloc : memref<!tpu.dma_semaphore, #tpu.memory_space<semaphore_mem>>
      %dma_start3A = arith.constant 0 : i32
      %dma_start3A_31 = tpu.memref_slice %arg12[%add3A_9, %dma_start3A] : memref<10240x128xf32, #tpu.memory_space<vmem_shared>> -> memref<80x128xf32, #tpu.memory_space<vmem_shared>>
      %dma_start3A_32 = arith.constant 0 : i32
      %dma_start3A_33 = tpu.memref_slice %arg12[%add3A_9, %dma_start3A_32] : memref<10240x128xf32, #tpu.memory_space<vmem_shared>> -> memref<80x128xf32, #tpu.memory_space<vmem_shared>>
      tpu.enqueue_dma source(%arg8 : memref<80x128xf32, #tpu.memory_space<vmem>>) target(%dma_start3A_33 : memref<80x128xf32, #tpu.memory_space<vmem_shared>>) target_semaphore(%run_scoped3A : memref<!tpu.dma_semaphore, #tpu.memory_space<semaphore_mem>>)
      %dma_wait3A = arith.constant 0 : i32
      %dma_wait3A_34 = tpu.memref_slice %arg12[%add3A_9, %dma_wait3A] : memref<10240x128xf32, #tpu.memory_space<vmem_shared>> -> memref<80x128xf32, #tpu.memory_space<vmem_shared>>
      %dma_wait3A_35 = arith.constant 0 : i32
      %dma_wait3A_36 = tpu.memref_slice %arg12[%add3A_9, %dma_wait3A_35] : memref<10240x128xf32, #tpu.memory_space<vmem_shared>> -> memref<80x128xf32, #tpu.memory_space<vmem_shared>>
      tpu.wait_dma2 semaphore(%run_scoped3A : memref<!tpu.dma_semaphore, #tpu.memory_space<semaphore_mem>>) src(%arg8 : memref<80x128xf32, #tpu.memory_space<vmem>>) dst(%dma_wait3A_36 : memref<80x128xf32, #tpu.memory_space<vmem_shared>>)
      tpu.yield
    }) : () -> ()
    %add3A_10 = arith.constant 80 : i32
    %add3A_11 = arith.addi %mul3A_2, %add3A_10 : i32
    "tpu.region"() ({
      %run_scoped3A = tpu.sem_alloc : memref<!tpu.dma_semaphore, #tpu.memory_space<semaphore_mem>>
      %dma_start3A = arith.constant 0 : i32
      %dma_start3A_31 = tpu.memref_slice %arg12[%add3A_11, %dma_start3A] : memref<10240x128xf32, #tpu.memory_space<vmem_shared>> -> memref<80x128xf32, #tpu.memory_space<vmem_shared>>
      %dma_start3A_32 = arith.constant 0 : i32
      %dma_start3A_33 = tpu.memref_slice %arg12[%add3A_11, %dma_start3A_32] : memref<10240x128xf32, #tpu.memory_space<vmem_shared>> -> memref<80x128xf32, #tpu.memory_space<vmem_shared>>
      tpu.enqueue_dma source(%arg8 : memref<80x128xf32, #tpu.memory_space<vmem>>) target(%dma_start3A_33 : memref<80x128xf32, #tpu.memory_space<vmem_shared>>) target_semaphore(%run_scoped3A : memref<!tpu.dma_semaphore, #tpu.memory_space<semaphore_mem>>)
      %dma_wait3A = arith.constant 0 : i32
      %dma_wait3A_34 = tpu.memref_slice %arg12[%add3A_11, %dma_wait3A] : memref<10240x128xf32, #tpu.memory_space<vmem_shared>> -> memref<80x128xf32, #tpu.memory_space<vmem_shared>>
      %dma_wait3A_35 = arith.constant 0 : i32
      %dma_wait3A_36 = tpu.memref_slice %arg12[%add3A_11, %dma_wait3A_35] : memref<10240x128xf32, #tpu.memory_space<vmem_shared>> -> memref<80x128xf32, #tpu.memory_space<vmem_shared>>
      tpu.wait_dma2 semaphore(%run_scoped3A : memref<!tpu.dma_semaphore, #tpu.memory_space<semaphore_mem>>) src(%arg8 : memref<80x128xf32, #tpu.memory_space<vmem>>) dst(%dma_wait3A_36 : memref<80x128xf32, #tpu.memory_space<vmem_shared>>)
      tpu.yield
    }) : () -> ()
    %add3A_12 = arith.constant 160 : i32
    %add3A_13 = arith.addi %mul3A_2, %add3A_12 : i32
    "tpu.region"() ({
      %run_scoped3A = tpu.sem_alloc : memref<!tpu.dma_semaphore, #tpu.memory_space<semaphore_mem>>
      %dma_start3A = arith.constant 0 : i32
      %dma_start3A_31 = tpu.memref_slice %arg12[%add3A_13, %dma_start3A] : memref<10240x128xf32, #tpu.memory_space<vmem_shared>> -> memref<80x128xf32, #tpu.memory_space<vmem_shared>>
      %dma_start3A_32 = arith.constant 0 : i32
      %dma_start3A_33 = tpu.memref_slice %arg12[%add3A_13, %dma_start3A_32] : memref<10240x128xf32, #tpu.memory_space<vmem_shared>> -> memref<80x128xf32, #tpu.memory_space<vmem_shared>>
      tpu.enqueue_dma source(%arg8 : memref<80x128xf32, #tpu.memory_space<vmem>>) target(%dma_start3A_33 : memref<80x128xf32, #tpu.memory_space<vmem_shared>>) target_semaphore(%run_scoped3A : memref<!tpu.dma_semaphore, #tpu.memory_space<semaphore_mem>>)
      %dma_wait3A = arith.constant 0 : i32
      %dma_wait3A_34 = tpu.memref_slice %arg12[%add3A_13, %dma_wait3A] : memref<10240x128xf32, #tpu.memory_space<vmem_shared>> -> memref<80x128xf32, #tpu.memory_space<vmem_shared>>
      %dma_wait3A_35 = arith.constant 0 : i32
      %dma_wait3A_36 = tpu.memref_slice %arg12[%add3A_13, %dma_wait3A_35] : memref<10240x128xf32, #tpu.memory_space<vmem_shared>> -> memref<80x128xf32, #tpu.memory_space<vmem_shared>>
      tpu.wait_dma2 semaphore(%run_scoped3A : memref<!tpu.dma_semaphore, #tpu.memory_space<semaphore_mem>>) src(%arg8 : memref<80x128xf32, #tpu.memory_space<vmem>>) dst(%dma_wait3A_36 : memref<80x128xf32, #tpu.memory_space<vmem_shared>>)
      tpu.yield
    }) : () -> ()
    %add3A_14 = arith.constant 240 : i32
    %add3A_15 = arith.addi %mul3A_2, %add3A_14 : i32
    "tpu.region"() ({
      %run_scoped3A = tpu.sem_alloc : memref<!tpu.dma_semaphore, #tpu.memory_space<semaphore_mem>>
      %dma_start3A = arith.constant 0 : i32
      %dma_start3A_31 = tpu.memref_slice %arg12[%add3A_15, %dma_start3A] : memref<10240x128xf32, #tpu.memory_space<vmem_shared>> -> memref<80x128xf32, #tpu.memory_space<vmem_shared>>
      %dma_start3A_32 = arith.constant 0 : i32
      %dma_start3A_33 = tpu.memref_slice %arg12[%add3A_15, %dma_start3A_32] : memref<10240x128xf32, #tpu.memory_space<vmem_shared>> -> memref<80x128xf32, #tpu.memory_space<vmem_shared>>
      tpu.enqueue_dma source(%arg8 : memref<80x128xf32, #tpu.memory_space<vmem>>) target(%dma_start3A_33 : memref<80x128xf32, #tpu.memory_space<vmem_shared>>) target_semaphore(%run_scoped3A : memref<!tpu.dma_semaphore, #tpu.memory_space<semaphore_mem>>)
      %dma_wait3A = arith.constant 0 : i32
      %dma_wait3A_34 = tpu.memref_slice %arg12[%add3A_15, %dma_wait3A] : memref<10240x128xf32, #tpu.memory_space<vmem_shared>> -> memref<80x128xf32, #tpu.memory_space<vmem_shared>>
      %dma_wait3A_35 = arith.constant 0 : i32
      %dma_wait3A_36 = tpu.memref_slice %arg12[%add3A_15, %dma_wait3A_35] : memref<10240x128xf32, #tpu.memory_space<vmem_shared>> -> memref<80x128xf32, #tpu.memory_space<vmem_shared>>
      tpu.wait_dma2 semaphore(%run_scoped3A : memref<!tpu.dma_semaphore, #tpu.memory_space<semaphore_mem>>) src(%arg8 : memref<80x128xf32, #tpu.memory_space<vmem>>) dst(%dma_wait3A_36 : memref<80x128xf32, #tpu.memory_space<vmem_shared>>)
      tpu.yield
    }) : () -> ()
    %add3A_16 = arith.constant 320 : i32
    %add3A_17 = arith.addi %mul3A_2, %add3A_16 : i32
    "tpu.region"() ({
      %run_scoped3A = tpu.sem_alloc : memref<!tpu.dma_semaphore, #tpu.memory_space<semaphore_mem>>
      %dma_start3A = arith.constant 0 : i32
      %dma_start3A_31 = tpu.memref_slice %arg12[%add3A_17, %dma_start3A] : memref<10240x128xf32, #tpu.memory_space<vmem_shared>> -> memref<80x128xf32, #tpu.memory_space<vmem_shared>>
      %dma_start3A_32 = arith.constant 0 : i32
      %dma_start3A_33 = tpu.memref_slice %arg12[%add3A_17, %dma_start3A_32] : memref<10240x128xf32, #tpu.memory_space<vmem_shared>> -> memref<80x128xf32, #tpu.memory_space<vmem_shared>>
      tpu.enqueue_dma source(%arg8 : memref<80x128xf32, #tpu.memory_space<vmem>>) target(%dma_start3A_33 : memref<80x128xf32, #tpu.memory_space<vmem_shared>>) target_semaphore(%run_scoped3A : memref<!tpu.dma_semaphore, #tpu.memory_space<semaphore_mem>>)
      %dma_wait3A = arith.constant 0 : i32
      %dma_wait3A_34 = tpu.memref_slice %arg12[%add3A_17, %dma_wait3A] : memref<10240x128xf32, #tpu.memory_space<vmem_shared>> -> memref<80x128xf32, #tpu.memory_space<vmem_shared>>
      %dma_wait3A_35 = arith.constant 0 : i32
      %dma_wait3A_36 = tpu.memref_slice %arg12[%add3A_17, %dma_wait3A_35] : memref<10240x128xf32, #tpu.memory_space<vmem_shared>> -> memref<80x128xf32, #tpu.memory_space<vmem_shared>>
      tpu.wait_dma2 semaphore(%run_scoped3A : memref<!tpu.dma_semaphore, #tpu.memory_space<semaphore_mem>>) src(%arg8 : memref<80x128xf32, #tpu.memory_space<vmem>>) dst(%dma_wait3A_36 : memref<80x128xf32, #tpu.memory_space<vmem_shared>>)
      tpu.yield
    }) : () -> ()
    %add3A_18 = arith.constant 400 : i32
    %add3A_19 = arith.addi %mul3A_2, %add3A_18 : i32
    "tpu.region"() ({
      %run_scoped3A = tpu.sem_alloc : memref<!tpu.dma_semaphore, #tpu.memory_space<semaphore_mem>>
      %dma_start3A = arith.constant 0 : i32
      %dma_start3A_31 = tpu.memref_slice %arg12[%add3A_19, %dma_start3A] : memref<10240x128xf32, #tpu.memory_space<vmem_shared>> -> memref<80x128xf32, #tpu.memory_space<vmem_shared>>
      %dma_start3A_32 = arith.constant 0 : i32
      %dma_start3A_33 = tpu.memref_slice %arg12[%add3A_19, %dma_start3A_32] : memref<10240x128xf32, #tpu.memory_space<vmem_shared>> -> memref<80x128xf32, #tpu.memory_space<vmem_shared>>
      tpu.enqueue_dma source(%arg8 : memref<80x128xf32, #tpu.memory_space<vmem>>) target(%dma_start3A_33 : memref<80x128xf32, #tpu.memory_space<vmem_shared>>) target_semaphore(%run_scoped3A : memref<!tpu.dma_semaphore, #tpu.memory_space<semaphore_mem>>)
      %dma_wait3A = arith.constant 0 : i32
      %dma_wait3A_34 = tpu.memref_slice %arg12[%add3A_19, %dma_wait3A] : memref<10240x128xf32, #tpu.memory_space<vmem_shared>> -> memref<80x128xf32, #tpu.memory_space<vmem_shared>>
      %dma_wait3A_35 = arith.constant 0 : i32
      %dma_wait3A_36 = tpu.memref_slice %arg12[%add3A_19, %dma_wait3A_35] : memref<10240x128xf32, #tpu.memory_space<vmem_shared>> -> memref<80x128xf32, #tpu.memory_space<vmem_shared>>
      tpu.wait_dma2 semaphore(%run_scoped3A : memref<!tpu.dma_semaphore, #tpu.memory_space<semaphore_mem>>) src(%arg8 : memref<80x128xf32, #tpu.memory_space<vmem>>) dst(%dma_wait3A_36 : memref<80x128xf32, #tpu.memory_space<vmem_shared>>)
      tpu.yield
    }) : () -> ()
    %add3A_20 = arith.constant 480 : i32
    %add3A_21 = arith.addi %mul3A_2, %add3A_20 : i32
    "tpu.region"() ({
      %run_scoped3A = tpu.sem_alloc : memref<!tpu.dma_semaphore, #tpu.memory_space<semaphore_mem>>
      %dma_start3A = arith.constant 0 : i32
      %dma_start3A_31 = tpu.memref_slice %arg12[%add3A_21, %dma_start3A] : memref<10240x128xf32, #tpu.memory_space<vmem_shared>> -> memref<80x128xf32, #tpu.memory_space<vmem_shared>>
      %dma_start3A_32 = arith.constant 0 : i32
      %dma_start3A_33 = tpu.memref_slice %arg12[%add3A_21, %dma_start3A_32] : memref<10240x128xf32, #tpu.memory_space<vmem_shared>> -> memref<80x128xf32, #tpu.memory_space<vmem_shared>>
      tpu.enqueue_dma source(%arg8 : memref<80x128xf32, #tpu.memory_space<vmem>>) target(%dma_start3A_33 : memref<80x128xf32, #tpu.memory_space<vmem_shared>>) target_semaphore(%run_scoped3A : memref<!tpu.dma_semaphore, #tpu.memory_space<semaphore_mem>>)
      %dma_wait3A = arith.constant 0 : i32
      %dma_wait3A_34 = tpu.memref_slice %arg12[%add3A_21, %dma_wait3A] : memref<10240x128xf32, #tpu.memory_space<vmem_shared>> -> memref<80x128xf32, #tpu.memory_space<vmem_shared>>
      %dma_wait3A_35 = arith.constant 0 : i32
      %dma_wait3A_36 = tpu.memref_slice %arg12[%add3A_21, %dma_wait3A_35] : memref<10240x128xf32, #tpu.memory_space<vmem_shared>> -> memref<80x128xf32, #tpu.memory_space<vmem_shared>>
      tpu.wait_dma2 semaphore(%run_scoped3A : memref<!tpu.dma_semaphore, #tpu.memory_space<semaphore_mem>>) src(%arg8 : memref<80x128xf32, #tpu.memory_space<vmem>>) dst(%dma_wait3A_36 : memref<80x128xf32, #tpu.memory_space<vmem_shared>>)
      tpu.yield
    }) : () -> ()
    %add3A_22 = arith.constant 560 : i32
    %add3A_23 = arith.addi %mul3A_2, %add3A_22 : i32
    "tpu.region"() ({
      %run_scoped3A = tpu.sem_alloc : memref<!tpu.dma_semaphore, #tpu.memory_space<semaphore_mem>>
      %dma_start3A = arith.constant 0 : i32
      %dma_start3A_31 = tpu.memref_slice %arg12[%add3A_23, %dma_start3A] : memref<10240x128xf32, #tpu.memory_space<vmem_shared>> -> memref<80x128xf32, #tpu.memory_space<vmem_shared>>
      %dma_start3A_32 = arith.constant 0 : i32
      %dma_start3A_33 = tpu.memref_slice %arg12[%add3A_23, %dma_start3A_32] : memref<10240x128xf32, #tpu.memory_space<vmem_shared>> -> memref<80x128xf32, #tpu.memory_space<vmem_shared>>
      tpu.enqueue_dma source(%arg8 : memref<80x128xf32, #tpu.memory_space<vmem>>) target(%dma_start3A_33 : memref<80x128xf32, #tpu.memory_space<vmem_shared>>) target_semaphore(%run_scoped3A : memref<!tpu.dma_semaphore, #tpu.memory_space<semaphore_mem>>)
      %dma_wait3A = arith.constant 0 : i32
      %dma_wait3A_34 = tpu.memref_slice %arg12[%add3A_23, %dma_wait3A] : memref<10240x128xf32, #tpu.memory_space<vmem_shared>> -> memref<80x128xf32, #tpu.memory_space<vmem_shared>>
      %dma_wait3A_35 = arith.constant 0 : i32
      %dma_wait3A_36 = tpu.memref_slice %arg12[%add3A_23, %dma_wait3A_35] : memref<10240x128xf32, #tpu.memory_space<vmem_shared>> -> memref<80x128xf32, #tpu.memory_space<vmem_shared>>
      tpu.wait_dma2 semaphore(%run_scoped3A : memref<!tpu.dma_semaphore, #tpu.memory_space<semaphore_mem>>) src(%arg8 : memref<80x128xf32, #tpu.memory_space<vmem>>) dst(%dma_wait3A_36 : memref<80x128xf32, #tpu.memory_space<vmem_shared>>)
      tpu.yield
    }) : () -> ()
    %barrier3A = arith.constant 0 : index
    tpu.barrier barrier_id(%barrier3A)
    %scan3A_24 = arith.constant 0 : i32
    %scan3A_25 = arith.constant 0 : i32
    %scan3A_26 = arith.constant 5 : i32
    %scan3A_27 = arith.addi %scan3A_25, %scan3A_26 : i32
    %scan3A_28 = arith.constant 1 : i32
    scf.for %scan3A_31 = %scan3A_25 to %scan3A_27 step %scan3A_28  : i32 {
      %dma_start3A = arith.constant 0 : i32
      %dma_start3A_32 = arith.constant 0 : i32
      %dma_start3A_33 = arith.constant 0 : i32
      %dma_start3A_34 = tpu.memref_slice %arg3[%add3A, %dma_start3A, %dma_start3A_32, %dma_start3A_33] : memref<32x5x25x80xi32, #tpu.memory_space<hbm>> -> memref<1x5x25x80xi32, #tpu.memory_space<hbm>>
      %dma_start3A_35 = tpu.memref_squeeze %dma_start3A_34 : memref<1x5x25x80xi32, #tpu.memory_space<hbm>> -> memref<5x25x80xi32, #tpu.memory_space<hbm>>
      %dma_start3A_36 = arith.constant 0 : i32
      %dma_start3A_37 = arith.constant 0 : i32
      %dma_start3A_38 = tpu.memref_slice %dma_start3A_35[%scan3A_31, %dma_start3A_36, %dma_start3A_37] : memref<5x25x80xi32, #tpu.memory_space<hbm>> -> memref<1x25x80xi32, #tpu.memory_space<hbm>>
      %dma_start3A_39 = tpu.memref_squeeze %dma_start3A_38 : memref<1x25x80xi32, #tpu.memory_space<hbm>> -> memref<25x80xi32, #tpu.memory_space<hbm>>
      %dma_start3A_40 = arith.constant 0 : i32
      %dma_start3A_41 = arith.constant 0 : i32
      %dma_start3A_42 = arith.constant 0 : i32
      %dma_start3A_43 = tpu.memref_slice %arg3[%add3A, %dma_start3A_40, %dma_start3A_41, %dma_start3A_42] : memref<32x5x25x80xi32, #tpu.memory_space<hbm>> -> memref<1x5x25x80xi32, #tpu.memory_space<hbm>>
      %dma_start3A_44 = tpu.memref_squeeze %dma_start3A_43 : memref<1x5x25x80xi32, #tpu.memory_space<hbm>> -> memref<5x25x80xi32, #tpu.memory_space<hbm>>
      %dma_start3A_45 = arith.constant 0 : i32
      %dma_start3A_46 = arith.constant 0 : i32
      %dma_start3A_47 = tpu.memref_slice %dma_start3A_44[%scan3A_31, %dma_start3A_45, %dma_start3A_46] : memref<5x25x80xi32, #tpu.memory_space<hbm>> -> memref<1x25x80xi32, #tpu.memory_space<hbm>>
      %dma_start3A_48 = tpu.memref_squeeze %dma_start3A_47 : memref<1x25x80xi32, #tpu.memory_space<hbm>> -> memref<25x80xi32, #tpu.memory_space<hbm>>
      tpu.enqueue_dma source(%dma_start3A_48 : memref<25x80xi32, #tpu.memory_space<hbm>>) target(%arg6 : memref<25x80xi32, #tpu.memory_space<vmem>>) target_semaphore(%arg14 : memref<!tpu.dma_semaphore, #tpu.memory_space<semaphore_mem>>)
      %dma_start3A_49 = arith.constant 0 : i32
      %dma_start3A_50 = arith.constant 0 : i32
      %dma_start3A_51 = arith.constant 0 : i32
      %dma_start3A_52 = tpu.memref_slice %arg4[%add3A, %dma_start3A_49, %dma_start3A_50, %dma_start3A_51] : memref<32x5x25x80xi32, #tpu.memory_space<hbm>> -> memref<1x5x25x80xi32, #tpu.memory_space<hbm>>
      %dma_start3A_53 = tpu.memref_squeeze %dma_start3A_52 : memref<1x5x25x80xi32, #tpu.memory_space<hbm>> -> memref<5x25x80xi32, #tpu.memory_space<hbm>>
      %dma_start3A_54 = arith.constant 0 : i32
      %dma_start3A_55 = arith.constant 0 : i32
      %dma_start3A_56 = tpu.memref_slice %dma_start3A_53[%scan3A_31, %dma_start3A_54, %dma_start3A_55] : memref<5x25x80xi32, #tpu.memory_space<hbm>> -> memref<1x25x80xi32, #tpu.memory_space<hbm>>
      %dma_start3A_57 = tpu.memref_squeeze %dma_start3A_56 : memref<1x25x80xi32, #tpu.memory_space<hbm>> -> memref<25x80xi32, #tpu.memory_space<hbm>>
      %dma_start3A_58 = arith.constant 0 : i32
      %dma_start3A_59 = arith.constant 0 : i32
      %dma_start3A_60 = arith.constant 0 : i32
      %dma_start3A_61 = tpu.memref_slice %arg4[%add3A, %dma_start3A_58, %dma_start3A_59, %dma_start3A_60] : memref<32x5x25x80xi32, #tpu.memory_space<hbm>> -> memref<1x5x25x80xi32, #tpu.memory_space<hbm>>
      %dma_start3A_62 = tpu.memref_squeeze %dma_start3A_61 : memref<1x5x25x80xi32, #tpu.memory_space<hbm>> -> memref<5x25x80xi32, #tpu.memory_space<hbm>>
      %dma_start3A_63 = arith.constant 0 : i32
      %dma_start3A_64 = arith.constant 0 : i32
      %dma_start3A_65 = tpu.memref_slice %dma_start3A_62[%scan3A_31, %dma_start3A_63, %dma_start3A_64] : memref<5x25x80xi32, #tpu.memory_space<hbm>> -> memref<1x25x80xi32, #tpu.memory_space<hbm>>
      %dma_start3A_66 = tpu.memref_squeeze %dma_start3A_65 : memref<1x25x80xi32, #tpu.memory_space<hbm>> -> memref<25x80xi32, #tpu.memory_space<hbm>>
      tpu.enqueue_dma source(%dma_start3A_66 : memref<25x80xi32, #tpu.memory_space<hbm>>) target(%arg7 : memref<25x80xi32, #tpu.memory_space<vmem>>) target_semaphore(%arg14 : memref<!tpu.dma_semaphore, #tpu.memory_space<semaphore_mem>>)
      %dma_wait3A = arith.constant 0 : i32
      %dma_wait3A_67 = arith.constant 0 : i32
      %dma_wait3A_68 = arith.constant 0 : i32
      %dma_wait3A_69 = tpu.memref_slice %arg3[%add3A, %dma_wait3A, %dma_wait3A_67, %dma_wait3A_68] : memref<32x5x25x80xi32, #tpu.memory_space<hbm>> -> memref<1x5x25x80xi32, #tpu.memory_space<hbm>>
      %dma_wait3A_70 = tpu.memref_squeeze %dma_wait3A_69 : memref<1x5x25x80xi32, #tpu.memory_space<hbm>> -> memref<5x25x80xi32, #tpu.memory_space<hbm>>
      %dma_wait3A_71 = arith.constant 0 : i32
      %dma_wait3A_72 = arith.constant 0 : i32
      %dma_wait3A_73 = tpu.memref_slice %dma_wait3A_70[%scan3A_31, %dma_wait3A_71, %dma_wait3A_72] : memref<5x25x80xi32, #tpu.memory_space<hbm>> -> memref<1x25x80xi32, #tpu.memory_space<hbm>>
      %dma_wait3A_74 = tpu.memref_squeeze %dma_wait3A_73 : memref<1x25x80xi32, #tpu.memory_space<hbm>> -> memref<25x80xi32, #tpu.memory_space<hbm>>
      %dma_wait3A_75 = arith.constant 0 : i32
      %dma_wait3A_76 = arith.constant 0 : i32
      %dma_wait3A_77 = arith.constant 0 : i32
      %dma_wait3A_78 = tpu.memref_slice %arg3[%add3A, %dma_wait3A_75, %dma_wait3A_76, %dma_wait3A_77] : memref<32x5x25x80xi32, #tpu.memory_space<hbm>> -> memref<1x5x25x80xi32, #tpu.memory_space<hbm>>
      %dma_wait3A_79 = tpu.memref_squeeze %dma_wait3A_78 : memref<1x5x25x80xi32, #tpu.memory_space<hbm>> -> memref<5x25x80xi32, #tpu.memory_space<hbm>>
      %dma_wait3A_80 = arith.constant 0 : i32
      %dma_wait3A_81 = arith.constant 0 : i32
      %dma_wait3A_82 = tpu.memref_slice %dma_wait3A_79[%scan3A_31, %dma_wait3A_80, %dma_wait3A_81] : memref<5x25x80xi32, #tpu.memory_space<hbm>> -> memref<1x25x80xi32, #tpu.memory_space<hbm>>
      %dma_wait3A_83 = tpu.memref_squeeze %dma_wait3A_82 : memref<1x25x80xi32, #tpu.memory_space<hbm>> -> memref<25x80xi32, #tpu.memory_space<hbm>>
      tpu.wait_dma2 semaphore(%arg14 : memref<!tpu.dma_semaphore, #tpu.memory_space<semaphore_mem>>) src(%dma_wait3A_83 : memref<25x80xi32, #tpu.memory_space<hbm>>) dst(%arg6 : memref<25x80xi32, #tpu.memory_space<vmem>>)
      %dma_start3A_84 = arith.constant 0 : i32
      %dma_start3A_85 = arith.constant 0 : i32
      %dma_start3A_86 = tpu.memref_slice %arg6[%dma_start3A_84, %dma_start3A_85] : memref<25x80xi32, #tpu.memory_space<vmem>> -> memref<1x80xi32, #tpu.memory_space<vmem>>
      %dma_start3A_87 = tpu.memref_squeeze %dma_start3A_86 : memref<1x80xi32, #tpu.memory_space<vmem>> -> memref<80xi32, #tpu.memory_space<vmem>>
      %dma_start3A_88 = arith.constant 0 : i32
      %dma_start3A_89 = arith.constant 0 : i32
      %dma_start3A_90 = tpu.memref_slice %arg2[%dma_start3A_88, %dma_start3A_89] : memref<10000x128xf32, #tpu.memory_space<hbm>> -> memref<10000x128xf32, #tpu.memory_space<hbm>>
      tpu.enqueue_indirect_dma source(%dma_start3A_90 : memref<10000x128xf32, #tpu.memory_space<hbm>>) target(%arg8 : memref<80x128xf32, #tpu.memory_space<vmem>>) offsets(%dma_start3A_87 : memref<80xi32, #tpu.memory_space<vmem>>) semaphore(%arg13 : memref<!tpu.dma_semaphore, #tpu.memory_space<semaphore_mem>>)
      %dma_start3A_91 = arith.constant 1 : i32
      %dma_start3A_92 = arith.constant 0 : i32
      %dma_start3A_93 = tpu.memref_slice %arg6[%dma_start3A_91, %dma_start3A_92] : memref<25x80xi32, #tpu.memory_space<vmem>> -> memref<1x80xi32, #tpu.memory_space<vmem>>
      %dma_start3A_94 = tpu.memref_squeeze %dma_start3A_93 : memref<1x80xi32, #tpu.memory_space<vmem>> -> memref<80xi32, #tpu.memory_space<vmem>>
      %dma_start3A_95 = arith.constant 0 : i32
      %dma_start3A_96 = arith.constant 0 : i32
      %dma_start3A_97 = tpu.memref_slice %arg2[%dma_start3A_95, %dma_start3A_96] : memref<10000x128xf32, #tpu.memory_space<hbm>> -> memref<10000x128xf32, #tpu.memory_space<hbm>>
      tpu.enqueue_indirect_dma source(%dma_start3A_97 : memref<10000x128xf32, #tpu.memory_space<hbm>>) target(%arg9 : memref<80x128xf32, #tpu.memory_space<vmem>>) offsets(%dma_start3A_94 : memref<80xi32, #tpu.memory_space<vmem>>) semaphore(%arg13 : memref<!tpu.dma_semaphore, #tpu.memory_space<semaphore_mem>>)
      %dma_start3A_98 = arith.constant 2 : i32
      %dma_start3A_99 = arith.constant 0 : i32
      %dma_start3A_100 = tpu.memref_slice %arg6[%dma_start3A_98, %dma_start3A_99] : memref<25x80xi32, #tpu.memory_space<vmem>> -> memref<1x80xi32, #tpu.memory_space<vmem>>
      %dma_start3A_101 = tpu.memref_squeeze %dma_start3A_100 : memref<1x80xi32, #tpu.memory_space<vmem>> -> memref<80xi32, #tpu.memory_space<vmem>>
      %dma_start3A_102 = arith.constant 0 : i32
      %dma_start3A_103 = arith.constant 0 : i32
      %dma_start3A_104 = tpu.memref_slice %arg2[%dma_start3A_102, %dma_start3A_103] : memref<10000x128xf32, #tpu.memory_space<hbm>> -> memref<10000x128xf32, #tpu.memory_space<hbm>>
      tpu.enqueue_indirect_dma source(%dma_start3A_104 : memref<10000x128xf32, #tpu.memory_space<hbm>>) target(%arg10 : memref<80x128xf32, #tpu.memory_space<vmem>>) offsets(%dma_start3A_101 : memref<80xi32, #tpu.memory_space<vmem>>) semaphore(%arg13 : memref<!tpu.dma_semaphore, #tpu.memory_space<semaphore_mem>>)
      %dma_wait3A_105 = arith.constant 0 : i32
      %dma_wait3A_106 = arith.constant 0 : i32
      %dma_wait3A_107 = arith.constant 0 : i32
      %dma_wait3A_108 = tpu.memref_slice %arg4[%add3A, %dma_wait3A_105, %dma_wait3A_106, %dma_wait3A_107] : memref<32x5x25x80xi32, #tpu.memory_space<hbm>> -> memref<1x5x25x80xi32, #tpu.memory_space<hbm>>
      %dma_wait3A_109 = tpu.memref_squeeze %dma_wait3A_108 : memref<1x5x25x80xi32, #tpu.memory_space<hbm>> -> memref<5x25x80xi32, #tpu.memory_space<hbm>>
      %dma_wait3A_110 = arith.constant 0 : i32
      %dma_wait3A_111 = arith.constant 0 : i32
      %dma_wait3A_112 = tpu.memref_slice %dma_wait3A_109[%scan3A_31, %dma_wait3A_110, %dma_wait3A_111] : memref<5x25x80xi32, #tpu.memory_space<hbm>> -> memref<1x25x80xi32, #tpu.memory_space<hbm>>
      %dma_wait3A_113 = tpu.memref_squeeze %dma_wait3A_112 : memref<1x25x80xi32, #tpu.memory_space<hbm>> -> memref<25x80xi32, #tpu.memory_space<hbm>>
      %dma_wait3A_114 = arith.constant 0 : i32
      %dma_wait3A_115 = arith.constant 0 : i32
      %dma_wait3A_116 = arith.constant 0 : i32
      %dma_wait3A_117 = tpu.memref_slice %arg4[%add3A, %dma_wait3A_114, %dma_wait3A_115, %dma_wait3A_116] : memref<32x5x25x80xi32, #tpu.memory_space<hbm>> -> memref<1x5x25x80xi32, #tpu.memory_space<hbm>>
      %dma_wait3A_118 = tpu.memref_squeeze %dma_wait3A_117 : memref<1x5x25x80xi32, #tpu.memory_space<hbm>> -> memref<5x25x80xi32, #tpu.memory_space<hbm>>
      %dma_wait3A_119 = arith.constant 0 : i32
      %dma_wait3A_120 = arith.constant 0 : i32
      %dma_wait3A_121 = tpu.memref_slice %dma_wait3A_118[%scan3A_31, %dma_wait3A_119, %dma_wait3A_120] : memref<5x25x80xi32, #tpu.memory_space<hbm>> -> memref<1x25x80xi32, #tpu.memory_space<hbm>>
      %dma_wait3A_122 = tpu.memref_squeeze %dma_wait3A_121 : memref<1x25x80xi32, #tpu.memory_space<hbm>> -> memref<25x80xi32, #tpu.memory_space<hbm>>
      tpu.wait_dma2 semaphore(%arg14 : memref<!tpu.dma_semaphore, #tpu.memory_space<semaphore_mem>>) src(%dma_wait3A_122 : memref<25x80xi32, #tpu.memory_space<hbm>>) dst(%arg7 : memref<25x80xi32, #tpu.memory_space<vmem>>)
      %scan3A_123 = arith.constant 0 : i32
      %scan3A_124 = arith.constant 0 : i32
      %scan3A_125 = arith.constant 6 : i32
      %scan3A_126 = arith.addi %scan3A_124, %scan3A_125 : i32
      %scan3A_127 = arith.constant 1 : i32
      scf.for %scan3A_136 = %scan3A_124 to %scan3A_126 step %scan3A_127  : i32 {
        %mul3A_137 = arith.constant 4 : i32
        %mul3A_138 = arith.muli %mul3A_137, %scan3A_136 : i32
        %add3A_139 = arith.constant 0 : i32
        %add3A_140 = arith.addi %mul3A_138, %add3A_139 : i32
        %dma_wait3A_141 = arith.constant 0 : i32
        %dma_wait3A_142 = tpu.memref_slice %arg6[%add3A_140, %dma_wait3A_141] : memref<25x80xi32, #tpu.memory_space<vmem>> -> memref<1x80xi32, #tpu.memory_space<vmem>>
        %dma_wait3A_143 = tpu.memref_squeeze %dma_wait3A_142 : memref<1x80xi32, #tpu.memory_space<vmem>> -> memref<80xi32, #tpu.memory_space<vmem>>
        %dma_wait3A_144 = arith.constant 0 : i32
        %dma_wait3A_145 = arith.constant 0 : i32
        %dma_wait3A_146 = tpu.memref_slice %arg2[%dma_wait3A_144, %dma_wait3A_145] : memref<10000x128xf32, #tpu.memory_space<hbm>> -> memref<10000x128xf32, #tpu.memory_space<hbm>>
        tpu.wait_indirect_dma semaphore(%arg13 : memref<!tpu.dma_semaphore, #tpu.memory_space<semaphore_mem>>) src(%dma_wait3A_146 : memref<10000x128xf32, #tpu.memory_space<hbm>>) dst(%arg8 : memref<80x128xf32, #tpu.memory_space<vmem>>)
        %add3A_147 = arith.constant 4 : i32
        %add3A_148 = arith.addi %add3A_140, %add3A_147 : i32
        %sub3A = arith.constant 1 : i32
        %sub3A_149 = arith.subi %add3A_148, %sub3A : i32
        %lt3A = arith.constant 25 : i32
        %lt3A_150 = arith.cmpi slt, %sub3A_149, %lt3A : i32
        %convert_element_type3A = arith.extui %lt3A_150 : i1 to i32
        %cond3A = arith.constant 0 : i32
        %cond3A_151 = arith.cmpi ne, %convert_element_type3A, %cond3A : i32
        scf.if %cond3A_151 {
          %add3A_209 = arith.constant 4 : i32
          %add3A_210 = arith.addi %add3A_140, %add3A_209 : i32
          %sub3A_211 = arith.constant 1 : i32
          %sub3A_212 = arith.subi %add3A_210, %sub3A_211 : i32
          %dma_start3A_213 = arith.constant 0 : i32
          %dma_start3A_214 = tpu.memref_slice %arg6[%sub3A_212, %dma_start3A_213] : memref<25x80xi32, #tpu.memory_space<vmem>> -> memref<1x80xi32, #tpu.memory_space<vmem>>
          %dma_start3A_215 = tpu.memref_squeeze %dma_start3A_214 : memref<1x80xi32, #tpu.memory_space<vmem>> -> memref<80xi32, #tpu.memory_space<vmem>>
          %dma_start3A_216 = arith.constant 0 : i32
          %dma_start3A_217 = arith.constant 0 : i32
          %dma_start3A_218 = tpu.memref_slice %arg2[%dma_start3A_216, %dma_start3A_217] : memref<10000x128xf32, #tpu.memory_space<hbm>> -> memref<10000x128xf32, #tpu.memory_space<hbm>>
          tpu.enqueue_indirect_dma source(%dma_start3A_218 : memref<10000x128xf32, #tpu.memory_space<hbm>>) target(%arg11 : memref<80x128xf32, #tpu.memory_space<vmem>>) offsets(%dma_start3A_215 : memref<80xi32, #tpu.memory_space<vmem>>) semaphore(%arg13 : memref<!tpu.dma_semaphore, #tpu.memory_space<semaphore_mem>>)
        } else {
        }
        "tpu.region"() ({
          %run_scoped3A_209 = tpu.sem_alloc : memref<!tpu.dma_semaphore, #tpu.memory_space<semaphore_mem>>
          %dma_start3A_210 = arith.constant 0 : i32
          %dma_start3A_211 = tpu.memref_slice %arg7[%add3A_140, %dma_start3A_210] : memref<25x80xi32, #tpu.memory_space<vmem>> -> memref<1x80xi32, #tpu.memory_space<vmem>>
          %dma_start3A_212 = tpu.memref_squeeze %dma_start3A_211 : memref<1x80xi32, #tpu.memory_space<vmem>> -> memref<80xi32, #tpu.memory_space<vmem>>
          %dma_start3A_213 = arith.constant 0 : i32
          %dma_start3A_214 = arith.constant 0 : i32
          %dma_start3A_215 = tpu.memref_slice %arg12[%dma_start3A_213, %dma_start3A_214] : memref<10240x128xf32, #tpu.memory_space<vmem_shared>> -> memref<10240x128xf32, #tpu.memory_space<vmem_shared>>
          tpu.enqueue_indirect_dma source(%arg8 : memref<80x128xf32, #tpu.memory_space<vmem>>) target(%dma_start3A_215 : memref<10240x128xf32, #tpu.memory_space<vmem_shared>>) offsets(%dma_start3A_212 : memref<80xi32, #tpu.memory_space<vmem>>) semaphore(%run_scoped3A_209 : memref<!tpu.dma_semaphore, #tpu.memory_space<semaphore_mem>>) {add = true}
          %dma_wait3A_216 = arith.constant 0 : i32
          %dma_wait3A_217 = tpu.memref_slice %arg7[%add3A_140, %dma_wait3A_216] : memref<25x80xi32, #tpu.memory_space<vmem>> -> memref<1x80xi32, #tpu.memory_space<vmem>>
          %dma_wait3A_218 = tpu.memref_squeeze %dma_wait3A_217 : memref<1x80xi32, #tpu.memory_space<vmem>> -> memref<80xi32, #tpu.memory_space<vmem>>
          %dma_wait3A_219 = arith.constant 0 : i32
          %dma_wait3A_220 = arith.constant 0 : i32
          %dma_wait3A_221 = tpu.memref_slice %arg12[%dma_wait3A_219, %dma_wait3A_220] : memref<10240x128xf32, #tpu.memory_space<vmem_shared>> -> memref<10240x128xf32, #tpu.memory_space<vmem_shared>>
          tpu.wait_indirect_dma semaphore(%run_scoped3A_209 : memref<!tpu.dma_semaphore, #tpu.memory_space<semaphore_mem>>) src(%arg8 : memref<80x128xf32, #tpu.memory_space<vmem>>) dst(%dma_wait3A_221 : memref<10240x128xf32, #tpu.memory_space<vmem_shared>>)
          tpu.yield
        }) : () -> ()
        %mul3A_152 = arith.constant 4 : i32
        %mul3A_153 = arith.muli %mul3A_152, %scan3A_136 : i32
        %add3A_154 = arith.constant 1 : i32
        %add3A_155 = arith.addi %mul3A_153, %add3A_154 : i32
        %dma_wait3A_156 = arith.constant 0 : i32
        %dma_wait3A_157 = tpu.memref_slice %arg6[%add3A_155, %dma_wait3A_156] : memref<25x80xi32, #tpu.memory_space<vmem>> -> memref<1x80xi32, #tpu.memory_space<vmem>>
        %dma_wait3A_158 = tpu.memref_squeeze %dma_wait3A_157 : memref<1x80xi32, #tpu.memory_space<vmem>> -> memref<80xi32, #tpu.memory_space<vmem>>
        %dma_wait3A_159 = arith.constant 0 : i32
        %dma_wait3A_160 = arith.constant 0 : i32
        %dma_wait3A_161 = tpu.memref_slice %arg2[%dma_wait3A_159, %dma_wait3A_160] : memref<10000x128xf32, #tpu.memory_space<hbm>> -> memref<10000x128xf32, #tpu.memory_space<hbm>>
        tpu.wait_indirect_dma semaphore(%arg13 : memref<!tpu.dma_semaphore, #tpu.memory_space<semaphore_mem>>) src(%dma_wait3A_161 : memref<10000x128xf32, #tpu.memory_space<hbm>>) dst(%arg9 : memref<80x128xf32, #tpu.memory_space<vmem>>)
        %add3A_162 = arith.constant 4 : i32
        %add3A_163 = arith.addi %add3A_155, %add3A_162 : i32
        %sub3A_164 = arith.constant 1 : i32
        %sub3A_165 = arith.subi %add3A_163, %sub3A_164 : i32
        %lt3A_166 = arith.constant 25 : i32
        %lt3A_167 = arith.cmpi slt, %sub3A_165, %lt3A_166 : i32
        %convert_element_type3A_168 = arith.extui %lt3A_167 : i1 to i32
        %cond3A_169 = arith.constant 0 : i32
        %cond3A_170 = arith.cmpi ne, %convert_element_type3A_168, %cond3A_169 : i32
        scf.if %cond3A_170 {
          %add3A_209 = arith.constant 4 : i32
          %add3A_210 = arith.addi %add3A_155, %add3A_209 : i32
          %sub3A_211 = arith.constant 1 : i32
          %sub3A_212 = arith.subi %add3A_210, %sub3A_211 : i32
          %dma_start3A_213 = arith.constant 0 : i32
          %dma_start3A_214 = tpu.memref_slice %arg6[%sub3A_212, %dma_start3A_213] : memref<25x80xi32, #tpu.memory_space<vmem>> -> memref<1x80xi32, #tpu.memory_space<vmem>>
          %dma_start3A_215 = tpu.memref_squeeze %dma_start3A_214 : memref<1x80xi32, #tpu.memory_space<vmem>> -> memref<80xi32, #tpu.memory_space<vmem>>
          %dma_start3A_216 = arith.constant 0 : i32
          %dma_start3A_217 = arith.constant 0 : i32
          %dma_start3A_218 = tpu.memref_slice %arg2[%dma_start3A_216, %dma_start3A_217] : memref<10000x128xf32, #tpu.memory_space<hbm>> -> memref<10000x128xf32, #tpu.memory_space<hbm>>
          tpu.enqueue_indirect_dma source(%dma_start3A_218 : memref<10000x128xf32, #tpu.memory_space<hbm>>) target(%arg8 : memref<80x128xf32, #tpu.memory_space<vmem>>) offsets(%dma_start3A_215 : memref<80xi32, #tpu.memory_space<vmem>>) semaphore(%arg13 : memref<!tpu.dma_semaphore, #tpu.memory_space<semaphore_mem>>)
        } else {
        }
        "tpu.region"() ({
          %run_scoped3A_209 = tpu.sem_alloc : memref<!tpu.dma_semaphore, #tpu.memory_space<semaphore_mem>>
          %dma_start3A_210 = arith.constant 0 : i32
          %dma_start3A_211 = tpu.memref_slice %arg7[%add3A_155, %dma_start3A_210] : memref<25x80xi32, #tpu.memory_space<vmem>> -> memref<1x80xi32, #tpu.memory_space<vmem>>
          %dma_start3A_212 = tpu.memref_squeeze %dma_start3A_211 : memref<1x80xi32, #tpu.memory_space<vmem>> -> memref<80xi32, #tpu.memory_space<vmem>>
          %dma_start3A_213 = arith.constant 0 : i32
          %dma_start3A_214 = arith.constant 0 : i32
          %dma_start3A_215 = tpu.memref_slice %arg12[%dma_start3A_213, %dma_start3A_214] : memref<10240x128xf32, #tpu.memory_space<vmem_shared>> -> memref<10240x128xf32, #tpu.memory_space<vmem_shared>>
          tpu.enqueue_indirect_dma source(%arg9 : memref<80x128xf32, #tpu.memory_space<vmem>>) target(%dma_start3A_215 : memref<10240x128xf32, #tpu.memory_space<vmem_shared>>) offsets(%dma_start3A_212 : memref<80xi32, #tpu.memory_space<vmem>>) semaphore(%run_scoped3A_209 : memref<!tpu.dma_semaphore, #tpu.memory_space<semaphore_mem>>) {add = true}
          %dma_wait3A_216 = arith.constant 0 : i32
          %dma_wait3A_217 = tpu.memref_slice %arg7[%add3A_155, %dma_wait3A_216] : memref<25x80xi32, #tpu.memory_space<vmem>> -> memref<1x80xi32, #tpu.memory_space<vmem>>
          %dma_wait3A_218 = tpu.memref_squeeze %dma_wait3A_217 : memref<1x80xi32, #tpu.memory_space<vmem>> -> memref<80xi32, #tpu.memory_space<vmem>>
          %dma_wait3A_219 = arith.constant 0 : i32
          %dma_wait3A_220 = arith.constant 0 : i32
          %dma_wait3A_221 = tpu.memref_slice %arg12[%dma_wait3A_219, %dma_wait3A_220] : memref<10240x128xf32, #tpu.memory_space<vmem_shared>> -> memref<10240x128xf32, #tpu.memory_space<vmem_shared>>
          tpu.wait_indirect_dma semaphore(%run_scoped3A_209 : memref<!tpu.dma_semaphore, #tpu.memory_space<semaphore_mem>>) src(%arg9 : memref<80x128xf32, #tpu.memory_space<vmem>>) dst(%dma_wait3A_221 : memref<10240x128xf32, #tpu.memory_space<vmem_shared>>)
          tpu.yield
        }) : () -> ()
        %mul3A_171 = arith.constant 4 : i32
        %mul3A_172 = arith.muli %mul3A_171, %scan3A_136 : i32
        %add3A_173 = arith.constant 2 : i32
        %add3A_174 = arith.addi %mul3A_172, %add3A_173 : i32
        %dma_wait3A_175 = arith.constant 0 : i32
        %dma_wait3A_176 = tpu.memref_slice %arg6[%add3A_174, %dma_wait3A_175] : memref<25x80xi32, #tpu.memory_space<vmem>> -> memref<1x80xi32, #tpu.memory_space<vmem>>
        %dma_wait3A_177 = tpu.memref_squeeze %dma_wait3A_176 : memref<1x80xi32, #tpu.memory_space<vmem>> -> memref<80xi32, #tpu.memory_space<vmem>>
        %dma_wait3A_178 = arith.constant 0 : i32
        %dma_wait3A_179 = arith.constant 0 : i32
        %dma_wait3A_180 = tpu.memref_slice %arg2[%dma_wait3A_178, %dma_wait3A_179] : memref<10000x128xf32, #tpu.memory_space<hbm>> -> memref<10000x128xf32, #tpu.memory_space<hbm>>
        tpu.wait_indirect_dma semaphore(%arg13 : memref<!tpu.dma_semaphore, #tpu.memory_space<semaphore_mem>>) src(%dma_wait3A_180 : memref<10000x128xf32, #tpu.memory_space<hbm>>) dst(%arg10 : memref<80x128xf32, #tpu.memory_space<vmem>>)
        %add3A_181 = arith.constant 4 : i32
        %add3A_182 = arith.addi %add3A_174, %add3A_181 : i32
        %sub3A_183 = arith.constant 1 : i32
        %sub3A_184 = arith.subi %add3A_182, %sub3A_183 : i32
        %lt3A_185 = arith.constant 25 : i32
        %lt3A_186 = arith.cmpi slt, %sub3A_184, %lt3A_185 : i32
        %convert_element_type3A_187 = arith.extui %lt3A_186 : i1 to i32
        %cond3A_188 = arith.constant 0 : i32
        %cond3A_189 = arith.cmpi ne, %convert_element_type3A_187, %cond3A_188 : i32
        scf.if %cond3A_189 {
          %add3A_209 = arith.constant 4 : i32
          %add3A_210 = arith.addi %add3A_174, %add3A_209 : i32
          %sub3A_211 = arith.constant 1 : i32
          %sub3A_212 = arith.subi %add3A_210, %sub3A_211 : i32
          %dma_start3A_213 = arith.constant 0 : i32
          %dma_start3A_214 = tpu.memref_slice %arg6[%sub3A_212, %dma_start3A_213] : memref<25x80xi32, #tpu.memory_space<vmem>> -> memref<1x80xi32, #tpu.memory_space<vmem>>
          %dma_start3A_215 = tpu.memref_squeeze %dma_start3A_214 : memref<1x80xi32, #tpu.memory_space<vmem>> -> memref<80xi32, #tpu.memory_space<vmem>>
          %dma_start3A_216 = arith.constant 0 : i32
          %dma_start3A_217 = arith.constant 0 : i32
          %dma_start3A_218 = tpu.memref_slice %arg2[%dma_start3A_216, %dma_start3A_217] : memref<10000x128xf32, #tpu.memory_space<hbm>> -> memref<10000x128xf32, #tpu.memory_space<hbm>>
          tpu.enqueue_indirect_dma source(%dma_start3A_218 : memref<10000x128xf32, #tpu.memory_space<hbm>>) target(%arg9 : memref<80x128xf32, #tpu.memory_space<vmem>>) offsets(%dma_start3A_215 : memref<80xi32, #tpu.memory_space<vmem>>) semaphore(%arg13 : memref<!tpu.dma_semaphore, #tpu.memory_space<semaphore_mem>>)
        } else {
        }
        "tpu.region"() ({
          %run_scoped3A_209 = tpu.sem_alloc : memref<!tpu.dma_semaphore, #tpu.memory_space<semaphore_mem>>
          %dma_start3A_210 = arith.constant 0 : i32
          %dma_start3A_211 = tpu.memref_slice %arg7[%add3A_174, %dma_start3A_210] : memref<25x80xi32, #tpu.memory_space<vmem>> -> memref<1x80xi32, #tpu.memory_space<vmem>>
          %dma_start3A_212 = tpu.memref_squeeze %dma_start3A_211 : memref<1x80xi32, #tpu.memory_space<vmem>> -> memref<80xi32, #tpu.memory_space<vmem>>
          %dma_start3A_213 = arith.constant 0 : i32
          %dma_start3A_214 = arith.constant 0 : i32
          %dma_start3A_215 = tpu.memref_slice %arg12[%dma_start3A_213, %dma_start3A_214] : memref<10240x128xf32, #tpu.memory_space<vmem_shared>> -> memref<10240x128xf32, #tpu.memory_space<vmem_shared>>
          tpu.enqueue_indirect_dma source(%arg10 : memref<80x128xf32, #tpu.memory_space<vmem>>) target(%dma_start3A_215 : memref<10240x128xf32, #tpu.memory_space<vmem_shared>>) offsets(%dma_start3A_212 : memref<80xi32, #tpu.memory_space<vmem>>) semaphore(%run_scoped3A_209 : memref<!tpu.dma_semaphore, #tpu.memory_space<semaphore_mem>>) {add = true}
          %dma_wait3A_216 = arith.constant 0 : i32
          %dma_wait3A_217 = tpu.memref_slice %arg7[%add3A_174, %dma_wait3A_216] : memref<25x80xi32, #tpu.memory_space<vmem>> -> memref<1x80xi32, #tpu.memory_space<vmem>>
          %dma_wait3A_218 = tpu.memref_squeeze %dma_wait3A_217 : memref<1x80xi32, #tpu.memory_space<vmem>> -> memref<80xi32, #tpu.memory_space<vmem>>
          %dma_wait3A_219 = arith.constant 0 : i32
          %dma_wait3A_220 = arith.constant 0 : i32
          %dma_wait3A_221 = tpu.memref_slice %arg12[%dma_wait3A_219, %dma_wait3A_220] : memref<10240x128xf32, #tpu.memory_space<vmem_shared>> -> memref<10240x128xf32, #tpu.memory_space<vmem_shared>>
          tpu.wait_indirect_dma semaphore(%run_scoped3A_209 : memref<!tpu.dma_semaphore, #tpu.memory_space<semaphore_mem>>) src(%arg10 : memref<80x128xf32, #tpu.memory_space<vmem>>) dst(%dma_wait3A_221 : memref<10240x128xf32, #tpu.memory_space<vmem_shared>>)
          tpu.yield
        }) : () -> ()
        %mul3A_190 = arith.constant 4 : i32
        %mul3A_191 = arith.muli %mul3A_190, %scan3A_136 : i32
        %add3A_192 = arith.constant 3 : i32
        %add3A_193 = arith.addi %mul3A_191, %add3A_192 : i32
        %dma_wait3A_194 = arith.constant 0 : i32
        %dma_wait3A_195 = tpu.memref_slice %arg6[%add3A_193, %dma_wait3A_194] : memref<25x80xi32, #tpu.memory_space<vmem>> -> memref<1x80xi32, #tpu.memory_space<vmem>>
        %dma_wait3A_196 = tpu.memref_squeeze %dma_wait3A_195 : memref<1x80xi32, #tpu.memory_space<vmem>> -> memref<80xi32, #tpu.memory_space<vmem>>
        %dma_wait3A_197 = arith.constant 0 : i32
        %dma_wait3A_198 = arith.constant 0 : i32
        %dma_wait3A_199 = tpu.memref_slice %arg2[%dma_wait3A_197, %dma_wait3A_198] : memref<10000x128xf32, #tpu.memory_space<hbm>> -> memref<10000x128xf32, #tpu.memory_space<hbm>>
        tpu.wait_indirect_dma semaphore(%arg13 : memref<!tpu.dma_semaphore, #tpu.memory_space<semaphore_mem>>) src(%dma_wait3A_199 : memref<10000x128xf32, #tpu.memory_space<hbm>>) dst(%arg11 : memref<80x128xf32, #tpu.memory_space<vmem>>)
        %add3A_200 = arith.constant 4 : i32
        %add3A_201 = arith.addi %add3A_193, %add3A_200 : i32
        %sub3A_202 = arith.constant 1 : i32
        %sub3A_203 = arith.subi %add3A_201, %sub3A_202 : i32
        %lt3A_204 = arith.constant 25 : i32
        %lt3A_205 = arith.cmpi slt, %sub3A_203, %lt3A_204 : i32
        %convert_element_type3A_206 = arith.extui %lt3A_205 : i1 to i32
        %cond3A_207 = arith.constant 0 : i32
        %cond3A_208 = arith.cmpi ne, %convert_element_type3A_206, %cond3A_207 : i32
        scf.if %cond3A_208 {
          %add3A_209 = arith.constant 4 : i32
          %add3A_210 = arith.addi %add3A_193, %add3A_209 : i32
          %sub3A_211 = arith.constant 1 : i32
          %sub3A_212 = arith.subi %add3A_210, %sub3A_211 : i32
          %dma_start3A_213 = arith.constant 0 : i32
          %dma_start3A_214 = tpu.memref_slice %arg6[%sub3A_212, %dma_start3A_213] : memref<25x80xi32, #tpu.memory_space<vmem>> -> memref<1x80xi32, #tpu.memory_space<vmem>>
          %dma_start3A_215 = tpu.memref_squeeze %dma_start3A_214 : memref<1x80xi32, #tpu.memory_space<vmem>> -> memref<80xi32, #tpu.memory_space<vmem>>
          %dma_start3A_216 = arith.constant 0 : i32
          %dma_start3A_217 = arith.constant 0 : i32
          %dma_start3A_218 = tpu.memref_slice %arg2[%dma_start3A_216, %dma_start3A_217] : memref<10000x128xf32, #tpu.memory_space<hbm>> -> memref<10000x128xf32, #tpu.memory_space<hbm>>
          tpu.enqueue_indirect_dma source(%dma_start3A_218 : memref<10000x128xf32, #tpu.memory_space<hbm>>) target(%arg10 : memref<80x128xf32, #tpu.memory_space<vmem>>) offsets(%dma_start3A_215 : memref<80xi32, #tpu.memory_space<vmem>>) semaphore(%arg13 : memref<!tpu.dma_semaphore, #tpu.memory_space<semaphore_mem>>)
        } else {
        }
        "tpu.region"() ({
          %run_scoped3A_209 = tpu.sem_alloc : memref<!tpu.dma_semaphore, #tpu.memory_space<semaphore_mem>>
          %dma_start3A_210 = arith.constant 0 : i32
          %dma_start3A_211 = tpu.memref_slice %arg7[%add3A_193, %dma_start3A_210] : memref<25x80xi32, #tpu.memory_space<vmem>> -> memref<1x80xi32, #tpu.memory_space<vmem>>
          %dma_start3A_212 = tpu.memref_squeeze %dma_start3A_211 : memref<1x80xi32, #tpu.memory_space<vmem>> -> memref<80xi32, #tpu.memory_space<vmem>>
          %dma_start3A_213 = arith.constant 0 : i32
          %dma_start3A_214 = arith.constant 0 : i32
          %dma_start3A_215 = tpu.memref_slice %arg12[%dma_start3A_213, %dma_start3A_214] : memref<10240x128xf32, #tpu.memory_space<vmem_shared>> -> memref<10240x128xf32, #tpu.memory_space<vmem_shared>>
          tpu.enqueue_indirect_dma source(%arg11 : memref<80x128xf32, #tpu.memory_space<vmem>>) target(%dma_start3A_215 : memref<10240x128xf32, #tpu.memory_space<vmem_shared>>) offsets(%dma_start3A_212 : memref<80xi32, #tpu.memory_space<vmem>>) semaphore(%run_scoped3A_209 : memref<!tpu.dma_semaphore, #tpu.memory_space<semaphore_mem>>) {add = true}
          %dma_wait3A_216 = arith.constant 0 : i32
          %dma_wait3A_217 = tpu.memref_slice %arg7[%add3A_193, %dma_wait3A_216] : memref<25x80xi32, #tpu.memory_space<vmem>> -> memref<1x80xi32, #tpu.memory_space<vmem>>
          %dma_wait3A_218 = tpu.memref_squeeze %dma_wait3A_217 : memref<1x80xi32, #tpu.memory_space<vmem>> -> memref<80xi32, #tpu.memory_space<vmem>>
          %dma_wait3A_219 = arith.constant 0 : i32
          %dma_wait3A_220 = arith.constant 0 : i32
          %dma_wait3A_221 = tpu.memref_slice %arg12[%dma_wait3A_219, %dma_wait3A_220] : memref<10240x128xf32, #tpu.memory_space<vmem_shared>> -> memref<10240x128xf32, #tpu.memory_space<vmem_shared>>
          tpu.wait_indirect_dma semaphore(%run_scoped3A_209 : memref<!tpu.dma_semaphore, #tpu.memory_space<semaphore_mem>>) src(%arg11 : memref<80x128xf32, #tpu.memory_space<vmem>>) dst(%dma_wait3A_221 : memref<10240x128xf32, #tpu.memory_space<vmem_shared>>)
          tpu.yield
        }) : () -> ()
      }
      %scan3A_128 = arith.constant 6 : i32
      %dma_wait3A_129 = arith.constant 24 : i32
      %dma_wait3A_130 = arith.constant 0 : i32
      %dma_wait3A_131 = tpu.memref_slice %arg6[%dma_wait3A_129, %dma_wait3A_130] : memref<25x80xi32, #tpu.memory_space<vmem>> -> memref<1x80xi32, #tpu.memory_space<vmem>>
      %dma_wait3A_132 = tpu.memref_squeeze %dma_wait3A_131 : memref<1x80xi32, #tpu.memory_space<vmem>> -> memref<80xi32, #tpu.memory_space<vmem>>
      %dma_wait3A_133 = arith.constant 0 : i32
      %dma_wait3A_134 = arith.constant 0 : i32
      %dma_wait3A_135 = tpu.memref_slice %arg2[%dma_wait3A_133, %dma_wait3A_134] : memref<10000x128xf32, #tpu.memory_space<hbm>> -> memref<10000x128xf32, #tpu.memory_space<hbm>>
      tpu.wait_indirect_dma semaphore(%arg13 : memref<!tpu.dma_semaphore, #tpu.memory_space<semaphore_mem>>) src(%dma_wait3A_135 : memref<10000x128xf32, #tpu.memory_space<hbm>>) dst(%arg8 : memref<80x128xf32, #tpu.memory_space<vmem>>)
      %run_scoped3A = arith.constant 24 : i32
      "tpu.region"() ({
        %run_scoped3A_136 = tpu.sem_alloc : memref<!tpu.dma_semaphore, #tpu.memory_space<semaphore_mem>>
        %dma_start3A_137 = arith.constant 0 : i32
        %dma_start3A_138 = tpu.memref_slice %arg7[%run_scoped3A, %dma_start3A_137] : memref<25x80xi32, #tpu.memory_space<vmem>> -> memref<1x80xi32, #tpu.memory_space<vmem>>
        %dma_start3A_139 = tpu.memref_squeeze %dma_start3A_138 : memref<1x80xi32, #tpu.memory_space<vmem>> -> memref<80xi32, #tpu.memory_space<vmem>>
        %dma_start3A_140 = arith.constant 0 : i32
        %dma_start3A_141 = arith.constant 0 : i32
        %dma_start3A_142 = tpu.memref_slice %arg12[%dma_start3A_140, %dma_start3A_141] : memref<10240x128xf32, #tpu.memory_space<vmem_shared>> -> memref<10240x128xf32, #tpu.memory_space<vmem_shared>>
        tpu.enqueue_indirect_dma source(%arg8 : memref<80x128xf32, #tpu.memory_space<vmem>>) target(%dma_start3A_142 : memref<10240x128xf32, #tpu.memory_space<vmem_shared>>) offsets(%dma_start3A_139 : memref<80xi32, #tpu.memory_space<vmem>>) semaphore(%run_scoped3A_136 : memref<!tpu.dma_semaphore, #tpu.memory_space<semaphore_mem>>) {add = true}
        %dma_wait3A_143 = arith.constant 0 : i32
        %dma_wait3A_144 = tpu.memref_slice %arg7[%run_scoped3A, %dma_wait3A_143] : memref<25x80xi32, #tpu.memory_space<vmem>> -> memref<1x80xi32, #tpu.memory_space<vmem>>
        %dma_wait3A_145 = tpu.memref_squeeze %dma_wait3A_144 : memref<1x80xi32, #tpu.memory_space<vmem>> -> memref<80xi32, #tpu.memory_space<vmem>>
        %dma_wait3A_146 = arith.constant 0 : i32
        %dma_wait3A_147 = arith.constant 0 : i32
        %dma_wait3A_148 = tpu.memref_slice %arg12[%dma_wait3A_146, %dma_wait3A_147] : memref<10240x128xf32, #tpu.memory_space<vmem_shared>> -> memref<10240x128xf32, #tpu.memory_space<vmem_shared>>
        tpu.wait_indirect_dma semaphore(%run_scoped3A_136 : memref<!tpu.dma_semaphore, #tpu.memory_space<semaphore_mem>>) src(%arg8 : memref<80x128xf32, #tpu.memory_space<vmem>>) dst(%dma_wait3A_148 : memref<10240x128xf32, #tpu.memory_space<vmem_shared>>)
        tpu.yield
      }) : () -> ()
    }
    %scan3A_29 = arith.constant 5 : i32
    %barrier3A_30 = arith.constant 0 : index
    tpu.barrier barrier_id(%barrier3A_30)
    "tpu.region"() ({
      %run_scoped3A = tpu.sem_alloc : memref<!tpu.dma_semaphore, #tpu.memory_space<semaphore_mem>>
      %dma_start3A = arith.constant 0 : i32
      %dma_start3A_31 = arith.constant 0 : i32
      %dma_start3A_32 = tpu.memref_slice %arg5[%arg0, %dma_start3A, %dma_start3A_31] : memref<2x10240x128xf32, #tpu.memory_space<hbm>> -> memref<1x10240x128xf32, #tpu.memory_space<hbm>>
      %dma_start3A_33 = tpu.memref_squeeze %dma_start3A_32 : memref<1x10240x128xf32, #tpu.memory_space<hbm>> -> memref<10240x128xf32, #tpu.memory_space<hbm>>
      %dma_start3A_34 = arith.constant 0 : i32
      %dma_start3A_35 = tpu.memref_slice %dma_start3A_33[%mul3A_2, %dma_start3A_34] : memref<10240x128xf32, #tpu.memory_space<hbm>> -> memref<640x128xf32, #tpu.memory_space<hbm>>
      %dma_start3A_36 = arith.constant 0 : i32
      %dma_start3A_37 = tpu.memref_slice %arg12[%mul3A_2, %dma_start3A_36] : memref<10240x128xf32, #tpu.memory_space<vmem_shared>> -> memref<640x128xf32, #tpu.memory_space<vmem_shared>>
      tpu.enqueue_dma source(%dma_start3A_37 : memref<640x128xf32, #tpu.memory_space<vmem_shared>>) target(%dma_start3A_35 : memref<640x128xf32, #tpu.memory_space<hbm>>) target_semaphore(%run_scoped3A : memref<!tpu.dma_semaphore, #tpu.memory_space<semaphore_mem>>)
      %dma_wait3A = arith.constant 0 : i32
      %dma_wait3A_38 = arith.constant 0 : i32
      %dma_wait3A_39 = tpu.memref_slice %arg5[%arg0, %dma_wait3A, %dma_wait3A_38] : memref<2x10240x128xf32, #tpu.memory_space<hbm>> -> memref<1x10240x128xf32, #tpu.memory_space<hbm>>
      %dma_wait3A_40 = tpu.memref_squeeze %dma_wait3A_39 : memref<1x10240x128xf32, #tpu.memory_space<hbm>> -> memref<10240x128xf32, #tpu.memory_space<hbm>>
      %dma_wait3A_41 = arith.constant 0 : i32
      %dma_wait3A_42 = tpu.memref_slice %dma_wait3A_40[%mul3A_2, %dma_wait3A_41] : memref<10240x128xf32, #tpu.memory_space<hbm>> -> memref<640x128xf32, #tpu.memory_space<hbm>>
      %dma_wait3A_43 = arith.constant 0 : i32
      %dma_wait3A_44 = tpu.memref_slice %arg12[%mul3A_2, %dma_wait3A_43] : memref<10240x128xf32, #tpu.memory_space<vmem_shared>> -> memref<640x128xf32, #tpu.memory_space<vmem_shared>>
      tpu.wait_dma2 semaphore(%run_scoped3A : memref<!tpu.dma_semaphore, #tpu.memory_space<semaphore_mem>>) src(%dma_wait3A_44 : memref<640x128xf32, #tpu.memory_space<vmem_shared>>) dst(%dma_wait3A_42 : memref<640x128xf32, #tpu.memory_space<hbm>>)
      tpu.yield
    }) : () -> ()
    return
  }
}

module attributes {stable_mosaic.version = 14 : i64} {
  func.func @_fused_body(%arg0: i32, %arg1: memref<1x2000x128xf32, #tpu.memory_space<vmem>>, %arg2: memref<1x2000x128xf32, #tpu.memory_space<vmem>>, %arg3: memref<2000x128xf32, #tpu.memory_space<vmem>>, %arg4: memref<128x128xf32, #tpu.memory_space<vmem>>, %arg5: memref<128x128xf32, #tpu.memory_space<vmem>>, %arg6: memref<1x128xf32, #tpu.memory_space<vmem>>, %arg7: memref<2000x1xi32, #tpu.memory_space<vmem>>, %arg8: memref<1x128xf32, #tpu.memory_space<vmem>>, %arg9: memref<1x128xf32, #tpu.memory_space<vmem>>, %arg10: memref<128x10xf32, #tpu.memory_space<vmem>>, %arg11: memref<1x10xf32, #tpu.memory_space<vmem>>, %arg12: memref<2000x128xf32, #tpu.memory_space<vmem>>, %arg13: memref<64x128xf32, #tpu.memory_space<vmem>>, %arg14: memref<64x10xf32, #tpu.memory_space<vmem>>, %arg15: memref<10000x128xf32, #tpu.memory_space<vmem>>, %arg16: memref<8x128xf32, #tpu.memory_space<vmem>>, %arg17: memref<64x128xf32, #tpu.memory_space<vmem>>, %arg18: memref<64x1xf32, #tpu.memory_space<vmem>>) attributes {dimension_semantics = [#tpu.dimension_semantics<arbitrary>], iteration_bounds = array<i64: 10>, scalar_prefetch = 0 : i64, scratch_operands = 4 : i64, tpu.core_type = #tpu.core_type<tc>, window_params = [{transform_indices = @transform_0, window_bounds = array<i64: 1, 2000, 128>}, {transform_indices = @transform_1, window_bounds = array<i64: 1, 2000, 128>}, {transform_indices = @transform_2, window_bounds = array<i64: 2000, 128>}, {pipeline_mode = #tpu.pipeline_mode<synchronous>, transform_indices = @transform_3, window_bounds = array<i64: 128, 128>}, {pipeline_mode = #tpu.pipeline_mode<synchronous>, transform_indices = @transform_4, window_bounds = array<i64: 128, 128>}, {pipeline_mode = #tpu.pipeline_mode<synchronous>, transform_indices = @transform_5, window_bounds = array<i64: 1, 128>}, {transform_indices = @transform_6, window_bounds = array<i64: 2000, 1>}, {pipeline_mode = #tpu.pipeline_mode<synchronous>, transform_indices = @transform_7, window_bounds = array<i64: 1, 128>}, {pipeline_mode = #tpu.pipeline_mode<synchronous>, transform_indices = @transform_8, window_bounds = array<i64: 1, 128>}, {pipeline_mode = #tpu.pipeline_mode<synchronous>, transform_indices = @transform_9, window_bounds = array<i64: 128, 10>}, {pipeline_mode = #tpu.pipeline_mode<synchronous>, transform_indices = @transform_10, window_bounds = array<i64: 1, 10>}, {transform_indices = @transform_11, window_bounds = array<i64: 2000, 128>}, {pipeline_mode = #tpu.pipeline_mode<synchronous>, transform_indices = @transform_12, window_bounds = array<i64: 64, 128>}, {pipeline_mode = #tpu.pipeline_mode<synchronous>, transform_indices = @transform_13, window_bounds = array<i64: 64, 10>}]} {
    %lt3A = arith.constant 5 : i32
    %lt3A_0 = arith.cmpi slt, %arg0, %lt3A : i32
    %convert_element_type3A = arith.extui %lt3A_0 : i1 to i32
    %cond3A = arith.constant 0 : i32
    %cond3A_1 = arith.cmpi ne, %convert_element_type3A, %cond3A : i32
    scf.if %cond3A_1 {
      %get3A = arith.constant 0 : index
      %get3A_10 = arith.constant 0 : index
      %get3A_11 = arith.constant 0 : index
      %get3A_12 = vector.load %arg1[%get3A, %get3A_10, %get3A_11] : memref<1x2000x128xf32, #tpu.memory_space<vmem>>, vector<1x2000x128xf32>
      %get3A_13 = vector.shape_cast %get3A_12 : vector<1x2000x128xf32> to vector<2000x128xf32>
      %get3A_14 = arith.constant 0 : index
      %get3A_15 = arith.constant 0 : index
      %get3A_16 = arith.constant 0 : index
      %get3A_17 = vector.load %arg2[%get3A_14, %get3A_15, %get3A_16] : memref<1x2000x128xf32, #tpu.memory_space<vmem>>, vector<1x2000x128xf32>
      %get3A_18 = vector.shape_cast %get3A_17 : vector<1x2000x128xf32> to vector<2000x128xf32>
      %add3A = arith.addf %get3A_13, %get3A_18 : vector<2000x128xf32>
      %get3A_19 = arith.constant 0 : index
      %get3A_20 = arith.constant 0 : index
      %get3A_21 = vector.load %arg3[%get3A_19, %get3A_20] : memref<2000x128xf32, #tpu.memory_space<vmem>>, vector<2000x128xf32>
      %get3A_22 = arith.constant 0 : index
      %get3A_23 = arith.constant 0 : index
      %get3A_24 = vector.load %arg4[%get3A_22, %get3A_23] : memref<128x128xf32, #tpu.memory_space<vmem>>, vector<128x128xf32>
      %dot_general3A = arith.constant dense<0.000000e+00> : vector<2000x128xf32>
      %dot_general3A_25 = tpu.matmul %add3A, %get3A_24, %dot_general3A {dimension_numbers = #tpu.dot_dimension_numbers<[1], [0], [0], [1], [0, 0, 1, 1], [], []>, transpose_lhs_hint = false} : vector<2000x128xf32>, vector<128x128xf32>, vector<2000x128xf32> -> vector<2000x128xf32>
      %get3A_26 = arith.constant 0 : index
      %get3A_27 = arith.constant 0 : index
      %get3A_28 = vector.load %arg5[%get3A_26, %get3A_27] : memref<128x128xf32, #tpu.memory_space<vmem>>, vector<128x128xf32>
      %dot_general3A_29 = arith.constant dense<0.000000e+00> : vector<2000x128xf32>
      %dot_general3A_30 = tpu.matmul %get3A_21, %get3A_28, %dot_general3A_29 {dimension_numbers = #tpu.dot_dimension_numbers<[1], [0], [0], [1], [0, 0, 1, 1], [], []>, transpose_lhs_hint = false} : vector<2000x128xf32>, vector<128x128xf32>, vector<2000x128xf32> -> vector<2000x128xf32>
      %add3A_31 = arith.addf %dot_general3A_25, %dot_general3A_30 : vector<2000x128xf32>
      %get3A_32 = arith.constant 0 : index
      %get3A_33 = arith.constant 0 : index
      %get3A_34 = vector.load %arg6[%get3A_32, %get3A_33] : memref<1x128xf32, #tpu.memory_space<vmem>>, vector<1x128xf32>
      %add3A_35 = vector.broadcast %get3A_34 : vector<1x128xf32> to vector<2000x128xf32>
      %add3A_36 = arith.addf %add3A_31, %add3A_35 : vector<2000x128xf32>
      %max3A = arith.constant 0.000000e+00 : f32
      %max3A_37 = vector.broadcast %max3A : f32 to vector<2000x128xf32>
      %max3A_38 = arith.maximumf %add3A_36, %max3A_37 : vector<2000x128xf32>
      %get3A_39 = arith.constant 0 : index
      %get3A_40 = arith.constant 0 : index
      %get3A_41 = vector.load %arg7[%get3A_39, %get3A_40] : memref<2000x1xi32, #tpu.memory_space<vmem>>, vector<2000x1xi32>
      %iota3A = tpu.iota {dimensions = array<i32: 1>} : vector<1x64xi32>
      %eq3A_42 = vector.broadcast %get3A_41 : vector<2000x1xi32> to vector<2000x64xi32>
      %eq3A_43 = vector.broadcast %iota3A : vector<1x64xi32> to vector<2000x64xi32>
      %eq3A_44 = arith.cmpi eq, %eq3A_42, %eq3A_43 : vector<2000x64xi32>
      %convert_element_type3A_45 = arith.extui %eq3A_44 : vector<2000x64xi1> to vector<2000x64xi32>
      %convert_element_type3A_46 = arith.sitofp %convert_element_type3A_45 : vector<2000x64xi32> to vector<2000x64xf32>
      %dot_general3A_47 = arith.constant dense<0.000000e+00> : vector<64x128xf32>
      %dot_general3A_48 = tpu.matmul %convert_element_type3A_46, %max3A_38, %dot_general3A_47 {dimension_numbers = #tpu.dot_dimension_numbers<[0], [0], [1], [1], [0, 1, 1, 1], [], []>, precision = #tpu.contract_precision<fp32>, transpose_lhs_hint = false} : vector<2000x64xf32>, vector<2000x128xf32>, vector<64x128xf32> -> vector<64x128xf32>
      %broadcast_in_dim3A = arith.constant 1.000000e+00 : f32
      %broadcast_in_dim3A_49 = vector.broadcast %broadcast_in_dim3A : f32 to vector<2000x1xf32>
      %dot_general3A_50 = arith.constant dense<0.000000e+00> : vector<64x1xf32>
      %dot_general3A_51 = tpu.matmul %convert_element_type3A_46, %broadcast_in_dim3A_49, %dot_general3A_50 {dimension_numbers = #tpu.dot_dimension_numbers<[0], [0], [1], [1], [0, 1, 1, 1], [], []>, precision = #tpu.contract_precision<fp32>, transpose_lhs_hint = false} : vector<2000x64xf32>, vector<2000x1xf32>, vector<64x1xf32> -> vector<64x1xf32>
      %reduce_sum3A = arith.constant dense<0.000000e+00> : vector<128xf32>
      %reduce_sum3A_52 = vector.multi_reduction <add>, %max3A_38, %reduce_sum3A [0] : vector<2000x128xf32> to vector<128xf32>
      %broadcast_in_dim3A_53 = vector.shape_cast %reduce_sum3A_52 : vector<128xf32> to vector<1x128xf32>
      %mul3A = arith.mulf %max3A_38, %max3A_38 : vector<2000x128xf32>
      %reduce_sum3A_54 = arith.constant dense<0.000000e+00> : vector<128xf32>
      %reduce_sum3A_55 = vector.multi_reduction <add>, %mul3A, %reduce_sum3A_54 [0] : vector<2000x128xf32> to vector<128xf32>
      %broadcast_in_dim3A_56 = vector.shape_cast %reduce_sum3A_55 : vector<128xf32> to vector<1x128xf32>
      %broadcast_in_dim3A_57 = arith.constant 0.000000e+00 : f32
      %broadcast_in_dim3A_58 = vector.broadcast %broadcast_in_dim3A_57 : f32 to vector<6x128xf32>
      %concatenate3A = tpu.concatenate %broadcast_in_dim3A_53, %broadcast_in_dim3A_56, %broadcast_in_dim3A_58 in 0 : vector<1x128xf32>, vector<1x128xf32>, vector<6x128xf32> -> vector<8x128xf32>
      %eq3A_59 = arith.constant 0 : i32
      %eq3A_60 = arith.cmpi eq, %arg0, %eq3A_59 : i32
      %convert_element_type3A_61 = arith.extui %eq3A_60 : i1 to i32
      %cond3A_62 = arith.constant 0 : i32
      %cond3A_63 = arith.cmpi ne, %convert_element_type3A_61, %cond3A_62 : i32
      scf.if %cond3A_63 {
        %broadcast_in_dim3A_89 = arith.constant 0.000000e+00 : f32
        %broadcast_in_dim3A_90 = vector.broadcast %broadcast_in_dim3A_89 : f32 to vector<8x128xf32>
        %swap3A_91 = arith.constant 0 : index
        %swap3A_92 = arith.constant 0 : index
        %swap3A_93 = vector.load %arg16[%swap3A_91, %swap3A_92] : memref<8x128xf32, #tpu.memory_space<vmem>>, vector<8x128xf32>
        tpu.vector_store %arg16[%swap3A_91, %swap3A_92], %broadcast_in_dim3A_90 {strides = array<i32>} : memref<8x128xf32, #tpu.memory_space<vmem>>, vector<8x128xf32>,
        %broadcast_in_dim3A_94 = arith.constant 0.000000e+00 : f32
        %broadcast_in_dim3A_95 = vector.broadcast %broadcast_in_dim3A_94 : f32 to vector<64x128xf32>
        %swap3A_96 = arith.constant 0 : index
        %swap3A_97 = arith.constant 0 : index
        %swap3A_98 = vector.load %arg17[%swap3A_96, %swap3A_97] : memref<64x128xf32, #tpu.memory_space<vmem>>, vector<64x128xf32>
        tpu.vector_store %arg17[%swap3A_96, %swap3A_97], %broadcast_in_dim3A_95 {strides = array<i32>} : memref<64x128xf32, #tpu.memory_space<vmem>>, vector<64x128xf32>,
        %broadcast_in_dim3A_99 = arith.constant 0.000000e+00 : f32
        %broadcast_in_dim3A_100 = vector.broadcast %broadcast_in_dim3A_99 : f32 to vector<64x1xf32>
        %swap3A_101 = arith.constant 0 : index
        %swap3A_102 = arith.constant 0 : index
        %swap3A_103 = vector.load %arg18[%swap3A_101, %swap3A_102] : memref<64x1xf32, #tpu.memory_space<vmem>>, vector<64x1xf32>
        tpu.vector_store %arg18[%swap3A_101, %swap3A_102], %broadcast_in_dim3A_100 {strides = array<i32>} : memref<64x1xf32, #tpu.memory_space<vmem>>, vector<64x1xf32>,
      } else {
      }
      %get3A_64 = arith.constant 0 : index
      %get3A_65 = arith.constant 0 : index
      %get3A_66 = vector.load %arg16[%get3A_64, %get3A_65] : memref<8x128xf32, #tpu.memory_space<vmem>>, vector<8x128xf32>
      %add3A_67 = arith.addf %get3A_66, %concatenate3A : vector<8x128xf32>
      %swap3A = arith.constant 0 : index
      %swap3A_68 = arith.constant 0 : index
      %swap3A_69 = vector.load %arg16[%swap3A, %swap3A_68] : memref<8x128xf32, #tpu.memory_space<vmem>>, vector<8x128xf32>
      tpu.vector_store %arg16[%swap3A, %swap3A_68], %add3A_67 {strides = array<i32>} : memref<8x128xf32, #tpu.memory_space<vmem>>, vector<8x128xf32>,
      %get3A_70 = arith.constant 0 : index
      %get3A_71 = arith.constant 0 : index
      %get3A_72 = vector.load %arg17[%get3A_70, %get3A_71] : memref<64x128xf32, #tpu.memory_space<vmem>>, vector<64x128xf32>
      %add3A_73 = arith.addf %get3A_72, %dot_general3A_48 : vector<64x128xf32>
      %swap3A_74 = arith.constant 0 : index
      %swap3A_75 = arith.constant 0 : index
      %swap3A_76 = vector.load %arg17[%swap3A_74, %swap3A_75] : memref<64x128xf32, #tpu.memory_space<vmem>>, vector<64x128xf32>
      tpu.vector_store %arg17[%swap3A_74, %swap3A_75], %add3A_73 {strides = array<i32>} : memref<64x128xf32, #tpu.memory_space<vmem>>, vector<64x128xf32>,
      %get3A_77 = arith.constant 0 : index
      %get3A_78 = arith.constant 0 : index
      %get3A_79 = vector.load %arg18[%get3A_77, %get3A_78] : memref<64x1xf32, #tpu.memory_space<vmem>>, vector<64x1xf32>
      %add3A_80 = arith.addf %get3A_79, %dot_general3A_51 : vector<64x1xf32>
      %swap3A_81 = arith.constant 0 : index
      %swap3A_82 = arith.constant 0 : index
      %swap3A_83 = vector.load %arg18[%swap3A_81, %swap3A_82] : memref<64x1xf32, #tpu.memory_space<vmem>>, vector<64x1xf32>
      tpu.vector_store %arg18[%swap3A_81, %swap3A_82], %add3A_80 {strides = array<i32>} : memref<64x1xf32, #tpu.memory_space<vmem>>, vector<64x1xf32>,
      %mul3A_84 = arith.constant 2000 : i32
      %mul3A_85 = arith.muli %arg0, %mul3A_84 : i32
      %swap3A_86 = arith.index_cast %mul3A_85 : i32 to index
      %swap3A_87 = arith.constant 0 : index
      %swap3A_88 = vector.load %arg15[%swap3A_86, %swap3A_87] : memref<10000x128xf32, #tpu.memory_space<vmem>>, vector<2000x128xf32>
      tpu.vector_store %arg15[%swap3A_86, %swap3A_87], %max3A_38 {strides = array<i32>} : memref<10000x128xf32, #tpu.memory_space<vmem>>, vector<2000x128xf32>,
    } else {
    }
    %eq3A = arith.constant 4 : i32
    %eq3A_2 = arith.cmpi eq, %arg0, %eq3A : i32
    %convert_element_type3A_3 = arith.extui %eq3A_2 : i1 to i32
    %cond3A_4 = arith.constant 0 : i32
    %cond3A_5 = arith.cmpi ne, %convert_element_type3A_3, %cond3A_4 : i32
    scf.if %cond3A_5 {
      %get3A = arith.constant 0 : index
      %get3A_10 = arith.constant 0 : index
      %get3A_11 = vector.load %arg16[%get3A, %get3A_10] : memref<8x128xf32, #tpu.memory_space<vmem>>, vector<8x128xf32>
      %get3A_12 = arith.constant 0 : index
      %get3A_13 = arith.constant 0 : index
      %get3A_14 = vector.load %arg8[%get3A_12, %get3A_13] : memref<1x128xf32, #tpu.memory_space<vmem>>, vector<1x128xf32>
      %get3A_15 = arith.constant 0 : index
      %get3A_16 = arith.constant 0 : index
      %get3A_17 = vector.load %arg9[%get3A_15, %get3A_16] : memref<1x128xf32, #tpu.memory_space<vmem>>, vector<1x128xf32>
      %slice3A = vector.extract_strided_slice %get3A_11 {offsets = [0, 0], sizes = [1, 128], strides = [1, 1]} : vector<8x128xf32> to vector<1x128xf32>
      %div3A = arith.constant 1.000000e+04 : f32
      %div3A_18 = vector.broadcast %div3A : f32 to vector<1x128xf32>
      %div3A_19 = arith.divf %slice3A, %div3A_18 : vector<1x128xf32>
      %slice3A_20 = vector.extract_strided_slice %get3A_11 {offsets = [1, 0], sizes = [1, 128], strides = [1, 1]} : vector<8x128xf32> to vector<1x128xf32>
      %div3A_21 = arith.constant 1.000000e+04 : f32
      %div3A_22 = vector.broadcast %div3A_21 : f32 to vector<1x128xf32>
      %div3A_23 = arith.divf %slice3A_20, %div3A_22 : vector<1x128xf32>
      %mul3A = arith.mulf %div3A_19, %div3A_19 : vector<1x128xf32>
      %sub3A = arith.subf %div3A_23, %mul3A : vector<1x128xf32>
      %add3A = arith.constant 9.99999974E-6 : f32
      %add3A_24 = vector.broadcast %add3A : f32 to vector<1x128xf32>
      %add3A_25 = arith.addf %sub3A, %add3A_24 : vector<1x128xf32>
      %rsqrt3A = math.rsqrt %add3A_25 : vector<1x128xf32>
      %mul3A_26 = arith.mulf %get3A_14, %rsqrt3A : vector<1x128xf32>
      %mul3A_27 = arith.mulf %mul3A_26, %div3A_19 : vector<1x128xf32>
      %sub3A_28 = arith.subf %get3A_17, %mul3A_27 : vector<1x128xf32>
      %get3A_29 = arith.constant 0 : index
      %get3A_30 = arith.constant 0 : index
      %get3A_31 = vector.load %arg18[%get3A_29, %get3A_30] : memref<64x1xf32, #tpu.memory_space<vmem>>, vector<64x1xf32>
      %get3A_32 = arith.constant 0 : index
      %get3A_33 = arith.constant 0 : index
      %get3A_34 = vector.load %arg17[%get3A_32, %get3A_33] : memref<64x128xf32, #tpu.memory_space<vmem>>, vector<64x128xf32>
      %max3A = arith.constant 1.000000e+00 : f32
      %max3A_35 = vector.broadcast %max3A : f32 to vector<64x1xf32>
      %max3A_36 = arith.maximumf %get3A_31, %max3A_35 : vector<64x1xf32>
      %div3A_37 = vector.broadcast %max3A_36 : vector<64x1xf32> to vector<64x128xf32>
      %div3A_38 = arith.divf %get3A_34, %div3A_37 : vector<64x128xf32>
      %gt3A = arith.constant 0.000000e+00 : f32
      %gt3A_39 = vector.broadcast %gt3A : f32 to vector<64x1xf32>
      %gt3A_40 = arith.cmpf ogt, %get3A_31, %gt3A_39 : vector<64x1xf32>
      %mul3A_41 = vector.broadcast %mul3A_26 : vector<1x128xf32> to vector<64x128xf32>
      %mul3A_42 = arith.mulf %mul3A_41, %div3A_38 : vector<64x128xf32>
      %add3A_43 = vector.broadcast %sub3A_28 : vector<1x128xf32> to vector<64x128xf32>
      %add3A_44 = arith.addf %mul3A_42, %add3A_43 : vector<64x128xf32>
      %jit3A = arith.constant 0.000000e+00 : f32
      %broadcast_in_dim3A = vector.shape_cast %gt3A_40 : vector<64x1xi1> to vector<64x1xi1>
      %broadcast_in_dim3A_45 = vector.broadcast %broadcast_in_dim3A : vector<64x1xi1> to vector<64x128xi1>
      %broadcast_in_dim3A_46 = vector.broadcast %jit3A : f32 to vector<64x128xf32>
      %select_n3A = arith.select %broadcast_in_dim3A_45, %add3A_44, %broadcast_in_dim3A_46 : vector<64x128xi1>, vector<64x128xf32>
      %swap3A = arith.constant 0 : index
      %swap3A_47 = arith.constant 0 : index
      %swap3A_48 = vector.load %arg13[%swap3A, %swap3A_47] : memref<64x128xf32, #tpu.memory_space<vmem>>, vector<64x128xf32>
      tpu.vector_store %arg13[%swap3A, %swap3A_47], %select_n3A {strides = array<i32>} : memref<64x128xf32, #tpu.memory_space<vmem>>, vector<64x128xf32>,
      %get3A_49 = arith.constant 0 : index
      %get3A_50 = arith.constant 0 : index
      %get3A_51 = vector.load %arg10[%get3A_49, %get3A_50] : memref<128x10xf32, #tpu.memory_space<vmem>>, vector<128x10xf32>
      %dot_general3A = arith.constant dense<0.000000e+00> : vector<64x10xf32>
      %dot_general3A_52 = tpu.matmul %select_n3A, %get3A_51, %dot_general3A {dimension_numbers = #tpu.dot_dimension_numbers<[1], [0], [0], [1], [0, 0, 1, 1], [], []>, transpose_lhs_hint = false} : vector<64x128xf32>, vector<128x10xf32>, vector<64x10xf32> -> vector<64x10xf32>
      %get3A_53 = arith.constant 0 : index
      %get3A_54 = arith.constant 0 : index
      %get3A_55 = vector.load %arg11[%get3A_53, %get3A_54] : memref<1x10xf32, #tpu.memory_space<vmem>>, vector<1x10xf32>
      %add3A_56 = vector.broadcast %get3A_55 : vector<1x10xf32> to vector<64x10xf32>
      %add3A_57 = arith.addf %dot_general3A_52, %add3A_56 : vector<64x10xf32>
      %swap3A_58 = arith.constant 0 : index
      %swap3A_59 = arith.constant 0 : index
      %swap3A_60 = vector.load %arg14[%swap3A_58, %swap3A_59] : memref<64x10xf32, #tpu.memory_space<vmem>>, vector<64x10xf32>
      tpu.vector_store %arg14[%swap3A_58, %swap3A_59], %add3A_57 {strides = array<i32>} : memref<64x10xf32, #tpu.memory_space<vmem>>, vector<64x10xf32>,
    } else {
    }
    %ge3A = arith.constant 5 : i32
    %ge3A_6 = arith.cmpi sge, %arg0, %ge3A : i32
    %convert_element_type3A_7 = arith.extui %ge3A_6 : i1 to i32
    %cond3A_8 = arith.constant 0 : i32
    %cond3A_9 = arith.cmpi ne, %convert_element_type3A_7, %cond3A_8 : i32
    scf.if %cond3A_9 {
      %get3A = arith.constant 0 : index
      %get3A_10 = arith.constant 0 : index
      %get3A_11 = vector.load %arg16[%get3A, %get3A_10] : memref<8x128xf32, #tpu.memory_space<vmem>>, vector<8x128xf32>
      %get3A_12 = arith.constant 0 : index
      %get3A_13 = arith.constant 0 : index
      %get3A_14 = vector.load %arg8[%get3A_12, %get3A_13] : memref<1x128xf32, #tpu.memory_space<vmem>>, vector<1x128xf32>
      %get3A_15 = arith.constant 0 : index
      %get3A_16 = arith.constant 0 : index
      %get3A_17 = vector.load %arg9[%get3A_15, %get3A_16] : memref<1x128xf32, #tpu.memory_space<vmem>>, vector<1x128xf32>
      %slice3A = vector.extract_strided_slice %get3A_11 {offsets = [0, 0], sizes = [1, 128], strides = [1, 1]} : vector<8x128xf32> to vector<1x128xf32>
      %div3A = arith.constant 1.000000e+04 : f32
      %div3A_18 = vector.broadcast %div3A : f32 to vector<1x128xf32>
      %div3A_19 = arith.divf %slice3A, %div3A_18 : vector<1x128xf32>
      %slice3A_20 = vector.extract_strided_slice %get3A_11 {offsets = [1, 0], sizes = [1, 128], strides = [1, 1]} : vector<8x128xf32> to vector<1x128xf32>
      %div3A_21 = arith.constant 1.000000e+04 : f32
      %div3A_22 = vector.broadcast %div3A_21 : f32 to vector<1x128xf32>
      %div3A_23 = arith.divf %slice3A_20, %div3A_22 : vector<1x128xf32>
      %mul3A = arith.mulf %div3A_19, %div3A_19 : vector<1x128xf32>
      %sub3A = arith.subf %div3A_23, %mul3A : vector<1x128xf32>
      %add3A = arith.constant 9.99999974E-6 : f32
      %add3A_24 = vector.broadcast %add3A : f32 to vector<1x128xf32>
      %add3A_25 = arith.addf %sub3A, %add3A_24 : vector<1x128xf32>
      %rsqrt3A = math.rsqrt %add3A_25 : vector<1x128xf32>
      %mul3A_26 = arith.mulf %get3A_14, %rsqrt3A : vector<1x128xf32>
      %mul3A_27 = arith.mulf %mul3A_26, %div3A_19 : vector<1x128xf32>
      %sub3A_28 = arith.subf %get3A_17, %mul3A_27 : vector<1x128xf32>
      %sub3A_29 = arith.constant 5 : i32
      %sub3A_30 = arith.subi %arg0, %sub3A_29 : i32
      %mul3A_31 = arith.constant 2000 : i32
      %mul3A_32 = arith.muli %sub3A_30, %mul3A_31 : i32
      %get3A_33 = arith.index_cast %mul3A_32 : i32 to index
      %get3A_34 = arith.constant 0 : index
      %get3A_35 = vector.load %arg15[%get3A_33, %get3A_34] : memref<10000x128xf32, #tpu.memory_space<vmem>>, vector<2000x128xf32>
      %mul3A_36 = vector.broadcast %mul3A_26 : vector<1x128xf32> to vector<2000x128xf32>
      %mul3A_37 = arith.mulf %mul3A_36, %get3A_35 : vector<2000x128xf32>
      %add3A_38 = vector.broadcast %sub3A_28 : vector<1x128xf32> to vector<2000x128xf32>
      %add3A_39 = arith.addf %mul3A_37, %add3A_38 : vector<2000x128xf32>
      %swap3A = arith.constant 0 : index
      %swap3A_40 = arith.constant 0 : index
      %swap3A_41 = vector.load %arg12[%swap3A, %swap3A_40] : memref<2000x128xf32, #tpu.memory_space<vmem>>, vector<2000x128xf32>
      tpu.vector_store %arg12[%swap3A, %swap3A_40], %add3A_39 {strides = array<i32>} : memref<2000x128xf32, #tpu.memory_space<vmem>>, vector<2000x128xf32>,
    } else {
    }
    return
  }
  func.func @transform_0(%arg0: i32) -> (i32, i32, i32) {
    %min3A = arith.constant 4 : i32
    %min3A_0 = arith.minsi %arg0, %min3A : i32
    %c0_i32 = arith.constant 0 : i32
    %c0_i32_1 = arith.constant 0 : i32
    %c0_i32_2 = arith.constant 0 : i32
    return %c0_i32, %min3A_0, %c0_i32_1 : i32, i32, i32
  }
  func.func @transform_1(%arg0: i32) -> (i32, i32, i32) {
    %min3A = arith.constant 4 : i32
    %min3A_0 = arith.minsi %arg0, %min3A : i32
    %c1_i32 = arith.constant 1 : i32
    %c0_i32 = arith.constant 0 : i32
    %c0_i32_1 = arith.constant 0 : i32
    return %c1_i32, %min3A_0, %c0_i32 : i32, i32, i32
  }
  func.func @transform_2(%arg0: i32) -> (i32, i32) {
    %min3A = arith.constant 4 : i32
    %min3A_0 = arith.minsi %arg0, %min3A : i32
    %c0_i32 = arith.constant 0 : i32
    %c0_i32_1 = arith.constant 0 : i32
    return %min3A_0, %c0_i32 : i32, i32
  }
  func.func @transform_3(%arg0: i32) -> (i32, i32) {
    %c0_i32 = arith.constant 0 : i32
    %c0_i32_0 = arith.constant 0 : i32
    %c0_i32_1 = arith.constant 0 : i32
    return %c0_i32, %c0_i32_0 : i32, i32
  }
  func.func @transform_4(%arg0: i32) -> (i32, i32) {
    %c0_i32 = arith.constant 0 : i32
    %c0_i32_0 = arith.constant 0 : i32
    %c0_i32_1 = arith.constant 0 : i32
    return %c0_i32, %c0_i32_0 : i32, i32
  }
  func.func @transform_5(%arg0: i32) -> (i32, i32) {
    %c0_i32 = arith.constant 0 : i32
    %c0_i32_0 = arith.constant 0 : i32
    %c0_i32_1 = arith.constant 0 : i32
    return %c0_i32, %c0_i32_0 : i32, i32
  }
  func.func @transform_6(%arg0: i32) -> (i32, i32) {
    %min3A = arith.constant 4 : i32
    %min3A_0 = arith.minsi %arg0, %min3A : i32
    %c0_i32 = arith.constant 0 : i32
    %c0_i32_1 = arith.constant 0 : i32
    return %min3A_0, %c0_i32 : i32, i32
  }
  func.func @transform_7(%arg0: i32) -> (i32, i32) {
    %c0_i32 = arith.constant 0 : i32
    %c0_i32_0 = arith.constant 0 : i32
    %c0_i32_1 = arith.constant 0 : i32
    return %c0_i32, %c0_i32_0 : i32, i32
  }
  func.func @transform_8(%arg0: i32) -> (i32, i32) {
    %c0_i32 = arith.constant 0 : i32
    %c0_i32_0 = arith.constant 0 : i32
    %c0_i32_1 = arith.constant 0 : i32
    return %c0_i32, %c0_i32_0 : i32, i32
  }
  func.func @transform_9(%arg0: i32) -> (i32, i32) {
    %c0_i32 = arith.constant 0 : i32
    %c0_i32_0 = arith.constant 0 : i32
    %c0_i32_1 = arith.constant 0 : i32
    return %c0_i32, %c0_i32_0 : i32, i32
  }
  func.func @transform_10(%arg0: i32) -> (i32, i32) {
    %c0_i32 = arith.constant 0 : i32
    %c0_i32_0 = arith.constant 0 : i32
    %c0_i32_1 = arith.constant 0 : i32
    return %c0_i32, %c0_i32_0 : i32, i32
  }
  func.func @transform_11(%arg0: i32) -> (i32, i32) {
    %sub3A = arith.constant 5 : i32
    %sub3A_0 = arith.subi %arg0, %sub3A : i32
    %max3A = arith.constant 0 : i32
    %max3A_1 = arith.maxsi %sub3A_0, %max3A : i32
    %c0_i32 = arith.constant 0 : i32
    %c0_i32_2 = arith.constant 0 : i32
    return %max3A_1, %c0_i32 : i32, i32
  }
  func.func @transform_12(%arg0: i32) -> (i32, i32) {
    %c0_i32 = arith.constant 0 : i32
    %c0_i32_0 = arith.constant 0 : i32
    %c0_i32_1 = arith.constant 0 : i32
    return %c0_i32, %c0_i32_0 : i32, i32
  }
  func.func @transform_13(%arg0: i32) -> (i32, i32) {
    %c0_i32 = arith.constant 0 : i32
    %c0_i32_0 = arith.constant 0 : i32
    %c0_i32_1 = arith.constant 0 : i32
    return %c0_i32, %c0_i32_0 : i32, i32
  }
}

module attributes {stable_mosaic.version = 14 : i64} {
  func.func @_last_body(%arg0: i32, %arg1: memref<1x2000x128xf32, #tpu.memory_space<vmem>>, %arg2: memref<1x2000x128xf32, #tpu.memory_space<vmem>>, %arg3: memref<2000x128xf32, #tpu.memory_space<vmem>>, %arg4: memref<128x128xf32, #tpu.memory_space<vmem>>, %arg5: memref<128x128xf32, #tpu.memory_space<vmem>>, %arg6: memref<1x128xf32, #tpu.memory_space<vmem>>, %arg7: memref<2000x1xi32, #tpu.memory_space<vmem>>, %arg8: memref<1x128xf32, #tpu.memory_space<vmem>>, %arg9: memref<1x128xf32, #tpu.memory_space<vmem>>, %arg10: memref<128x10xf32, #tpu.memory_space<vmem>>, %arg11: memref<1x10xf32, #tpu.memory_space<vmem>>, %arg12: memref<64x128xf32, #tpu.memory_space<vmem>>, %arg13: memref<64x10xf32, #tpu.memory_space<vmem>>, %arg14: memref<8x128xf32, #tpu.memory_space<vmem>>, %arg15: memref<64x128xf32, #tpu.memory_space<vmem>>, %arg16: memref<64x1xf32, #tpu.memory_space<vmem>>) attributes {dimension_semantics = [#tpu.dimension_semantics<arbitrary>], iteration_bounds = array<i64: 5>, scalar_prefetch = 0 : i64, scratch_operands = 3 : i64, tpu.core_type = #tpu.core_type<tc>, window_params = [{transform_indices = @transform_0, window_bounds = array<i64: 1, 2000, 128>}, {transform_indices = @transform_1, window_bounds = array<i64: 1, 2000, 128>}, {transform_indices = @transform_2, window_bounds = array<i64: 2000, 128>}, {pipeline_mode = #tpu.pipeline_mode<synchronous>, transform_indices = @transform_3, window_bounds = array<i64: 128, 128>}, {pipeline_mode = #tpu.pipeline_mode<synchronous>, transform_indices = @transform_4, window_bounds = array<i64: 128, 128>}, {pipeline_mode = #tpu.pipeline_mode<synchronous>, transform_indices = @transform_5, window_bounds = array<i64: 1, 128>}, {transform_indices = @transform_6, window_bounds = array<i64: 2000, 1>}, {pipeline_mode = #tpu.pipeline_mode<synchronous>, transform_indices = @transform_7, window_bounds = array<i64: 1, 128>}, {pipeline_mode = #tpu.pipeline_mode<synchronous>, transform_indices = @transform_8, window_bounds = array<i64: 1, 128>}, {pipeline_mode = #tpu.pipeline_mode<synchronous>, transform_indices = @transform_9, window_bounds = array<i64: 128, 10>}, {pipeline_mode = #tpu.pipeline_mode<synchronous>, transform_indices = @transform_10, window_bounds = array<i64: 1, 10>}, {pipeline_mode = #tpu.pipeline_mode<synchronous>, transform_indices = @transform_11, window_bounds = array<i64: 64, 128>}, {pipeline_mode = #tpu.pipeline_mode<synchronous>, transform_indices = @transform_12, window_bounds = array<i64: 64, 10>}]} {
    %get3A = arith.constant 0 : index
    %get3A_0 = arith.constant 0 : index
    %get3A_1 = arith.constant 0 : index
    %get3A_2 = vector.load %arg1[%get3A, %get3A_0, %get3A_1] : memref<1x2000x128xf32, #tpu.memory_space<vmem>>, vector<1x2000x128xf32>
    %get3A_3 = vector.shape_cast %get3A_2 : vector<1x2000x128xf32> to vector<2000x128xf32>
    %get3A_4 = arith.constant 0 : index
    %get3A_5 = arith.constant 0 : index
    %get3A_6 = arith.constant 0 : index
    %get3A_7 = vector.load %arg2[%get3A_4, %get3A_5, %get3A_6] : memref<1x2000x128xf32, #tpu.memory_space<vmem>>, vector<1x2000x128xf32>
    %get3A_8 = vector.shape_cast %get3A_7 : vector<1x2000x128xf32> to vector<2000x128xf32>
    %add3A = arith.addf %get3A_3, %get3A_8 : vector<2000x128xf32>
    %get3A_9 = arith.constant 0 : index
    %get3A_10 = arith.constant 0 : index
    %get3A_11 = vector.load %arg3[%get3A_9, %get3A_10] : memref<2000x128xf32, #tpu.memory_space<vmem>>, vector<2000x128xf32>
    %get3A_12 = arith.constant 0 : index
    %get3A_13 = arith.constant 0 : index
    %get3A_14 = vector.load %arg4[%get3A_12, %get3A_13] : memref<128x128xf32, #tpu.memory_space<vmem>>, vector<128x128xf32>
    %dot_general3A = arith.constant dense<0.000000e+00> : vector<2000x128xf32>
    %dot_general3A_15 = tpu.matmul %add3A, %get3A_14, %dot_general3A {dimension_numbers = #tpu.dot_dimension_numbers<[1], [0], [0], [1], [0, 0, 1, 1], [], []>, transpose_lhs_hint = false} : vector<2000x128xf32>, vector<128x128xf32>, vector<2000x128xf32> -> vector<2000x128xf32>
    %get3A_16 = arith.constant 0 : index
    %get3A_17 = arith.constant 0 : index
    %get3A_18 = vector.load %arg5[%get3A_16, %get3A_17] : memref<128x128xf32, #tpu.memory_space<vmem>>, vector<128x128xf32>
    %dot_general3A_19 = arith.constant dense<0.000000e+00> : vector<2000x128xf32>
    %dot_general3A_20 = tpu.matmul %get3A_11, %get3A_18, %dot_general3A_19 {dimension_numbers = #tpu.dot_dimension_numbers<[1], [0], [0], [1], [0, 0, 1, 1], [], []>, transpose_lhs_hint = false} : vector<2000x128xf32>, vector<128x128xf32>, vector<2000x128xf32> -> vector<2000x128xf32>
    %add3A_21 = arith.addf %dot_general3A_15, %dot_general3A_20 : vector<2000x128xf32>
    %get3A_22 = arith.constant 0 : index
    %get3A_23 = arith.constant 0 : index
    %get3A_24 = vector.load %arg6[%get3A_22, %get3A_23] : memref<1x128xf32, #tpu.memory_space<vmem>>, vector<1x128xf32>
    %add3A_25 = vector.broadcast %get3A_24 : vector<1x128xf32> to vector<2000x128xf32>
    %add3A_26 = arith.addf %add3A_21, %add3A_25 : vector<2000x128xf32>
    %max3A = arith.constant 0.000000e+00 : f32
    %max3A_27 = vector.broadcast %max3A : f32 to vector<2000x128xf32>
    %max3A_28 = arith.maximumf %add3A_26, %max3A_27 : vector<2000x128xf32>
    %get3A_29 = arith.constant 0 : index
    %get3A_30 = arith.constant 0 : index
    %get3A_31 = vector.load %arg7[%get3A_29, %get3A_30] : memref<2000x1xi32, #tpu.memory_space<vmem>>, vector<2000x1xi32>
    %iota3A = tpu.iota {dimensions = array<i32: 1>} : vector<1x64xi32>
    %eq3A = vector.broadcast %get3A_31 : vector<2000x1xi32> to vector<2000x64xi32>
    %eq3A_32 = vector.broadcast %iota3A : vector<1x64xi32> to vector<2000x64xi32>
    %eq3A_33 = arith.cmpi eq, %eq3A, %eq3A_32 : vector<2000x64xi32>
    %convert_element_type3A = arith.extui %eq3A_33 : vector<2000x64xi1> to vector<2000x64xi32>
    %convert_element_type3A_34 = arith.sitofp %convert_element_type3A : vector<2000x64xi32> to vector<2000x64xf32>
    %dot_general3A_35 = arith.constant dense<0.000000e+00> : vector<64x128xf32>
    %dot_general3A_36 = tpu.matmul %convert_element_type3A_34, %max3A_28, %dot_general3A_35 {dimension_numbers = #tpu.dot_dimension_numbers<[0], [0], [1], [1], [0, 1, 1, 1], [], []>, precision = #tpu.contract_precision<fp32>, transpose_lhs_hint = false} : vector<2000x64xf32>, vector<2000x128xf32>, vector<64x128xf32> -> vector<64x128xf32>
    %broadcast_in_dim3A = arith.constant 1.000000e+00 : f32
    %broadcast_in_dim3A_37 = vector.broadcast %broadcast_in_dim3A : f32 to vector<2000x1xf32>
    %dot_general3A_38 = arith.constant dense<0.000000e+00> : vector<64x1xf32>
    %dot_general3A_39 = tpu.matmul %convert_element_type3A_34, %broadcast_in_dim3A_37, %dot_general3A_38 {dimension_numbers = #tpu.dot_dimension_numbers<[0], [0], [1], [1], [0, 1, 1, 1], [], []>, precision = #tpu.contract_precision<fp32>, transpose_lhs_hint = false} : vector<2000x64xf32>, vector<2000x1xf32>, vector<64x1xf32> -> vector<64x1xf32>
    %reduce_sum3A = arith.constant dense<0.000000e+00> : vector<128xf32>
    %reduce_sum3A_40 = vector.multi_reduction <add>, %max3A_28, %reduce_sum3A [0] : vector<2000x128xf32> to vector<128xf32>
    %broadcast_in_dim3A_41 = vector.shape_cast %reduce_sum3A_40 : vector<128xf32> to vector<1x128xf32>
    %mul3A = arith.mulf %max3A_28, %max3A_28 : vector<2000x128xf32>
    %reduce_sum3A_42 = arith.constant dense<0.000000e+00> : vector<128xf32>
    %reduce_sum3A_43 = vector.multi_reduction <add>, %mul3A, %reduce_sum3A_42 [0] : vector<2000x128xf32> to vector<128xf32>
    %broadcast_in_dim3A_44 = vector.shape_cast %reduce_sum3A_43 : vector<128xf32> to vector<1x128xf32>
    %broadcast_in_dim3A_45 = arith.constant 0.000000e+00 : f32
    %broadcast_in_dim3A_46 = vector.broadcast %broadcast_in_dim3A_45 : f32 to vector<6x128xf32>
    %concatenate3A = tpu.concatenate %broadcast_in_dim3A_41, %broadcast_in_dim3A_44, %broadcast_in_dim3A_46 in 0 : vector<1x128xf32>, vector<1x128xf32>, vector<6x128xf32> -> vector<8x128xf32>
    %eq3A_47 = arith.constant 0 : i32
    %eq3A_48 = arith.cmpi eq, %arg0, %eq3A_47 : i32
    %convert_element_type3A_49 = arith.extui %eq3A_48 : i1 to i32
    %cond3A = arith.constant 0 : i32
    %cond3A_50 = arith.cmpi ne, %convert_element_type3A_49, %cond3A : i32
    scf.if %cond3A_50 {
      %broadcast_in_dim3A_76 = arith.constant 0.000000e+00 : f32
      %broadcast_in_dim3A_77 = vector.broadcast %broadcast_in_dim3A_76 : f32 to vector<8x128xf32>
      %swap3A_78 = arith.constant 0 : index
      %swap3A_79 = arith.constant 0 : index
      %swap3A_80 = vector.load %arg14[%swap3A_78, %swap3A_79] : memref<8x128xf32, #tpu.memory_space<vmem>>, vector<8x128xf32>
      tpu.vector_store %arg14[%swap3A_78, %swap3A_79], %broadcast_in_dim3A_77 {strides = array<i32>} : memref<8x128xf32, #tpu.memory_space<vmem>>, vector<8x128xf32>,
      %broadcast_in_dim3A_81 = arith.constant 0.000000e+00 : f32
      %broadcast_in_dim3A_82 = vector.broadcast %broadcast_in_dim3A_81 : f32 to vector<64x128xf32>
      %swap3A_83 = arith.constant 0 : index
      %swap3A_84 = arith.constant 0 : index
      %swap3A_85 = vector.load %arg15[%swap3A_83, %swap3A_84] : memref<64x128xf32, #tpu.memory_space<vmem>>, vector<64x128xf32>
      tpu.vector_store %arg15[%swap3A_83, %swap3A_84], %broadcast_in_dim3A_82 {strides = array<i32>} : memref<64x128xf32, #tpu.memory_space<vmem>>, vector<64x128xf32>,
      %broadcast_in_dim3A_86 = arith.constant 0.000000e+00 : f32
      %broadcast_in_dim3A_87 = vector.broadcast %broadcast_in_dim3A_86 : f32 to vector<64x1xf32>
      %swap3A_88 = arith.constant 0 : index
      %swap3A_89 = arith.constant 0 : index
      %swap3A_90 = vector.load %arg16[%swap3A_88, %swap3A_89] : memref<64x1xf32, #tpu.memory_space<vmem>>, vector<64x1xf32>
      tpu.vector_store %arg16[%swap3A_88, %swap3A_89], %broadcast_in_dim3A_87 {strides = array<i32>} : memref<64x1xf32, #tpu.memory_space<vmem>>, vector<64x1xf32>,
    } else {
    }
    %get3A_51 = arith.constant 0 : index
    %get3A_52 = arith.constant 0 : index
    %get3A_53 = vector.load %arg14[%get3A_51, %get3A_52] : memref<8x128xf32, #tpu.memory_space<vmem>>, vector<8x128xf32>
    %add3A_54 = arith.addf %get3A_53, %concatenate3A : vector<8x128xf32>
    %swap3A = arith.constant 0 : index
    %swap3A_55 = arith.constant 0 : index
    %swap3A_56 = vector.load %arg14[%swap3A, %swap3A_55] : memref<8x128xf32, #tpu.memory_space<vmem>>, vector<8x128xf32>
    tpu.vector_store %arg14[%swap3A, %swap3A_55], %add3A_54 {strides = array<i32>} : memref<8x128xf32, #tpu.memory_space<vmem>>, vector<8x128xf32>,
    %get3A_57 = arith.constant 0 : index
    %get3A_58 = arith.constant 0 : index
    %get3A_59 = vector.load %arg15[%get3A_57, %get3A_58] : memref<64x128xf32, #tpu.memory_space<vmem>>, vector<64x128xf32>
    %add3A_60 = arith.addf %get3A_59, %dot_general3A_36 : vector<64x128xf32>
    %swap3A_61 = arith.constant 0 : index
    %swap3A_62 = arith.constant 0 : index
    %swap3A_63 = vector.load %arg15[%swap3A_61, %swap3A_62] : memref<64x128xf32, #tpu.memory_space<vmem>>, vector<64x128xf32>
    tpu.vector_store %arg15[%swap3A_61, %swap3A_62], %add3A_60 {strides = array<i32>} : memref<64x128xf32, #tpu.memory_space<vmem>>, vector<64x128xf32>,
    %get3A_64 = arith.constant 0 : index
    %get3A_65 = arith.constant 0 : index
    %get3A_66 = vector.load %arg16[%get3A_64, %get3A_65] : memref<64x1xf32, #tpu.memory_space<vmem>>, vector<64x1xf32>
    %add3A_67 = arith.addf %get3A_66, %dot_general3A_39 : vector<64x1xf32>
    %swap3A_68 = arith.constant 0 : index
    %swap3A_69 = arith.constant 0 : index
    %swap3A_70 = vector.load %arg16[%swap3A_68, %swap3A_69] : memref<64x1xf32, #tpu.memory_space<vmem>>, vector<64x1xf32>
    tpu.vector_store %arg16[%swap3A_68, %swap3A_69], %add3A_67 {strides = array<i32>} : memref<64x1xf32, #tpu.memory_space<vmem>>, vector<64x1xf32>,
    %eq3A_71 = arith.constant 4 : i32
    %eq3A_72 = arith.cmpi eq, %arg0, %eq3A_71 : i32
    %convert_element_type3A_73 = arith.extui %eq3A_72 : i1 to i32
    %cond3A_74 = arith.constant 0 : i32
    %cond3A_75 = arith.cmpi ne, %convert_element_type3A_73, %cond3A_74 : i32
    scf.if %cond3A_75 {
      %get3A_76 = arith.constant 0 : index
      %get3A_77 = arith.constant 0 : index
      %get3A_78 = vector.load %arg14[%get3A_76, %get3A_77] : memref<8x128xf32, #tpu.memory_space<vmem>>, vector<8x128xf32>
      %get3A_79 = arith.constant 0 : index
      %get3A_80 = arith.constant 0 : index
      %get3A_81 = vector.load %arg8[%get3A_79, %get3A_80] : memref<1x128xf32, #tpu.memory_space<vmem>>, vector<1x128xf32>
      %get3A_82 = arith.constant 0 : index
      %get3A_83 = arith.constant 0 : index
      %get3A_84 = vector.load %arg9[%get3A_82, %get3A_83] : memref<1x128xf32, #tpu.memory_space<vmem>>, vector<1x128xf32>
      %slice3A = vector.extract_strided_slice %get3A_78 {offsets = [0, 0], sizes = [1, 128], strides = [1, 1]} : vector<8x128xf32> to vector<1x128xf32>
      %div3A = arith.constant 1.000000e+04 : f32
      %div3A_85 = vector.broadcast %div3A : f32 to vector<1x128xf32>
      %div3A_86 = arith.divf %slice3A, %div3A_85 : vector<1x128xf32>
      %slice3A_87 = vector.extract_strided_slice %get3A_78 {offsets = [1, 0], sizes = [1, 128], strides = [1, 1]} : vector<8x128xf32> to vector<1x128xf32>
      %div3A_88 = arith.constant 1.000000e+04 : f32
      %div3A_89 = vector.broadcast %div3A_88 : f32 to vector<1x128xf32>
      %div3A_90 = arith.divf %slice3A_87, %div3A_89 : vector<1x128xf32>
      %mul3A_91 = arith.mulf %div3A_86, %div3A_86 : vector<1x128xf32>
      %sub3A = arith.subf %div3A_90, %mul3A_91 : vector<1x128xf32>
      %add3A_92 = arith.constant 9.99999974E-6 : f32
      %add3A_93 = vector.broadcast %add3A_92 : f32 to vector<1x128xf32>
      %add3A_94 = arith.addf %sub3A, %add3A_93 : vector<1x128xf32>
      %rsqrt3A = math.rsqrt %add3A_94 : vector<1x128xf32>
      %mul3A_95 = arith.mulf %get3A_81, %rsqrt3A : vector<1x128xf32>
      %mul3A_96 = arith.mulf %mul3A_95, %div3A_86 : vector<1x128xf32>
      %sub3A_97 = arith.subf %get3A_84, %mul3A_96 : vector<1x128xf32>
      %get3A_98 = arith.constant 0 : index
      %get3A_99 = arith.constant 0 : index
      %get3A_100 = vector.load %arg16[%get3A_98, %get3A_99] : memref<64x1xf32, #tpu.memory_space<vmem>>, vector<64x1xf32>
      %get3A_101 = arith.constant 0 : index
      %get3A_102 = arith.constant 0 : index
      %get3A_103 = vector.load %arg15[%get3A_101, %get3A_102] : memref<64x128xf32, #tpu.memory_space<vmem>>, vector<64x128xf32>
      %max3A_104 = arith.constant 1.000000e+00 : f32
      %max3A_105 = vector.broadcast %max3A_104 : f32 to vector<64x1xf32>
      %max3A_106 = arith.maximumf %get3A_100, %max3A_105 : vector<64x1xf32>
      %div3A_107 = vector.broadcast %max3A_106 : vector<64x1xf32> to vector<64x128xf32>
      %div3A_108 = arith.divf %get3A_103, %div3A_107 : vector<64x128xf32>
      %gt3A = arith.constant 0.000000e+00 : f32
      %gt3A_109 = vector.broadcast %gt3A : f32 to vector<64x1xf32>
      %gt3A_110 = arith.cmpf ogt, %get3A_100, %gt3A_109 : vector<64x1xf32>
      %mul3A_111 = vector.broadcast %mul3A_95 : vector<1x128xf32> to vector<64x128xf32>
      %mul3A_112 = arith.mulf %mul3A_111, %div3A_108 : vector<64x128xf32>
      %add3A_113 = vector.broadcast %sub3A_97 : vector<1x128xf32> to vector<64x128xf32>
      %add3A_114 = arith.addf %mul3A_112, %add3A_113 : vector<64x128xf32>
      %jit3A = arith.constant 0.000000e+00 : f32
      %broadcast_in_dim3A_115 = vector.shape_cast %gt3A_110 : vector<64x1xi1> to vector<64x1xi1>
      %broadcast_in_dim3A_116 = vector.broadcast %broadcast_in_dim3A_115 : vector<64x1xi1> to vector<64x128xi1>
      %broadcast_in_dim3A_117 = vector.broadcast %jit3A : f32 to vector<64x128xf32>
      %select_n3A = arith.select %broadcast_in_dim3A_116, %add3A_114, %broadcast_in_dim3A_117 : vector<64x128xi1>, vector<64x128xf32>
      %swap3A_118 = arith.constant 0 : index
      %swap3A_119 = arith.constant 0 : index
      %swap3A_120 = vector.load %arg12[%swap3A_118, %swap3A_119] : memref<64x128xf32, #tpu.memory_space<vmem>>, vector<64x128xf32>
      tpu.vector_store %arg12[%swap3A_118, %swap3A_119], %select_n3A {strides = array<i32>} : memref<64x128xf32, #tpu.memory_space<vmem>>, vector<64x128xf32>,
      %get3A_121 = arith.constant 0 : index
      %get3A_122 = arith.constant 0 : index
      %get3A_123 = vector.load %arg10[%get3A_121, %get3A_122] : memref<128x10xf32, #tpu.memory_space<vmem>>, vector<128x10xf32>
      %dot_general3A_124 = arith.constant dense<0.000000e+00> : vector<64x10xf32>
      %dot_general3A_125 = tpu.matmul %select_n3A, %get3A_123, %dot_general3A_124 {dimension_numbers = #tpu.dot_dimension_numbers<[1], [0], [0], [1], [0, 0, 1, 1], [], []>, transpose_lhs_hint = false} : vector<64x128xf32>, vector<128x10xf32>, vector<64x10xf32> -> vector<64x10xf32>
      %get3A_126 = arith.constant 0 : index
      %get3A_127 = arith.constant 0 : index
      %get3A_128 = vector.load %arg11[%get3A_126, %get3A_127] : memref<1x10xf32, #tpu.memory_space<vmem>>, vector<1x10xf32>
      %add3A_129 = vector.broadcast %get3A_128 : vector<1x10xf32> to vector<64x10xf32>
      %add3A_130 = arith.addf %dot_general3A_125, %add3A_129 : vector<64x10xf32>
      %swap3A_131 = arith.constant 0 : index
      %swap3A_132 = arith.constant 0 : index
      %swap3A_133 = vector.load %arg13[%swap3A_131, %swap3A_132] : memref<64x10xf32, #tpu.memory_space<vmem>>, vector<64x10xf32>
      tpu.vector_store %arg13[%swap3A_131, %swap3A_132], %add3A_130 {strides = array<i32>} : memref<64x10xf32, #tpu.memory_space<vmem>>, vector<64x10xf32>,
    } else {
    }
    return
  }
  func.func @transform_0(%arg0: i32) -> (i32, i32, i32) {
    %c0_i32 = arith.constant 0 : i32
    %c0_i32_0 = arith.constant 0 : i32
    %c0_i32_1 = arith.constant 0 : i32
    return %c0_i32, %arg0, %c0_i32_0 : i32, i32, i32
  }
  func.func @transform_1(%arg0: i32) -> (i32, i32, i32) {
    %c1_i32 = arith.constant 1 : i32
    %c0_i32 = arith.constant 0 : i32
    %c0_i32_0 = arith.constant 0 : i32
    return %c1_i32, %arg0, %c0_i32 : i32, i32, i32
  }
  func.func @transform_2(%arg0: i32) -> (i32, i32) {
    %c0_i32 = arith.constant 0 : i32
    %c0_i32_0 = arith.constant 0 : i32
    return %arg0, %c0_i32 : i32, i32
  }
  func.func @transform_3(%arg0: i32) -> (i32, i32) {
    %c0_i32 = arith.constant 0 : i32
    %c0_i32_0 = arith.constant 0 : i32
    %c0_i32_1 = arith.constant 0 : i32
    return %c0_i32, %c0_i32_0 : i32, i32
  }
  func.func @transform_4(%arg0: i32) -> (i32, i32) {
    %c0_i32 = arith.constant 0 : i32
    %c0_i32_0 = arith.constant 0 : i32
    %c0_i32_1 = arith.constant 0 : i32
    return %c0_i32, %c0_i32_0 : i32, i32
  }
  func.func @transform_5(%arg0: i32) -> (i32, i32) {
    %c0_i32 = arith.constant 0 : i32
    %c0_i32_0 = arith.constant 0 : i32
    %c0_i32_1 = arith.constant 0 : i32
    return %c0_i32, %c0_i32_0 : i32, i32
  }
  func.func @transform_6(%arg0: i32) -> (i32, i32) {
    %c0_i32 = arith.constant 0 : i32
    %c0_i32_0 = arith.constant 0 : i32
    return %arg0, %c0_i32 : i32, i32
  }
  func.func @transform_7(%arg0: i32) -> (i32, i32) {
    %c0_i32 = arith.constant 0 : i32
    %c0_i32_0 = arith.constant 0 : i32
    %c0_i32_1 = arith.constant 0 : i32
    return %c0_i32, %c0_i32_0 : i32, i32
  }
  func.func @transform_8(%arg0: i32) -> (i32, i32) {
    %c0_i32 = arith.constant 0 : i32
    %c0_i32_0 = arith.constant 0 : i32
    %c0_i32_1 = arith.constant 0 : i32
    return %c0_i32, %c0_i32_0 : i32, i32
  }
  func.func @transform_9(%arg0: i32) -> (i32, i32) {
    %c0_i32 = arith.constant 0 : i32
    %c0_i32_0 = arith.constant 0 : i32
    %c0_i32_1 = arith.constant 0 : i32
    return %c0_i32, %c0_i32_0 : i32, i32
  }
  func.func @transform_10(%arg0: i32) -> (i32, i32) {
    %c0_i32 = arith.constant 0 : i32
    %c0_i32_0 = arith.constant 0 : i32
    %c0_i32_1 = arith.constant 0 : i32
    return %c0_i32, %c0_i32_0 : i32, i32
  }
  func.func @transform_11(%arg0: i32) -> (i32, i32) {
    %c0_i32 = arith.constant 0 : i32
    %c0_i32_0 = arith.constant 0 : i32
    %c0_i32_1 = arith.constant 0 : i32
    return %c0_i32, %c0_i32_0 : i32, i32
  }
  func.func @transform_12(%arg0: i32) -> (i32, i32) {
    %c0_i32 = arith.constant 0 : i32
    %c0_i32_0 = arith.constant 0 : i32
    %c0_i32_1 = arith.constant 0 : i32
    return %c0_i32, %c0_i32_0 : i32, i32
  }
}

</mosaic_0001>

<sc_bundles>
// kernel: kernel.11.cloned.1.call-start
scs
__scs_entry_jumppad:
0x0: {  	(pc) =	sbr.rel $0x88, $3  }
0x1: {  	(tag) =	ssettag $0x0;
	lr =	simm.s32 $0x1  }
0x2: {  	[smem:$0x3F97] =	sst lr;
	_ =	strace $0xD0000000  }
0x3: {  	_ = 	snop  }
0x4: {  	_ = 	snop  }
0x5: {  	_ = 	snop  }
0x6: {  	_ = 	snop  }
0x7: {  	_ = 	snop  }
__scs_overlays_trampoline_lowered:
0x8: {  	[smem:$0x3FA6] =	sst s0  }
0x9: {  	[smem:$0x3FA7] =	sst s1  }
0xa: {  	[smem:$0x3FA8] =	sst s2  }
0xb: {  	[smem:$0x3FA9] =	sst s3  }
0xc: {  	[smem:$0x3FAA] =	sst s4  }
0xd: {  	[smem:$0x3FAB] =	sst s5  }
0xe: {  	[smem:$0x3FAC] =	sst s6  }
0xf: {  	[smem:$0x3FAD] =	sst s7  }
0x10: {  	[smem:$0x3FAE] =	sst s8  }
0x11: {  	[smem:$0x3FAF] =	sst s9;
	s0 =	simm.s32 @!p0 $0x0  }
0x12: {  	s1 =	sld [smem:$0x3F95];
	s0 =	simm.s32 @p0 $0x1  }
0x13: {  	[smem:$0x3FB0] =	sst s0;
	s0 =	simm.s32 @!p1 $0x0  }
0x14: {  	s2 =	sld [smem:$0x3F94];
	s0 =	simm.s32 @p1 $0x1  }
0x15: {  	[smem:$0x3FB1] =	sst s0;
	s0 =	simm.s32 @!p2 $0x0  }
0x16: {  	s3 =	sld [smem:$0x3FDB];
	s0 =	simm.s32 @p2 $0x1  }
0x17: {  	s4 =	simm.s32 $0x1BF5;
	[smem:$0x3FB3] =	sst s0  }
0x18: {  	s0 =	sld [smem:$0x3F96];
	_ =	swait.ge [sflag:s4], $0x0  }
0x19: {  	s7 =	sld [smem:$0x3F97]  }
0x1a: {  	s8 =	sadd.s32 $0xFFFFE003, lr  }
0x1b: {  	s9 =	sadd.s32 $0xFFFFFEF7, lr;
	s5 =	simm.s32 $0xFFFFFFFF;
	p2 =	slt.u32 s8, $0xFFFFF086  }
0x1c: {  	p1 =	slt.u32 s9, $0xF7A;
	s5 =	simm.s32 @!p2 $0x0  }
0x1d: {  	s5 =	simm.s32 @p1 $0x1;
	p0 =	seq.s32 s7, s2  }
0x1e: {  	s7 =	smul.u32 @!p0 $0xF7A, s2;
	p2 =	seq.s32 @!p0 s5, $0x0  }
0x1f: {  	s9 =	smul.u32 $0xF7A, s1;
	s8 =	simm.s32 @!p0 $0x1BF5;
	p2 =	por !p2, p0  }
0x20: {  	[sflag:s8] =	ssyncset.s32 @!p0 $0xFFFFF086;
	s6 =	sadd.s32 @!p0 s3, s7;
	s7 =	simm.s32 @!p0 $0x108  }
0x21: {  	s3 =	sadd.s32 s3, s9;
	s6 =	sadd.s32 @!p0 $0x88, s6;
	s7 =	simm.s32 @p2 $0x1082  }
0x22: {  	[simem:s7], [sflag:s8] =	dma.local @!p0 [hbm:s6], $0xF7A  }
0x23: {  	s9 =	sor.u32 $0xD0000000, s2;
	s6 =	simm.s32 $0x108;
	_ =	swait.ge @!p0 [sflag:s8], $0x0  }
0x24: {  	s3 =	sadd.s32 $0x88, s3;
	s6 =	simm.s32 @!p1 $0x1082;
	[sflag:s4] =	ssyncset.s32 $0xFFFFF086  }
0x25: {  	[simem:s6], [sflag:s4] =	dma.local [hbm:s3], $0xF7A  }
0x26: {  	[smem:$0x3F97] =	sst s1;
	(tag) =	ssettag s2;
	_ =	strace s9  }
0x27: {  	s1 =	sld [smem:$0x3FA7]  }
0x28: {  	s2 =	sld [smem:$0x3FA8]  }
0x29: {  	s4 =	sld [smem:$0x3FAA]  }
0x2a: {  	p0 =	seq.s32 s5, $0x0;
	s5 =	sld [smem:$0x3FAB]  }
0x2b: {  	s6 =	sld [smem:$0x3FAC]  }
0x2c: {  	s7 =	sld [smem:$0x3FAD]  }
0x2d: {  	s3 =	simm.s32 $0x108;
	s8 =	sld [smem:$0x3FAE]  }
0x2e: {  	s3 =	simm.s32 @!p0 $0x1082;
	s9 =	sld [smem:$0x3FAF]  }
0x2f: {  	lr =	sadd.s32 s0, s3;
	s0 =	sld [smem:$0x3FA6]  }
0x30: {  	s3 =	sld [smem:$0x3FA9]  }
0x31: {  	[smem:$0x3FB2] =	sst s10  }
0x32: {  	s10 =	sld [smem:$0x3FB0];
	_ =	sdelay $0x3  }
0x33: {  	p0 =	seq.s32 s10, $0x1;
	s10 =	sld [smem:$0x3FB2];
	_ =	sdelay $0x3  }
0x34: {  	[smem:$0x3FB2] =	sst s10  }
0x35: {  	s10 =	sld [smem:$0x3FB1];
	_ =	sdelay $0x3  }
0x36: {  	p1 =	seq.s32 s10, $0x1;
	s10 =	sld [smem:$0x3FB2];
	_ =	sdelay $0x3  }
0x37: {  	[smem:$0x3FB2] =	sst s10  }
0x38: {  	s10 =	sld [smem:$0x3FB3]  }
0x39: {  	_ = 	snop;
	(pc) =	sbr.ind lr, $3  }
0x3a: {  	_ = 	snop  }
0x3b: {  	_ = 	snop  }
0x3c: {  	p2 =	seq.s32 s10, $0x1;
	s10 =	sld [smem:$0x3FB2]  }
0x3d: {  	_ =	shalt  }
0x3e: {  	_ =	shalt  }
0x3f: {  	_ =	shalt  }
0x40: {  	_ =	shalt  }
0x41: {  	_ =	shalt  }
0x42: {  	_ =	shalt  }
0x43: {  	_ =	shalt  }
0x44: {  	_ =	shalt  }
0x45: {  	_ =	shalt  }
0x46: {  	_ =	shalt  }
0x47: {  	_ =	shalt  }
0x48: {  	_ =	shalt  }
0x49: {  	_ =	shalt  }
0x4a: {  	_ =	shalt  }
0x4b: {  	_ =	shalt  }
0x4c: {  	_ =	shalt  }
0x4d: {  	_ =	shalt  }
0x4e: {  	_ =	shalt  }
0x4f: {  	_ =	shalt  }
0x50: {  	_ =	shalt  }
0x51: {  	_ =	shalt  }
0x52: {  	_ =	shalt  }
0x53: {  	_ =	shalt  }
0x54: {  	_ =	shalt  }
0x55: {  	_ =	shalt  }
0x56: {  	_ =	shalt  }
0x57: {  	_ =	shalt  }
0x58: {  	_ =	shalt  }
0x59: {  	_ =	shalt  }
0x5a: {  	_ =	shalt  }
0x5b: {  	_ =	shalt  }
0x5c: {  	_ =	shalt  }
0x5d: {  	_ =	shalt  }
0x5e: {  	_ =	shalt  }
0x5f: {  	_ =	shalt  }
0x60: {  	_ =	shalt  }
0x61: {  	_ =	shalt  }
0x62: {  	_ =	shalt  }
0x63: {  	_ =	shalt  }
0x64: {  	_ =	shalt  }
0x65: {  	_ =	shalt  }
0x66: {  	_ =	shalt  }
0x67: {  	_ =	shalt  }
0x68: {  	_ =	shalt  }
0x69: {  	_ =	shalt  }
0x6a: {  	_ =	shalt  }
0x6b: {  	_ =	shalt  }
0x6c: {  	_ =	shalt  }
0x6d: {  	_ =	shalt  }
0x6e: {  	_ =	shalt  }
0x6f: {  	_ =	shalt  }
0x70: {  	_ =	shalt  }
0x71: {  	_ =	shalt  }
0x72: {  	_ =	shalt  }
0x73: {  	_ =	shalt  }
0x74: {  	_ =	shalt  }
0x75: {  	_ =	shalt  }
0x76: {  	_ =	shalt  }
0x77: {  	_ =	shalt  }
0x78: {  	_ =	shalt  }
0x79: {  	_ =	shalt  }
0x7a: {  	_ =	shalt  }
0x7b: {  	_ =	shalt  }
0x7c: {  	_ =	shalt  }
0x7d: {  	_ =	shalt  }
0x7e: {  	_ =	shalt  }
0x7f: {  	_ =	shalt  }
0x80: {  	_ =	shalt  }
0x81: {  	_ =	shalt  }
0x82: {  	_ =	shalt  }
0x83: {  	_ =	shalt  }
0x84: {  	_ =	shalt  }
0x85: {  	_ =	shalt  }
0x86: {  	_ =	shalt  }
0x87: {  	_ =	shalt  }
.Lfunc_end0:
.L_simem_size_0:
called_computation.1_lowered:
.L_overlay_start_0:
0x88: {  	s2 =	sld [smem:$0x3FD9]  }
0x89: {  	s3 =	sld [smem:$0x3FFE];
	_ =	sdelay $0x1  }
0x8a: {  	s1 =	srdreg.scid  }
0x8b: {  	s0 =	sand.u32 $0x1, s1  }
0x8c: {  	s16 =	sshll.u32 s0, $0xA;
	s2 =	sadd.s32 s3, s2  }
0x8d: {  	s2 =	sadd.s32 s2, s16  }
0x8e: {  	[smem:$0x3FBE] =	sst s2  }
0x8f: {  	_ = 	snop  }
0x90: {  	(tm) =	ssettm $0x1  }
0x91: {  	s17 =	sld [smem:$0x3FFB];
	_ =	sdelay $0x3  }
0x92: {  	_ =	strace s17  }
0x93: {  	s2 =	sld [smem:$0x3FFC];
	_ =	sdelay $0x3  }
0x94: {  	_ =	strace s2  }
0x95: {  	s2 =	sld [smem:$0x3FFD];
	_ =	sdelay $0x3  }
0x96: {  	_ =	strace s2  }
0x97: {  	_ =	strace $0x8FFFFFFF  }
0x98: {  	s18 =	sld [smem:$0x3FDB];
	_ =	sdelay $0x1  }
0x99: {  	s19 =	simm.s32 $_scs_section_size  }
0x9a: {  	s4 =	simm.s32 $_size__tile_overlayer_lowered;
	s5 =	simm.s32 $_tile_overlayer_lowered  }
0x9b: {  	s22 =	simm.s32 $0x1BFF;
	s21 =	sshll.u32 s5, $0x1;
	s2 =	sadd.s32 s19, s18  }
0x9c: {  	s6 =	simm.s32 $0x0;
	s20 =	sshll.u32 s4, $0x1;
	s4 =	sadd.s32 s21, s2  }
0x9d: {  	[timem:s6], [sflag:s22] =	dma.local [hbm:s4], s20  }
0x9e: {  	_ =	swait.ge [sflag:s22], s20  }
0x9f: {  	s3 =	ssub.s32 $0x0, s20;
	[sflag:s22] =	ssyncset.done $0x0  }
0xa0: {  	[sflag:s22] =	ssyncadd.s32 s3;
	_ =	sdelay $0x1  }
0xa1: {  	s23 =	simm.s32 $0x1B8B  }
0xa2: {  	_ =	swait.ge [sflag:s23], $0x1  }
0xa3: {  	[sflag:s23] =	ssyncset.done $0x0  }
0xa4: {  	s25 =	simm.s32 $0x1B8E;
	s24 =	sld [smem:$0x3FFE];
	[sflag:s23] =	ssyncadd.s32 $0xFFFFFFFF  }
0xa5: {  	s26 =	simm.s32 $execute0_lowered;
	[smem:$0x3FD2] =	sst s25  }
0xa6: {  	s4 =	sshll.u32 s26, $0x1;
	_ =	strace $0x80000049;
	[dreg:$0x1] =	wrdreg $0xFFFFFFFF  }
0xa7: {  	s28 =	simm.s32 $_size_execute0_lowered;
	s2 =	sadd.s32 s2, s4;
	[dreg:$0x0] =	wrdreg $0x0  }
0xa8: {  	s4 =	sshll.u32 s28, $0x1;
	[dreg:$0x2] =	wrdreg s2  }
0xa9: {  	[dreg:$0x3] =	wrdreg s4  }
0xaa: {  	[dreg:$0x4] =	wrdreg $0xC0  }
0xab: {  	_ =	task [dreg:s6], $0x5FFFF  }
0xac: {  	[dreg:$0x1] =	wrdreg $0xFFFFFFFF  }
0xad: {  	[dreg:$0x0] =	wrdreg $0x60  }
0xae: {  	[dreg:$0x2] =	wrdreg s24  }
0xaf: {  	[dreg:$0x3] =	wrdreg $0xC0000  }
0xb0: {  	[dreg:$0x4] =	wrdreg $0x9  }
0xb1: {  	_ =	task.clear_ibuf [dreg:s6], $0x5FFFF;
	_ =	strace $0x90000049  }
0xb2: {  	s29 =	simm.s32 $0x9;
	_ =	strace $0x8000004B  }
0xb3: {  	_ =	swait.ge [sflag:s29], $0x1  }
0xb4: {  	[sflag:s29] =	ssyncadd.s32 $0xFFFFFFFF  }
0xb5: {  	_ =	strace $0x9000004B  }
0xb6: {  	_ =	sfence  }
0xb7: {  	s30 =	sld [smem:$0x0];
	_ =	sdelay $0x2  }
0xb8: {  	s31 =	sshll.u32 s1, $0xD;
	s1 =	sshrl.u32 s1, $0x2  }
0xb9: {  	s3 =	sand.u32 $0x4000, s31;
	s1 =	sadd.s32 s1, s30  }
0xba: {  	s0 =	sor.u32 s3, s0;
	s1 =	sshll.u32 s1, $0x11  }
0xbb: {  	s0 =	sor.u32 s1, s0  }
0xbc: {  	s0 =	sadd.s32 $0x8F2B, s0  }
0xbd: {  	[sflag:s0] =	ssyncadd.remote.s32 $0x1  }
0xbe: {  	_ =	sfence.sel $0xFFFF  }
0xbf: {  	[dreg:$0x0] =	wrdreg $0xFFFFFFFF;
	(pc) =	sbr.abs _section_cstart, $3  }
0xc0: {  	[dreg:$0x1] =	wrdreg $0xFFFFFFFF  }
0xc1: {  	_ =	task.clear_ibuf [dreg:s6], $0x2FFFF;
	_ =	strace $0x9FFFFFFF  }
0xc2: {  	(tm) =	ssettm $0x7FFFFFFF  }
0xc3: {  	_ =	shalt  }
tec
execute0_lowered:
.L_overlay_start_1:
0x0: {  	(tag) =	ssettag $0x1  }
0x1: {  	s5 =	rddreg [dreg:$0x0]  }
0x2: {  	s2 =	rddreg [dreg:$0x1];
	s3 =	simm.s32 $0x0  }
0x3: {  	s20 =	simm.s32 $0x80;
	[smem:$0x7FF] =	sst s3  }
0x4: {  	s21 =	simm.s32 $0x100;
	_ =	strace $0x8000004A;
	[dreg:$0x5] =	wrdreg s20  }
0x5: {  	s22 =	simm.s32 $0x180;
	[dreg:$0x6] =	wrdreg s21  }
0x6: {  	s23 =	simm.s32 $0x200;
	[dreg:$0x7] =	wrdreg s22  }
0x7: {  	s24 =	simm.s32 $0x1080;
	[dreg:$0x8] =	wrdreg s23  }
0x8: {  	s25 =	simm.s32 $0x280;
	[dreg:$0x9] =	wrdreg s24  }
0x9: {  	s26 =	simm.s32 $0x1100;
	[dreg:$0xa] =	wrdreg s25  }
0xa: {  	s7 =	simm.s32 $0x300;
	[dreg:$0xb] =	wrdreg s26  }
0xb: {  	s9 =	simm.s32 $0x1180;
	[dreg:$0xc] =	wrdreg s7  }
0xc: {  	s0 =	srdreg.scid;
	s11 =	simm.s32 $0x380;
	[dreg:$0xd] =	wrdreg s9  }
0xd: {  	s8 =	stileid.u32;
	s12 =	simm.s32 $0x1200;
	[dreg:$0xe] =	wrdreg s11  }
0xe: {  	s13 =	simm.s32 $0x400;
	s15 =	simm.s32 $0x1280;
	[dreg:$0xf] =	wrdreg s12  }
0xf: {  	s16 =	simm.s32 $0x480;
	s17 =	simm.s32 $0x1300;
	[dreg:$0x10] =	wrdreg s13  }
0x10: {  	s19 =	simm.s32 $0x500;
	s28 =	simm.s32 $0x1880;
	[dreg:$0x11] =	wrdreg s15  }
0x11: {  	s29 =	simm.s32 $0xA80;
	s30 =	simm.s32 $0x1900;
	[dreg:$0x12] =	wrdreg s16  }
0x12: {  	s31 =	simm.s32 $0xB00;
	s0 =	sand.u32 $0x1, s0;
	[dreg:$0x13] =	wrdreg s17  }
0x13: {  	s1 =	sshll.u32 s8, $0x1;
	[dreg:$0x14] =	wrdreg s19;
	s21 =	simm.s32 $0x1380  }
0x14: {  	s1 =	sor.u32 s0, s1;
	s24 =	simm.s32 $0x580;
	[dreg:$0x15] =	wrdreg s21  }
0x15: {  	s6 =	smul.u32 $0x28000, s0;
	s26 =	simm.s32 $0x1400;
	[dreg:$0x16] =	wrdreg s24  }
0x16: {  	s0 =	ssub.s32 $0x2, s0;
	s9 =	simm.s32 $0x600;
	[dreg:$0x17] =	wrdreg s26  }
0x17: {  	s7 =	smul.u32 $0x50000, s8;
	s11 =	simm.s32 $0x1480;
	[dreg:$0x18] =	wrdreg s9  }
0x18: {  	s12 =	simm.s32 $0x680;
	s13 =	smul.u32 $0x2800, s8;
	[dreg:$0x19] =	wrdreg s11  }
0x19: {  	s15 =	simm.s32 $0x700;
	s16 =	simm.s32 $0x1580;
	[dreg:$0x1a] =	wrdreg s12  }
0x1a: {  	s17 =	simm.s32 $0x780;
	s19 =	simm.s32 $0x800;
	[dreg:$0x1c] =	wrdreg s15  }
0x1b: {  	s8 =	simm.s32 $0x1A80;
	s1 =	smul.u32 $0xA00, s1;
	[dreg:$0x1d] =	wrdreg s16  }
0x1c: {  	s10 =	sshrl.u32 s0, $0x1;
	s15 =	simm.s32 $0x3;
	[dreg:$0x1e] =	wrdreg s17  }
0x1d: {  	s16 =	simm.s32 $0x1000;
	[smem:$0x7F6] =	sst s19;
	s21 =	simm.s32 $0x880  }
0x1e: {  	s24 =	simm.s32 $0x900;
	s0 =	ssub.s32 s0, s10;
	[smem:$0x7F8] =	sst s21  }
0x1f: {  	s14 =	sshrl.u32 s7, $0x2;
	[smem:$0x7FA] =	sst s24;
	s0 =	smax.u32 s0, $0x1  }
0x20: {  	s23 =	sadd.s32 s14, s2;
	s14 =	simm.s32 $0x1500;
	[smem:$0x7F5] =	sst s0  }
0x21: {  	s17 =	simm.s32 $0x2;
	s1 =	sadd.s32 s1, s5;
	[dreg:$0x1b] =	wrdreg s14  }
0x22: {  	s19 =	simm.s32 $0x4800;
	s4 =	sadd.s32 $0x4000, s1;
	[smem:$0x7FD] =	sst s23  }
0x23: {  	s9 =	simm.s32 $0x1B00;
	s1 =	sadd.s32 $0x18000, s1;
	[dreg:$0x3] =	wrdreg s4  }
0x24: {  	s11 =	simm.s32 $0x1C00;
	s18 =	sadd.s32 $0x5000, s23;
	[dreg:$0x4] =	wrdreg s1  }
0x25: {  	s12 =	simm.s32 $0x0;
	s20 =	sadd.s32 $0x7800, s23;
	[smem:$0x7EF] =	sst s18  }
0x26: {  	s21 =	simm.s32 $0x1;
	s22 =	sadd.s32 $0xA000, s23;
	[smem:$0x7F0] =	sst s20  }
0x27: {  	s25 =	sadd.s32 $0xC800, s23;
	s7 =	sadd.s32 $0xF000, s23;
	[smem:$0x7F1] =	sst s22  }
0x28: {  	s10 =	sadd.s32 $0x11800, s23;
	s14 =	simm.s32 $0x2000;
	[smem:$0x7F2] =	sst s25  }
0x29: {  	s0 =	simm.s32 $0xB80;
	s4 =	sadd.s32 $0x2C000, s5;
	[smem:$0x7F3] =	sst s7  }
0x2a: {  	s5 =	sadd.s32 s6, s5;
	s6 =	sadd.s32 $0x2800, s23;
	[smem:$0x7F4] =	sst s10  }
0x2b: {  	s18 =	simm.s32 $0x1600;
	s20 =	simm.s32 $0x1680;
	s22 =	simm.s32 $0x1700  }
0x2c: {  	s25 =	simm.s32 $0x1780;
	s1 =	simm.s32 $0x1980;
	[smem:$0x7EE] =	sst s6  }
0x2d: {  	s7 =	simm.s32 $0xC00;
	s10 =	simm.s32 $0x1B80;
	[dreg:$0x1f] =	wrdreg s18  }
0x2e: {  	s5 =	sadd.s32 $0x53200, s5;
	s18 =	simm.s32 $0x50;
	[smem:$0x7F7] =	sst s20  }
0x2f: {  	s20 =	simm.s32 $0x7000;
	[smem:$0x7F9] =	sst s22;
	s22 =	simm.s32 $0x9800  }
0x30: {  	[smem:$0x7FB] =	sst s25;
	s25 =	simm.s32 $0x1800;
	s26 =	sadd.s32 s13, s5  }
0x31: {  	v0 =	vimm.f32 $0.0e+00;
	s6 =	simm.s32 $0x1A00;
	[smem:$0x7FC] =	sst s26;
	s26 =	simm.s32 $0xA00  }
.LBB2_1:
0x32: {  	s5 =	sand.u32 $0xFE00, s3  }
0x33: {  	[smem:$0x7ED] =	sst s12;
	s24 =	sand.u32 $0x70, s3;
	s5 =	sshrl.u32 s5, $0x2  }
0x34: {  	s13 =	simm.s32 $0x40;
	s5 =	sor.u32 s24, s5;
	s24 =	simm.s32 $0x0  }
.LBB2_2:
0x35: {  	p0 =	sne.s32 s13, $0x9FC0  }
0x36: {  	[tilespmem:s5+$0x2000] =	vst v0;
	s24 =	sadd.s32 $0x10, s24;
	s5 =	smov.u32 s13;
	s13 =	sadd.s32 $0x40, s13  }
.Ltmp0:
0x37: {  	(pc) =	sbr.rel @p0 .LBB2_2-.Ltmp0, $4  }
0x38: {  	_ = 	snop  }
0x39: {  	s5 =	sand.u32 $0xFE00, s5  }
0x3a: {  	s12 =	sand.u32 $0x70, s24;
	s5 =	sshrl.u32 s5, $0x2  }
0x3b: {  	s5 =	sor.u32 s12, s5  }
0x3c: {  	[tilespmem:s5+$0x2000] =	vst v0  }
0x3d: {  	[spmem:s23] =	stream.linear.scatter [tilespmem:s14], [sflag:$0x3], $0x2800, $0x38;
	v63 =	vld [tilespmem:$0x0]  }
0x3e: {  	_ =	swait.ge [sflag:s15], $0x2800  }
0x3f: {  	s12 =	sld [smem:$0x7EE]  }
0x40: {  	[sflag:s15] =	ssyncset.done $0x0  }
0x41: {  	[sflag:s15] =	ssyncadd.s32 $0xFFFFD800  }
0x42: {  	[spmem:s12] =	stream.linear.scatter [tilespmem:s14], [sflag:$0x3], $0x2800, $0x38;
	v63 =	vld [tilespmem:$0x0]  }
0x43: {  	_ =	swait.ge [sflag:s15], $0x2800  }
0x44: {  	s13 =	sld [smem:$0x7EF]  }
0x45: {  	[sflag:s15] =	ssyncset.done $0x0  }
0x46: {  	[sflag:s15] =	ssyncadd.s32 $0xFFFFD800  }
0x47: {  	[spmem:s13] =	stream.linear.scatter [tilespmem:s14], [sflag:$0x3], $0x2800, $0x38;
	v63 =	vld [tilespmem:$0x0]  }
0x48: {  	_ =	swait.ge [sflag:s15], $0x2800  }
0x49: {  	s23 =	sld [smem:$0x7F0]  }
0x4a: {  	[sflag:s15] =	ssyncset.done $0x0  }
0x4b: {  	[sflag:s15] =	ssyncadd.s32 $0xFFFFD800  }
0x4c: {  	[spmem:s23] =	stream.linear.scatter [tilespmem:s14], [sflag:$0x3], $0x2800, $0x38;
	v63 =	vld [tilespmem:$0x0]  }
0x4d: {  	_ =	swait.ge [sflag:s15], $0x2800  }
0x4e: {  	s24 =	sld [smem:$0x7F1]  }
0x4f: {  	[sflag:s15] =	ssyncset.done $0x0  }
0x50: {  	[sflag:s15] =	ssyncadd.s32 $0xFFFFD800  }
0x51: {  	[spmem:s24] =	stream.linear.scatter [tilespmem:s14], [sflag:$0x3], $0x2800, $0x38;
	v63 =	vld [tilespmem:$0x0]  }
0x52: {  	_ =	swait.ge [sflag:s15], $0x2800  }
0x53: {  	s12 =	sld [smem:$0x7F2]  }
0x54: {  	[sflag:s15] =	ssyncset.done $0x0  }
0x55: {  	[sflag:s15] =	ssyncadd.s32 $0xFFFFD800  }
0x56: {  	[spmem:s12] =	stream.linear.scatter [tilespmem:s14], [sflag:$0x3], $0x2800, $0x38;
	v63 =	vld [tilespmem:$0x0]  }
0x57: {  	_ =	swait.ge [sflag:s15], $0x2800  }
0x58: {  	s13 =	sld [smem:$0x7F3]  }
0x59: {  	[sflag:s15] =	ssyncset.done $0x0  }
0x5a: {  	[sflag:s15] =	ssyncadd.s32 $0xFFFFD800  }
0x5b: {  	[spmem:s13] =	stream.linear.scatter [tilespmem:s14], [sflag:$0x3], $0x2800, $0x38;
	v63 =	vld [tilespmem:$0x0]  }
0x5c: {  	_ =	swait.ge [sflag:s15], $0x2800  }
0x5d: {  	s23 =	sld [smem:$0x7F4]  }
0x5e: {  	[sflag:s15] =	ssyncset.done $0x0  }
0x5f: {  	[sflag:s15] =	ssyncadd.s32 $0xFFFFD800  }
0x60: {  	[spmem:s23] =	stream.linear.scatter [tilespmem:s14], [sflag:$0x3], $0x2800, $0x38;
	v63 =	vld [tilespmem:$0x0]  }
0x61: {  	_ =	swait.ge [sflag:s15], $0x2800  }
0x62: {  	[sflag:s15] =	ssyncset.done $0x0  }
0x63: {  	[sflag:s15] =	ssyncadd.s32 $0xFFFFD800  }
0x64: {  	[bflag:$0x0] =	sbarrier.arrive $0xFFFF  }
0x65: {  	s24 =	rddreg [dreg:$0x3]  }
0x66: {  	s12 =	rddreg [dreg:$0x4];
	s5 =	sadd.s32 $0x0, s24  }
0x67: {  	[tilespmem:s3], [sflag:$0x2] =	stream.linear.gather [hbm4b:s5+s3], $0xC80, $0x38;
	v63 =	vld [tilespmem:$0x0]  }
0x68: {  	s12 =	sadd.s32 $0x0, s12  }
0x69: {  	[tilespmem:s16], [sflag:$0x2] =	stream.linear.gather [hbm4b:s12+s3], $0xC80, $0x38;
	v63 =	vld [tilespmem:$0x0]  }
0x6a: {  	_ =	swait.ge [sflag:s17], $0xC80  }
0x6b: {  	[sflag:s17] =	ssyncset.done $0x0  }
0x6c: {  	[sflag:s17] =	ssyncadd.s32 $0xFFFFF380  }
0x6d: {  	[tilespmem:s14], [sflag:$0x1] =	stream.indirect.gather [hbm4b:s4+s18], $0x80, s3, s18, $0xb8;
	v63 =	vld [tilespmem:$0x0]  }
0x6e: {  	s13 =	rddreg [dreg:$0x5]  }
0x6f: {  	[tilespmem:s19], [sflag:$0x1] =	stream.indirect.gather [hbm4b:s4+s18], $0x80, s13, s18, $0xb8;
	v63 =	vld [tilespmem:$0x0]  }
0x70: {  	s23 =	rddreg [dreg:$0x6]  }
0x71: {  	[tilespmem:s20], [sflag:$0x1] =	stream.indirect.gather [hbm4b:s4+s18], $0x80, s23, s18, $0xb8;
	v63 =	vld [tilespmem:$0x0]  }
0x72: {  	_ =	swait.ge [sflag:s17], $0xC80  }
0x73: {  	[sflag:s17] =	ssyncset.done $0x0  }
0x74: {  	[sflag:s17] =	ssyncadd.s32 $0xFFFFF380  }
0x75: {  	_ =	swait.ge [sflag:s21], $0x2800  }
0x76: {  	[sflag:s21] =	ssyncset.done $0x0  }
0x77: {  	s24 =	rddreg [dreg:$0x7];
	[sflag:s21] =	ssyncadd.s32 $0xFFFFD800  }
0x78: {  	[tilespmem:s22], [sflag:$0x1] =	stream.indirect.gather [hbm4b:s4+s18], $0x80, s24, s18, $0xb8;
	v63 =	vld [tilespmem:$0x0]  }
0x79: {  	_ = 	snop  }
0x7a: {  	[spmem:s2] =	stream.indirect.scatter.add.f32 [tilespmem:s14], [sflag:$0x3], $0x80, s16, s18, $0xb8;
	v63 =	vld [tilespmem:$0x0]  }
0x7b: {  	_ =	swait.ge [sflag:s15], $0x2800  }
0x7c: {  	[sflag:s15] =	ssyncset.done $0x0  }
0x7d: {  	[sflag:s15] =	ssyncadd.s32 $0xFFFFD800  }
0x7e: {  	_ =	swait.ge [sflag:s21], $0x2800  }
0x7f: {  	[sflag:s21] =	ssyncset.done $0x0  }
0x80: {  	s12 =	rddreg [dreg:$0x8];
	[sflag:s21] =	ssyncadd.s32 $0xFFFFD800  }
0x81: {  	[tilespmem:s14], [sflag:$0x1] =	stream.indirect.gather [hbm4b:s4+s18], $0x80, s12, s18, $0xb8;
	v63 =	vld [tilespmem:$0x0]  }
0x82: {  	s13 =	rddreg [dreg:$0x9]  }
0x83: {  	[spmem:s2] =	stream.indirect.scatter.add.f32 [tilespmem:s19], [sflag:$0x3], $0x80, s13, s18, $0xb8;
	v63 =	vld [tilespmem:$0x0]  }
0x84: {  	_ =	swait.ge [sflag:s15], $0x2800  }
0x85: {  	[sflag:s15] =	ssyncset.done $0x0  }
0x86: {  	[sflag:s15] =	ssyncadd.s32 $0xFFFFD800  }
0x87: {  	_ =	swait.ge [sflag:s21], $0x2800  }
0x88: {  	[sflag:s21] =	ssyncset.done $0x0  }
0x89: {  	s23 =	rddreg [dreg:$0xa];
	[sflag:s21] =	ssyncadd.s32 $0xFFFFD800  }
0x8a: {  	[tilespmem:s19], [sflag:$0x1] =	stream.indirect.gather [hbm4b:s4+s18], $0x80, s23, s18, $0xb8;
	v63 =	vld [tilespmem:$0x0]  }
0x8b: {  	s24 =	rddreg [dreg:$0xb]  }
0x8c: {  	[spmem:s2] =	stream.indirect.scatter.add.f32 [tilespmem:s20], [sflag:$0x3], $0x80, s24, s18, $0xb8;
	v63 =	vld [tilespmem:$0x0]  }
0x8d: {  	_ =	swait.ge [sflag:s15], $0x2800  }
0x8e: {  	[sflag:s15] =	ssyncset.done $0x0  }
0x8f: {  	[sflag:s15] =	ssyncadd.s32 $0xFFFFD800  }
0x90: {  	_ =	swait.ge [sflag:s21], $0x2800  }
0x91: {  	[sflag:s21] =	ssyncset.done $0x0  }
0x92: {  	s12 =	rddreg [dreg:$0xc];
	[sflag:s21] =	ssyncadd.s32 $0xFFFFD800  }
0x93: {  	[tilespmem:s20], [sflag:$0x1] =	stream.indirect.gather [hbm4b:s4+s18], $0x80, s12, s18, $0xb8;
	v63 =	vld [tilespmem:$0x0]  }
0x94: {  	s13 =	rddreg [dreg:$0xd]  }
0x95: {  	[spmem:s2] =	stream.indirect.scatter.add.f32 [tilespmem:s22], [sflag:$0x3], $0x80, s13, s18, $0xb8;
	v63 =	vld [tilespmem:$0x0]  }
0x96: {  	_ =	swait.ge [sflag:s15], $0x2800  }
0x97: {  	[sflag:s15] =	ssyncset.done $0x0  }
0x98: {  	[sflag:s15] =	ssyncadd.s32 $0xFFFFD800  }
0x99: {  	_ =	swait.ge [sflag:s21], $0x2800  }
0x9a: {  	[sflag:s21] =	ssyncset.done $0x0  }
0x9b: {  	s23 =	rddreg [dreg:$0xe];
	[sflag:s21] =	ssyncadd.s32 $0xFFFFD800  }
0x9c: {  	[tilespmem:s22], [sflag:$0x1] =	stream.indirect.gather [hbm4b:s4+s18], $0x80, s23, s18, $0xb8;
	v63 =	vld [tilespmem:$0x0]  }
0x9d: {  	s24 =	rddreg [dreg:$0xf]  }
0x9e: {  	[spmem:s2] =	stream.indirect.scatter.add.f32 [tilespmem:s14], [sflag:$0x3], $0x80, s24, s18, $0xb8;
	v63 =	vld [tilespmem:$0x0]  }
0x9f: {  	_ =	swait.ge [sflag:s15], $0x2800  }
0xa0: {  	[sflag:s15] =	ssyncset.done $0x0  }
0xa1: {  	[sflag:s15] =	ssyncadd.s32 $0xFFFFD800  }
0xa2: {  	_ =	swait.ge [sflag:s21], $0x2800  }
0xa3: {  	[sflag:s21] =	ssyncset.done $0x0  }
0xa4: {  	s12 =	rddreg [dreg:$0x10];
	[sflag:s21] =	ssyncadd.s32 $0xFFFFD800  }
0xa5: {  	[tilespmem:s14], [sflag:$0x1] =	stream.indirect.gather [hbm4b:s4+s18], $0x80, s12, s18, $0xb8;
	v63 =	vld [tilespmem:$0x0]  }
0xa6: {  	s13 =	rddreg [dreg:$0x11]  }
0xa7: {  	[spmem:s2] =	stream.indirect.scatter.add.f32 [tilespmem:s19], [sflag:$0x3], $0x80, s13, s18, $0xb8;
	v63 =	vld [tilespmem:$0x0]  }
0xa8: {  	_ =	swait.ge [sflag:s15], $0x2800  }
0xa9: {  	[sflag:s15] =	ssyncset.done $0x0  }
0xaa: {  	[sflag:s15] =	ssyncadd.s32 $0xFFFFD800  }
0xab: {  	_ =	swait.ge [sflag:s21], $0x2800  }
0xac: {  	[sflag:s21] =	ssyncset.done $0x0  }
0xad: {  	s23 =	rddreg [dreg:$0x12];
	[sflag:s21] =	ssyncadd.s32 $0xFFFFD800  }
0xae: {  	[tilespmem:s19], [sflag:$0x1] =	stream.indirect.gather [hbm4b:s4+s18], $0x80, s23, s18, $0xb8;
	v63 =	vld [tilespmem:$0x0]  }
0xaf: {  	s24 =	rddreg [dreg:$0x13]  }
0xb0: {  	[spmem:s2] =	stream.indirect.scatter.add.f32 [tilespmem:s20], [sflag:$0x3], $0x80, s24, s18, $0xb8;
	v63 =	vld [tilespmem:$0x0]  }
0xb1: {  	_ =	swait.ge [sflag:s15], $0x2800  }
0xb2: {  	[sflag:s15] =	ssyncset.done $0x0  }
0xb3: {  	[sflag:s15] =	ssyncadd.s32 $0xFFFFD800  }
0xb4: {  	_ =	swait.ge [sflag:s21], $0x2800  }
0xb5: {  	[sflag:s21] =	ssyncset.done $0x0  }
0xb6: {  	s12 =	rddreg [dreg:$0x14];
	[sflag:s21] =	ssyncadd.s32 $0xFFFFD800  }
0xb7: {  	[tilespmem:s20], [sflag:$0x1] =	stream.indirect.gather [hbm4b:s4+s18], $0x80, s12, s18, $0xb8;
	v63 =	vld [tilespmem:$0x0]  }
0xb8: {  	s13 =	rddreg [dreg:$0x15]  }
0xb9: {  	[spmem:s2] =	stream.indirect.scatter.add.f32 [tilespmem:s22], [sflag:$0x3], $0x80, s13, s18, $0xb8;
	v63 =	vld [tilespmem:$0x0]  }
0xba: {  	_ =	swait.ge [sflag:s15], $0x2800  }
0xbb: {  	[sflag:s15] =	ssyncset.done $0x0  }
0xbc: {  	[sflag:s15] =	ssyncadd.s32 $0xFFFFD800  }
0xbd: {  	_ =	swait.ge [sflag:s21], $0x2800  }
0xbe: {  	[sflag:s21] =	ssyncset.done $0x0  }
0xbf: {  	s23 =	rddreg [dreg:$0x16];
	[sflag:s21] =	ssyncadd.s32 $0xFFFFD800  }
0xc0: {  	[tilespmem:s22], [sflag:$0x1] =	stream.indirect.gather [hbm4b:s4+s18], $0x80, s23, s18, $0xb8;
	v63 =	vld [tilespmem:$0x0]  }
0xc1: {  	s24 =	rddreg [dreg:$0x17]  }
0xc2: {  	[spmem:s2] =	stream.indirect.scatter.add.f32 [tilespmem:s14], [sflag:$0x3], $0x80, s24, s18, $0xb8;
	v63 =	vld [tilespmem:$0x0]  }
0xc3: {  	_ =	swait.ge [sflag:s15], $0x2800  }
0xc4: {  	[sflag:s15] =	ssyncset.done $0x0  }
0xc5: {  	[sflag:s15] =	ssyncadd.s32 $0xFFFFD800  }
0xc6: {  	_ =	swait.ge [sflag:s21], $0x2800  }
0xc7: {  	[sflag:s21] =	ssyncset.done $0x0  }
0xc8: {  	s12 =	rddreg [dreg:$0x18];
	[sflag:s21] =	ssyncadd.s32 $0xFFFFD800  }
0xc9: {  	[tilespmem:s14], [sflag:$0x1] =	stream.indirect.gather [hbm4b:s4+s18], $0x80, s12, s18, $0xb8;
	v63 =	vld [tilespmem:$0x0]  }
0xca: {  	s13 =	rddreg [dreg:$0x19]  }
0xcb: {  	[spmem:s2] =	stream.indirect.scatter.add.f32 [tilespmem:s19], [sflag:$0x3], $0x80, s13, s18, $0xb8;
	v63 =	vld [tilespmem:$0x0]  }
0xcc: {  	_ =	swait.ge [sflag:s15], $0x2800  }
0xcd: {  	[sflag:s15] =	ssyncset.done $0x0  }
0xce: {  	[sflag:s15] =	ssyncadd.s32 $0xFFFFD800  }
0xcf: {  	_ =	swait.ge [sflag:s21], $0x2800  }
0xd0: {  	[sflag:s21] =	ssyncset.done $0x0  }
0xd1: {  	s23 =	rddreg [dreg:$0x1a];
	[sflag:s21] =	ssyncadd.s32 $0xFFFFD800  }
0xd2: {  	[tilespmem:s19], [sflag:$0x1] =	stream.indirect.gather [hbm4b:s4+s18], $0x80, s23, s18, $0xb8;
	v63 =	vld [tilespmem:$0x0]  }
0xd3: {  	s24 =	rddreg [dreg:$0x1b]  }
0xd4: {  	[spmem:s2] =	stream.indirect.scatter.add.f32 [tilespmem:s20], [sflag:$0x3], $0x80, s24, s18, $0xb8;
	v63 =	vld [tilespmem:$0x0]  }
0xd5: {  	_ =	swait.ge [sflag:s15], $0x2800  }
0xd6: {  	[sflag:s15] =	ssyncset.done $0x0  }
0xd7: {  	[sflag:s15] =	ssyncadd.s32 $0xFFFFD800  }
0xd8: {  	_ =	swait.ge [sflag:s21], $0x2800  }
0xd9: {  	[sflag:s21] =	ssyncset.done $0x0  }
0xda: {  	s12 =	rddreg [dreg:$0x1c];
	[sflag:s21] =	ssyncadd.s32 $0xFFFFD800  }
0xdb: {  	[tilespmem:s20], [sflag:$0x1] =	stream.indirect.gather [hbm4b:s4+s18], $0x80, s12, s18, $0xb8;
	v63 =	vld [tilespmem:$0x0]  }
0xdc: {  	s13 =	rddreg [dreg:$0x1d]  }
0xdd: {  	[spmem:s2] =	stream.indirect.scatter.add.f32 [tilespmem:s22], [sflag:$0x3], $0x80, s13, s18, $0xb8;
	v63 =	vld [tilespmem:$0x0]  }
0xde: {  	_ =	swait.ge [sflag:s15], $0x2800  }
0xdf: {  	[sflag:s15] =	ssyncset.done $0x0  }
0xe0: {  	[sflag:s15] =	ssyncadd.s32 $0xFFFFD800  }
0xe1: {  	_ =	swait.ge [sflag:s21], $0x2800  }
0xe2: {  	[sflag:s21] =	ssyncset.done $0x0  }
0xe3: {  	s23 =	rddreg [dreg:$0x1e];
	[sflag:s21] =	ssyncadd.s32 $0xFFFFD800  }
0xe4: {  	[tilespmem:s22], [sflag:$0x1] =	stream.indirect.gather [hbm4b:s4+s18], $0x80, s23, s18, $0xb8;
	v63 =	vld [tilespmem:$0x0]  }
0xe5: {  	s24 =	rddreg [dreg:$0x1f]  }
0xe6: {  	[spmem:s2] =	stream.indirect.scatter.add.f32 [tilespmem:s14], [sflag:$0x3], $0x80, s24, s18, $0xb8;
	v63 =	vld [tilespmem:$0x0]  }
0xe7: {  	_ =	swait.ge [sflag:s15], $0x2800  }
0xe8: {  	[sflag:s15] =	ssyncset.done $0x0  }
0xe9: {  	[sflag:s15] =	ssyncadd.s32 $0xFFFFD800  }
0xea: {  	_ =	swait.ge [sflag:s21], $0x2800  }
0xeb: {  	s12 =	sld [smem:$0x7F6]  }
0xec: {  	[sflag:s21] =	ssyncset.done $0x0  }
0xed: {  	s13 =	sld [smem:$0x7F7];
	[sflag:s21] =	ssyncadd.s32 $0xFFFFD800  }
0xee: {  	[tilespmem:s14], [sflag:$0x1] =	stream.indirect.gather [hbm4b:s4+s18], $0x80, s12, s18, $0xb8;
	v63 =	vld [tilespmem:$0x0]  }
0xef: {  	_ = 	snop  }
0xf0: {  	[spmem:s2] =	stream.indirect.scatter.add.f32 [tilespmem:s19], [sflag:$0x3], $0x80, s13, s18, $0xb8;
	v63 =	vld [tilespmem:$0x0]  }
0xf1: {  	_ =	swait.ge [sflag:s15], $0x2800  }
0xf2: {  	[sflag:s15] =	ssyncset.done $0x0  }
0xf3: {  	[sflag:s15] =	ssyncadd.s32 $0xFFFFD800  }
0xf4: {  	_ =	swait.ge [sflag:s21], $0x2800  }
0xf5: {  	s23 =	sld [smem:$0x7F8]  }
0xf6: {  	[sflag:s21] =	ssyncset.done $0x0  }
0xf7: {  	s24 =	sld [smem:$0x7F9];
	[sflag:s21] =	ssyncadd.s32 $0xFFFFD800  }
0xf8: {  	[tilespmem:s19], [sflag:$0x1] =	stream.indirect.gather [hbm4b:s4+s18], $0x80, s23, s18, $0xb8;
	v63 =	vld [tilespmem:$0x0]  }
0xf9: {  	_ = 	snop  }
0xfa: {  	[spmem:s2] =	stream.indirect.scatter.add.f32 [tilespmem:s20], [sflag:$0x3], $0x80, s24, s18, $0xb8;
	v63 =	vld [tilespmem:$0x0]  }
0xfb: {  	_ =	swait.ge [sflag:s15], $0x2800  }
0xfc: {  	[sflag:s15] =	ssyncset.done $0x0  }
0xfd: {  	[sflag:s15] =	ssyncadd.s32 $0xFFFFD800  }
0xfe: {  	_ =	swait.ge [sflag:s21], $0x2800  }
0xff: {  	s13 =	sld [smem:$0x7FA]  }
0x100: {  	[sflag:s21] =	ssyncset.done $0x0  }
0x101: {  	s23 =	sld [smem:$0x7FB];
	[sflag:s21] =	ssyncadd.s32 $0xFFFFD800  }
0x102: {  	[tilespmem:s20], [sflag:$0x1] =	stream.indirect.gather [hbm4b:s4+s18], $0x80, s13, s18, $0xb8;
	v63 =	vld [tilespmem:$0x0]  }
0x103: {  	_ = 	snop  }
0x104: {  	[spmem:s2] =	stream.indirect.scatter.add.f32 [tilespmem:s22], [sflag:$0x3], $0x80, s23, s18, $0xb8;
	v63 =	vld [tilespmem:$0x0]  }
0x105: {  	_ =	swait.ge [sflag:s15], $0x2800  }
0x106: {  	[sflag:s15] =	ssyncset.done $0x0  }
0x107: {  	[sflag:s15] =	ssyncadd.s32 $0xFFFFD800  }
0x108: {  	_ =	swait.ge [sflag:s21], $0x2800  }
0x109: {  	[sflag:s21] =	ssyncset.done $0x0  }
0x10a: {  	s24 =	simm.s32 $0x980;
	[sflag:s21] =	ssyncadd.s32 $0xFFFFD800  }
0x10b: {  	[tilespmem:s22], [sflag:$0x1] =	stream.indirect.gather [hbm4b:s4+s18], $0x80, s24, s18, $0xb8;
	v63 =	vld [tilespmem:$0x0]  }
0x10c: {  	_ = 	snop  }
0x10d: {  	[spmem:s2] =	stream.indirect.scatter.add.f32 [tilespmem:s14], [sflag:$0x3], $0x80, s25, s18, $0xb8;
	v63 =	vld [tilespmem:$0x0]  }
0x10e: {  	_ =	swait.ge [sflag:s15], $0x2800  }
0x10f: {  	[sflag:s15] =	ssyncset.done $0x0  }
0x110: {  	[sflag:s15] =	ssyncadd.s32 $0xFFFFD800  }
0x111: {  	_ =	swait.ge [sflag:s21], $0x2800  }
0x112: {  	[sflag:s21] =	ssyncset.done $0x0  }
0x113: {  	[sflag:s21] =	ssyncadd.s32 $0xFFFFD800  }
0x114: {  	[tilespmem:s14], [sflag:$0x1] =	stream.indirect.gather [hbm4b:s4+s18], $0x80, s26, s18, $0xb8;
	v63 =	vld [tilespmem:$0x0]  }
0x115: {  	_ = 	snop  }
0x116: {  	[spmem:s2] =	stream.indirect.scatter.add.f32 [tilespmem:s19], [sflag:$0x3], $0x80, s28, s18, $0xb8;
	v63 =	vld [tilespmem:$0x0]  }
0x117: {  	_ =	swait.ge [sflag:s15], $0x2800  }
0x118: {  	[sflag:s15] =	ssyncset.done $0x0  }
0x119: {  	[sflag:s15] =	ssyncadd.s32 $0xFFFFD800  }
0x11a: {  	_ =	swait.ge [sflag:s21], $0x2800  }
0x11b: {  	[sflag:s21] =	ssyncset.done $0x0  }
0x11c: {  	[sflag:s21] =	ssyncadd.s32 $0xFFFFD800  }
0x11d: {  	[tilespmem:s19], [sflag:$0x1] =	stream.indirect.gather [hbm4b:s4+s18], $0x80, s29, s18, $0xb8;
	v63 =	vld [tilespmem:$0x0]  }
0x11e: {  	_ = 	snop  }
0x11f: {  	[spmem:s2] =	stream.indirect.scatter.add.f32 [tilespmem:s20], [sflag:$0x3], $0x80, s30, s18, $0xb8;
	v63 =	vld [tilespmem:$0x0]  }
0x120: {  	_ =	swait.ge [sflag:s15], $0x2800  }
0x121: {  	[sflag:s15] =	ssyncset.done $0x0  }
0x122: {  	[sflag:s15] =	ssyncadd.s32 $0xFFFFD800  }
0x123: {  	_ =	swait.ge [sflag:s21], $0x2800  }
0x124: {  	[sflag:s21] =	ssyncset.done $0x0  }
0x125: {  	[sflag:s21] =	ssyncadd.s32 $0xFFFFD800  }
0x126: {  	[tilespmem:s20], [sflag:$0x1] =	stream.indirect.gather [hbm4b:s4+s18], $0x80, s31, s18, $0xb8;
	v63 =	vld [tilespmem:$0x0]  }
0x127: {  	_ = 	snop  }
0x128: {  	[spmem:s2] =	stream.indirect.scatter.add.f32 [tilespmem:s22], [sflag:$0x3], $0x80, s1, s18, $0xb8;
	v63 =	vld [tilespmem:$0x0]  }
0x129: {  	_ =	swait.ge [sflag:s15], $0x2800  }
0x12a: {  	[sflag:s15] =	ssyncset.done $0x0  }
0x12b: {  	[sflag:s15] =	ssyncadd.s32 $0xFFFFD800  }
0x12c: {  	_ =	swait.ge [sflag:s21], $0x2800  }
0x12d: {  	[sflag:s21] =	ssyncset.done $0x0  }
0x12e: {  	[sflag:s21] =	ssyncadd.s32 $0xFFFFD800  }
0x12f: {  	[tilespmem:s22], [sflag:$0x1] =	stream.indirect.gather [hbm4b:s4+s18], $0x80, s0, s18, $0xb8;
	v63 =	vld [tilespmem:$0x0]  }
0x130: {  	_ = 	snop  }
0x131: {  	[spmem:s2] =	stream.indirect.scatter.add.f32 [tilespmem:s14], [sflag:$0x3], $0x80, s6, s18, $0xb8;
	v63 =	vld [tilespmem:$0x0]  }
0x132: {  	_ =	swait.ge [sflag:s15], $0x2800  }
0x133: {  	[sflag:s15] =	ssyncset.done $0x0  }
0x134: {  	[sflag:s15] =	ssyncadd.s32 $0xFFFFD800  }
0x135: {  	_ =	swait.ge [sflag:s21], $0x2800  }
0x136: {  	[sflag:s21] =	ssyncset.done $0x0  }
0x137: {  	[sflag:s21] =	ssyncadd.s32 $0xFFFFD800  }
0x138: {  	[tilespmem:s14], [sflag:$0x1] =	stream.indirect.gather [hbm4b:s4+s18], $0x80, s7, s18, $0xb8;
	v63 =	vld [tilespmem:$0x0]  }
0x139: {  	_ = 	snop  }
0x13a: {  	[spmem:s2] =	stream.indirect.scatter.add.f32 [tilespmem:s19], [sflag:$0x3], $0x80, s8, s18, $0xb8;
	v63 =	vld [tilespmem:$0x0]  }
0x13b: {  	_ =	swait.ge [sflag:s15], $0x2800  }
0x13c: {  	[sflag:s15] =	ssyncset.done $0x0  }
0x13d: {  	[sflag:s15] =	ssyncadd.s32 $0xFFFFD800  }
0x13e: {  	_ =	swait.ge [sflag:s21], $0x2800  }
0x13f: {  	[sflag:s21] =	ssyncset.done $0x0  }
0x140: {  	[sflag:s21] =	ssyncadd.s32 $0xFFFFD800  }
0x141: {  	[spmem:s2] =	stream.indirect.scatter.add.f32 [tilespmem:s20], [sflag:$0x3], $0x80, s9, s18, $0xb8;
	v63 =	vld [tilespmem:$0x0]  }
0x142: {  	_ =	swait.ge [sflag:s15], $0x2800  }
0x143: {  	[sflag:s15] =	ssyncset.done $0x0  }
0x144: {  	[sflag:s15] =	ssyncadd.s32 $0xFFFFD800  }
0x145: {  	_ =	swait.ge [sflag:s21], $0x2800  }
0x146: {  	[sflag:s21] =	ssyncset.done $0x0  }
0x147: {  	[sflag:s21] =	ssyncadd.s32 $0xFFFFD800  }
0x148: {  	[spmem:s2] =	stream.indirect.scatter.add.f32 [tilespmem:s22], [sflag:$0x3], $0x80, s10, s18, $0xb8;
	v63 =	vld [tilespmem:$0x0]  }
0x149: {  	_ =	swait.ge [sflag:s15], $0x2800  }
0x14a: {  	[sflag:s15] =	ssyncset.done $0x0  }
0x14b: {  	[sflag:s15] =	ssyncadd.s32 $0xFFFFD800  }
0x14c: {  	_ =	swait.ge [sflag:s21], $0x2800  }
0x14d: {  	[sflag:s21] =	ssyncset.done $0x0  }
0x14e: {  	[sflag:s21] =	ssyncadd.s32 $0xFFFFD800  }
0x14f: {  	[spmem:s2] =	stream.indirect.scatter.add.f32 [tilespmem:s14], [sflag:$0x3], $0x80, s11, s18, $0xb8;
	v63 =	vld [tilespmem:$0x0]  }
0x150: {  	s13 =	simm.s32 $0x200;
	_ =	swait.ge [sflag:s15], $0x2800  }
0x151: {  	s24 =	simm.s32 $0x400;
	s5 =	rddreg [dreg:$0x3];
	[sflag:s15] =	ssyncset.done $0x0  }
.LBB2_4:
0x152: {  	[sflag:s15] =	ssyncadd.s32 $0xFFFFD800;
	s23 =	rddreg [dreg:$0x4];
	s5 =	sadd.s32 s13, s5  }
0x153: {  	[tilespmem:s3], [sflag:$0x2] =	stream.linear.gather [hbm4b:s5+s3], $0xC80, $0x38;
	v63 =	vld [tilespmem:$0x0]  }
0x154: {  	s5 =	sadd.s32 s13, s23  }
0x155: {  	[tilespmem:s16], [sflag:$0x2] =	stream.linear.gather [hbm4b:s5+s3], $0xC80, $0x38;
	v63 =	vld [tilespmem:$0x0]  }
0x156: {  	_ =	swait.ge [sflag:s17], $0xC80  }
0x157: {  	[sflag:s17] =	ssyncset.done $0x0  }
0x158: {  	[sflag:s17] =	ssyncadd.s32 $0xFFFFF380  }
0x159: {  	[tilespmem:s14], [sflag:$0x1] =	stream.indirect.gather [hbm4b:s4+s18], $0x80, s3, s18, $0xb8;
	v63 =	vld [tilespmem:$0x0]  }
0x15a: {  	s12 =	smov.u32 s24;
	s5 =	rddreg [dreg:$0x5]  }
0x15b: {  	[tilespmem:s19], [sflag:$0x1] =	stream.indirect.gather [hbm4b:s4+s18], $0x80, s5, s18, $0xb8;
	v63 =	vld [tilespmem:$0x0]  }
0x15c: {  	s13 =	smov.u32 s12;
	s12 =	rddreg [dreg:$0x6]  }
0x15d: {  	[tilespmem:s20], [sflag:$0x1] =	stream.indirect.gather [hbm4b:s4+s18], $0x80, s12, s18, $0xb8;
	v63 =	vld [tilespmem:$0x0]  }
0x15e: {  	_ =	swait.ge [sflag:s17], $0xC80  }
0x15f: {  	[sflag:s17] =	ssyncset.done $0x0  }
0x160: {  	[sflag:s17] =	ssyncadd.s32 $0xFFFFF380  }
0x161: {  	_ =	swait.ge [sflag:s21], $0x2800  }
0x162: {  	[sflag:s21] =	ssyncset.done $0x0  }
0x163: {  	s12 =	rddreg [dreg:$0x7];
	[sflag:s21] =	ssyncadd.s32 $0xFFFFD800  }
0x164: {  	[tilespmem:s22], [sflag:$0x1] =	stream.indirect.gather [hbm4b:s4+s18], $0x80, s12, s18, $0xb8;
	v63 =	vld [tilespmem:$0x0]  }
0x165: {  	_ = 	snop  }
0x166: {  	[spmem:s2] =	stream.indirect.scatter.add.f32 [tilespmem:s14], [sflag:$0x3], $0x80, s16, s18, $0xb8;
	v63 =	vld [tilespmem:$0x0]  }
0x167: {  	_ =	swait.ge [sflag:s15], $0x2800  }
0x168: {  	[sflag:s15] =	ssyncset.done $0x0  }
0x169: {  	[sflag:s15] =	ssyncadd.s32 $0xFFFFD800  }
0x16a: {  	_ =	swait.ge [sflag:s21], $0x2800  }
0x16b: {  	[sflag:s21] =	ssyncset.done $0x0  }
0x16c: {  	s5 =	rddreg [dreg:$0x8];
	[sflag:s21] =	ssyncadd.s32 $0xFFFFD800  }
0x16d: {  	[tilespmem:s14], [sflag:$0x1] =	stream.indirect.gather [hbm4b:s4+s18], $0x80, s5, s18, $0xb8;
	v63 =	vld [tilespmem:$0x0]  }
0x16e: {  	s12 =	rddreg [dreg:$0x9]  }
0x16f: {  	[spmem:s2] =	stream.indirect.scatter.add.f32 [tilespmem:s19], [sflag:$0x3], $0x80, s12, s18, $0xb8;
	v63 =	vld [tilespmem:$0x0]  }
0x170: {  	_ =	swait.ge [sflag:s15], $0x2800  }
0x171: {  	[sflag:s15] =	ssyncset.done $0x0  }
0x172: {  	[sflag:s15] =	ssyncadd.s32 $0xFFFFD800  }
0x173: {  	_ =	swait.ge [sflag:s21], $0x2800  }
0x174: {  	[sflag:s21] =	ssyncset.done $0x0  }
0x175: {  	s5 =	rddreg [dreg:$0xa];
	[sflag:s21] =	ssyncadd.s32 $0xFFFFD800  }
0x176: {  	[tilespmem:s19], [sflag:$0x1] =	stream.indirect.gather [hbm4b:s4+s18], $0x80, s5, s18, $0xb8;
	v63 =	vld [tilespmem:$0x0]  }
0x177: {  	s12 =	rddreg [dreg:$0xb]  }
0x178: {  	[spmem:s2] =	stream.indirect.scatter.add.f32 [tilespmem:s20], [sflag:$0x3], $0x80, s12, s18, $0xb8;
	v63 =	vld [tilespmem:$0x0]  }
0x179: {  	_ =	swait.ge [sflag:s15], $0x2800  }
0x17a: {  	[sflag:s15] =	ssyncset.done $0x0  }
0x17b: {  	[sflag:s15] =	ssyncadd.s32 $0xFFFFD800  }
0x17c: {  	_ =	swait.ge [sflag:s21], $0x2800  }
0x17d: {  	[sflag:s21] =	ssyncset.done $0x0  }
0x17e: {  	s5 =	rddreg [dreg:$0xc];
	[sflag:s21] =	ssyncadd.s32 $0xFFFFD800  }
0x17f: {  	[tilespmem:s20], [sflag:$0x1] =	stream.indirect.gather [hbm4b:s4+s18], $0x80, s5, s18, $0xb8;
	v63 =	vld [tilespmem:$0x0]  }
0x180: {  	s12 =	rddreg [dreg:$0xd]  }
0x181: {  	[spmem:s2] =	stream.indirect.scatter.add.f32 [tilespmem:s22], [sflag:$0x3], $0x80, s12, s18, $0xb8;
	v63 =	vld [tilespmem:$0x0]  }
0x182: {  	_ =	swait.ge [sflag:s15], $0x2800  }
0x183: {  	[sflag:s15] =	ssyncset.done $0x0  }
0x184: {  	[sflag:s15] =	ssyncadd.s32 $0xFFFFD800  }
0x185: {  	_ =	swait.ge [sflag:s21], $0x2800  }
0x186: {  	[sflag:s21] =	ssyncset.done $0x0  }
0x187: {  	s5 =	rddreg [dreg:$0xe];
	[sflag:s21] =	ssyncadd.s32 $0xFFFFD800  }
0x188: {  	[tilespmem:s22], [sflag:$0x1] =	stream.indirect.gather [hbm4b:s4+s18], $0x80, s5, s18, $0xb8;
	v63 =	vld [tilespmem:$0x0]  }
0x189: {  	s12 =	rddreg [dreg:$0xf]  }
0x18a: {  	[spmem:s2] =	stream.indirect.scatter.add.f32 [tilespmem:s14], [sflag:$0x3], $0x80, s12, s18, $0xb8;
	v63 =	vld [tilespmem:$0x0]  }
0x18b: {  	_ =	swait.ge [sflag:s15], $0x2800  }
0x18c: {  	[sflag:s15] =	ssyncset.done $0x0  }
0x18d: {  	[sflag:s15] =	ssyncadd.s32 $0xFFFFD800  }
0x18e: {  	_ =	swait.ge [sflag:s21], $0x2800  }
0x18f: {  	[sflag:s21] =	ssyncset.done $0x0  }
0x190: {  	s5 =	rddreg [dreg:$0x10];
	[sflag:s21] =	ssyncadd.s32 $0xFFFFD800  }
0x191: {  	[tilespmem:s14], [sflag:$0x1] =	stream.indirect.gather [hbm4b:s4+s18], $0x80, s5, s18, $0xb8;
	v63 =	vld [tilespmem:$0x0]  }
0x192: {  	s12 =	rddreg [dreg:$0x11]  }
0x193: {  	[spmem:s2] =	stream.indirect.scatter.add.f32 [tilespmem:s19], [sflag:$0x3], $0x80, s12, s18, $0xb8;
	v63 =	vld [tilespmem:$0x0]  }
0x194: {  	_ =	swait.ge [sflag:s15], $0x2800  }
0x195: {  	[sflag:s15] =	ssyncset.done $0x0  }
0x196: {  	[sflag:s15] =	ssyncadd.s32 $0xFFFFD800  }
0x197: {  	_ =	swait.ge [sflag:s21], $0x2800  }
0x198: {  	[sflag:s21] =	ssyncset.done $0x0  }
0x199: {  	s5 =	rddreg [dreg:$0x12];
	[sflag:s21] =	ssyncadd.s32 $0xFFFFD800  }
0x19a: {  	[tilespmem:s19], [sflag:$0x1] =	stream.indirect.gather [hbm4b:s4+s18], $0x80, s5, s18, $0xb8;
	v63 =	vld [tilespmem:$0x0]  }
0x19b: {  	s12 =	rddreg [dreg:$0x13]  }
0x19c: {  	[spmem:s2] =	stream.indirect.scatter.add.f32 [tilespmem:s20], [sflag:$0x3], $0x80, s12, s18, $0xb8;
	v63 =	vld [tilespmem:$0x0]  }
0x19d: {  	_ =	swait.ge [sflag:s15], $0x2800  }
0x19e: {  	[sflag:s15] =	ssyncset.done $0x0  }
0x19f: {  	[sflag:s15] =	ssyncadd.s32 $0xFFFFD800  }
0x1a0: {  	_ =	swait.ge [sflag:s21], $0x2800  }
0x1a1: {  	[sflag:s21] =	ssyncset.done $0x0  }
0x1a2: {  	s5 =	rddreg [dreg:$0x14];
	[sflag:s21] =	ssyncadd.s32 $0xFFFFD800  }
0x1a3: {  	[tilespmem:s20], [sflag:$0x1] =	stream.indirect.gather [hbm4b:s4+s18], $0x80, s5, s18, $0xb8;
	v63 =	vld [tilespmem:$0x0]  }
0x1a4: {  	s12 =	rddreg [dreg:$0x15]  }
0x1a5: {  	[spmem:s2] =	stream.indirect.scatter.add.f32 [tilespmem:s22], [sflag:$0x3], $0x80, s12, s18, $0xb8;
	v63 =	vld [tilespmem:$0x0]  }
0x1a6: {  	_ =	swait.ge [sflag:s15], $0x2800  }
0x1a7: {  	[sflag:s15] =	ssyncset.done $0x0  }
0x1a8: {  	[sflag:s15] =	ssyncadd.s32 $0xFFFFD800  }
0x1a9: {  	_ =	swait.ge [sflag:s21], $0x2800  }
0x1aa: {  	[sflag:s21] =	ssyncset.done $0x0  }
0x1ab: {  	s5 =	rddreg [dreg:$0x16];
	[sflag:s21] =	ssyncadd.s32 $0xFFFFD800  }
0x1ac: {  	[tilespmem:s22], [sflag:$0x1] =	stream.indirect.gather [hbm4b:s4+s18], $0x80, s5, s18, $0xb8;
	v63 =	vld [tilespmem:$0x0]  }
0x1ad: {  	s12 =	rddreg [dreg:$0x17]  }
0x1ae: {  	[spmem:s2] =	stream.indirect.scatter.add.f32 [tilespmem:s14], [sflag:$0x3], $0x80, s12, s18, $0xb8;
	v63 =	vld [tilespmem:$0x0]  }
0x1af: {  	_ =	swait.ge [sflag:s15], $0x2800  }
0x1b0: {  	[sflag:s15] =	ssyncset.done $0x0  }
0x1b1: {  	[sflag:s15] =	ssyncadd.s32 $0xFFFFD800  }
0x1b2: {  	_ =	swait.ge [sflag:s21], $0x2800  }
0x1b3: {  	[sflag:s21] =	ssyncset.done $0x0  }
0x1b4: {  	s5 =	rddreg [dreg:$0x18];
	[sflag:s21] =	ssyncadd.s32 $0xFFFFD800  }
0x1b5: {  	[tilespmem:s14], [sflag:$0x1] =	stream.indirect.gather [hbm4b:s4+s18], $0x80, s5, s18, $0xb8;
	v63 =	vld [tilespmem:$0x0]  }
0x1b6: {  	s12 =	rddreg [dreg:$0x19]  }
0x1b7: {  	[spmem:s2] =	stream.indirect.scatter.add.f32 [tilespmem:s19], [sflag:$0x3], $0x80, s12, s18, $0xb8;
	v63 =	vld [tilespmem:$0x0]  }
0x1b8: {  	_ =	swait.ge [sflag:s15], $0x2800  }
0x1b9: {  	[sflag:s15] =	ssyncset.done $0x0  }
0x1ba: {  	[sflag:s15] =	ssyncadd.s32 $0xFFFFD800  }
0x1bb: {  	_ =	swait.ge [sflag:s21], $0x2800  }
0x1bc: {  	[sflag:s21] =	ssyncset.done $0x0  }
0x1bd: {  	s5 =	rddreg [dreg:$0x1a];
	[sflag:s21] =	ssyncadd.s32 $0xFFFFD800  }
0x1be: {  	[tilespmem:s19], [sflag:$0x1] =	stream.indirect.gather [hbm4b:s4+s18], $0x80, s5, s18, $0xb8;
	v63 =	vld [tilespmem:$0x0]  }
0x1bf: {  	s12 =	rddreg [dreg:$0x1b]  }
0x1c0: {  	[spmem:s2] =	stream.indirect.scatter.add.f32 [tilespmem:s20], [sflag:$0x3], $0x80, s12, s18, $0xb8;
	v63 =	vld [tilespmem:$0x0]  }
0x1c1: {  	_ =	swait.ge [sflag:s15], $0x2800  }
0x1c2: {  	[sflag:s15] =	ssyncset.done $0x0  }
0x1c3: {  	[sflag:s15] =	ssyncadd.s32 $0xFFFFD800  }
0x1c4: {  	_ =	swait.ge [sflag:s21], $0x2800  }
0x1c5: {  	[sflag:s21] =	ssyncset.done $0x0  }
0x1c6: {  	s5 =	rddreg [dreg:$0x1c];
	[sflag:s21] =	ssyncadd.s32 $0xFFFFD800  }
0x1c7: {  	[tilespmem:s20], [sflag:$0x1] =	stream.indirect.gather [hbm4b:s4+s18], $0x80, s5, s18, $0xb8;
	v63 =	vld [tilespmem:$0x0]  }
0x1c8: {  	s12 =	rddreg [dreg:$0x1d]  }
0x1c9: {  	[spmem:s2] =	stream.indirect.scatter.add.f32 [tilespmem:s22], [sflag:$0x3], $0x80, s12, s18, $0xb8;
	v63 =	vld [tilespmem:$0x0]  }
0x1ca: {  	_ =	swait.ge [sflag:s15], $0x2800  }
0x1cb: {  	[sflag:s15] =	ssyncset.done $0x0  }
0x1cc: {  	[sflag:s15] =	ssyncadd.s32 $0xFFFFD800  }
0x1cd: {  	_ =	swait.ge [sflag:s21], $0x2800  }
0x1ce: {  	[sflag:s21] =	ssyncset.done $0x0  }
0x1cf: {  	s5 =	rddreg [dreg:$0x1e];
	[sflag:s21] =	ssyncadd.s32 $0xFFFFD800  }
0x1d0: {  	[tilespmem:s22], [sflag:$0x1] =	stream.indirect.gather [hbm4b:s4+s18], $0x80, s5, s18, $0xb8;
	v63 =	vld [tilespmem:$0x0]  }
0x1d1: {  	s12 =	rddreg [dreg:$0x1f]  }
0x1d2: {  	[spmem:s2] =	stream.indirect.scatter.add.f32 [tilespmem:s14], [sflag:$0x3], $0x80, s12, s18, $0xb8;
	v63 =	vld [tilespmem:$0x0]  }
0x1d3: {  	_ =	swait.ge [sflag:s15], $0x2800  }
0x1d4: {  	[sflag:s15] =	ssyncset.done $0x0  }
0x1d5: {  	[sflag:s15] =	ssyncadd.s32 $0xFFFFD800  }
0x1d6: {  	_ =	swait.ge [sflag:s21], $0x2800  }
0x1d7: {  	s5 =	sld [smem:$0x7F6]  }
0x1d8: {  	[sflag:s21] =	ssyncset.done $0x0  }
0x1d9: {  	s12 =	sld [smem:$0x7F7];
	[sflag:s21] =	ssyncadd.s32 $0xFFFFD800  }
0x1da: {  	[tilespmem:s14], [sflag:$0x1] =	stream.indirect.gather [hbm4b:s4+s18], $0x80, s5, s18, $0xb8;
	v63 =	vld [tilespmem:$0x0]  }
0x1db: {  	_ = 	snop  }
0x1dc: {  	[spmem:s2] =	stream.indirect.scatter.add.f32 [tilespmem:s19], [sflag:$0x3], $0x80, s12, s18, $0xb8;
	v63 =	vld [tilespmem:$0x0]  }
0x1dd: {  	_ =	swait.ge [sflag:s15], $0x2800  }
0x1de: {  	[sflag:s15] =	ssyncset.done $0x0  }
0x1df: {  	[sflag:s15] =	ssyncadd.s32 $0xFFFFD800  }
0x1e0: {  	_ =	swait.ge [sflag:s21], $0x2800  }
0x1e1: {  	s5 =	sld [smem:$0x7F8]  }
0x1e2: {  	[sflag:s21] =	ssyncset.done $0x0  }
0x1e3: {  	s12 =	sld [smem:$0x7F9];
	[sflag:s21] =	ssyncadd.s32 $0xFFFFD800  }
0x1e4: {  	[tilespmem:s19], [sflag:$0x1] =	stream.indirect.gather [hbm4b:s4+s18], $0x80, s5, s18, $0xb8;
	v63 =	vld [tilespmem:$0x0]  }
0x1e5: {  	_ = 	snop  }
0x1e6: {  	[spmem:s2] =	stream.indirect.scatter.add.f32 [tilespmem:s20], [sflag:$0x3], $0x80, s12, s18, $0xb8;
	v63 =	vld [tilespmem:$0x0]  }
0x1e7: {  	_ =	swait.ge [sflag:s15], $0x2800  }
0x1e8: {  	[sflag:s15] =	ssyncset.done $0x0  }
0x1e9: {  	[sflag:s15] =	ssyncadd.s32 $0xFFFFD800  }
0x1ea: {  	_ =	swait.ge [sflag:s21], $0x2800  }
0x1eb: {  	s5 =	sld [smem:$0x7FA]  }
0x1ec: {  	[sflag:s21] =	ssyncset.done $0x0  }
0x1ed: {  	s12 =	sld [smem:$0x7FB];
	[sflag:s21] =	ssyncadd.s32 $0xFFFFD800  }
0x1ee: {  	[tilespmem:s20], [sflag:$0x1] =	stream.indirect.gather [hbm4b:s4+s18], $0x80, s5, s18, $0xb8;
	v63 =	vld [tilespmem:$0x0]  }
0x1ef: {  	_ = 	snop  }
0x1f0: {  	[spmem:s2] =	stream.indirect.scatter.add.f32 [tilespmem:s22], [sflag:$0x3], $0x80, s12, s18, $0xb8;
	v63 =	vld [tilespmem:$0x0]  }
0x1f1: {  	_ =	swait.ge [sflag:s15], $0x2800  }
0x1f2: {  	[sflag:s15] =	ssyncset.done $0x0  }
0x1f3: {  	[sflag:s15] =	ssyncadd.s32 $0xFFFFD800  }
0x1f4: {  	_ =	swait.ge [sflag:s21], $0x2800  }
0x1f5: {  	[sflag:s21] =	ssyncset.done $0x0  }
0x1f6: {  	s23 =	simm.s32 $0x980;
	[sflag:s21] =	ssyncadd.s32 $0xFFFFD800  }
0x1f7: {  	[tilespmem:s22], [sflag:$0x1] =	stream.indirect.gather [hbm4b:s4+s18], $0x80, s23, s18, $0xb8;
	v63 =	vld [tilespmem:$0x0]  }
0x1f8: {  	_ = 	snop  }
0x1f9: {  	[spmem:s2] =	stream.indirect.scatter.add.f32 [tilespmem:s14], [sflag:$0x3], $0x80, s25, s18, $0xb8;
	v63 =	vld [tilespmem:$0x0]  }
0x1fa: {  	_ =	swait.ge [sflag:s15], $0x2800  }
0x1fb: {  	[sflag:s15] =	ssyncset.done $0x0  }
0x1fc: {  	[sflag:s15] =	ssyncadd.s32 $0xFFFFD800  }
0x1fd: {  	_ =	swait.ge [sflag:s21], $0x2800  }
0x1fe: {  	[sflag:s21] =	ssyncset.done $0x0  }
0x1ff: {  	[sflag:s21] =	ssyncadd.s32 $0xFFFFD800  }
0x200: {  	[tilespmem:s14], [sflag:$0x1] =	stream.indirect.gather [hbm4b:s4+s18], $0x80, s26, s18, $0xb8;
	v63 =	vld [tilespmem:$0x0]  }
0x201: {  	_ = 	snop  }
0x202: {  	[spmem:s2] =	stream.indirect.scatter.add.f32 [tilespmem:s19], [sflag:$0x3], $0x80, s28, s18, $0xb8;
	v63 =	vld [tilespmem:$0x0]  }
0x203: {  	_ =	swait.ge [sflag:s15], $0x2800  }
0x204: {  	[sflag:s15] =	ssyncset.done $0x0  }
0x205: {  	[sflag:s15] =	ssyncadd.s32 $0xFFFFD800  }
0x206: {  	_ =	swait.ge [sflag:s21], $0x2800  }
0x207: {  	[sflag:s21] =	ssyncset.done $0x0  }
0x208: {  	[sflag:s21] =	ssyncadd.s32 $0xFFFFD800  }
0x209: {  	[tilespmem:s19], [sflag:$0x1] =	stream.indirect.gather [hbm4b:s4+s18], $0x80, s29, s18, $0xb8;
	v63 =	vld [tilespmem:$0x0]  }
0x20a: {  	_ = 	snop  }
0x20b: {  	[spmem:s2] =	stream.indirect.scatter.add.f32 [tilespmem:s20], [sflag:$0x3], $0x80, s30, s18, $0xb8;
	v63 =	vld [tilespmem:$0x0]  }
0x20c: {  	_ =	swait.ge [sflag:s15], $0x2800  }
0x20d: {  	[sflag:s15] =	ssyncset.done $0x0  }
0x20e: {  	[sflag:s15] =	ssyncadd.s32 $0xFFFFD800  }
0x20f: {  	_ =	swait.ge [sflag:s21], $0x2800  }
0x210: {  	[sflag:s21] =	ssyncset.done $0x0  }
0x211: {  	[sflag:s21] =	ssyncadd.s32 $0xFFFFD800  }
0x212: {  	[tilespmem:s20], [sflag:$0x1] =	stream.indirect.gather [hbm4b:s4+s18], $0x80, s31, s18, $0xb8;
	v63 =	vld [tilespmem:$0x0]  }
0x213: {  	_ = 	snop  }
0x214: {  	[spmem:s2] =	stream.indirect.scatter.add.f32 [tilespmem:s22], [sflag:$0x3], $0x80, s1, s18, $0xb8;
	v63 =	vld [tilespmem:$0x0]  }
0x215: {  	_ =	swait.ge [sflag:s15], $0x2800  }
0x216: {  	[sflag:s15] =	ssyncset.done $0x0  }
0x217: {  	[sflag:s15] =	ssyncadd.s32 $0xFFFFD800  }
0x218: {  	_ =	swait.ge [sflag:s21], $0x2800  }
0x219: {  	[sflag:s21] =	ssyncset.done $0x0  }
0x21a: {  	[sflag:s21] =	ssyncadd.s32 $0xFFFFD800  }
0x21b: {  	[tilespmem:s22], [sflag:$0x1] =	stream.indirect.gather [hbm4b:s4+s18], $0x80, s0, s18, $0xb8;
	v63 =	vld [tilespmem:$0x0]  }
0x21c: {  	_ = 	snop  }
0x21d: {  	[spmem:s2] =	stream.indirect.scatter.add.f32 [tilespmem:s14], [sflag:$0x3], $0x80, s6, s18, $0xb8;
	v63 =	vld [tilespmem:$0x0]  }
0x21e: {  	_ =	swait.ge [sflag:s15], $0x2800  }
0x21f: {  	[sflag:s15] =	ssyncset.done $0x0  }
0x220: {  	[sflag:s15] =	ssyncadd.s32 $0xFFFFD800  }
0x221: {  	_ =	swait.ge [sflag:s21], $0x2800  }
0x222: {  	[sflag:s21] =	ssyncset.done $0x0  }
0x223: {  	[sflag:s21] =	ssyncadd.s32 $0xFFFFD800  }
0x224: {  	[tilespmem:s14], [sflag:$0x1] =	stream.indirect.gather [hbm4b:s4+s18], $0x80, s7, s18, $0xb8;
	v63 =	vld [tilespmem:$0x0]  }
0x225: {  	_ = 	snop  }
0x226: {  	[spmem:s2] =	stream.indirect.scatter.add.f32 [tilespmem:s19], [sflag:$0x3], $0x80, s8, s18, $0xb8;
	v63 =	vld [tilespmem:$0x0]  }
0x227: {  	_ =	swait.ge [sflag:s15], $0x2800  }
0x228: {  	[sflag:s15] =	ssyncset.done $0x0  }
0x229: {  	[sflag:s15] =	ssyncadd.s32 $0xFFFFD800  }
0x22a: {  	_ =	swait.ge [sflag:s21], $0x2800  }
0x22b: {  	[sflag:s21] =	ssyncset.done $0x0  }
0x22c: {  	[sflag:s21] =	ssyncadd.s32 $0xFFFFD800  }
0x22d: {  	[spmem:s2] =	stream.indirect.scatter.add.f32 [tilespmem:s20], [sflag:$0x3], $0x80, s9, s18, $0xb8;
	v63 =	vld [tilespmem:$0x0]  }
0x22e: {  	_ =	swait.ge [sflag:s15], $0x2800  }
0x22f: {  	[sflag:s15] =	ssyncset.done $0x0  }
0x230: {  	[sflag:s15] =	ssyncadd.s32 $0xFFFFD800  }
0x231: {  	_ =	swait.ge [sflag:s21], $0x2800  }
0x232: {  	[sflag:s21] =	ssyncset.done $0x0  }
0x233: {  	[sflag:s21] =	ssyncadd.s32 $0xFFFFD800  }
0x234: {  	[spmem:s2] =	stream.indirect.scatter.add.f32 [tilespmem:s22], [sflag:$0x3], $0x80, s10, s18, $0xb8;
	v63 =	vld [tilespmem:$0x0]  }
0x235: {  	_ =	swait.ge [sflag:s15], $0x2800  }
0x236: {  	[sflag:s15] =	ssyncset.done $0x0  }
0x237: {  	[sflag:s15] =	ssyncadd.s32 $0xFFFFD800  }
0x238: {  	p0 =	sne.s32 s24, $0x800;
	_ =	swait.ge [sflag:s21], $0x2800  }
.Ltmp1:
0x239: {  	[sflag:s21] =	ssyncset.done $0x0;
	(pc) =	sbr.rel @p0 .LBB2_4-.Ltmp1, $4  }
0x23a: {  	[sflag:s21] =	ssyncadd.s32 $0xFFFFD800  }
0x23b: {  	[spmem:s2] =	stream.indirect.scatter.add.f32 [tilespmem:s14], [sflag:$0x3], $0x80, s11, s18, $0xb8;
	v63 =	vld [tilespmem:$0x0]  }
0x23c: {  	_ =	swait.ge [sflag:s15], $0x2800  }
0x23d: {  	s24 =	sadd.s32 $0x200, s24;
	s5 =	rddreg [dreg:$0x3];
	[sflag:s15] =	ssyncset.done $0x0  }
0x23e: {  	s12 =	rddreg [dreg:$0x4];
	[sflag:s15] =	ssyncadd.s32 $0xFFFFD800;
	s5 =	sadd.s32 s13, s5  }
0x23f: {  	[tilespmem:s3], [sflag:$0x2] =	stream.linear.gather [hbm4b:s5+s3], $0xC80, $0x38;
	v63 =	vld [tilespmem:$0x0]  }
0x240: {  	s12 =	sadd.s32 s13, s12  }
0x241: {  	[tilespmem:s16], [sflag:$0x2] =	stream.linear.gather [hbm4b:s12+s3], $0xC80, $0x38;
	v63 =	vld [tilespmem:$0x0]  }
0x242: {  	_ =	swait.ge [sflag:s17], $0xC80  }
0x243: {  	[sflag:s17] =	ssyncset.done $0x0  }
0x244: {  	[sflag:s17] =	ssyncadd.s32 $0xFFFFF380  }
0x245: {  	[tilespmem:s14], [sflag:$0x1] =	stream.indirect.gather [hbm4b:s4+s18], $0x80, s3, s18, $0xb8;
	v63 =	vld [tilespmem:$0x0]  }
0x246: {  	s13 =	rddreg [dreg:$0x5]  }
0x247: {  	[tilespmem:s19], [sflag:$0x1] =	stream.indirect.gather [hbm4b:s4+s18], $0x80, s13, s18, $0xb8;
	v63 =	vld [tilespmem:$0x0]  }
0x248: {  	s24 =	rddreg [dreg:$0x6]  }
0x249: {  	[tilespmem:s20], [sflag:$0x1] =	stream.indirect.gather [hbm4b:s4+s18], $0x80, s24, s18, $0xb8;
	v63 =	vld [tilespmem:$0x0]  }
0x24a: {  	_ =	swait.ge [sflag:s17], $0xC80  }
0x24b: {  	[sflag:s17] =	ssyncset.done $0x0  }
0x24c: {  	[sflag:s17] =	ssyncadd.s32 $0xFFFFF380  }
0x24d: {  	_ =	swait.ge [sflag:s21], $0x2800  }
0x24e: {  	[sflag:s21] =	ssyncset.done $0x0  }
0x24f: {  	s12 =	rddreg [dreg:$0x7];
	[sflag:s21] =	ssyncadd.s32 $0xFFFFD800  }
0x250: {  	[tilespmem:s22], [sflag:$0x1] =	stream.indirect.gather [hbm4b:s4+s18], $0x80, s12, s18, $0xb8;
	v63 =	vld [tilespmem:$0x0]  }
0x251: {  	_ = 	snop  }
0x252: {  	[spmem:s2] =	stream.indirect.scatter.add.f32 [tilespmem:s14], [sflag:$0x3], $0x80, s16, s18, $0xb8;
	v63 =	vld [tilespmem:$0x0]  }
0x253: {  	_ =	swait.ge [sflag:s15], $0x2800  }
0x254: {  	[sflag:s15] =	ssyncset.done $0x0  }
0x255: {  	[sflag:s15] =	ssyncadd.s32 $0xFFFFD800  }
0x256: {  	_ =	swait.ge [sflag:s21], $0x2800  }
0x257: {  	[sflag:s21] =	ssyncset.done $0x0  }
0x258: {  	s13 =	rddreg [dreg:$0x8];
	[sflag:s21] =	ssyncadd.s32 $0xFFFFD800  }
0x259: {  	[tilespmem:s14], [sflag:$0x1] =	stream.indirect.gather [hbm4b:s4+s18], $0x80, s13, s18, $0xb8;
	v63 =	vld [tilespmem:$0x0]  }
0x25a: {  	s24 =	rddreg [dreg:$0x9]  }
0x25b: {  	[spmem:s2] =	stream.indirect.scatter.add.f32 [tilespmem:s19], [sflag:$0x3], $0x80, s24, s18, $0xb8;
	v63 =	vld [tilespmem:$0x0]  }
0x25c: {  	_ =	swait.ge [sflag:s15], $0x2800  }
0x25d: {  	[sflag:s15] =	ssyncset.done $0x0  }
0x25e: {  	[sflag:s15] =	ssyncadd.s32 $0xFFFFD800  }
0x25f: {  	_ =	swait.ge [sflag:s21], $0x2800  }
0x260: {  	[sflag:s21] =	ssyncset.done $0x0  }
0x261: {  	s13 =	rddreg [dreg:$0xa];
	[sflag:s21] =	ssyncadd.s32 $0xFFFFD800  }
0x262: {  	[tilespmem:s19], [sflag:$0x1] =	stream.indirect.gather [hbm4b:s4+s18], $0x80, s13, s18, $0xb8;
	v63 =	vld [tilespmem:$0x0]  }
0x263: {  	s24 =	rddreg [dreg:$0xb]  }
0x264: {  	[spmem:s2] =	stream.indirect.scatter.add.f32 [tilespmem:s20], [sflag:$0x3], $0x80, s24, s18, $0xb8;
	v63 =	vld [tilespmem:$0x0]  }
0x265: {  	_ =	swait.ge [sflag:s15], $0x2800  }
0x266: {  	[sflag:s15] =	ssyncset.done $0x0  }
0x267: {  	[sflag:s15] =	ssyncadd.s32 $0xFFFFD800  }
0x268: {  	_ =	swait.ge [sflag:s21], $0x2800  }
0x269: {  	[sflag:s21] =	ssyncset.done $0x0  }
0x26a: {  	s13 =	rddreg [dreg:$0xc];
	[sflag:s21] =	ssyncadd.s32 $0xFFFFD800  }
0x26b: {  	[tilespmem:s20], [sflag:$0x1] =	stream.indirect.gather [hbm4b:s4+s18], $0x80, s13, s18, $0xb8;
	v63 =	vld [tilespmem:$0x0]  }
0x26c: {  	s24 =	rddreg [dreg:$0xd]  }
0x26d: {  	[spmem:s2] =	stream.indirect.scatter.add.f32 [tilespmem:s22], [sflag:$0x3], $0x80, s24, s18, $0xb8;
	v63 =	vld [tilespmem:$0x0]  }
0x26e: {  	_ =	swait.ge [sflag:s15], $0x2800  }
0x26f: {  	[sflag:s15] =	ssyncset.done $0x0  }
0x270: {  	[sflag:s15] =	ssyncadd.s32 $0xFFFFD800  }
0x271: {  	_ =	swait.ge [sflag:s21], $0x2800  }
0x272: {  	[sflag:s21] =	ssyncset.done $0x0  }
0x273: {  	s13 =	rddreg [dreg:$0xe];
	[sflag:s21] =	ssyncadd.s32 $0xFFFFD800  }
0x274: {  	[tilespmem:s22], [sflag:$0x1] =	stream.indirect.gather [hbm4b:s4+s18], $0x80, s13, s18, $0xb8;
	v63 =	vld [tilespmem:$0x0]  }
0x275: {  	s24 =	rddreg [dreg:$0xf]  }
0x276: {  	[spmem:s2] =	stream.indirect.scatter.add.f32 [tilespmem:s14], [sflag:$0x3], $0x80, s24, s18, $0xb8;
	v63 =	vld [tilespmem:$0x0]  }
0x277: {  	_ =	swait.ge [sflag:s15], $0x2800  }
0x278: {  	[sflag:s15] =	ssyncset.done $0x0  }
0x279: {  	[sflag:s15] =	ssyncadd.s32 $0xFFFFD800  }
0x27a: {  	_ =	swait.ge [sflag:s21], $0x2800  }
0x27b: {  	[sflag:s21] =	ssyncset.done $0x0  }
0x27c: {  	s13 =	rddreg [dreg:$0x10];
	[sflag:s21] =	ssyncadd.s32 $0xFFFFD800  }
0x27d: {  	[tilespmem:s14], [sflag:$0x1] =	stream.indirect.gather [hbm4b:s4+s18], $0x80, s13, s18, $0xb8;
	v63 =	vld [tilespmem:$0x0]  }
0x27e: {  	s24 =	rddreg [dreg:$0x11]  }
0x27f: {  	[spmem:s2] =	stream.indirect.scatter.add.f32 [tilespmem:s19], [sflag:$0x3], $0x80, s24, s18, $0xb8;
	v63 =	vld [tilespmem:$0x0]  }
0x280: {  	_ =	swait.ge [sflag:s15], $0x2800  }
0x281: {  	[sflag:s15] =	ssyncset.done $0x0  }
0x282: {  	[sflag:s15] =	ssyncadd.s32 $0xFFFFD800  }
0x283: {  	_ =	swait.ge [sflag:s21], $0x2800  }
0x284: {  	[sflag:s21] =	ssyncset.done $0x0  }
0x285: {  	s13 =	rddreg [dreg:$0x12];
	[sflag:s21] =	ssyncadd.s32 $0xFFFFD800  }
0x286: {  	[tilespmem:s19], [sflag:$0x1] =	stream.indirect.gather [hbm4b:s4+s18], $0x80, s13, s18, $0xb8;
	v63 =	vld [tilespmem:$0x0]  }
0x287: {  	s24 =	rddreg [dreg:$0x13]  }
0x288: {  	[spmem:s2] =	stream.indirect.scatter.add.f32 [tilespmem:s20], [sflag:$0x3], $0x80, s24, s18, $0xb8;
	v63 =	vld [tilespmem:$0x0]  }
0x289: {  	_ =	swait.ge [sflag:s15], $0x2800  }
0x28a: {  	[sflag:s15] =	ssyncset.done $0x0  }
0x28b: {  	[sflag:s15] =	ssyncadd.s32 $0xFFFFD800  }
0x28c: {  	_ =	swait.ge [sflag:s21], $0x2800  }
0x28d: {  	[sflag:s21] =	ssyncset.done $0x0  }
0x28e: {  	s13 =	rddreg [dreg:$0x14];
	[sflag:s21] =	ssyncadd.s32 $0xFFFFD800  }
0x28f: {  	[tilespmem:s20], [sflag:$0x1] =	stream.indirect.gather [hbm4b:s4+s18], $0x80, s13, s18, $0xb8;
	v63 =	vld [tilespmem:$0x0]  }
0x290: {  	s24 =	rddreg [dreg:$0x15]  }
0x291: {  	[spmem:s2] =	stream.indirect.scatter.add.f32 [tilespmem:s22], [sflag:$0x3], $0x80, s24, s18, $0xb8;
	v63 =	vld [tilespmem:$0x0]  }
0x292: {  	_ =	swait.ge [sflag:s15], $0x2800  }
0x293: {  	[sflag:s15] =	ssyncset.done $0x0  }
0x294: {  	[sflag:s15] =	ssyncadd.s32 $0xFFFFD800  }
0x295: {  	_ =	swait.ge [sflag:s21], $0x2800  }
0x296: {  	[sflag:s21] =	ssyncset.done $0x0  }
0x297: {  	s13 =	rddreg [dreg:$0x16];
	[sflag:s21] =	ssyncadd.s32 $0xFFFFD800  }
0x298: {  	[tilespmem:s22], [sflag:$0x1] =	stream.indirect.gather [hbm4b:s4+s18], $0x80, s13, s18, $0xb8;
	v63 =	vld [tilespmem:$0x0]  }
0x299: {  	s24 =	rddreg [dreg:$0x17]  }
0x29a: {  	[spmem:s2] =	stream.indirect.scatter.add.f32 [tilespmem:s14], [sflag:$0x3], $0x80, s24, s18, $0xb8;
	v63 =	vld [tilespmem:$0x0]  }
0x29b: {  	_ =	swait.ge [sflag:s15], $0x2800  }
0x29c: {  	[sflag:s15] =	ssyncset.done $0x0  }
0x29d: {  	[sflag:s15] =	ssyncadd.s32 $0xFFFFD800  }
0x29e: {  	_ =	swait.ge [sflag:s21], $0x2800  }
0x29f: {  	[sflag:s21] =	ssyncset.done $0x0  }
0x2a0: {  	s13 =	rddreg [dreg:$0x18];
	[sflag:s21] =	ssyncadd.s32 $0xFFFFD800  }
0x2a1: {  	[tilespmem:s14], [sflag:$0x1] =	stream.indirect.gather [hbm4b:s4+s18], $0x80, s13, s18, $0xb8;
	v63 =	vld [tilespmem:$0x0]  }
0x2a2: {  	s24 =	rddreg [dreg:$0x19]  }
0x2a3: {  	[spmem:s2] =	stream.indirect.scatter.add.f32 [tilespmem:s19], [sflag:$0x3], $0x80, s24, s18, $0xb8;
	v63 =	vld [tilespmem:$0x0]  }
0x2a4: {  	_ =	swait.ge [sflag:s15], $0x2800  }
0x2a5: {  	[sflag:s15] =	ssyncset.done $0x0  }
0x2a6: {  	[sflag:s15] =	ssyncadd.s32 $0xFFFFD800  }
0x2a7: {  	_ =	swait.ge [sflag:s21], $0x2800  }
0x2a8: {  	[sflag:s21] =	ssyncset.done $0x0  }
0x2a9: {  	s13 =	rddreg [dreg:$0x1a];
	[sflag:s21] =	ssyncadd.s32 $0xFFFFD800  }
0x2aa: {  	[tilespmem:s19], [sflag:$0x1] =	stream.indirect.gather [hbm4b:s4+s18], $0x80, s13, s18, $0xb8;
	v63 =	vld [tilespmem:$0x0]  }
0x2ab: {  	s24 =	rddreg [dreg:$0x1b]  }
0x2ac: {  	[spmem:s2] =	stream.indirect.scatter.add.f32 [tilespmem:s20], [sflag:$0x3], $0x80, s24, s18, $0xb8;
	v63 =	vld [tilespmem:$0x0]  }
0x2ad: {  	_ =	swait.ge [sflag:s15], $0x2800  }
0x2ae: {  	[sflag:s15] =	ssyncset.done $0x0  }
0x2af: {  	[sflag:s15] =	ssyncadd.s32 $0xFFFFD800  }
0x2b0: {  	_ =	swait.ge [sflag:s21], $0x2800  }
0x2b1: {  	[sflag:s21] =	ssyncset.done $0x0  }
0x2b2: {  	s13 =	rddreg [dreg:$0x1c];
	[sflag:s21] =	ssyncadd.s32 $0xFFFFD800  }
0x2b3: {  	[tilespmem:s20], [sflag:$0x1] =	stream.indirect.gather [hbm4b:s4+s18], $0x80, s13, s18, $0xb8;
	v63 =	vld [tilespmem:$0x0]  }
0x2b4: {  	s24 =	rddreg [dreg:$0x1d]  }
0x2b5: {  	[spmem:s2] =	stream.indirect.scatter.add.f32 [tilespmem:s22], [sflag:$0x3], $0x80, s24, s18, $0xb8;
	v63 =	vld [tilespmem:$0x0]  }
0x2b6: {  	_ =	swait.ge [sflag:s15], $0x2800  }
0x2b7: {  	[sflag:s15] =	ssyncset.done $0x0  }
0x2b8: {  	[sflag:s15] =	ssyncadd.s32 $0xFFFFD800  }
0x2b9: {  	_ =	swait.ge [sflag:s21], $0x2800  }
0x2ba: {  	[sflag:s21] =	ssyncset.done $0x0  }
0x2bb: {  	s13 =	rddreg [dreg:$0x1e];
	[sflag:s21] =	ssyncadd.s32 $0xFFFFD800  }
0x2bc: {  	[tilespmem:s22], [sflag:$0x1] =	stream.indirect.gather [hbm4b:s4+s18], $0x80, s13, s18, $0xb8;
	v63 =	vld [tilespmem:$0x0]  }
0x2bd: {  	s24 =	rddreg [dreg:$0x1f]  }
0x2be: {  	[spmem:s2] =	stream.indirect.scatter.add.f32 [tilespmem:s14], [sflag:$0x3], $0x80, s24, s18, $0xb8;
	v63 =	vld [tilespmem:$0x0]  }
0x2bf: {  	_ =	swait.ge [sflag:s15], $0x2800  }
0x2c0: {  	[sflag:s15] =	ssyncset.done $0x0  }
0x2c1: {  	[sflag:s15] =	ssyncadd.s32 $0xFFFFD800  }
0x2c2: {  	_ =	swait.ge [sflag:s21], $0x2800  }
0x2c3: {  	s13 =	sld [smem:$0x7F6]  }
0x2c4: {  	[sflag:s21] =	ssyncset.done $0x0  }
0x2c5: {  	s24 =	sld [smem:$0x7F7];
	[sflag:s21] =	ssyncadd.s32 $0xFFFFD800  }
0x2c6: {  	[tilespmem:s14], [sflag:$0x1] =	stream.indirect.gather [hbm4b:s4+s18], $0x80, s13, s18, $0xb8;
	v63 =	vld [tilespmem:$0x0]  }
0x2c7: {  	_ = 	snop  }
0x2c8: {  	[spmem:s2] =	stream.indirect.scatter.add.f32 [tilespmem:s19], [sflag:$0x3], $0x80, s24, s18, $0xb8;
	v63 =	vld [tilespmem:$0x0]  }
0x2c9: {  	_ =	swait.ge [sflag:s15], $0x2800  }
0x2ca: {  	[sflag:s15] =	ssyncset.done $0x0  }
0x2cb: {  	[sflag:s15] =	ssyncadd.s32 $0xFFFFD800  }
0x2cc: {  	_ =	swait.ge [sflag:s21], $0x2800  }
0x2cd: {  	s13 =	sld [smem:$0x7F8]  }
0x2ce: {  	[sflag:s21] =	ssyncset.done $0x0  }
0x2cf: {  	s24 =	sld [smem:$0x7F9];
	[sflag:s21] =	ssyncadd.s32 $0xFFFFD800  }
0x2d0: {  	[tilespmem:s19], [sflag:$0x1] =	stream.indirect.gather [hbm4b:s4+s18], $0x80, s13, s18, $0xb8;
	v63 =	vld [tilespmem:$0x0]  }
0x2d1: {  	_ = 	snop  }
0x2d2: {  	[spmem:s2] =	stream.indirect.scatter.add.f32 [tilespmem:s20], [sflag:$0x3], $0x80, s24, s18, $0xb8;
	v63 =	vld [tilespmem:$0x0]  }
0x2d3: {  	_ =	swait.ge [sflag:s15], $0x2800  }
0x2d4: {  	[sflag:s15] =	ssyncset.done $0x0  }
0x2d5: {  	[sflag:s15] =	ssyncadd.s32 $0xFFFFD800  }
0x2d6: {  	_ =	swait.ge [sflag:s21], $0x2800  }
0x2d7: {  	s13 =	sld [smem:$0x7FA]  }
0x2d8: {  	[sflag:s21] =	ssyncset.done $0x0  }
0x2d9: {  	s24 =	sld [smem:$0x7FB];
	[sflag:s21] =	ssyncadd.s32 $0xFFFFD800  }
0x2da: {  	[tilespmem:s20], [sflag:$0x1] =	stream.indirect.gather [hbm4b:s4+s18], $0x80, s13, s18, $0xb8;
	v63 =	vld [tilespmem:$0x0]  }
0x2db: {  	_ = 	snop  }
0x2dc: {  	[spmem:s2] =	stream.indirect.scatter.add.f32 [tilespmem:s22], [sflag:$0x3], $0x80, s24, s18, $0xb8;
	v63 =	vld [tilespmem:$0x0]  }
0x2dd: {  	_ =	swait.ge [sflag:s15], $0x2800  }
0x2de: {  	[sflag:s15] =	ssyncset.done $0x0  }
0x2df: {  	[sflag:s15] =	ssyncadd.s32 $0xFFFFD800  }
0x2e0: {  	_ =	swait.ge [sflag:s21], $0x2800  }
0x2e1: {  	[sflag:s21] =	ssyncset.done $0x0  }
0x2e2: {  	[sflag:s21] =	ssyncadd.s32 $0xFFFFD800  }
0x2e3: {  	[tilespmem:s22], [sflag:$0x1] =	stream.indirect.gather [hbm4b:s4+s18], $0x80, s23, s18, $0xb8;
	v63 =	vld [tilespmem:$0x0]  }
0x2e4: {  	_ = 	snop  }
0x2e5: {  	[spmem:s2] =	stream.indirect.scatter.add.f32 [tilespmem:s14], [sflag:$0x3], $0x80, s25, s18, $0xb8;
	v63 =	vld [tilespmem:$0x0]  }
0x2e6: {  	_ =	swait.ge [sflag:s15], $0x2800  }
0x2e7: {  	[sflag:s15] =	ssyncset.done $0x0  }
0x2e8: {  	[sflag:s15] =	ssyncadd.s32 $0xFFFFD800  }
0x2e9: {  	_ =	swait.ge [sflag:s21], $0x2800  }
0x2ea: {  	[sflag:s21] =	ssyncset.done $0x0  }
0x2eb: {  	[sflag:s21] =	ssyncadd.s32 $0xFFFFD800  }
0x2ec: {  	[tilespmem:s14], [sflag:$0x1] =	stream.indirect.gather [hbm4b:s4+s18], $0x80, s26, s18, $0xb8;
	v63 =	vld [tilespmem:$0x0]  }
0x2ed: {  	_ = 	snop  }
0x2ee: {  	[spmem:s2] =	stream.indirect.scatter.add.f32 [tilespmem:s19], [sflag:$0x3], $0x80, s28, s18, $0xb8;
	v63 =	vld [tilespmem:$0x0]  }
0x2ef: {  	_ =	swait.ge [sflag:s15], $0x2800  }
0x2f0: {  	[sflag:s15] =	ssyncset.done $0x0  }
0x2f1: {  	[sflag:s15] =	ssyncadd.s32 $0xFFFFD800  }
0x2f2: {  	_ =	swait.ge [sflag:s21], $0x2800  }
0x2f3: {  	[sflag:s21] =	ssyncset.done $0x0  }
0x2f4: {  	[sflag:s21] =	ssyncadd.s32 $0xFFFFD800  }
0x2f5: {  	[tilespmem:s19], [sflag:$0x1] =	stream.indirect.gather [hbm4b:s4+s18], $0x80, s29, s18, $0xb8;
	v63 =	vld [tilespmem:$0x0]  }
0x2f6: {  	_ = 	snop  }
0x2f7: {  	[spmem:s2] =	stream.indirect.scatter.add.f32 [tilespmem:s20], [sflag:$0x3], $0x80, s30, s18, $0xb8;
	v63 =	vld [tilespmem:$0x0]  }
0x2f8: {  	_ =	swait.ge [sflag:s15], $0x2800  }
0x2f9: {  	[sflag:s15] =	ssyncset.done $0x0  }
0x2fa: {  	[sflag:s15] =	ssyncadd.s32 $0xFFFFD800  }
0x2fb: {  	_ =	swait.ge [sflag:s21], $0x2800  }
0x2fc: {  	[sflag:s21] =	ssyncset.done $0x0  }
0x2fd: {  	[sflag:s21] =	ssyncadd.s32 $0xFFFFD800  }
0x2fe: {  	[tilespmem:s20], [sflag:$0x1] =	stream.indirect.gather [hbm4b:s4+s18], $0x80, s31, s18, $0xb8;
	v63 =	vld [tilespmem:$0x0]  }
0x2ff: {  	_ = 	snop  }
0x300: {  	[spmem:s2] =	stream.indirect.scatter.add.f32 [tilespmem:s22], [sflag:$0x3], $0x80, s1, s18, $0xb8;
	v63 =	vld [tilespmem:$0x0]  }
0x301: {  	_ =	swait.ge [sflag:s15], $0x2800  }
0x302: {  	[sflag:s15] =	ssyncset.done $0x0  }
0x303: {  	[sflag:s15] =	ssyncadd.s32 $0xFFFFD800  }
0x304: {  	_ =	swait.ge [sflag:s21], $0x2800  }
0x305: {  	[sflag:s21] =	ssyncset.done $0x0  }
0x306: {  	[sflag:s21] =	ssyncadd.s32 $0xFFFFD800  }
0x307: {  	[tilespmem:s22], [sflag:$0x1] =	stream.indirect.gather [hbm4b:s4+s18], $0x80, s0, s18, $0xb8;
	v63 =	vld [tilespmem:$0x0]  }
0x308: {  	_ = 	snop  }
0x309: {  	[spmem:s2] =	stream.indirect.scatter.add.f32 [tilespmem:s14], [sflag:$0x3], $0x80, s6, s18, $0xb8;
	v63 =	vld [tilespmem:$0x0]  }
0x30a: {  	_ =	swait.ge [sflag:s15], $0x2800  }
0x30b: {  	[sflag:s15] =	ssyncset.done $0x0  }
0x30c: {  	[sflag:s15] =	ssyncadd.s32 $0xFFFFD800  }
0x30d: {  	_ =	swait.ge [sflag:s21], $0x2800  }
0x30e: {  	[sflag:s21] =	ssyncset.done $0x0  }
0x30f: {  	[sflag:s21] =	ssyncadd.s32 $0xFFFFD800  }
0x310: {  	[tilespmem:s14], [sflag:$0x1] =	stream.indirect.gather [hbm4b:s4+s18], $0x80, s7, s18, $0xb8;
	v63 =	vld [tilespmem:$0x0]  }
0x311: {  	_ = 	snop  }
0x312: {  	[spmem:s2] =	stream.indirect.scatter.add.f32 [tilespmem:s19], [sflag:$0x3], $0x80, s8, s18, $0xb8;
	v63 =	vld [tilespmem:$0x0]  }
0x313: {  	_ =	swait.ge [sflag:s15], $0x2800  }
0x314: {  	[sflag:s15] =	ssyncset.done $0x0  }
0x315: {  	[sflag:s15] =	ssyncadd.s32 $0xFFFFD800  }
0x316: {  	_ =	swait.ge [sflag:s21], $0x2800  }
0x317: {  	[sflag:s21] =	ssyncset.done $0x0  }
0x318: {  	[sflag:s21] =	ssyncadd.s32 $0xFFFFD800  }
0x319: {  	[spmem:s2] =	stream.indirect.scatter.add.f32 [tilespmem:s20], [sflag:$0x3], $0x80, s9, s18, $0xb8;
	v63 =	vld [tilespmem:$0x0]  }
0x31a: {  	_ =	swait.ge [sflag:s15], $0x2800  }
0x31b: {  	[sflag:s15] =	ssyncset.done $0x0  }
0x31c: {  	[sflag:s15] =	ssyncadd.s32 $0xFFFFD800  }
0x31d: {  	_ =	swait.ge [sflag:s21], $0x2800  }
0x31e: {  	[sflag:s21] =	ssyncset.done $0x0  }
0x31f: {  	[sflag:s21] =	ssyncadd.s32 $0xFFFFD800  }
0x320: {  	[spmem:s2] =	stream.indirect.scatter.add.f32 [tilespmem:s22], [sflag:$0x3], $0x80, s10, s18, $0xb8;
	v63 =	vld [tilespmem:$0x0]  }
0x321: {  	_ =	swait.ge [sflag:s15], $0x2800  }
0x322: {  	[sflag:s15] =	ssyncset.done $0x0  }
0x323: {  	[sflag:s15] =	ssyncadd.s32 $0xFFFFD800  }
0x324: {  	_ =	swait.ge [sflag:s21], $0x2800  }
0x325: {  	[sflag:s21] =	ssyncset.done $0x0  }
0x326: {  	[sflag:s21] =	ssyncadd.s32 $0xFFFFD800  }
0x327: {  	[spmem:s2] =	stream.indirect.scatter.add.f32 [tilespmem:s14], [sflag:$0x3], $0x80, s11, s18, $0xb8;
	v63 =	vld [tilespmem:$0x0]  }
0x328: {  	_ =	swait.ge [sflag:s15], $0x2800  }
0x329: {  	[sflag:s15] =	ssyncset.done $0x0  }
0x32a: {  	[sflag:s15] =	ssyncadd.s32 $0xFFFFD800  }
0x32b: {  	[bflag:$0x0] =	sbarrier.arrive $0xFFFF  }
0x32c: {  	s23 =	sld [smem:$0x7FD]  }
0x32d: {  	s12 =	stileid.u32;
	s24 =	sld [smem:$0x7FC]  }
0x32e: {  	s5 =	sshll.u32 s12, $0x6  }
0x32f: {  	s5 =	sor.u32 $0x1C03, s5;
	s13 =	sshrl.u32 s23, $0x3  }
0x330: {  	[hbm:s24], [sflag:s5] =	dma.local [spmem:s13], $0x2800  }
0x331: {  	_ =	swait.ge [sflag:s15], $0x2800  }
0x332: {  	s13 =	sld [smem:$0x7ED]  }
0x333: {  	s24 =	sld [smem:$0x7F5];
	_ =	sdelay $0x1  }
0x334: {  	s12 =	sadd.s32 $0x1, s13  }
0x335: {  	p0 =	sne.s32 s12, s24  }
.Ltmp2:
0x336: {  	_ = 	snop;
	(pc) =	sbr.rel @p0 .LBB2_1-.Ltmp2, $3  }
0x337: {  	_ =	sdelay $0x1  }
0x338: {  	[sflag:s15] =	ssyncset.done $0x0  }
0x339: {  	[sflag:s15] =	ssyncadd.s32 $0xFFFFD800  }
0x33a: {  	_ =	sfence.sel $0x180000  }
0x33b: {  	[bflag:$0x0] =	sbarrier.arrive $0xFFFF  }
0x33c: {  	_ =	strace $0x9000004A  }
0x33d: {  	s0 =	stileid.u32;
	[bflag:$0x2] =	sbarrier.arrive $0xFFFF  }
0x33e: {  	p0 =	sne.s32 s0, $0x0;
	s0 =	rddreg [dreg:$0x2]  }
0x33f: {  	s0 =	sadd.s32 @!p0 $0x100000, s0  }
0x340: {  	[sflag:s0] =	ssyncadd.tile.s32 @!p0 $0x1;
	_ =	shalt  }
.Lfunc_end2:
_tile_overlayer_lowered:
.L_overlay_start_2:
0x341: {  	(tag) =	ssettag $0x2  }
0x342: {  	s0 =	rddreg [dreg:$0x0];
	s2 =	stileid.u32  }
0x343: {  	s1 =	rddreg [dreg:$0x1];
	p0 =	sne.s32 s2, $0x0  }
0x344: {  	s3 =	rddreg [dreg:$0x2];
	[bflag:$0x3] =	sbarrier.arrive $0xFFFF;
	s2 =	simm.s32 @!p0 $0x1C03  }
0x345: {  	[timem:s3], [sflag:s2] =	dma.local @!p0 [hbm:s0], s1  }
0x346: {  	s0 =	simm.s32 @!p0 $0x3  }
0x347: {  	_ =	swait.ge @!p0 [sflag:s0], s1  }
0x348: {  	s1 =	ssub.s32 @!p0 $0x0, s1;
	[sflag:s0] =	ssyncset.done @!p0 $0x0  }
0x349: {  	[sflag:s0] =	ssyncadd.s32 @!p0 s1  }
0x34a: {  	[bflag:$0x3] =	sbarrier.arrive $0xFFFF  }
0x34b: {  	_ =	shalt  }

// kernel: kernel.14.cloned.1.call-start
scs
__scs_entry_jumppad:
0x0: {  	(pc) =	sbr.rel $0x88, $3  }
0x1: {  	(tag) =	ssettag $0x0;
	lr =	simm.s32 $0x1  }
0x2: {  	[smem:$0x3F97] =	sst lr;
	_ =	strace $0xD0000000  }
0x3: {  	_ = 	snop  }
0x4: {  	_ = 	snop  }
0x5: {  	_ = 	snop  }
0x6: {  	_ = 	snop  }
0x7: {  	_ = 	snop  }
__scs_overlays_trampoline_lowered:
0x8: {  	[smem:$0x3FA6] =	sst s0  }
0x9: {  	[smem:$0x3FA7] =	sst s1  }
0xa: {  	[smem:$0x3FA8] =	sst s2  }
0xb: {  	[smem:$0x3FA9] =	sst s3  }
0xc: {  	[smem:$0x3FAA] =	sst s4  }
0xd: {  	[smem:$0x3FAB] =	sst s5  }
0xe: {  	[smem:$0x3FAC] =	sst s6  }
0xf: {  	[smem:$0x3FAD] =	sst s7  }
0x10: {  	[smem:$0x3FAE] =	sst s8  }
0x11: {  	[smem:$0x3FAF] =	sst s9;
	s0 =	simm.s32 @!p0 $0x0  }
0x12: {  	s1 =	sld [smem:$0x3F95];
	s0 =	simm.s32 @p0 $0x1  }
0x13: {  	[smem:$0x3FB0] =	sst s0;
	s0 =	simm.s32 @!p1 $0x0  }
0x14: {  	s2 =	sld [smem:$0x3F94];
	s0 =	simm.s32 @p1 $0x1  }
0x15: {  	[smem:$0x3FB1] =	sst s0;
	s0 =	simm.s32 @!p2 $0x0  }
0x16: {  	s3 =	sld [smem:$0x3FDB];
	s0 =	simm.s32 @p2 $0x1  }
0x17: {  	s4 =	simm.s32 $0x1BF5;
	[smem:$0x3FB3] =	sst s0  }
0x18: {  	s0 =	sld [smem:$0x3F96];
	_ =	swait.ge [sflag:s4], $0x0  }
0x19: {  	s7 =	sld [smem:$0x3F97]  }
0x1a: {  	s8 =	sadd.s32 $0xFFFFE003, lr  }
0x1b: {  	s9 =	sadd.s32 $0xFFFFFEF7, lr;
	s5 =	simm.s32 $0xFFFFFFFF;
	p2 =	slt.u32 s8, $0xFFFFF086  }
0x1c: {  	p1 =	slt.u32 s9, $0xF7A;
	s5 =	simm.s32 @!p2 $0x0  }
0x1d: {  	s5 =	simm.s32 @p1 $0x1;
	p0 =	seq.s32 s7, s2  }
0x1e: {  	s7 =	smul.u32 @!p0 $0xF7A, s2;
	p2 =	seq.s32 @!p0 s5, $0x0  }
0x1f: {  	s9 =	smul.u32 $0xF7A, s1;
	s8 =	simm.s32 @!p0 $0x1BF5;
	p2 =	por !p2, p0  }
0x20: {  	[sflag:s8] =	ssyncset.s32 @!p0 $0xFFFFF086;
	s6 =	sadd.s32 @!p0 s3, s7;
	s7 =	simm.s32 @!p0 $0x108  }
0x21: {  	s3 =	sadd.s32 s3, s9;
	s6 =	sadd.s32 @!p0 $0x88, s6;
	s7 =	simm.s32 @p2 $0x1082  }
0x22: {  	[simem:s7], [sflag:s8] =	dma.local @!p0 [hbm:s6], $0xF7A  }
0x23: {  	s9 =	sor.u32 $0xD0000000, s2;
	s6 =	simm.s32 $0x108;
	_ =	swait.ge @!p0 [sflag:s8], $0x0  }
0x24: {  	s3 =	sadd.s32 $0x88, s3;
	s6 =	simm.s32 @!p1 $0x1082;
	[sflag:s4] =	ssyncset.s32 $0xFFFFF086  }
0x25: {  	[simem:s6], [sflag:s4] =	dma.local [hbm:s3], $0xF7A  }
0x26: {  	[smem:$0x3F97] =	sst s1;
	(tag) =	ssettag s2;
	_ =	strace s9  }
0x27: {  	s1 =	sld [smem:$0x3FA7]  }
0x28: {  	s2 =	sld [smem:$0x3FA8]  }
0x29: {  	s4 =	sld [smem:$0x3FAA]  }
0x2a: {  	p0 =	seq.s32 s5, $0x0;
	s5 =	sld [smem:$0x3FAB]  }
0x2b: {  	s6 =	sld [smem:$0x3FAC]  }
0x2c: {  	s7 =	sld [smem:$0x3FAD]  }
0x2d: {  	s3 =	simm.s32 $0x108;
	s8 =	sld [smem:$0x3FAE]  }
0x2e: {  	s3 =	simm.s32 @!p0 $0x1082;
	s9 =	sld [smem:$0x3FAF]  }
0x2f: {  	lr =	sadd.s32 s0, s3;
	s0 =	sld [smem:$0x3FA6]  }
0x30: {  	s3 =	sld [smem:$0x3FA9]  }
0x31: {  	[smem:$0x3FB2] =	sst s10  }
0x32: {  	s10 =	sld [smem:$0x3FB0];
	_ =	sdelay $0x3  }
0x33: {  	p0 =	seq.s32 s10, $0x1;
	s10 =	sld [smem:$0x3FB2];
	_ =	sdelay $0x3  }
0x34: {  	[smem:$0x3FB2] =	sst s10  }
0x35: {  	s10 =	sld [smem:$0x3FB1];
	_ =	sdelay $0x3  }
0x36: {  	p1 =	seq.s32 s10, $0x1;
	s10 =	sld [smem:$0x3FB2];
	_ =	sdelay $0x3  }
0x37: {  	[smem:$0x3FB2] =	sst s10  }
0x38: {  	s10 =	sld [smem:$0x3FB3]  }
0x39: {  	_ = 	snop;
	(pc) =	sbr.ind lr, $3  }
0x3a: {  	_ = 	snop  }
0x3b: {  	_ = 	snop  }
0x3c: {  	p2 =	seq.s32 s10, $0x1;
	s10 =	sld [smem:$0x3FB2]  }
0x3d: {  	_ =	shalt  }
0x3e: {  	_ =	shalt  }
0x3f: {  	_ =	shalt  }
0x40: {  	_ =	shalt  }
0x41: {  	_ =	shalt  }
0x42: {  	_ =	shalt  }
0x43: {  	_ =	shalt  }
0x44: {  	_ =	shalt  }
0x45: {  	_ =	shalt  }
0x46: {  	_ =	shalt  }
0x47: {  	_ =	shalt  }
0x48: {  	_ =	shalt  }
0x49: {  	_ =	shalt  }
0x4a: {  	_ =	shalt  }
0x4b: {  	_ =	shalt  }
0x4c: {  	_ =	shalt  }
0x4d: {  	_ =	shalt  }
0x4e: {  	_ =	shalt  }
0x4f: {  	_ =	shalt  }
0x50: {  	_ =	shalt  }
0x51: {  	_ =	shalt  }
0x52: {  	_ =	shalt  }
0x53: {  	_ =	shalt  }
0x54: {  	_ =	shalt  }
0x55: {  	_ =	shalt  }
0x56: {  	_ =	shalt  }
0x57: {  	_ =	shalt  }
0x58: {  	_ =	shalt  }
0x59: {  	_ =	shalt  }
0x5a: {  	_ =	shalt  }
0x5b: {  	_ =	shalt  }
0x5c: {  	_ =	shalt  }
0x5d: {  	_ =	shalt  }
0x5e: {  	_ =	shalt  }
0x5f: {  	_ =	shalt  }
0x60: {  	_ =	shalt  }
0x61: {  	_ =	shalt  }
0x62: {  	_ =	shalt  }
0x63: {  	_ =	shalt  }
0x64: {  	_ =	shalt  }
0x65: {  	_ =	shalt  }
0x66: {  	_ =	shalt  }
0x67: {  	_ =	shalt  }
0x68: {  	_ =	shalt  }
0x69: {  	_ =	shalt  }
0x6a: {  	_ =	shalt  }
0x6b: {  	_ =	shalt  }
0x6c: {  	_ =	shalt  }
0x6d: {  	_ =	shalt  }
0x6e: {  	_ =	shalt  }
0x6f: {  	_ =	shalt  }
0x70: {  	_ =	shalt  }
0x71: {  	_ =	shalt  }
0x72: {  	_ =	shalt  }
0x73: {  	_ =	shalt  }
0x74: {  	_ =	shalt  }
0x75: {  	_ =	shalt  }
0x76: {  	_ =	shalt  }
0x77: {  	_ =	shalt  }
0x78: {  	_ =	shalt  }
0x79: {  	_ =	shalt  }
0x7a: {  	_ =	shalt  }
0x7b: {  	_ =	shalt  }
0x7c: {  	_ =	shalt  }
0x7d: {  	_ =	shalt  }
0x7e: {  	_ =	shalt  }
0x7f: {  	_ =	shalt  }
0x80: {  	_ =	shalt  }
0x81: {  	_ =	shalt  }
0x82: {  	_ =	shalt  }
0x83: {  	_ =	shalt  }
0x84: {  	_ =	shalt  }
0x85: {  	_ =	shalt  }
0x86: {  	_ =	shalt  }
0x87: {  	_ =	shalt  }
.Lfunc_end0:
.L_simem_size_0:
called_computation.2_lowered:
.L_overlay_start_0:
0x88: {  	s2 =	sld [smem:$0x3FD9]  }
0x89: {  	s3 =	sld [smem:$0x3FFE];
	_ =	sdelay $0x1  }
0x8a: {  	s1 =	srdreg.scid  }
0x8b: {  	s0 =	sand.u32 $0x1, s1  }
0x8c: {  	s16 =	sshll.u32 s0, $0xA;
	s2 =	sadd.s32 s3, s2  }
0x8d: {  	s2 =	sadd.s32 s2, s16  }
0x8e: {  	[smem:$0x3FBE] =	sst s2  }
0x8f: {  	_ = 	snop  }
0x90: {  	(tm) =	ssettm $0x1  }
0x91: {  	s17 =	sld [smem:$0x3FFB];
	_ =	sdelay $0x3  }
0x92: {  	_ =	strace s17  }
0x93: {  	s2 =	sld [smem:$0x3FFC];
	_ =	sdelay $0x3  }
0x94: {  	_ =	strace s2  }
0x95: {  	s2 =	sld [smem:$0x3FFD];
	_ =	sdelay $0x3  }
0x96: {  	_ =	strace s2  }
0x97: {  	_ =	strace $0x8FFFFFFF  }
0x98: {  	s18 =	sld [smem:$0x3FDB];
	_ =	sdelay $0x1  }
0x99: {  	s19 =	simm.s32 $_scs_section_size  }
0x9a: {  	s4 =	simm.s32 $_size__tile_overlayer_lowered;
	s5 =	simm.s32 $_tile_overlayer_lowered  }
0x9b: {  	s22 =	simm.s32 $0x1BFF;
	s21 =	sshll.u32 s5, $0x1;
	s2 =	sadd.s32 s19, s18  }
0x9c: {  	s6 =	simm.s32 $0x0;
	s20 =	sshll.u32 s4, $0x1;
	s4 =	sadd.s32 s21, s2  }
0x9d: {  	[timem:s6], [sflag:s22] =	dma.local [hbm:s4], s20  }
0x9e: {  	_ =	swait.ge [sflag:s22], s20  }
0x9f: {  	s3 =	ssub.s32 $0x0, s20;
	[sflag:s22] =	ssyncset.done $0x0  }
0xa0: {  	[sflag:s22] =	ssyncadd.s32 s3;
	_ =	sdelay $0x1  }
0xa1: {  	s23 =	simm.s32 $0x1B8B  }
0xa2: {  	_ =	swait.ge [sflag:s23], $0x1  }
0xa3: {  	[sflag:s23] =	ssyncset.done $0x0  }
0xa4: {  	s25 =	simm.s32 $0x1B8E;
	s24 =	sld [smem:$0x3FFE];
	[sflag:s23] =	ssyncadd.s32 $0xFFFFFFFF  }
0xa5: {  	s26 =	simm.s32 $execute0_lowered;
	[smem:$0x3FD2] =	sst s25  }
0xa6: {  	s4 =	sshll.u32 s26, $0x1;
	_ =	strace $0x8000004C;
	[dreg:$0x1] =	wrdreg $0xFFFFFFFF  }
0xa7: {  	s28 =	simm.s32 $_size_execute0_lowered;
	s2 =	sadd.s32 s2, s4;
	[dreg:$0x0] =	wrdreg $0x0  }
0xa8: {  	s4 =	sshll.u32 s28, $0x1;
	[dreg:$0x2] =	wrdreg s2  }
0xa9: {  	[dreg:$0x3] =	wrdreg s4  }
0xaa: {  	[dreg:$0x4] =	wrdreg $0xC0  }
0xab: {  	_ =	task [dreg:s6], $0x5FFFF  }
0xac: {  	[dreg:$0x1] =	wrdreg $0xFFFFFFFF  }
0xad: {  	[dreg:$0x0] =	wrdreg $0x60  }
0xae: {  	[dreg:$0x2] =	wrdreg s24  }
0xaf: {  	[dreg:$0x3] =	wrdreg $0xC0000  }
0xb0: {  	[dreg:$0x4] =	wrdreg $0x9  }
0xb1: {  	_ =	task.clear_ibuf [dreg:s6], $0x5FFFF;
	_ =	strace $0x9000004C  }
0xb2: {  	s29 =	simm.s32 $0x9;
	_ =	strace $0x8000004E  }
0xb3: {  	_ =	swait.ge [sflag:s29], $0x1  }
0xb4: {  	[sflag:s29] =	ssyncadd.s32 $0xFFFFFFFF  }
0xb5: {  	_ =	strace $0x9000004E  }
0xb6: {  	_ =	sfence  }
0xb7: {  	s30 =	sld [smem:$0x0];
	_ =	sdelay $0x2  }
0xb8: {  	s31 =	sshll.u32 s1, $0xD;
	s1 =	sshrl.u32 s1, $0x2  }
0xb9: {  	s3 =	sand.u32 $0x4000, s31;
	s1 =	sadd.s32 s1, s30  }
0xba: {  	s0 =	sor.u32 s3, s0;
	s1 =	sshll.u32 s1, $0x11  }
0xbb: {  	s0 =	sor.u32 s1, s0  }
0xbc: {  	s0 =	sadd.s32 $0x8F2B, s0  }
0xbd: {  	[sflag:s0] =	ssyncadd.remote.s32 $0x1  }
0xbe: {  	_ =	sfence.sel $0xFFFF  }
0xbf: {  	[dreg:$0x0] =	wrdreg $0xFFFFFFFF;
	(pc) =	sbr.abs _section_cstart, $3  }
0xc0: {  	[dreg:$0x1] =	wrdreg $0xFFFFFFFF  }
0xc1: {  	_ =	task.clear_ibuf [dreg:s6], $0x2FFFF;
	_ =	strace $0x9FFFFFFF  }
0xc2: {  	(tm) =	ssettm $0x7FFFFFFF  }
0xc3: {  	_ =	shalt  }
tec
execute0_lowered:
.L_overlay_start_1:
0x0: {  	(tag) =	ssettag $0x1  }
0x1: {  	s5 =	rddreg [dreg:$0x0]  }
0x2: {  	s2 =	rddreg [dreg:$0x1];
	s3 =	simm.s32 $0x0  }
0x3: {  	s20 =	simm.s32 $0x80;
	[smem:$0x7FF] =	sst s3  }
0x4: {  	s21 =	simm.s32 $0x100;
	_ =	strace $0x8000004D;
	[dreg:$0x5] =	wrdreg s20  }
0x5: {  	s22 =	simm.s32 $0x180;
	[dreg:$0x6] =	wrdreg s21  }
0x6: {  	s23 =	simm.s32 $0x200;
	[dreg:$0x7] =	wrdreg s22  }
0x7: {  	s24 =	simm.s32 $0x1080;
	[dreg:$0x8] =	wrdreg s23  }
0x8: {  	s25 =	simm.s32 $0x280;
	[dreg:$0x9] =	wrdreg s24  }
0x9: {  	s26 =	simm.s32 $0x1100;
	[dreg:$0xa] =	wrdreg s25  }
0xa: {  	s7 =	simm.s32 $0x300;
	[dreg:$0xb] =	wrdreg s26  }
0xb: {  	s9 =	simm.s32 $0x1180;
	[dreg:$0xc] =	wrdreg s7  }
0xc: {  	s0 =	srdreg.scid;
	s11 =	simm.s32 $0x380;
	[dreg:$0xd] =	wrdreg s9  }
0xd: {  	s8 =	stileid.u32;
	s12 =	simm.s32 $0x1200;
	[dreg:$0xe] =	wrdreg s11  }
0xe: {  	s13 =	simm.s32 $0x400;
	s15 =	simm.s32 $0x1280;
	[dreg:$0xf] =	wrdreg s12  }
0xf: {  	s16 =	simm.s32 $0x480;
	s17 =	simm.s32 $0x1300;
	[dreg:$0x10] =	wrdreg s13  }
0x10: {  	s19 =	simm.s32 $0x500;
	s28 =	simm.s32 $0x1880;
	[dreg:$0x11] =	wrdreg s15  }
0x11: {  	s29 =	simm.s32 $0xA80;
	s30 =	simm.s32 $0x1900;
	[dreg:$0x12] =	wrdreg s16  }
0x12: {  	s31 =	simm.s32 $0xB00;
	s0 =	sand.u32 $0x1, s0;
	[dreg:$0x13] =	wrdreg s17  }
0x13: {  	s1 =	sshll.u32 s8, $0x1;
	[dreg:$0x14] =	wrdreg s19;
	s21 =	simm.s32 $0x1380  }
0x14: {  	s1 =	sor.u32 s0, s1;
	s24 =	simm.s32 $0x580;
	[dreg:$0x15] =	wrdreg s21  }
0x15: {  	s6 =	smul.u32 $0x28000, s0;
	s26 =	simm.s32 $0x1400;
	[dreg:$0x16] =	wrdreg s24  }
0x16: {  	s0 =	ssub.s32 $0x2, s0;
	s9 =	simm.s32 $0x600;
	[dreg:$0x17] =	wrdreg s26  }
0x17: {  	s7 =	smul.u32 $0x50000, s8;
	s11 =	simm.s32 $0x1480;
	[dreg:$0x18] =	wrdreg s9  }
0x18: {  	s12 =	simm.s32 $0x680;
	s13 =	smul.u32 $0x2800, s8;
	[dreg:$0x19] =	wrdreg s11  }
0x19: {  	s15 =	simm.s32 $0x700;
	s16 =	simm.s32 $0x1580;
	[dreg:$0x1a] =	wrdreg s12  }
0x1a: {  	s17 =	simm.s32 $0x780;
	s19 =	simm.s32 $0x800;
	[dreg:$0x1c] =	wrdreg s15  }
0x1b: {  	s8 =	simm.s32 $0x1A80;
	s1 =	smul.u32 $0xA00, s1;
	[dreg:$0x1d] =	wrdreg s16  }
0x1c: {  	s10 =	sshrl.u32 s0, $0x1;
	s15 =	simm.s32 $0x3;
	[dreg:$0x1e] =	wrdreg s17  }
0x1d: {  	s16 =	simm.s32 $0x1000;
	[smem:$0x7F6] =	sst s19;
	s21 =	simm.s32 $0x880  }
0x1e: {  	s24 =	simm.s32 $0x900;
	s0 =	ssub.s32 s0, s10;
	[smem:$0x7F8] =	sst s21  }
0x1f: {  	s14 =	sshrl.u32 s7, $0x2;
	[smem:$0x7FA] =	sst s24;
	s0 =	smax.u32 s0, $0x1  }
0x20: {  	s23 =	sadd.s32 s14, s2;
	s14 =	simm.s32 $0x1500;
	[smem:$0x7F5] =	sst s0  }
0x21: {  	s17 =	simm.s32 $0x2;
	s1 =	sadd.s32 s1, s5;
	[dreg:$0x1b] =	wrdreg s14  }
0x22: {  	s19 =	simm.s32 $0x4800;
	s4 =	sadd.s32 $0x4000, s1;
	[smem:$0x7FD] =	sst s23  }
0x23: {  	s9 =	simm.s32 $0x1B00;
	s1 =	sadd.s32 $0x18000, s1;
	[dreg:$0x3] =	wrdreg s4  }
0x24: {  	s11 =	simm.s32 $0x1C00;
	s18 =	sadd.s32 $0x5000, s23;
	[dreg:$0x4] =	wrdreg s1  }
0x25: {  	s12 =	simm.s32 $0x0;
	s20 =	sadd.s32 $0x7800, s23;
	[smem:$0x7EF] =	sst s18  }
0x26: {  	s21 =	simm.s32 $0x1;
	s22 =	sadd.s32 $0xA000, s23;
	[smem:$0x7F0] =	sst s20  }
0x27: {  	s25 =	sadd.s32 $0xC800, s23;
	s7 =	sadd.s32 $0xF000, s23;
	[smem:$0x7F1] =	sst s22  }
0x28: {  	s10 =	sadd.s32 $0x11800, s23;
	s14 =	simm.s32 $0x2000;
	[smem:$0x7F2] =	sst s25  }
0x29: {  	s0 =	simm.s32 $0xB80;
	s4 =	sadd.s32 $0x2C000, s5;
	[smem:$0x7F3] =	sst s7  }
0x2a: {  	s5 =	sadd.s32 s6, s5;
	s6 =	sadd.s32 $0x2800, s23;
	[smem:$0x7F4] =	sst s10  }
0x2b: {  	s18 =	simm.s32 $0x1600;
	s20 =	simm.s32 $0x1680;
	s22 =	simm.s32 $0x1700  }
0x2c: {  	s25 =	simm.s32 $0x1780;
	s1 =	simm.s32 $0x1980;
	[smem:$0x7EE] =	sst s6  }
0x2d: {  	s7 =	simm.s32 $0xC00;
	s10 =	simm.s32 $0x1B80;
	[dreg:$0x1f] =	wrdreg s18  }
0x2e: {  	s5 =	sadd.s32 $0x53200, s5;
	s18 =	simm.s32 $0x50;
	[smem:$0x7F7] =	sst s20  }
0x2f: {  	s20 =	simm.s32 $0x7000;
	[smem:$0x7F9] =	sst s22;
	s22 =	simm.s32 $0x9800  }
0x30: {  	[smem:$0x7FB] =	sst s25;
	s25 =	simm.s32 $0x1800;
	s26 =	sadd.s32 s13, s5  }
0x31: {  	v0 =	vimm.f32 $0.0e+00;
	s6 =	simm.s32 $0x1A00;
	[smem:$0x7FC] =	sst s26;
	s26 =	simm.s32 $0xA00  }
.LBB2_1:
0x32: {  	s5 =	sand.u32 $0xFE00, s3  }
0x33: {  	[smem:$0x7ED] =	sst s12;
	s24 =	sand.u32 $0x70, s3;
	s5 =	sshrl.u32 s5, $0x2  }
0x34: {  	s13 =	simm.s32 $0x40;
	s5 =	sor.u32 s24, s5;
	s24 =	simm.s32 $0x0  }
.LBB2_2:
0x35: {  	p0 =	sne.s32 s13, $0x9FC0  }
0x36: {  	[tilespmem:s5+$0x2000] =	vst v0;
	s24 =	sadd.s32 $0x10, s24;
	s5 =	smov.u32 s13;
	s13 =	sadd.s32 $0x40, s13  }
.Ltmp0:
0x37: {  	(pc) =	sbr.rel @p0 .LBB2_2-.Ltmp0, $4  }
0x38: {  	_ = 	snop  }
0x39: {  	s5 =	sand.u32 $0xFE00, s5  }
0x3a: {  	s12 =	sand.u32 $0x70, s24;
	s5 =	sshrl.u32 s5, $0x2  }
0x3b: {  	s5 =	sor.u32 s12, s5  }
0x3c: {  	[tilespmem:s5+$0x2000] =	vst v0  }
0x3d: {  	[spmem:s23] =	stream.linear.scatter [tilespmem:s14], [sflag:$0x3], $0x2800, $0x38;
	v63 =	vld [tilespmem:$0x0]  }
0x3e: {  	_ =	swait.ge [sflag:s15], $0x2800  }
0x3f: {  	s12 =	sld [smem:$0x7EE]  }
0x40: {  	[sflag:s15] =	ssyncset.done $0x0  }
0x41: {  	[sflag:s15] =	ssyncadd.s32 $0xFFFFD800  }
0x42: {  	[spmem:s12] =	stream.linear.scatter [tilespmem:s14], [sflag:$0x3], $0x2800, $0x38;
	v63 =	vld [tilespmem:$0x0]  }
0x43: {  	_ =	swait.ge [sflag:s15], $0x2800  }
0x44: {  	s13 =	sld [smem:$0x7EF]  }
0x45: {  	[sflag:s15] =	ssyncset.done $0x0  }
0x46: {  	[sflag:s15] =	ssyncadd.s32 $0xFFFFD800  }
0x47: {  	[spmem:s13] =	stream.linear.scatter [tilespmem:s14], [sflag:$0x3], $0x2800, $0x38;
	v63 =	vld [tilespmem:$0x0]  }
0x48: {  	_ =	swait.ge [sflag:s15], $0x2800  }
0x49: {  	s23 =	sld [smem:$0x7F0]  }
0x4a: {  	[sflag:s15] =	ssyncset.done $0x0  }
0x4b: {  	[sflag:s15] =	ssyncadd.s32 $0xFFFFD800  }
0x4c: {  	[spmem:s23] =	stream.linear.scatter [tilespmem:s14], [sflag:$0x3], $0x2800, $0x38;
	v63 =	vld [tilespmem:$0x0]  }
0x4d: {  	_ =	swait.ge [sflag:s15], $0x2800  }
0x4e: {  	s24 =	sld [smem:$0x7F1]  }
0x4f: {  	[sflag:s15] =	ssyncset.done $0x0  }
0x50: {  	[sflag:s15] =	ssyncadd.s32 $0xFFFFD800  }
0x51: {  	[spmem:s24] =	stream.linear.scatter [tilespmem:s14], [sflag:$0x3], $0x2800, $0x38;
	v63 =	vld [tilespmem:$0x0]  }
0x52: {  	_ =	swait.ge [sflag:s15], $0x2800  }
0x53: {  	s12 =	sld [smem:$0x7F2]  }
0x54: {  	[sflag:s15] =	ssyncset.done $0x0  }
0x55: {  	[sflag:s15] =	ssyncadd.s32 $0xFFFFD800  }
0x56: {  	[spmem:s12] =	stream.linear.scatter [tilespmem:s14], [sflag:$0x3], $0x2800, $0x38;
	v63 =	vld [tilespmem:$0x0]  }
0x57: {  	_ =	swait.ge [sflag:s15], $0x2800  }
0x58: {  	s13 =	sld [smem:$0x7F3]  }
0x59: {  	[sflag:s15] =	ssyncset.done $0x0  }
0x5a: {  	[sflag:s15] =	ssyncadd.s32 $0xFFFFD800  }
0x5b: {  	[spmem:s13] =	stream.linear.scatter [tilespmem:s14], [sflag:$0x3], $0x2800, $0x38;
	v63 =	vld [tilespmem:$0x0]  }
0x5c: {  	_ =	swait.ge [sflag:s15], $0x2800  }
0x5d: {  	s23 =	sld [smem:$0x7F4]  }
0x5e: {  	[sflag:s15] =	ssyncset.done $0x0  }
0x5f: {  	[sflag:s15] =	ssyncadd.s32 $0xFFFFD800  }
0x60: {  	[spmem:s23] =	stream.linear.scatter [tilespmem:s14], [sflag:$0x3], $0x2800, $0x38;
	v63 =	vld [tilespmem:$0x0]  }
0x61: {  	_ =	swait.ge [sflag:s15], $0x2800  }
0x62: {  	[sflag:s15] =	ssyncset.done $0x0  }
0x63: {  	[sflag:s15] =	ssyncadd.s32 $0xFFFFD800  }
0x64: {  	[bflag:$0x0] =	sbarrier.arrive $0xFFFF  }
0x65: {  	s24 =	rddreg [dreg:$0x3]  }
0x66: {  	s12 =	rddreg [dreg:$0x4];
	s5 =	sadd.s32 $0x0, s24  }
0x67: {  	[tilespmem:s3], [sflag:$0x2] =	stream.linear.gather [hbm4b:s5+s3], $0xC80, $0x38;
	v63 =	vld [tilespmem:$0x0]  }
0x68: {  	s12 =	sadd.s32 $0x0, s12  }
0x69: {  	[tilespmem:s16], [sflag:$0x2] =	stream.linear.gather [hbm4b:s12+s3], $0xC80, $0x38;
	v63 =	vld [tilespmem:$0x0]  }
0x6a: {  	_ =	swait.ge [sflag:s17], $0xC80  }
0x6b: {  	[sflag:s17] =	ssyncset.done $0x0  }
0x6c: {  	[sflag:s17] =	ssyncadd.s32 $0xFFFFF380  }
0x6d: {  	[tilespmem:s14], [sflag:$0x1] =	stream.indirect.gather [hbm4b:s4+s18], $0x80, s3, s18, $0xb8;
	v63 =	vld [tilespmem:$0x0]  }
0x6e: {  	s13 =	rddreg [dreg:$0x5]  }
0x6f: {  	[tilespmem:s19], [sflag:$0x1] =	stream.indirect.gather [hbm4b:s4+s18], $0x80, s13, s18, $0xb8;
	v63 =	vld [tilespmem:$0x0]  }
0x70: {  	s23 =	rddreg [dreg:$0x6]  }
0x71: {  	[tilespmem:s20], [sflag:$0x1] =	stream.indirect.gather [hbm4b:s4+s18], $0x80, s23, s18, $0xb8;
	v63 =	vld [tilespmem:$0x0]  }
0x72: {  	_ =	swait.ge [sflag:s17], $0xC80  }
0x73: {  	[sflag:s17] =	ssyncset.done $0x0  }
0x74: {  	[sflag:s17] =	ssyncadd.s32 $0xFFFFF380  }
0x75: {  	_ =	swait.ge [sflag:s21], $0x2800  }
0x76: {  	[sflag:s21] =	ssyncset.done $0x0  }
0x77: {  	s24 =	rddreg [dreg:$0x7];
	[sflag:s21] =	ssyncadd.s32 $0xFFFFD800  }
0x78: {  	[tilespmem:s22], [sflag:$0x1] =	stream.indirect.gather [hbm4b:s4+s18], $0x80, s24, s18, $0xb8;
	v63 =	vld [tilespmem:$0x0]  }
0x79: {  	_ = 	snop  }
0x7a: {  	[spmem:s2] =	stream.indirect.scatter.add.f32 [tilespmem:s14], [sflag:$0x3], $0x80, s16, s18, $0xb8;
	v63 =	vld [tilespmem:$0x0]  }
0x7b: {  	_ =	swait.ge [sflag:s15], $0x2800  }
0x7c: {  	[sflag:s15] =	ssyncset.done $0x0  }
0x7d: {  	[sflag:s15] =	ssyncadd.s32 $0xFFFFD800  }
0x7e: {  	_ =	swait.ge [sflag:s21], $0x2800  }
0x7f: {  	[sflag:s21] =	ssyncset.done $0x0  }
0x80: {  	s12 =	rddreg [dreg:$0x8];
	[sflag:s21] =	ssyncadd.s32 $0xFFFFD800  }
0x81: {  	[tilespmem:s14], [sflag:$0x1] =	stream.indirect.gather [hbm4b:s4+s18], $0x80, s12, s18, $0xb8;
	v63 =	vld [tilespmem:$0x0]  }
0x82: {  	s13 =	rddreg [dreg:$0x9]  }
0x83: {  	[spmem:s2] =	stream.indirect.scatter.add.f32 [tilespmem:s19], [sflag:$0x3], $0x80, s13, s18, $0xb8;
	v63 =	vld [tilespmem:$0x0]  }
0x84: {  	_ =	swait.ge [sflag:s15], $0x2800  }
0x85: {  	[sflag:s15] =	ssyncset.done $0x0  }
0x86: {  	[sflag:s15] =	ssyncadd.s32 $0xFFFFD800  }
0x87: {  	_ =	swait.ge [sflag:s21], $0x2800  }
0x88: {  	[sflag:s21] =	ssyncset.done $0x0  }
0x89: {  	s23 =	rddreg [dreg:$0xa];
	[sflag:s21] =	ssyncadd.s32 $0xFFFFD800  }
0x8a: {  	[tilespmem:s19], [sflag:$0x1] =	stream.indirect.gather [hbm4b:s4+s18], $0x80, s23, s18, $0xb8;
	v63 =	vld [tilespmem:$0x0]  }
0x8b: {  	s24 =	rddreg [dreg:$0xb]  }
0x8c: {  	[spmem:s2] =	stream.indirect.scatter.add.f32 [tilespmem:s20], [sflag:$0x3], $0x80, s24, s18, $0xb8;
	v63 =	vld [tilespmem:$0x0]  }
0x8d: {  	_ =	swait.ge [sflag:s15], $0x2800  }
0x8e: {  	[sflag:s15] =	ssyncset.done $0x0  }
0x8f: {  	[sflag:s15] =	ssyncadd.s32 $0xFFFFD800  }
0x90: {  	_ =	swait.ge [sflag:s21], $0x2800  }
0x91: {  	[sflag:s21] =	ssyncset.done $0x0  }
0x92: {  	s12 =	rddreg [dreg:$0xc];
	[sflag:s21] =	ssyncadd.s32 $0xFFFFD800  }
0x93: {  	[tilespmem:s20], [sflag:$0x1] =	stream.indirect.gather [hbm4b:s4+s18], $0x80, s12, s18, $0xb8;
	v63 =	vld [tilespmem:$0x0]  }
0x94: {  	s13 =	rddreg [dreg:$0xd]  }
0x95: {  	[spmem:s2] =	stream.indirect.scatter.add.f32 [tilespmem:s22], [sflag:$0x3], $0x80, s13, s18, $0xb8;
	v63 =	vld [tilespmem:$0x0]  }
0x96: {  	_ =	swait.ge [sflag:s15], $0x2800  }
0x97: {  	[sflag:s15] =	ssyncset.done $0x0  }
0x98: {  	[sflag:s15] =	ssyncadd.s32 $0xFFFFD800  }
0x99: {  	_ =	swait.ge [sflag:s21], $0x2800  }
0x9a: {  	[sflag:s21] =	ssyncset.done $0x0  }
0x9b: {  	s23 =	rddreg [dreg:$0xe];
	[sflag:s21] =	ssyncadd.s32 $0xFFFFD800  }
0x9c: {  	[tilespmem:s22], [sflag:$0x1] =	stream.indirect.gather [hbm4b:s4+s18], $0x80, s23, s18, $0xb8;
	v63 =	vld [tilespmem:$0x0]  }
0x9d: {  	s24 =	rddreg [dreg:$0xf]  }
0x9e: {  	[spmem:s2] =	stream.indirect.scatter.add.f32 [tilespmem:s14], [sflag:$0x3], $0x80, s24, s18, $0xb8;
	v63 =	vld [tilespmem:$0x0]  }
0x9f: {  	_ =	swait.ge [sflag:s15], $0x2800  }
0xa0: {  	[sflag:s15] =	ssyncset.done $0x0  }
0xa1: {  	[sflag:s15] =	ssyncadd.s32 $0xFFFFD800  }
0xa2: {  	_ =	swait.ge [sflag:s21], $0x2800  }
0xa3: {  	[sflag:s21] =	ssyncset.done $0x0  }
0xa4: {  	s12 =	rddreg [dreg:$0x10];
	[sflag:s21] =	ssyncadd.s32 $0xFFFFD800  }
0xa5: {  	[tilespmem:s14], [sflag:$0x1] =	stream.indirect.gather [hbm4b:s4+s18], $0x80, s12, s18, $0xb8;
	v63 =	vld [tilespmem:$0x0]  }
0xa6: {  	s13 =	rddreg [dreg:$0x11]  }
0xa7: {  	[spmem:s2] =	stream.indirect.scatter.add.f32 [tilespmem:s19], [sflag:$0x3], $0x80, s13, s18, $0xb8;
	v63 =	vld [tilespmem:$0x0]  }
0xa8: {  	_ =	swait.ge [sflag:s15], $0x2800  }
0xa9: {  	[sflag:s15] =	ssyncset.done $0x0  }
0xaa: {  	[sflag:s15] =	ssyncadd.s32 $0xFFFFD800  }
0xab: {  	_ =	swait.ge [sflag:s21], $0x2800  }
0xac: {  	[sflag:s21] =	ssyncset.done $0x0  }
0xad: {  	s23 =	rddreg [dreg:$0x12];
	[sflag:s21] =	ssyncadd.s32 $0xFFFFD800  }
0xae: {  	[tilespmem:s19], [sflag:$0x1] =	stream.indirect.gather [hbm4b:s4+s18], $0x80, s23, s18, $0xb8;
	v63 =	vld [tilespmem:$0x0]  }
0xaf: {  	s24 =	rddreg [dreg:$0x13]  }
0xb0: {  	[spmem:s2] =	stream.indirect.scatter.add.f32 [tilespmem:s20], [sflag:$0x3], $0x80, s24, s18, $0xb8;
	v63 =	vld [tilespmem:$0x0]  }
0xb1: {  	_ =	swait.ge [sflag:s15], $0x2800  }
0xb2: {  	[sflag:s15] =	ssyncset.done $0x0  }
0xb3: {  	[sflag:s15] =	ssyncadd.s32 $0xFFFFD800  }
0xb4: {  	_ =	swait.ge [sflag:s21], $0x2800  }
0xb5: {  	[sflag:s21] =	ssyncset.done $0x0  }
0xb6: {  	s12 =	rddreg [dreg:$0x14];
	[sflag:s21] =	ssyncadd.s32 $0xFFFFD800  }
0xb7: {  	[tilespmem:s20], [sflag:$0x1] =	stream.indirect.gather [hbm4b:s4+s18], $0x80, s12, s18, $0xb8;
	v63 =	vld [tilespmem:$0x0]  }
0xb8: {  	s13 =	rddreg [dreg:$0x15]  }
0xb9: {  	[spmem:s2] =	stream.indirect.scatter.add.f32 [tilespmem:s22], [sflag:$0x3], $0x80, s13, s18, $0xb8;
	v63 =	vld [tilespmem:$0x0]  }
0xba: {  	_ =	swait.ge [sflag:s15], $0x2800  }
0xbb: {  	[sflag:s15] =	ssyncset.done $0x0  }
0xbc: {  	[sflag:s15] =	ssyncadd.s32 $0xFFFFD800  }
0xbd: {  	_ =	swait.ge [sflag:s21], $0x2800  }
0xbe: {  	[sflag:s21] =	ssyncset.done $0x0  }
0xbf: {  	s23 =	rddreg [dreg:$0x16];
	[sflag:s21] =	ssyncadd.s32 $0xFFFFD800  }
0xc0: {  	[tilespmem:s22], [sflag:$0x1] =	stream.indirect.gather [hbm4b:s4+s18], $0x80, s23, s18, $0xb8;
	v63 =	vld [tilespmem:$0x0]  }
0xc1: {  	s24 =	rddreg [dreg:$0x17]  }
0xc2: {  	[spmem:s2] =	stream.indirect.scatter.add.f32 [tilespmem:s14], [sflag:$0x3], $0x80, s24, s18, $0xb8;
	v63 =	vld [tilespmem:$0x0]  }
0xc3: {  	_ =	swait.ge [sflag:s15], $0x2800  }
0xc4: {  	[sflag:s15] =	ssyncset.done $0x0  }
0xc5: {  	[sflag:s15] =	ssyncadd.s32 $0xFFFFD800  }
0xc6: {  	_ =	swait.ge [sflag:s21], $0x2800  }
0xc7: {  	[sflag:s21] =	ssyncset.done $0x0  }
0xc8: {  	s12 =	rddreg [dreg:$0x18];
	[sflag:s21] =	ssyncadd.s32 $0xFFFFD800  }
0xc9: {  	[tilespmem:s14], [sflag:$0x1] =	stream.indirect.gather [hbm4b:s4+s18], $0x80, s12, s18, $0xb8;
	v63 =	vld [tilespmem:$0x0]  }
0xca: {  	s13 =	rddreg [dreg:$0x19]  }
0xcb: {  	[spmem:s2] =	stream.indirect.scatter.add.f32 [tilespmem:s19], [sflag:$0x3], $0x80, s13, s18, $0xb8;
	v63 =	vld [tilespmem:$0x0]  }
0xcc: {  	_ =	swait.ge [sflag:s15], $0x2800  }
0xcd: {  	[sflag:s15] =	ssyncset.done $0x0  }
0xce: {  	[sflag:s15] =	ssyncadd.s32 $0xFFFFD800  }
0xcf: {  	_ =	swait.ge [sflag:s21], $0x2800  }
0xd0: {  	[sflag:s21] =	ssyncset.done $0x0  }
0xd1: {  	s23 =	rddreg [dreg:$0x1a];
	[sflag:s21] =	ssyncadd.s32 $0xFFFFD800  }
0xd2: {  	[tilespmem:s19], [sflag:$0x1] =	stream.indirect.gather [hbm4b:s4+s18], $0x80, s23, s18, $0xb8;
	v63 =	vld [tilespmem:$0x0]  }
0xd3: {  	s24 =	rddreg [dreg:$0x1b]  }
0xd4: {  	[spmem:s2] =	stream.indirect.scatter.add.f32 [tilespmem:s20], [sflag:$0x3], $0x80, s24, s18, $0xb8;
	v63 =	vld [tilespmem:$0x0]  }
0xd5: {  	_ =	swait.ge [sflag:s15], $0x2800  }
0xd6: {  	[sflag:s15] =	ssyncset.done $0x0  }
0xd7: {  	[sflag:s15] =	ssyncadd.s32 $0xFFFFD800  }
0xd8: {  	_ =	swait.ge [sflag:s21], $0x2800  }
0xd9: {  	[sflag:s21] =	ssyncset.done $0x0  }
0xda: {  	s12 =	rddreg [dreg:$0x1c];
	[sflag:s21] =	ssyncadd.s32 $0xFFFFD800  }
0xdb: {  	[tilespmem:s20], [sflag:$0x1] =	stream.indirect.gather [hbm4b:s4+s18], $0x80, s12, s18, $0xb8;
	v63 =	vld [tilespmem:$0x0]  }
0xdc: {  	s13 =	rddreg [dreg:$0x1d]  }
0xdd: {  	[spmem:s2] =	stream.indirect.scatter.add.f32 [tilespmem:s22], [sflag:$0x3], $0x80, s13, s18, $0xb8;
	v63 =	vld [tilespmem:$0x0]  }
0xde: {  	_ =	swait.ge [sflag:s15], $0x2800  }
0xdf: {  	[sflag:s15] =	ssyncset.done $0x0  }
0xe0: {  	[sflag:s15] =	ssyncadd.s32 $0xFFFFD800  }
0xe1: {  	_ =	swait.ge [sflag:s21], $0x2800  }
0xe2: {  	[sflag:s21] =	ssyncset.done $0x0  }
0xe3: {  	s23 =	rddreg [dreg:$0x1e];
	[sflag:s21] =	ssyncadd.s32 $0xFFFFD800  }
0xe4: {  	[tilespmem:s22], [sflag:$0x1] =	stream.indirect.gather [hbm4b:s4+s18], $0x80, s23, s18, $0xb8;
	v63 =	vld [tilespmem:$0x0]  }
0xe5: {  	s24 =	rddreg [dreg:$0x1f]  }
0xe6: {  	[spmem:s2] =	stream.indirect.scatter.add.f32 [tilespmem:s14], [sflag:$0x3], $0x80, s24, s18, $0xb8;
	v63 =	vld [tilespmem:$0x0]  }
0xe7: {  	_ =	swait.ge [sflag:s15], $0x2800  }
0xe8: {  	[sflag:s15] =	ssyncset.done $0x0  }
0xe9: {  	[sflag:s15] =	ssyncadd.s32 $0xFFFFD800  }
0xea: {  	_ =	swait.ge [sflag:s21], $0x2800  }
0xeb: {  	s12 =	sld [smem:$0x7F6]  }
0xec: {  	[sflag:s21] =	ssyncset.done $0x0  }
0xed: {  	s13 =	sld [smem:$0x7F7];
	[sflag:s21] =	ssyncadd.s32 $0xFFFFD800  }
0xee: {  	[tilespmem:s14], [sflag:$0x1] =	stream.indirect.gather [hbm4b:s4+s18], $0x80, s12, s18, $0xb8;
	v63 =	vld [tilespmem:$0x0]  }
0xef: {  	_ = 	snop  }
0xf0: {  	[spmem:s2] =	stream.indirect.scatter.add.f32 [tilespmem:s19], [sflag:$0x3], $0x80, s13, s18, $0xb8;
	v63 =	vld [tilespmem:$0x0]  }
0xf1: {  	_ =	swait.ge [sflag:s15], $0x2800  }
0xf2: {  	[sflag:s15] =	ssyncset.done $0x0  }
0xf3: {  	[sflag:s15] =	ssyncadd.s32 $0xFFFFD800  }
0xf4: {  	_ =	swait.ge [sflag:s21], $0x2800  }
0xf5: {  	s23 =	sld [smem:$0x7F8]  }
0xf6: {  	[sflag:s21] =	ssyncset.done $0x0  }
0xf7: {  	s24 =	sld [smem:$0x7F9];
	[sflag:s21] =	ssyncadd.s32 $0xFFFFD800  }
0xf8: {  	[tilespmem:s19], [sflag:$0x1] =	stream.indirect.gather [hbm4b:s4+s18], $0x80, s23, s18, $0xb8;
	v63 =	vld [tilespmem:$0x0]  }
0xf9: {  	_ = 	snop  }
0xfa: {  	[spmem:s2] =	stream.indirect.scatter.add.f32 [tilespmem:s20], [sflag:$0x3], $0x80, s24, s18, $0xb8;
	v63 =	vld [tilespmem:$0x0]  }
0xfb: {  	_ =	swait.ge [sflag:s15], $0x2800  }
0xfc: {  	[sflag:s15] =	ssyncset.done $0x0  }
0xfd: {  	[sflag:s15] =	ssyncadd.s32 $0xFFFFD800  }
0xfe: {  	_ =	swait.ge [sflag:s21], $0x2800  }
0xff: {  	s13 =	sld [smem:$0x7FA]  }
0x100: {  	[sflag:s21] =	ssyncset.done $0x0  }
0x101: {  	s23 =	sld [smem:$0x7FB];
	[sflag:s21] =	ssyncadd.s32 $0xFFFFD800  }
0x102: {  	[tilespmem:s20], [sflag:$0x1] =	stream.indirect.gather [hbm4b:s4+s18], $0x80, s13, s18, $0xb8;
	v63 =	vld [tilespmem:$0x0]  }
0x103: {  	_ = 	snop  }
0x104: {  	[spmem:s2] =	stream.indirect.scatter.add.f32 [tilespmem:s22], [sflag:$0x3], $0x80, s23, s18, $0xb8;
	v63 =	vld [tilespmem:$0x0]  }
0x105: {  	_ =	swait.ge [sflag:s15], $0x2800  }
0x106: {  	[sflag:s15] =	ssyncset.done $0x0  }
0x107: {  	[sflag:s15] =	ssyncadd.s32 $0xFFFFD800  }
0x108: {  	_ =	swait.ge [sflag:s21], $0x2800  }
0x109: {  	[sflag:s21] =	ssyncset.done $0x0  }
0x10a: {  	s24 =	simm.s32 $0x980;
	[sflag:s21] =	ssyncadd.s32 $0xFFFFD800  }
0x10b: {  	[tilespmem:s22], [sflag:$0x1] =	stream.indirect.gather [hbm4b:s4+s18], $0x80, s24, s18, $0xb8;
	v63 =	vld [tilespmem:$0x0]  }
0x10c: {  	_ = 	snop  }
0x10d: {  	[spmem:s2] =	stream.indirect.scatter.add.f32 [tilespmem:s14], [sflag:$0x3], $0x80, s25, s18, $0xb8;
	v63 =	vld [tilespmem:$0x0]  }
0x10e: {  	_ =	swait.ge [sflag:s15], $0x2800  }
0x10f: {  	[sflag:s15] =	ssyncset.done $0x0  }
0x110: {  	[sflag:s15] =	ssyncadd.s32 $0xFFFFD800  }
0x111: {  	_ =	swait.ge [sflag:s21], $0x2800  }
0x112: {  	[sflag:s21] =	ssyncset.done $0x0  }
0x113: {  	[sflag:s21] =	ssyncadd.s32 $0xFFFFD800  }
0x114: {  	[tilespmem:s14], [sflag:$0x1] =	stream.indirect.gather [hbm4b:s4+s18], $0x80, s26, s18, $0xb8;
	v63 =	vld [tilespmem:$0x0]  }
0x115: {  	_ = 	snop  }
0x116: {  	[spmem:s2] =	stream.indirect.scatter.add.f32 [tilespmem:s19], [sflag:$0x3], $0x80, s28, s18, $0xb8;
	v63 =	vld [tilespmem:$0x0]  }
0x117: {  	_ =	swait.ge [sflag:s15], $0x2800  }
0x118: {  	[sflag:s15] =	ssyncset.done $0x0  }
0x119: {  	[sflag:s15] =	ssyncadd.s32 $0xFFFFD800  }
0x11a: {  	_ =	swait.ge [sflag:s21], $0x2800  }
0x11b: {  	[sflag:s21] =	ssyncset.done $0x0  }
0x11c: {  	[sflag:s21] =	ssyncadd.s32 $0xFFFFD800  }
0x11d: {  	[tilespmem:s19], [sflag:$0x1] =	stream.indirect.gather [hbm4b:s4+s18], $0x80, s29, s18, $0xb8;
	v63 =	vld [tilespmem:$0x0]  }
0x11e: {  	_ = 	snop  }
0x11f: {  	[spmem:s2] =	stream.indirect.scatter.add.f32 [tilespmem:s20], [sflag:$0x3], $0x80, s30, s18, $0xb8;
	v63 =	vld [tilespmem:$0x0]  }
0x120: {  	_ =	swait.ge [sflag:s15], $0x2800  }
0x121: {  	[sflag:s15] =	ssyncset.done $0x0  }
0x122: {  	[sflag:s15] =	ssyncadd.s32 $0xFFFFD800  }
0x123: {  	_ =	swait.ge [sflag:s21], $0x2800  }
0x124: {  	[sflag:s21] =	ssyncset.done $0x0  }
0x125: {  	[sflag:s21] =	ssyncadd.s32 $0xFFFFD800  }
0x126: {  	[tilespmem:s20], [sflag:$0x1] =	stream.indirect.gather [hbm4b:s4+s18], $0x80, s31, s18, $0xb8;
	v63 =	vld [tilespmem:$0x0]  }
0x127: {  	_ = 	snop  }
0x128: {  	[spmem:s2] =	stream.indirect.scatter.add.f32 [tilespmem:s22], [sflag:$0x3], $0x80, s1, s18, $0xb8;
	v63 =	vld [tilespmem:$0x0]  }
0x129: {  	_ =	swait.ge [sflag:s15], $0x2800  }
0x12a: {  	[sflag:s15] =	ssyncset.done $0x0  }
0x12b: {  	[sflag:s15] =	ssyncadd.s32 $0xFFFFD800  }
0x12c: {  	_ =	swait.ge [sflag:s21], $0x2800  }
0x12d: {  	[sflag:s21] =	ssyncset.done $0x0  }
0x12e: {  	[sflag:s21] =	ssyncadd.s32 $0xFFFFD800  }
0x12f: {  	[tilespmem:s22], [sflag:$0x1] =	stream.indirect.gather [hbm4b:s4+s18], $0x80, s0, s18, $0xb8;
	v63 =	vld [tilespmem:$0x0]  }
0x130: {  	_ = 	snop  }
0x131: {  	[spmem:s2] =	stream.indirect.scatter.add.f32 [tilespmem:s14], [sflag:$0x3], $0x80, s6, s18, $0xb8;
	v63 =	vld [tilespmem:$0x0]  }
0x132: {  	_ =	swait.ge [sflag:s15], $0x2800  }
0x133: {  	[sflag:s15] =	ssyncset.done $0x0  }
0x134: {  	[sflag:s15] =	ssyncadd.s32 $0xFFFFD800  }
0x135: {  	_ =	swait.ge [sflag:s21], $0x2800  }
0x136: {  	[sflag:s21] =	ssyncset.done $0x0  }
0x137: {  	[sflag:s21] =	ssyncadd.s32 $0xFFFFD800  }
0x138: {  	[tilespmem:s14], [sflag:$0x1] =	stream.indirect.gather [hbm4b:s4+s18], $0x80, s7, s18, $0xb8;
	v63 =	vld [tilespmem:$0x0]  }
0x139: {  	_ = 	snop  }
0x13a: {  	[spmem:s2] =	stream.indirect.scatter.add.f32 [tilespmem:s19], [sflag:$0x3], $0x80, s8, s18, $0xb8;
	v63 =	vld [tilespmem:$0x0]  }
0x13b: {  	_ =	swait.ge [sflag:s15], $0x2800  }
0x13c: {  	[sflag:s15] =	ssyncset.done $0x0  }
0x13d: {  	[sflag:s15] =	ssyncadd.s32 $0xFFFFD800  }
0x13e: {  	_ =	swait.ge [sflag:s21], $0x2800  }
0x13f: {  	[sflag:s21] =	ssyncset.done $0x0  }
0x140: {  	[sflag:s21] =	ssyncadd.s32 $0xFFFFD800  }
0x141: {  	[spmem:s2] =	stream.indirect.scatter.add.f32 [tilespmem:s20], [sflag:$0x3], $0x80, s9, s18, $0xb8;
	v63 =	vld [tilespmem:$0x0]  }
0x142: {  	_ =	swait.ge [sflag:s15], $0x2800  }
0x143: {  	[sflag:s15] =	ssyncset.done $0x0  }
0x144: {  	[sflag:s15] =	ssyncadd.s32 $0xFFFFD800  }
0x145: {  	_ =	swait.ge [sflag:s21], $0x2800  }
0x146: {  	[sflag:s21] =	ssyncset.done $0x0  }
0x147: {  	[sflag:s21] =	ssyncadd.s32 $0xFFFFD800  }
0x148: {  	[spmem:s2] =	stream.indirect.scatter.add.f32 [tilespmem:s22], [sflag:$0x3], $0x80, s10, s18, $0xb8;
	v63 =	vld [tilespmem:$0x0]  }
0x149: {  	_ =	swait.ge [sflag:s15], $0x2800  }
0x14a: {  	[sflag:s15] =	ssyncset.done $0x0  }
0x14b: {  	[sflag:s15] =	ssyncadd.s32 $0xFFFFD800  }
0x14c: {  	_ =	swait.ge [sflag:s21], $0x2800  }
0x14d: {  	[sflag:s21] =	ssyncset.done $0x0  }
0x14e: {  	[sflag:s21] =	ssyncadd.s32 $0xFFFFD800  }
0x14f: {  	[spmem:s2] =	stream.indirect.scatter.add.f32 [tilespmem:s14], [sflag:$0x3], $0x80, s11, s18, $0xb8;
	v63 =	vld [tilespmem:$0x0]  }
0x150: {  	s13 =	simm.s32 $0x200;
	_ =	swait.ge [sflag:s15], $0x2800  }
0x151: {  	s24 =	simm.s32 $0x400;
	s5 =	rddreg [dreg:$0x3];
	[sflag:s15] =	ssyncset.done $0x0  }
.LBB2_4:
0x152: {  	[sflag:s15] =	ssyncadd.s32 $0xFFFFD800;
	s23 =	rddreg [dreg:$0x4];
	s5 =	sadd.s32 s13, s5  }
0x153: {  	[tilespmem:s3], [sflag:$0x2] =	stream.linear.gather [hbm4b:s5+s3], $0xC80, $0x38;
	v63 =	vld [tilespmem:$0x0]  }
0x154: {  	s5 =	sadd.s32 s13, s23  }
0x155: {  	[tilespmem:s16], [sflag:$0x2] =	stream.linear.gather [hbm4b:s5+s3], $0xC80, $0x38;
	v63 =	vld [tilespmem:$0x0]  }
0x156: {  	_ =	swait.ge [sflag:s17], $0xC80  }
0x157: {  	[sflag:s17] =	ssyncset.done $0x0  }
0x158: {  	[sflag:s17] =	ssyncadd.s32 $0xFFFFF380  }
0x159: {  	[tilespmem:s14], [sflag:$0x1] =	stream.indirect.gather [hbm4b:s4+s18], $0x80, s3, s18, $0xb8;
	v63 =	vld [tilespmem:$0x0]  }
0x15a: {  	s12 =	smov.u32 s24;
	s5 =	rddreg [dreg:$0x5]  }
0x15b: {  	[tilespmem:s19], [sflag:$0x1] =	stream.indirect.gather [hbm4b:s4+s18], $0x80, s5, s18, $0xb8;
	v63 =	vld [tilespmem:$0x0]  }
0x15c: {  	s13 =	smov.u32 s12;
	s12 =	rddreg [dreg:$0x6]  }
0x15d: {  	[tilespmem:s20], [sflag:$0x1] =	stream.indirect.gather [hbm4b:s4+s18], $0x80, s12, s18, $0xb8;
	v63 =	vld [tilespmem:$0x0]  }
0x15e: {  	_ =	swait.ge [sflag:s17], $0xC80  }
0x15f: {  	[sflag:s17] =	ssyncset.done $0x0  }
0x160: {  	[sflag:s17] =	ssyncadd.s32 $0xFFFFF380  }
0x161: {  	_ =	swait.ge [sflag:s21], $0x2800  }
0x162: {  	[sflag:s21] =	ssyncset.done $0x0  }
0x163: {  	s12 =	rddreg [dreg:$0x7];
	[sflag:s21] =	ssyncadd.s32 $0xFFFFD800  }
0x164: {  	[tilespmem:s22], [sflag:$0x1] =	stream.indirect.gather [hbm4b:s4+s18], $0x80, s12, s18, $0xb8;
	v63 =	vld [tilespmem:$0x0]  }
0x165: {  	_ = 	snop  }
0x166: {  	[spmem:s2] =	stream.indirect.scatter.add.f32 [tilespmem:s14], [sflag:$0x3], $0x80, s16, s18, $0xb8;
	v63 =	vld [tilespmem:$0x0]  }
0x167: {  	_ =	swait.ge [sflag:s15], $0x2800  }
0x168: {  	[sflag:s15] =	ssyncset.done $0x0  }
0x169: {  	[sflag:s15] =	ssyncadd.s32 $0xFFFFD800  }
0x16a: {  	_ =	swait.ge [sflag:s21], $0x2800  }
0x16b: {  	[sflag:s21] =	ssyncset.done $0x0  }
0x16c: {  	s5 =	rddreg [dreg:$0x8];
	[sflag:s21] =	ssyncadd.s32 $0xFFFFD800  }
0x16d: {  	[tilespmem:s14], [sflag:$0x1] =	stream.indirect.gather [hbm4b:s4+s18], $0x80, s5, s18, $0xb8;
	v63 =	vld [tilespmem:$0x0]  }
0x16e: {  	s12 =	rddreg [dreg:$0x9]  }
0x16f: {  	[spmem:s2] =	stream.indirect.scatter.add.f32 [tilespmem:s19], [sflag:$0x3], $0x80, s12, s18, $0xb8;
	v63 =	vld [tilespmem:$0x0]  }
0x170: {  	_ =	swait.ge [sflag:s15], $0x2800  }
0x171: {  	[sflag:s15] =	ssyncset.done $0x0  }
0x172: {  	[sflag:s15] =	ssyncadd.s32 $0xFFFFD800  }
0x173: {  	_ =	swait.ge [sflag:s21], $0x2800  }
0x174: {  	[sflag:s21] =	ssyncset.done $0x0  }
0x175: {  	s5 =	rddreg [dreg:$0xa];
	[sflag:s21] =	ssyncadd.s32 $0xFFFFD800  }
0x176: {  	[tilespmem:s19], [sflag:$0x1] =	stream.indirect.gather [hbm4b:s4+s18], $0x80, s5, s18, $0xb8;
	v63 =	vld [tilespmem:$0x0]  }
0x177: {  	s12 =	rddreg [dreg:$0xb]  }
0x178: {  	[spmem:s2] =	stream.indirect.scatter.add.f32 [tilespmem:s20], [sflag:$0x3], $0x80, s12, s18, $0xb8;
	v63 =	vld [tilespmem:$0x0]  }
0x179: {  	_ =	swait.ge [sflag:s15], $0x2800  }
0x17a: {  	[sflag:s15] =	ssyncset.done $0x0  }
0x17b: {  	[sflag:s15] =	ssyncadd.s32 $0xFFFFD800  }
0x17c: {  	_ =	swait.ge [sflag:s21], $0x2800  }
0x17d: {  	[sflag:s21] =	ssyncset.done $0x0  }
0x17e: {  	s5 =	rddreg [dreg:$0xc];
	[sflag:s21] =	ssyncadd.s32 $0xFFFFD800  }
0x17f: {  	[tilespmem:s20], [sflag:$0x1] =	stream.indirect.gather [hbm4b:s4+s18], $0x80, s5, s18, $0xb8;
	v63 =	vld [tilespmem:$0x0]  }
0x180: {  	s12 =	rddreg [dreg:$0xd]  }
0x181: {  	[spmem:s2] =	stream.indirect.scatter.add.f32 [tilespmem:s22], [sflag:$0x3], $0x80, s12, s18, $0xb8;
	v63 =	vld [tilespmem:$0x0]  }
0x182: {  	_ =	swait.ge [sflag:s15], $0x2800  }
0x183: {  	[sflag:s15] =	ssyncset.done $0x0  }
0x184: {  	[sflag:s15] =	ssyncadd.s32 $0xFFFFD800  }
0x185: {  	_ =	swait.ge [sflag:s21], $0x2800  }
0x186: {  	[sflag:s21] =	ssyncset.done $0x0  }
0x187: {  	s5 =	rddreg [dreg:$0xe];
	[sflag:s21] =	ssyncadd.s32 $0xFFFFD800  }
0x188: {  	[tilespmem:s22], [sflag:$0x1] =	stream.indirect.gather [hbm4b:s4+s18], $0x80, s5, s18, $0xb8;
	v63 =	vld [tilespmem:$0x0]  }
0x189: {  	s12 =	rddreg [dreg:$0xf]  }
0x18a: {  	[spmem:s2] =	stream.indirect.scatter.add.f32 [tilespmem:s14], [sflag:$0x3], $0x80, s12, s18, $0xb8;
	v63 =	vld [tilespmem:$0x0]  }
0x18b: {  	_ =	swait.ge [sflag:s15], $0x2800  }
0x18c: {  	[sflag:s15] =	ssyncset.done $0x0  }
0x18d: {  	[sflag:s15] =	ssyncadd.s32 $0xFFFFD800  }
0x18e: {  	_ =	swait.ge [sflag:s21], $0x2800  }
0x18f: {  	[sflag:s21] =	ssyncset.done $0x0  }
0x190: {  	s5 =	rddreg [dreg:$0x10];
	[sflag:s21] =	ssyncadd.s32 $0xFFFFD800  }
0x191: {  	[tilespmem:s14], [sflag:$0x1] =	stream.indirect.gather [hbm4b:s4+s18], $0x80, s5, s18, $0xb8;
	v63 =	vld [tilespmem:$0x0]  }
0x192: {  	s12 =	rddreg [dreg:$0x11]  }
0x193: {  	[spmem:s2] =	stream.indirect.scatter.add.f32 [tilespmem:s19], [sflag:$0x3], $0x80, s12, s18, $0xb8;
	v63 =	vld [tilespmem:$0x0]  }
0x194: {  	_ =	swait.ge [sflag:s15], $0x2800  }
0x195: {  	[sflag:s15] =	ssyncset.done $0x0  }
0x196: {  	[sflag:s15] =	ssyncadd.s32 $0xFFFFD800  }
0x197: {  	_ =	swait.ge [sflag:s21], $0x2800  }
0x198: {  	[sflag:s21] =	ssyncset.done $0x0  }
0x199: {  	s5 =	rddreg [dreg:$0x12];
	[sflag:s21] =	ssyncadd.s32 $0xFFFFD800  }
0x19a: {  	[tilespmem:s19], [sflag:$0x1] =	stream.indirect.gather [hbm4b:s4+s18], $0x80, s5, s18, $0xb8;
	v63 =	vld [tilespmem:$0x0]  }
0x19b: {  	s12 =	rddreg [dreg:$0x13]  }
0x19c: {  	[spmem:s2] =	stream.indirect.scatter.add.f32 [tilespmem:s20], [sflag:$0x3], $0x80, s12, s18, $0xb8;
	v63 =	vld [tilespmem:$0x0]  }
0x19d: {  	_ =	swait.ge [sflag:s15], $0x2800  }
0x19e: {  	[sflag:s15] =	ssyncset.done $0x0  }
0x19f: {  	[sflag:s15] =	ssyncadd.s32 $0xFFFFD800  }
0x1a0: {  	_ =	swait.ge [sflag:s21], $0x2800  }
0x1a1: {  	[sflag:s21] =	ssyncset.done $0x0  }
0x1a2: {  	s5 =	rddreg [dreg:$0x14];
	[sflag:s21] =	ssyncadd.s32 $0xFFFFD800  }
0x1a3: {  	[tilespmem:s20], [sflag:$0x1] =	stream.indirect.gather [hbm4b:s4+s18], $0x80, s5, s18, $0xb8;
	v63 =	vld [tilespmem:$0x0]  }
0x1a4: {  	s12 =	rddreg [dreg:$0x15]  }
0x1a5: {  	[spmem:s2] =	stream.indirect.scatter.add.f32 [tilespmem:s22], [sflag:$0x3], $0x80, s12, s18, $0xb8;
	v63 =	vld [tilespmem:$0x0]  }
0x1a6: {  	_ =	swait.ge [sflag:s15], $0x2800  }
0x1a7: {  	[sflag:s15] =	ssyncset.done $0x0  }
0x1a8: {  	[sflag:s15] =	ssyncadd.s32 $0xFFFFD800  }
0x1a9: {  	_ =	swait.ge [sflag:s21], $0x2800  }
0x1aa: {  	[sflag:s21] =	ssyncset.done $0x0  }
0x1ab: {  	s5 =	rddreg [dreg:$0x16];
	[sflag:s21] =	ssyncadd.s32 $0xFFFFD800  }
0x1ac: {  	[tilespmem:s22], [sflag:$0x1] =	stream.indirect.gather [hbm4b:s4+s18], $0x80, s5, s18, $0xb8;
	v63 =	vld [tilespmem:$0x0]  }
0x1ad: {  	s12 =	rddreg [dreg:$0x17]  }
0x1ae: {  	[spmem:s2] =	stream.indirect.scatter.add.f32 [tilespmem:s14], [sflag:$0x3], $0x80, s12, s18, $0xb8;
	v63 =	vld [tilespmem:$0x0]  }
0x1af: {  	_ =	swait.ge [sflag:s15], $0x2800  }
0x1b0: {  	[sflag:s15] =	ssyncset.done $0x0  }
0x1b1: {  	[sflag:s15] =	ssyncadd.s32 $0xFFFFD800  }
0x1b2: {  	_ =	swait.ge [sflag:s21], $0x2800  }
0x1b3: {  	[sflag:s21] =	ssyncset.done $0x0  }
0x1b4: {  	s5 =	rddreg [dreg:$0x18];
	[sflag:s21] =	ssyncadd.s32 $0xFFFFD800  }
0x1b5: {  	[tilespmem:s14], [sflag:$0x1] =	stream.indirect.gather [hbm4b:s4+s18], $0x80, s5, s18, $0xb8;
	v63 =	vld [tilespmem:$0x0]  }
0x1b6: {  	s12 =	rddreg [dreg:$0x19]  }
0x1b7: {  	[spmem:s2] =	stream.indirect.scatter.add.f32 [tilespmem:s19], [sflag:$0x3], $0x80, s12, s18, $0xb8;
	v63 =	vld [tilespmem:$0x0]  }
0x1b8: {  	_ =	swait.ge [sflag:s15], $0x2800  }
0x1b9: {  	[sflag:s15] =	ssyncset.done $0x0  }
0x1ba: {  	[sflag:s15] =	ssyncadd.s32 $0xFFFFD800  }
0x1bb: {  	_ =	swait.ge [sflag:s21], $0x2800  }
0x1bc: {  	[sflag:s21] =	ssyncset.done $0x0  }
0x1bd: {  	s5 =	rddreg [dreg:$0x1a];
	[sflag:s21] =	ssyncadd.s32 $0xFFFFD800  }
0x1be: {  	[tilespmem:s19], [sflag:$0x1] =	stream.indirect.gather [hbm4b:s4+s18], $0x80, s5, s18, $0xb8;
	v63 =	vld [tilespmem:$0x0]  }
0x1bf: {  	s12 =	rddreg [dreg:$0x1b]  }
0x1c0: {  	[spmem:s2] =	stream.indirect.scatter.add.f32 [tilespmem:s20], [sflag:$0x3], $0x80, s12, s18, $0xb8;
	v63 =	vld [tilespmem:$0x0]  }
0x1c1: {  	_ =	swait.ge [sflag:s15], $0x2800  }
0x1c2: {  	[sflag:s15] =	ssyncset.done $0x0  }
0x1c3: {  	[sflag:s15] =	ssyncadd.s32 $0xFFFFD800  }
0x1c4: {  	_ =	swait.ge [sflag:s21], $0x2800  }
0x1c5: {  	[sflag:s21] =	ssyncset.done $0x0  }
0x1c6: {  	s5 =	rddreg [dreg:$0x1c];
	[sflag:s21] =	ssyncadd.s32 $0xFFFFD800  }
0x1c7: {  	[tilespmem:s20], [sflag:$0x1] =	stream.indirect.gather [hbm4b:s4+s18], $0x80, s5, s18, $0xb8;
	v63 =	vld [tilespmem:$0x0]  }
0x1c8: {  	s12 =	rddreg [dreg:$0x1d]  }
0x1c9: {  	[spmem:s2] =	stream.indirect.scatter.add.f32 [tilespmem:s22], [sflag:$0x3], $0x80, s12, s18, $0xb8;
	v63 =	vld [tilespmem:$0x0]  }
0x1ca: {  	_ =	swait.ge [sflag:s15], $0x2800  }
0x1cb: {  	[sflag:s15] =	ssyncset.done $0x0  }
0x1cc: {  	[sflag:s15] =	ssyncadd.s32 $0xFFFFD800  }
0x1cd: {  	_ =	swait.ge [sflag:s21], $0x2800  }
0x1ce: {  	[sflag:s21] =	ssyncset.done $0x0  }
0x1cf: {  	s5 =	rddreg [dreg:$0x1e];
	[sflag:s21] =	ssyncadd.s32 $0xFFFFD800  }
0x1d0: {  	[tilespmem:s22], [sflag:$0x1] =	stream.indirect.gather [hbm4b:s4+s18], $0x80, s5, s18, $0xb8;
	v63 =	vld [tilespmem:$0x0]  }
0x1d1: {  	s12 =	rddreg [dreg:$0x1f]  }
0x1d2: {  	[spmem:s2] =	stream.indirect.scatter.add.f32 [tilespmem:s14], [sflag:$0x3], $0x80, s12, s18, $0xb8;
	v63 =	vld [tilespmem:$0x0]  }
0x1d3: {  	_ =	swait.ge [sflag:s15], $0x2800  }
0x1d4: {  	[sflag:s15] =	ssyncset.done $0x0  }
0x1d5: {  	[sflag:s15] =	ssyncadd.s32 $0xFFFFD800  }
0x1d6: {  	_ =	swait.ge [sflag:s21], $0x2800  }
0x1d7: {  	s5 =	sld [smem:$0x7F6]  }
0x1d8: {  	[sflag:s21] =	ssyncset.done $0x0  }
0x1d9: {  	s12 =	sld [smem:$0x7F7];
	[sflag:s21] =	ssyncadd.s32 $0xFFFFD800  }
0x1da: {  	[tilespmem:s14], [sflag:$0x1] =	stream.indirect.gather [hbm4b:s4+s18], $0x80, s5, s18, $0xb8;
	v63 =	vld [tilespmem:$0x0]  }
0x1db: {  	_ = 	snop  }
0x1dc: {  	[spmem:s2] =	stream.indirect.scatter.add.f32 [tilespmem:s19], [sflag:$0x3], $0x80, s12, s18, $0xb8;
	v63 =	vld [tilespmem:$0x0]  }
0x1dd: {  	_ =	swait.ge [sflag:s15], $0x2800  }
0x1de: {  	[sflag:s15] =	ssyncset.done $0x0  }
0x1df: {  	[sflag:s15] =	ssyncadd.s32 $0xFFFFD800  }
0x1e0: {  	_ =	swait.ge [sflag:s21], $0x2800  }
0x1e1: {  	s5 =	sld [smem:$0x7F8]  }
0x1e2: {  	[sflag:s21] =	ssyncset.done $0x0  }
0x1e3: {  	s12 =	sld [smem:$0x7F9];
	[sflag:s21] =	ssyncadd.s32 $0xFFFFD800  }
0x1e4: {  	[tilespmem:s19], [sflag:$0x1] =	stream.indirect.gather [hbm4b:s4+s18], $0x80, s5, s18, $0xb8;
	v63 =	vld [tilespmem:$0x0]  }
0x1e5: {  	_ = 	snop  }
0x1e6: {  	[spmem:s2] =	stream.indirect.scatter.add.f32 [tilespmem:s20], [sflag:$0x3], $0x80, s12, s18, $0xb8;
	v63 =	vld [tilespmem:$0x0]  }
0x1e7: {  	_ =	swait.ge [sflag:s15], $0x2800  }
0x1e8: {  	[sflag:s15] =	ssyncset.done $0x0  }
0x1e9: {  	[sflag:s15] =	ssyncadd.s32 $0xFFFFD800  }
0x1ea: {  	_ =	swait.ge [sflag:s21], $0x2800  }
0x1eb: {  	s5 =	sld [smem:$0x7FA]  }
0x1ec: {  	[sflag:s21] =	ssyncset.done $0x0  }
0x1ed: {  	s12 =	sld [smem:$0x7FB];
	[sflag:s21] =	ssyncadd.s32 $0xFFFFD800  }
0x1ee: {  	[tilespmem:s20], [sflag:$0x1] =	stream.indirect.gather [hbm4b:s4+s18], $0x80, s5, s18, $0xb8;
	v63 =	vld [tilespmem:$0x0]  }
0x1ef: {  	_ = 	snop  }
0x1f0: {  	[spmem:s2] =	stream.indirect.scatter.add.f32 [tilespmem:s22], [sflag:$0x3], $0x80, s12, s18, $0xb8;
	v63 =	vld [tilespmem:$0x0]  }
0x1f1: {  	_ =	swait.ge [sflag:s15], $0x2800  }
0x1f2: {  	[sflag:s15] =	ssyncset.done $0x0  }
0x1f3: {  	[sflag:s15] =	ssyncadd.s32 $0xFFFFD800  }
0x1f4: {  	_ =	swait.ge [sflag:s21], $0x2800  }
0x1f5: {  	[sflag:s21] =	ssyncset.done $0x0  }
0x1f6: {  	s23 =	simm.s32 $0x980;
	[sflag:s21] =	ssyncadd.s32 $0xFFFFD800  }
0x1f7: {  	[tilespmem:s22], [sflag:$0x1] =	stream.indirect.gather [hbm4b:s4+s18], $0x80, s23, s18, $0xb8;
	v63 =	vld [tilespmem:$0x0]  }
0x1f8: {  	_ = 	snop  }
0x1f9: {  	[spmem:s2] =	stream.indirect.scatter.add.f32 [tilespmem:s14], [sflag:$0x3], $0x80, s25, s18, $0xb8;
	v63 =	vld [tilespmem:$0x0]  }
0x1fa: {  	_ =	swait.ge [sflag:s15], $0x2800  }
0x1fb: {  	[sflag:s15] =	ssyncset.done $0x0  }
0x1fc: {  	[sflag:s15] =	ssyncadd.s32 $0xFFFFD800  }
0x1fd: {  	_ =	swait.ge [sflag:s21], $0x2800  }
0x1fe: {  	[sflag:s21] =	ssyncset.done $0x0  }
0x1ff: {  	[sflag:s21] =	ssyncadd.s32 $0xFFFFD800  }
0x200: {  	[tilespmem:s14], [sflag:$0x1] =	stream.indirect.gather [hbm4b:s4+s18], $0x80, s26, s18, $0xb8;
	v63 =	vld [tilespmem:$0x0]  }
0x201: {  	_ = 	snop  }
0x202: {  	[spmem:s2] =	stream.indirect.scatter.add.f32 [tilespmem:s19], [sflag:$0x3], $0x80, s28, s18, $0xb8;
	v63 =	vld [tilespmem:$0x0]  }
0x203: {  	_ =	swait.ge [sflag:s15], $0x2800  }
0x204: {  	[sflag:s15] =	ssyncset.done $0x0  }
0x205: {  	[sflag:s15] =	ssyncadd.s32 $0xFFFFD800  }
0x206: {  	_ =	swait.ge [sflag:s21], $0x2800  }
0x207: {  	[sflag:s21] =	ssyncset.done $0x0  }
0x208: {  	[sflag:s21] =	ssyncadd.s32 $0xFFFFD800  }
0x209: {  	[tilespmem:s19], [sflag:$0x1] =	stream.indirect.gather [hbm4b:s4+s18], $0x80, s29, s18, $0xb8;
	v63 =	vld [tilespmem:$0x0]  }
0x20a: {  	_ = 	snop  }
0x20b: {  	[spmem:s2] =	stream.indirect.scatter.add.f32 [tilespmem:s20], [sflag:$0x3], $0x80, s30, s18, $0xb8;
	v63 =	vld [tilespmem:$0x0]  }
0x20c: {  	_ =	swait.ge [sflag:s15], $0x2800  }
0x20d: {  	[sflag:s15] =	ssyncset.done $0x0  }
0x20e: {  	[sflag:s15] =	ssyncadd.s32 $0xFFFFD800  }
0x20f: {  	_ =	swait.ge [sflag:s21], $0x2800  }
0x210: {  	[sflag:s21] =	ssyncset.done $0x0  }
0x211: {  	[sflag:s21] =	ssyncadd.s32 $0xFFFFD800  }
0x212: {  	[tilespmem:s20], [sflag:$0x1] =	stream.indirect.gather [hbm4b:s4+s18], $0x80, s31, s18, $0xb8;
	v63 =	vld [tilespmem:$0x0]  }
0x213: {  	_ = 	snop  }
0x214: {  	[spmem:s2] =	stream.indirect.scatter.add.f32 [tilespmem:s22], [sflag:$0x3], $0x80, s1, s18, $0xb8;
	v63 =	vld [tilespmem:$0x0]  }
0x215: {  	_ =	swait.ge [sflag:s15], $0x2800  }
0x216: {  	[sflag:s15] =	ssyncset.done $0x0  }
0x217: {  	[sflag:s15] =	ssyncadd.s32 $0xFFFFD800  }
0x218: {  	_ =	swait.ge [sflag:s21], $0x2800  }
0x219: {  	[sflag:s21] =	ssyncset.done $0x0  }
0x21a: {  	[sflag:s21] =	ssyncadd.s32 $0xFFFFD800  }
0x21b: {  	[tilespmem:s22], [sflag:$0x1] =	stream.indirect.gather [hbm4b:s4+s18], $0x80, s0, s18, $0xb8;
	v63 =	vld [tilespmem:$0x0]  }
0x21c: {  	_ = 	snop  }
0x21d: {  	[spmem:s2] =	stream.indirect.scatter.add.f32 [tilespmem:s14], [sflag:$0x3], $0x80, s6, s18, $0xb8;
	v63 =	vld [tilespmem:$0x0]  }
0x21e: {  	_ =	swait.ge [sflag:s15], $0x2800  }
0x21f: {  	[sflag:s15] =	ssyncset.done $0x0  }
0x220: {  	[sflag:s15] =	ssyncadd.s32 $0xFFFFD800  }
0x221: {  	_ =	swait.ge [sflag:s21], $0x2800  }
0x222: {  	[sflag:s21] =	ssyncset.done $0x0  }
0x223: {  	[sflag:s21] =	ssyncadd.s32 $0xFFFFD800  }
0x224: {  	[tilespmem:s14], [sflag:$0x1] =	stream.indirect.gather [hbm4b:s4+s18], $0x80, s7, s18, $0xb8;
	v63 =	vld [tilespmem:$0x0]  }
0x225: {  	_ = 	snop  }
0x226: {  	[spmem:s2] =	stream.indirect.scatter.add.f32 [tilespmem:s19], [sflag:$0x3], $0x80, s8, s18, $0xb8;
	v63 =	vld [tilespmem:$0x0]  }
0x227: {  	_ =	swait.ge [sflag:s15], $0x2800  }
0x228: {  	[sflag:s15] =	ssyncset.done $0x0  }
0x229: {  	[sflag:s15] =	ssyncadd.s32 $0xFFFFD800  }
0x22a: {  	_ =	swait.ge [sflag:s21], $0x2800  }
0x22b: {  	[sflag:s21] =	ssyncset.done $0x0  }
0x22c: {  	[sflag:s21] =	ssyncadd.s32 $0xFFFFD800  }
0x22d: {  	[spmem:s2] =	stream.indirect.scatter.add.f32 [tilespmem:s20], [sflag:$0x3], $0x80, s9, s18, $0xb8;
	v63 =	vld [tilespmem:$0x0]  }
0x22e: {  	_ =	swait.ge [sflag:s15], $0x2800  }
0x22f: {  	[sflag:s15] =	ssyncset.done $0x0  }
0x230: {  	[sflag:s15] =	ssyncadd.s32 $0xFFFFD800  }
0x231: {  	_ =	swait.ge [sflag:s21], $0x2800  }
0x232: {  	[sflag:s21] =	ssyncset.done $0x0  }
0x233: {  	[sflag:s21] =	ssyncadd.s32 $0xFFFFD800  }
0x234: {  	[spmem:s2] =	stream.indirect.scatter.add.f32 [tilespmem:s22], [sflag:$0x3], $0x80, s10, s18, $0xb8;
	v63 =	vld [tilespmem:$0x0]  }
0x235: {  	_ =	swait.ge [sflag:s15], $0x2800  }
0x236: {  	[sflag:s15] =	ssyncset.done $0x0  }
0x237: {  	[sflag:s15] =	ssyncadd.s32 $0xFFFFD800  }
0x238: {  	p0 =	sne.s32 s24, $0x800;
	_ =	swait.ge [sflag:s21], $0x2800  }
.Ltmp1:
0x239: {  	[sflag:s21] =	ssyncset.done $0x0;
	(pc) =	sbr.rel @p0 .LBB2_4-.Ltmp1, $4  }
0x23a: {  	[sflag:s21] =	ssyncadd.s32 $0xFFFFD800  }
0x23b: {  	[spmem:s2] =	stream.indirect.scatter.add.f32 [tilespmem:s14], [sflag:$0x3], $0x80, s11, s18, $0xb8;
	v63 =	vld [tilespmem:$0x0]  }
0x23c: {  	_ =	swait.ge [sflag:s15], $0x2800  }
0x23d: {  	s24 =	sadd.s32 $0x200, s24;
	s5 =	rddreg [dreg:$0x3];
	[sflag:s15] =	ssyncset.done $0x0  }
0x23e: {  	s12 =	rddreg [dreg:$0x4];
	[sflag:s15] =	ssyncadd.s32 $0xFFFFD800;
	s5 =	sadd.s32 s13, s5  }
0x23f: {  	[tilespmem:s3], [sflag:$0x2] =	stream.linear.gather [hbm4b:s5+s3], $0xC80, $0x38;
	v63 =	vld [tilespmem:$0x0]  }
0x240: {  	s12 =	sadd.s32 s13, s12  }
0x241: {  	[tilespmem:s16], [sflag:$0x2] =	stream.linear.gather [hbm4b:s12+s3], $0xC80, $0x38;
	v63 =	vld [tilespmem:$0x0]  }
0x242: {  	_ =	swait.ge [sflag:s17], $0xC80  }
0x243: {  	[sflag:s17] =	ssyncset.done $0x0  }
0x244: {  	[sflag:s17] =	ssyncadd.s32 $0xFFFFF380  }
0x245: {  	[tilespmem:s14], [sflag:$0x1] =	stream.indirect.gather [hbm4b:s4+s18], $0x80, s3, s18, $0xb8;
	v63 =	vld [tilespmem:$0x0]  }
0x246: {  	s13 =	rddreg [dreg:$0x5]  }
0x247: {  	[tilespmem:s19], [sflag:$0x1] =	stream.indirect.gather [hbm4b:s4+s18], $0x80, s13, s18, $0xb8;
	v63 =	vld [tilespmem:$0x0]  }
0x248: {  	s24 =	rddreg [dreg:$0x6]  }
0x249: {  	[tilespmem:s20], [sflag:$0x1] =	stream.indirect.gather [hbm4b:s4+s18], $0x80, s24, s18, $0xb8;
	v63 =	vld [tilespmem:$0x0]  }
0x24a: {  	_ =	swait.ge [sflag:s17], $0xC80  }
0x24b: {  	[sflag:s17] =	ssyncset.done $0x0  }
0x24c: {  	[sflag:s17] =	ssyncadd.s32 $0xFFFFF380  }
0x24d: {  	_ =	swait.ge [sflag:s21], $0x2800  }
0x24e: {  	[sflag:s21] =	ssyncset.done $0x0  }
0x24f: {  	s12 =	rddreg [dreg:$0x7];
	[sflag:s21] =	ssyncadd.s32 $0xFFFFD800  }
0x250: {  	[tilespmem:s22], [sflag:$0x1] =	stream.indirect.gather [hbm4b:s4+s18], $0x80, s12, s18, $0xb8;
	v63 =	vld [tilespmem:$0x0]  }
0x251: {  	_ = 	snop  }
0x252: {  	[spmem:s2] =	stream.indirect.scatter.add.f32 [tilespmem:s14], [sflag:$0x3], $0x80, s16, s18, $0xb8;
	v63 =	vld [tilespmem:$0x0]  }
0x253: {  	_ =	swait.ge [sflag:s15], $0x2800  }
0x254: {  	[sflag:s15] =	ssyncset.done $0x0  }
0x255: {  	[sflag:s15] =	ssyncadd.s32 $0xFFFFD800  }
0x256: {  	_ =	swait.ge [sflag:s21], $0x2800  }
0x257: {  	[sflag:s21] =	ssyncset.done $0x0  }
0x258: {  	s13 =	rddreg [dreg:$0x8];
	[sflag:s21] =	ssyncadd.s32 $0xFFFFD800  }
0x259: {  	[tilespmem:s14], [sflag:$0x1] =	stream.indirect.gather [hbm4b:s4+s18], $0x80, s13, s18, $0xb8;
	v63 =	vld [tilespmem:$0x0]  }
0x25a: {  	s24 =	rddreg [dreg:$0x9]  }
0x25b: {  	[spmem:s2] =	stream.indirect.scatter.add.f32 [tilespmem:s19], [sflag:$0x3], $0x80, s24, s18, $0xb8;
	v63 =	vld [tilespmem:$0x0]  }
0x25c: {  	_ =	swait.ge [sflag:s15], $0x2800  }
0x25d: {  	[sflag:s15] =	ssyncset.done $0x0  }
0x25e: {  	[sflag:s15] =	ssyncadd.s32 $0xFFFFD800  }
0x25f: {  	_ =	swait.ge [sflag:s21], $0x2800  }
0x260: {  	[sflag:s21] =	ssyncset.done $0x0  }
0x261: {  	s13 =	rddreg [dreg:$0xa];
	[sflag:s21] =	ssyncadd.s32 $0xFFFFD800  }
0x262: {  	[tilespmem:s19], [sflag:$0x1] =	stream.indirect.gather [hbm4b:s4+s18], $0x80, s13, s18, $0xb8;
	v63 =	vld [tilespmem:$0x0]  }
0x263: {  	s24 =	rddreg [dreg:$0xb]  }
0x264: {  	[spmem:s2] =	stream.indirect.scatter.add.f32 [tilespmem:s20], [sflag:$0x3], $0x80, s24, s18, $0xb8;
	v63 =	vld [tilespmem:$0x0]  }
0x265: {  	_ =	swait.ge [sflag:s15], $0x2800  }
0x266: {  	[sflag:s15] =	ssyncset.done $0x0  }
0x267: {  	[sflag:s15] =	ssyncadd.s32 $0xFFFFD800  }
0x268: {  	_ =	swait.ge [sflag:s21], $0x2800  }
0x269: {  	[sflag:s21] =	ssyncset.done $0x0  }
0x26a: {  	s13 =	rddreg [dreg:$0xc];
	[sflag:s21] =	ssyncadd.s32 $0xFFFFD800  }
0x26b: {  	[tilespmem:s20], [sflag:$0x1] =	stream.indirect.gather [hbm4b:s4+s18], $0x80, s13, s18, $0xb8;
	v63 =	vld [tilespmem:$0x0]  }
0x26c: {  	s24 =	rddreg [dreg:$0xd]  }
0x26d: {  	[spmem:s2] =	stream.indirect.scatter.add.f32 [tilespmem:s22], [sflag:$0x3], $0x80, s24, s18, $0xb8;
	v63 =	vld [tilespmem:$0x0]  }
0x26e: {  	_ =	swait.ge [sflag:s15], $0x2800  }
0x26f: {  	[sflag:s15] =	ssyncset.done $0x0  }
0x270: {  	[sflag:s15] =	ssyncadd.s32 $0xFFFFD800  }
0x271: {  	_ =	swait.ge [sflag:s21], $0x2800  }
0x272: {  	[sflag:s21] =	ssyncset.done $0x0  }
0x273: {  	s13 =	rddreg [dreg:$0xe];
	[sflag:s21] =	ssyncadd.s32 $0xFFFFD800  }
0x274: {  	[tilespmem:s22], [sflag:$0x1] =	stream.indirect.gather [hbm4b:s4+s18], $0x80, s13, s18, $0xb8;
	v63 =	vld [tilespmem:$0x0]  }
0x275: {  	s24 =	rddreg [dreg:$0xf]  }
0x276: {  	[spmem:s2] =	stream.indirect.scatter.add.f32 [tilespmem:s14], [sflag:$0x3], $0x80, s24, s18, $0xb8;
	v63 =	vld [tilespmem:$0x0]  }
0x277: {  	_ =	swait.ge [sflag:s15], $0x2800  }
0x278: {  	[sflag:s15] =	ssyncset.done $0x0  }
0x279: {  	[sflag:s15] =	ssyncadd.s32 $0xFFFFD800  }
0x27a: {  	_ =	swait.ge [sflag:s21], $0x2800  }
0x27b: {  	[sflag:s21] =	ssyncset.done $0x0  }
0x27c: {  	s13 =	rddreg [dreg:$0x10];
	[sflag:s21] =	ssyncadd.s32 $0xFFFFD800  }
0x27d: {  	[tilespmem:s14], [sflag:$0x1] =	stream.indirect.gather [hbm4b:s4+s18], $0x80, s13, s18, $0xb8;
	v63 =	vld [tilespmem:$0x0]  }
0x27e: {  	s24 =	rddreg [dreg:$0x11]  }
0x27f: {  	[spmem:s2] =	stream.indirect.scatter.add.f32 [tilespmem:s19], [sflag:$0x3], $0x80, s24, s18, $0xb8;
	v63 =	vld [tilespmem:$0x0]  }
0x280: {  	_ =	swait.ge [sflag:s15], $0x2800  }
0x281: {  	[sflag:s15] =	ssyncset.done $0x0  }
0x282: {  	[sflag:s15] =	ssyncadd.s32 $0xFFFFD800  }
0x283: {  	_ =	swait.ge [sflag:s21], $0x2800  }
0x284: {  	[sflag:s21] =	ssyncset.done $0x0  }
0x285: {  	s13 =	rddreg [dreg:$0x12];
	[sflag:s21] =	ssyncadd.s32 $0xFFFFD800  }
0x286: {  	[tilespmem:s19], [sflag:$0x1] =	stream.indirect.gather [hbm4b:s4+s18], $0x80, s13, s18, $0xb8;
	v63 =	vld [tilespmem:$0x0]  }
0x287: {  	s24 =	rddreg [dreg:$0x13]  }
0x288: {  	[spmem:s2] =	stream.indirect.scatter.add.f32 [tilespmem:s20], [sflag:$0x3], $0x80, s24, s18, $0xb8;
	v63 =	vld [tilespmem:$0x0]  }
0x289: {  	_ =	swait.ge [sflag:s15], $0x2800  }
0x28a: {  	[sflag:s15] =	ssyncset.done $0x0  }
0x28b: {  	[sflag:s15] =	ssyncadd.s32 $0xFFFFD800  }
0x28c: {  	_ =	swait.ge [sflag:s21], $0x2800  }
0x28d: {  	[sflag:s21] =	ssyncset.done $0x0  }
0x28e: {  	s13 =	rddreg [dreg:$0x14];
	[sflag:s21] =	ssyncadd.s32 $0xFFFFD800  }
0x28f: {  	[tilespmem:s20], [sflag:$0x1] =	stream.indirect.gather [hbm4b:s4+s18], $0x80, s13, s18, $0xb8;
	v63 =	vld [tilespmem:$0x0]  }
0x290: {  	s24 =	rddreg [dreg:$0x15]  }
0x291: {  	[spmem:s2] =	stream.indirect.scatter.add.f32 [tilespmem:s22], [sflag:$0x3], $0x80, s24, s18, $0xb8;
	v63 =	vld [tilespmem:$0x0]  }
0x292: {  	_ =	swait.ge [sflag:s15], $0x2800  }
0x293: {  	[sflag:s15] =	ssyncset.done $0x0  }
0x294: {  	[sflag:s15] =	ssyncadd.s32 $0xFFFFD800  }
0x295: {  	_ =	swait.ge [sflag:s21], $0x2800  }
0x296: {  	[sflag:s21] =	ssyncset.done $0x0  }
0x297: {  	s13 =	rddreg [dreg:$0x16];
	[sflag:s21] =	ssyncadd.s32 $0xFFFFD800  }
0x298: {  	[tilespmem:s22], [sflag:$0x1] =	stream.indirect.gather [hbm4b:s4+s18], $0x80, s13, s18, $0xb8;
	v63 =	vld [tilespmem:$0x0]  }
0x299: {  	s24 =	rddreg [dreg:$0x17]  }
0x29a: {  	[spmem:s2] =	stream.indirect.scatter.add.f32 [tilespmem:s14], [sflag:$0x3], $0x80, s24, s18, $0xb8;
	v63 =	vld [tilespmem:$0x0]  }
0x29b: {  	_ =	swait.ge [sflag:s15], $0x2800  }
0x29c: {  	[sflag:s15] =	ssyncset.done $0x0  }
0x29d: {  	[sflag:s15] =	ssyncadd.s32 $0xFFFFD800  }
0x29e: {  	_ =	swait.ge [sflag:s21], $0x2800  }
0x29f: {  	[sflag:s21] =	ssyncset.done $0x0  }
0x2a0: {  	s13 =	rddreg [dreg:$0x18];
	[sflag:s21] =	ssyncadd.s32 $0xFFFFD800  }
0x2a1: {  	[tilespmem:s14], [sflag:$0x1] =	stream.indirect.gather [hbm4b:s4+s18], $0x80, s13, s18, $0xb8;
	v63 =	vld [tilespmem:$0x0]  }
0x2a2: {  	s24 =	rddreg [dreg:$0x19]  }
0x2a3: {  	[spmem:s2] =	stream.indirect.scatter.add.f32 [tilespmem:s19], [sflag:$0x3], $0x80, s24, s18, $0xb8;
	v63 =	vld [tilespmem:$0x0]  }
0x2a4: {  	_ =	swait.ge [sflag:s15], $0x2800  }
0x2a5: {  	[sflag:s15] =	ssyncset.done $0x0  }
0x2a6: {  	[sflag:s15] =	ssyncadd.s32 $0xFFFFD800  }
0x2a7: {  	_ =	swait.ge [sflag:s21], $0x2800  }
0x2a8: {  	[sflag:s21] =	ssyncset.done $0x0  }
0x2a9: {  	s13 =	rddreg [dreg:$0x1a];
	[sflag:s21] =	ssyncadd.s32 $0xFFFFD800  }
0x2aa: {  	[tilespmem:s19], [sflag:$0x1] =	stream.indirect.gather [hbm4b:s4+s18], $0x80, s13, s18, $0xb8;
	v63 =	vld [tilespmem:$0x0]  }
0x2ab: {  	s24 =	rddreg [dreg:$0x1b]  }
0x2ac: {  	[spmem:s2] =	stream.indirect.scatter.add.f32 [tilespmem:s20], [sflag:$0x3], $0x80, s24, s18, $0xb8;
	v63 =	vld [tilespmem:$0x0]  }
0x2ad: {  	_ =	swait.ge [sflag:s15], $0x2800  }
0x2ae: {  	[sflag:s15] =	ssyncset.done $0x0  }
0x2af: {  	[sflag:s15] =	ssyncadd.s32 $0xFFFFD800  }
0x2b0: {  	_ =	swait.ge [sflag:s21], $0x2800  }
0x2b1: {  	[sflag:s21] =	ssyncset.done $0x0  }
0x2b2: {  	s13 =	rddreg [dreg:$0x1c];
	[sflag:s21] =	ssyncadd.s32 $0xFFFFD800  }
0x2b3: {  	[tilespmem:s20], [sflag:$0x1] =	stream.indirect.gather [hbm4b:s4+s18], $0x80, s13, s18, $0xb8;
	v63 =	vld [tilespmem:$0x0]  }
0x2b4: {  	s24 =	rddreg [dreg:$0x1d]  }
0x2b5: {  	[spmem:s2] =	stream.indirect.scatter.add.f32 [tilespmem:s22], [sflag:$0x3], $0x80, s24, s18, $0xb8;
	v63 =	vld [tilespmem:$0x0]  }
0x2b6: {  	_ =	swait.ge [sflag:s15], $0x2800  }
0x2b7: {  	[sflag:s15] =	ssyncset.done $0x0  }
0x2b8: {  	[sflag:s15] =	ssyncadd.s32 $0xFFFFD800  }
0x2b9: {  	_ =	swait.ge [sflag:s21], $0x2800  }
0x2ba: {  	[sflag:s21] =	ssyncset.done $0x0  }
0x2bb: {  	s13 =	rddreg [dreg:$0x1e];
	[sflag:s21] =	ssyncadd.s32 $0xFFFFD800  }
0x2bc: {  	[tilespmem:s22], [sflag:$0x1] =	stream.indirect.gather [hbm4b:s4+s18], $0x80, s13, s18, $0xb8;
	v63 =	vld [tilespmem:$0x0]  }
0x2bd: {  	s24 =	rddreg [dreg:$0x1f]  }
0x2be: {  	[spmem:s2] =	stream.indirect.scatter.add.f32 [tilespmem:s14], [sflag:$0x3], $0x80, s24, s18, $0xb8;
	v63 =	vld [tilespmem:$0x0]  }
0x2bf: {  	_ =	swait.ge [sflag:s15], $0x2800  }
0x2c0: {  	[sflag:s15] =	ssyncset.done $0x0  }
0x2c1: {  	[sflag:s15] =	ssyncadd.s32 $0xFFFFD800  }
0x2c2: {  	_ =	swait.ge [sflag:s21], $0x2800  }
0x2c3: {  	s13 =	sld [smem:$0x7F6]  }
0x2c4: {  	[sflag:s21] =	ssyncset.done $0x0  }
0x2c5: {  	s24 =	sld [smem:$0x7F7];
	[sflag:s21] =	ssyncadd.s32 $0xFFFFD800  }
0x2c6: {  	[tilespmem:s14], [sflag:$0x1] =	stream.indirect.gather [hbm4b:s4+s18], $0x80, s13, s18, $0xb8;
	v63 =	vld [tilespmem:$0x0]  }
0x2c7: {  	_ = 	snop  }
0x2c8: {  	[spmem:s2] =	stream.indirect.scatter.add.f32 [tilespmem:s19], [sflag:$0x3], $0x80, s24, s18, $0xb8;
	v63 =	vld [tilespmem:$0x0]  }
0x2c9: {  	_ =	swait.ge [sflag:s15], $0x2800  }
0x2ca: {  	[sflag:s15] =	ssyncset.done $0x0  }
0x2cb: {  	[sflag:s15] =	ssyncadd.s32 $0xFFFFD800  }
0x2cc: {  	_ =	swait.ge [sflag:s21], $0x2800  }
0x2cd: {  	s13 =	sld [smem:$0x7F8]  }
0x2ce: {  	[sflag:s21] =	ssyncset.done $0x0  }
0x2cf: {  	s24 =	sld [smem:$0x7F9];
	[sflag:s21] =	ssyncadd.s32 $0xFFFFD800  }
0x2d0: {  	[tilespmem:s19], [sflag:$0x1] =	stream.indirect.gather [hbm4b:s4+s18], $0x80, s13, s18, $0xb8;
	v63 =	vld [tilespmem:$0x0]  }
0x2d1: {  	_ = 	snop  }
0x2d2: {  	[spmem:s2] =	stream.indirect.scatter.add.f32 [tilespmem:s20], [sflag:$0x3], $0x80, s24, s18, $0xb8;
	v63 =	vld [tilespmem:$0x0]  }
0x2d3: {  	_ =	swait.ge [sflag:s15], $0x2800  }
0x2d4: {  	[sflag:s15] =	ssyncset.done $0x0  }
0x2d5: {  	[sflag:s15] =	ssyncadd.s32 $0xFFFFD800  }
0x2d6: {  	_ =	swait.ge [sflag:s21], $0x2800  }
0x2d7: {  	s13 =	sld [smem:$0x7FA]  }
0x2d8: {  	[sflag:s21] =	ssyncset.done $0x0  }
0x2d9: {  	s24 =	sld [smem:$0x7FB];
	[sflag:s21] =	ssyncadd.s32 $0xFFFFD800  }
0x2da: {  	[tilespmem:s20], [sflag:$0x1] =	stream.indirect.gather [hbm4b:s4+s18], $0x80, s13, s18, $0xb8;
	v63 =	vld [tilespmem:$0x0]  }
0x2db: {  	_ = 	snop  }
0x2dc: {  	[spmem:s2] =	stream.indirect.scatter.add.f32 [tilespmem:s22], [sflag:$0x3], $0x80, s24, s18, $0xb8;
	v63 =	vld [tilespmem:$0x0]  }
0x2dd: {  	_ =	swait.ge [sflag:s15], $0x2800  }
0x2de: {  	[sflag:s15] =	ssyncset.done $0x0  }
0x2df: {  	[sflag:s15] =	ssyncadd.s32 $0xFFFFD800  }
0x2e0: {  	_ =	swait.ge [sflag:s21], $0x2800  }
0x2e1: {  	[sflag:s21] =	ssyncset.done $0x0  }
0x2e2: {  	[sflag:s21] =	ssyncadd.s32 $0xFFFFD800  }
0x2e3: {  	[tilespmem:s22], [sflag:$0x1] =	stream.indirect.gather [hbm4b:s4+s18], $0x80, s23, s18, $0xb8;
	v63 =	vld [tilespmem:$0x0]  }
0x2e4: {  	_ = 	snop  }
0x2e5: {  	[spmem:s2] =	stream.indirect.scatter.add.f32 [tilespmem:s14], [sflag:$0x3], $0x80, s25, s18, $0xb8;
	v63 =	vld [tilespmem:$0x0]  }
0x2e6: {  	_ =	swait.ge [sflag:s15], $0x2800  }
0x2e7: {  	[sflag:s15] =	ssyncset.done $0x0  }
0x2e8: {  	[sflag:s15] =	ssyncadd.s32 $0xFFFFD800  }
0x2e9: {  	_ =	swait.ge [sflag:s21], $0x2800  }
0x2ea: {  	[sflag:s21] =	ssyncset.done $0x0  }
0x2eb: {  	[sflag:s21] =	ssyncadd.s32 $0xFFFFD800  }
0x2ec: {  	[tilespmem:s14], [sflag:$0x1] =	stream.indirect.gather [hbm4b:s4+s18], $0x80, s26, s18, $0xb8;
	v63 =	vld [tilespmem:$0x0]  }
0x2ed: {  	_ = 	snop  }
0x2ee: {  	[spmem:s2] =	stream.indirect.scatter.add.f32 [tilespmem:s19], [sflag:$0x3], $0x80, s28, s18, $0xb8;
	v63 =	vld [tilespmem:$0x0]  }
0x2ef: {  	_ =	swait.ge [sflag:s15], $0x2800  }
0x2f0: {  	[sflag:s15] =	ssyncset.done $0x0  }
0x2f1: {  	[sflag:s15] =	ssyncadd.s32 $0xFFFFD800  }
0x2f2: {  	_ =	swait.ge [sflag:s21], $0x2800  }
0x2f3: {  	[sflag:s21] =	ssyncset.done $0x0  }
0x2f4: {  	[sflag:s21] =	ssyncadd.s32 $0xFFFFD800  }
0x2f5: {  	[tilespmem:s19], [sflag:$0x1] =	stream.indirect.gather [hbm4b:s4+s18], $0x80, s29, s18, $0xb8;
	v63 =	vld [tilespmem:$0x0]  }
0x2f6: {  	_ = 	snop  }
0x2f7: {  	[spmem:s2] =	stream.indirect.scatter.add.f32 [tilespmem:s20], [sflag:$0x3], $0x80, s30, s18, $0xb8;
	v63 =	vld [tilespmem:$0x0]  }
0x2f8: {  	_ =	swait.ge [sflag:s15], $0x2800  }
0x2f9: {  	[sflag:s15] =	ssyncset.done $0x0  }
0x2fa: {  	[sflag:s15] =	ssyncadd.s32 $0xFFFFD800  }
0x2fb: {  	_ =	swait.ge [sflag:s21], $0x2800  }
0x2fc: {  	[sflag:s21] =	ssyncset.done $0x0  }
0x2fd: {  	[sflag:s21] =	ssyncadd.s32 $0xFFFFD800  }
0x2fe: {  	[tilespmem:s20], [sflag:$0x1] =	stream.indirect.gather [hbm4b:s4+s18], $0x80, s31, s18, $0xb8;
	v63 =	vld [tilespmem:$0x0]  }
0x2ff: {  	_ = 	snop  }
0x300: {  	[spmem:s2] =	stream.indirect.scatter.add.f32 [tilespmem:s22], [sflag:$0x3], $0x80, s1, s18, $0xb8;
	v63 =	vld [tilespmem:$0x0]  }
0x301: {  	_ =	swait.ge [sflag:s15], $0x2800  }
0x302: {  	[sflag:s15] =	ssyncset.done $0x0  }
0x303: {  	[sflag:s15] =	ssyncadd.s32 $0xFFFFD800  }
0x304: {  	_ =	swait.ge [sflag:s21], $0x2800  }
0x305: {  	[sflag:s21] =	ssyncset.done $0x0  }
0x306: {  	[sflag:s21] =	ssyncadd.s32 $0xFFFFD800  }
0x307: {  	[tilespmem:s22], [sflag:$0x1] =	stream.indirect.gather [hbm4b:s4+s18], $0x80, s0, s18, $0xb8;
	v63 =	vld [tilespmem:$0x0]  }
0x308: {  	_ = 	snop  }
0x309: {  	[spmem:s2] =	stream.indirect.scatter.add.f32 [tilespmem:s14], [sflag:$0x3], $0x80, s6, s18, $0xb8;
	v63 =	vld [tilespmem:$0x0]  }
0x30a: {  	_ =	swait.ge [sflag:s15], $0x2800  }
0x30b: {  	[sflag:s15] =	ssyncset.done $0x0  }
0x30c: {  	[sflag:s15] =	ssyncadd.s32 $0xFFFFD800  }
0x30d: {  	_ =	swait.ge [sflag:s21], $0x2800  }
0x30e: {  	[sflag:s21] =	ssyncset.done $0x0  }
0x30f: {  	[sflag:s21] =	ssyncadd.s32 $0xFFFFD800  }
0x310: {  	[tilespmem:s14], [sflag:$0x1] =	stream.indirect.gather [hbm4b:s4+s18], $0x80, s7, s18, $0xb8;
	v63 =	vld [tilespmem:$0x0]  }
0x311: {  	_ = 	snop  }
0x312: {  	[spmem:s2] =	stream.indirect.scatter.add.f32 [tilespmem:s19], [sflag:$0x3], $0x80, s8, s18, $0xb8;
	v63 =	vld [tilespmem:$0x0]  }
0x313: {  	_ =	swait.ge [sflag:s15], $0x2800  }
0x314: {  	[sflag:s15] =	ssyncset.done $0x0  }
0x315: {  	[sflag:s15] =	ssyncadd.s32 $0xFFFFD800  }
0x316: {  	_ =	swait.ge [sflag:s21], $0x2800  }
0x317: {  	[sflag:s21] =	ssyncset.done $0x0  }
0x318: {  	[sflag:s21] =	ssyncadd.s32 $0xFFFFD800  }
0x319: {  	[spmem:s2] =	stream.indirect.scatter.add.f32 [tilespmem:s20], [sflag:$0x3], $0x80, s9, s18, $0xb8;
	v63 =	vld [tilespmem:$0x0]  }
0x31a: {  	_ =	swait.ge [sflag:s15], $0x2800  }
0x31b: {  	[sflag:s15] =	ssyncset.done $0x0  }
0x31c: {  	[sflag:s15] =	ssyncadd.s32 $0xFFFFD800  }
0x31d: {  	_ =	swait.ge [sflag:s21], $0x2800  }
0x31e: {  	[sflag:s21] =	ssyncset.done $0x0  }
0x31f: {  	[sflag:s21] =	ssyncadd.s32 $0xFFFFD800  }
0x320: {  	[spmem:s2] =	stream.indirect.scatter.add.f32 [tilespmem:s22], [sflag:$0x3], $0x80, s10, s18, $0xb8;
	v63 =	vld [tilespmem:$0x0]  }
0x321: {  	_ =	swait.ge [sflag:s15], $0x2800  }
0x322: {  	[sflag:s15] =	ssyncset.done $0x0  }
0x323: {  	[sflag:s15] =	ssyncadd.s32 $0xFFFFD800  }
0x324: {  	_ =	swait.ge [sflag:s21], $0x2800  }
0x325: {  	[sflag:s21] =	ssyncset.done $0x0  }
0x326: {  	[sflag:s21] =	ssyncadd.s32 $0xFFFFD800  }
0x327: {  	[spmem:s2] =	stream.indirect.scatter.add.f32 [tilespmem:s14], [sflag:$0x3], $0x80, s11, s18, $0xb8;
	v63 =	vld [tilespmem:$0x0]  }
0x328: {  	_ =	swait.ge [sflag:s15], $0x2800  }
0x329: {  	[sflag:s15] =	ssyncset.done $0x0  }
0x32a: {  	[sflag:s15] =	ssyncadd.s32 $0xFFFFD800  }
0x32b: {  	[bflag:$0x0] =	sbarrier.arrive $0xFFFF  }
0x32c: {  	s23 =	sld [smem:$0x7FD]  }
0x32d: {  	s12 =	stileid.u32;
	s24 =	sld [smem:$0x7FC]  }
0x32e: {  	s5 =	sshll.u32 s12, $0x6  }
0x32f: {  	s5 =	sor.u32 $0x1C03, s5;
	s13 =	sshrl.u32 s23, $0x3  }
0x330: {  	[hbm:s24], [sflag:s5] =	dma.local [spmem:s13], $0x2800  }
0x331: {  	_ =	swait.ge [sflag:s15], $0x2800  }
0x332: {  	s13 =	sld [smem:$0x7ED]  }
0x333: {  	s24 =	sld [smem:$0x7F5];
	_ =	sdelay $0x1  }
0x334: {  	s12 =	sadd.s32 $0x1, s13  }
0x335: {  	p0 =	sne.s32 s12, s24  }
.Ltmp2:
0x336: {  	_ = 	snop;
	(pc) =	sbr.rel @p0 .LBB2_1-.Ltmp2, $3  }
0x337: {  	_ =	sdelay $0x1  }
0x338: {  	[sflag:s15] =	ssyncset.done $0x0  }
0x339: {  	[sflag:s15] =	ssyncadd.s32 $0xFFFFD800  }
0x33a: {  	_ =	sfence.sel $0x180000  }
0x33b: {  	[bflag:$0x0] =	sbarrier.arrive $0xFFFF  }
0x33c: {  	_ =	strace $0x9000004D  }
0x33d: {  	s0 =	stileid.u32;
	[bflag:$0x2] =	sbarrier.arrive $0xFFFF  }
0x33e: {  	p0 =	sne.s32 s0, $0x0;
	s0 =	rddreg [dreg:$0x2]  }
0x33f: {  	s0 =	sadd.s32 @!p0 $0x100000, s0  }
0x340: {  	[sflag:s0] =	ssyncadd.tile.s32 @!p0 $0x1;
	_ =	shalt  }
.Lfunc_end2:
_tile_overlayer_lowered:
.L_overlay_start_2:
0x341: {  	(tag) =	ssettag $0x2  }
0x342: {  	s0 =	rddreg [dreg:$0x0];
	s2 =	stileid.u32  }
0x343: {  	s1 =	rddreg [dreg:$0x1];
	p0 =	sne.s32 s2, $0x0  }
0x344: {  	s3 =	rddreg [dreg:$0x2];
	[bflag:$0x3] =	sbarrier.arrive $0xFFFF;
	s2 =	simm.s32 @!p0 $0x1C03  }
0x345: {  	[timem:s3], [sflag:s2] =	dma.local @!p0 [hbm:s0], s1  }
0x346: {  	s0 =	simm.s32 @!p0 $0x3  }
0x347: {  	_ =	swait.ge @!p0 [sflag:s0], s1  }
0x348: {  	s1 =	ssub.s32 @!p0 $0x0, s1;
	[sflag:s0] =	ssyncset.done @!p0 $0x0  }
0x349: {  	[sflag:s0] =	ssyncadd.s32 @!p0 s1  }
0x34a: {  	[bflag:$0x3] =	sbarrier.arrive $0xFFFF  }
0x34b: {  	_ =	shalt  }

// kernel: kernel.8.cloned.1.call-start
scs
__scs_entry_jumppad:
0x0: {  	(pc) =	sbr.rel $0x88, $3  }
0x1: {  	(tag) =	ssettag $0x0;
	lr =	simm.s32 $0x1  }
0x2: {  	[smem:$0x3F97] =	sst lr;
	_ =	strace $0xD0000000  }
0x3: {  	_ = 	snop  }
0x4: {  	_ = 	snop  }
0x5: {  	_ = 	snop  }
0x6: {  	_ = 	snop  }
0x7: {  	_ = 	snop  }
__scs_overlays_trampoline_lowered:
0x8: {  	[smem:$0x3FA6] =	sst s0  }
0x9: {  	[smem:$0x3FA7] =	sst s1  }
0xa: {  	[smem:$0x3FA8] =	sst s2  }
0xb: {  	[smem:$0x3FA9] =	sst s3  }
0xc: {  	[smem:$0x3FAA] =	sst s4  }
0xd: {  	[smem:$0x3FAB] =	sst s5  }
0xe: {  	[smem:$0x3FAC] =	sst s6  }
0xf: {  	[smem:$0x3FAD] =	sst s7  }
0x10: {  	[smem:$0x3FAE] =	sst s8  }
0x11: {  	[smem:$0x3FAF] =	sst s9;
	s0 =	simm.s32 @!p0 $0x0  }
0x12: {  	s1 =	sld [smem:$0x3F95];
	s0 =	simm.s32 @p0 $0x1  }
0x13: {  	[smem:$0x3FB0] =	sst s0;
	s0 =	simm.s32 @!p1 $0x0  }
0x14: {  	s2 =	sld [smem:$0x3F94];
	s0 =	simm.s32 @p1 $0x1  }
0x15: {  	[smem:$0x3FB1] =	sst s0;
	s0 =	simm.s32 @!p2 $0x0  }
0x16: {  	s3 =	sld [smem:$0x3FDB];
	s0 =	simm.s32 @p2 $0x1  }
0x17: {  	s4 =	simm.s32 $0x1BF5;
	[smem:$0x3FB3] =	sst s0  }
0x18: {  	s0 =	sld [smem:$0x3F96];
	_ =	swait.ge [sflag:s4], $0x0  }
0x19: {  	s7 =	sld [smem:$0x3F97]  }
0x1a: {  	s8 =	sadd.s32 $0xFFFFE003, lr  }
0x1b: {  	s9 =	sadd.s32 $0xFFFFFEF7, lr;
	s5 =	simm.s32 $0xFFFFFFFF;
	p2 =	slt.u32 s8, $0xFFFFF086  }
0x1c: {  	p1 =	slt.u32 s9, $0xF7A;
	s5 =	simm.s32 @!p2 $0x0  }
0x1d: {  	s5 =	simm.s32 @p1 $0x1;
	p0 =	seq.s32 s7, s2  }
0x1e: {  	s7 =	smul.u32 @!p0 $0xF7A, s2;
	p2 =	seq.s32 @!p0 s5, $0x0  }
0x1f: {  	s9 =	smul.u32 $0xF7A, s1;
	s8 =	simm.s32 @!p0 $0x1BF5;
	p2 =	por !p2, p0  }
0x20: {  	[sflag:s8] =	ssyncset.s32 @!p0 $0xFFFFF086;
	s6 =	sadd.s32 @!p0 s3, s7;
	s7 =	simm.s32 @!p0 $0x108  }
0x21: {  	s3 =	sadd.s32 s3, s9;
	s6 =	sadd.s32 @!p0 $0x88, s6;
	s7 =	simm.s32 @p2 $0x1082  }
0x22: {  	[simem:s7], [sflag:s8] =	dma.local @!p0 [hbm:s6], $0xF7A  }
0x23: {  	s9 =	sor.u32 $0xD0000000, s2;
	s6 =	simm.s32 $0x108;
	_ =	swait.ge @!p0 [sflag:s8], $0x0  }
0x24: {  	s3 =	sadd.s32 $0x88, s3;
	s6 =	simm.s32 @!p1 $0x1082;
	[sflag:s4] =	ssyncset.s32 $0xFFFFF086  }
0x25: {  	[simem:s6], [sflag:s4] =	dma.local [hbm:s3], $0xF7A  }
0x26: {  	[smem:$0x3F97] =	sst s1;
	(tag) =	ssettag s2;
	_ =	strace s9  }
0x27: {  	s1 =	sld [smem:$0x3FA7]  }
0x28: {  	s2 =	sld [smem:$0x3FA8]  }
0x29: {  	s4 =	sld [smem:$0x3FAA]  }
0x2a: {  	p0 =	seq.s32 s5, $0x0;
	s5 =	sld [smem:$0x3FAB]  }
0x2b: {  	s6 =	sld [smem:$0x3FAC]  }
0x2c: {  	s7 =	sld [smem:$0x3FAD]  }
0x2d: {  	s3 =	simm.s32 $0x108;
	s8 =	sld [smem:$0x3FAE]  }
0x2e: {  	s3 =	simm.s32 @!p0 $0x1082;
	s9 =	sld [smem:$0x3FAF]  }
0x2f: {  	lr =	sadd.s32 s0, s3;
	s0 =	sld [smem:$0x3FA6]  }
0x30: {  	s3 =	sld [smem:$0x3FA9]  }
0x31: {  	[smem:$0x3FB2] =	sst s10  }
0x32: {  	s10 =	sld [smem:$0x3FB0];
	_ =	sdelay $0x3  }
0x33: {  	p0 =	seq.s32 s10, $0x1;
	s10 =	sld [smem:$0x3FB2];
	_ =	sdelay $0x3  }
0x34: {  	[smem:$0x3FB2] =	sst s10  }
0x35: {  	s10 =	sld [smem:$0x3FB1];
	_ =	sdelay $0x3  }
0x36: {  	p1 =	seq.s32 s10, $0x1;
	s10 =	sld [smem:$0x3FB2];
	_ =	sdelay $0x3  }
0x37: {  	[smem:$0x3FB2] =	sst s10  }
0x38: {  	s10 =	sld [smem:$0x3FB3]  }
0x39: {  	_ = 	snop;
	(pc) =	sbr.ind lr, $3  }
0x3a: {  	_ = 	snop  }
0x3b: {  	_ = 	snop  }
0x3c: {  	p2 =	seq.s32 s10, $0x1;
	s10 =	sld [smem:$0x3FB2]  }
0x3d: {  	_ =	shalt  }
0x3e: {  	_ =	shalt  }
0x3f: {  	_ =	shalt  }
0x40: {  	_ =	shalt  }
0x41: {  	_ =	shalt  }
0x42: {  	_ =	shalt  }
0x43: {  	_ =	shalt  }
0x44: {  	_ =	shalt  }
0x45: {  	_ =	shalt  }
0x46: {  	_ =	shalt  }
0x47: {  	_ =	shalt  }
0x48: {  	_ =	shalt  }
0x49: {  	_ =	shalt  }
0x4a: {  	_ =	shalt  }
0x4b: {  	_ =	shalt  }
0x4c: {  	_ =	shalt  }
0x4d: {  	_ =	shalt  }
0x4e: {  	_ =	shalt  }
0x4f: {  	_ =	shalt  }
0x50: {  	_ =	shalt  }
0x51: {  	_ =	shalt  }
0x52: {  	_ =	shalt  }
0x53: {  	_ =	shalt  }
0x54: {  	_ =	shalt  }
0x55: {  	_ =	shalt  }
0x56: {  	_ =	shalt  }
0x57: {  	_ =	shalt  }
0x58: {  	_ =	shalt  }
0x59: {  	_ =	shalt  }
0x5a: {  	_ =	shalt  }
0x5b: {  	_ =	shalt  }
0x5c: {  	_ =	shalt  }
0x5d: {  	_ =	shalt  }
0x5e: {  	_ =	shalt  }
0x5f: {  	_ =	shalt  }
0x60: {  	_ =	shalt  }
0x61: {  	_ =	shalt  }
0x62: {  	_ =	shalt  }
0x63: {  	_ =	shalt  }
0x64: {  	_ =	shalt  }
0x65: {  	_ =	shalt  }
0x66: {  	_ =	shalt  }
0x67: {  	_ =	shalt  }
0x68: {  	_ =	shalt  }
0x69: {  	_ =	shalt  }
0x6a: {  	_ =	shalt  }
0x6b: {  	_ =	shalt  }
0x6c: {  	_ =	shalt  }
0x6d: {  	_ =	shalt  }
0x6e: {  	_ =	shalt  }
0x6f: {  	_ =	shalt  }
0x70: {  	_ =	shalt  }
0x71: {  	_ =	shalt  }
0x72: {  	_ =	shalt  }
0x73: {  	_ =	shalt  }
0x74: {  	_ =	shalt  }
0x75: {  	_ =	shalt  }
0x76: {  	_ =	shalt  }
0x77: {  	_ =	shalt  }
0x78: {  	_ =	shalt  }
0x79: {  	_ =	shalt  }
0x7a: {  	_ =	shalt  }
0x7b: {  	_ =	shalt  }
0x7c: {  	_ =	shalt  }
0x7d: {  	_ =	shalt  }
0x7e: {  	_ =	shalt  }
0x7f: {  	_ =	shalt  }
0x80: {  	_ =	shalt  }
0x81: {  	_ =	shalt  }
0x82: {  	_ =	shalt  }
0x83: {  	_ =	shalt  }
0x84: {  	_ =	shalt  }
0x85: {  	_ =	shalt  }
0x86: {  	_ =	shalt  }
0x87: {  	_ =	shalt  }
.Lfunc_end0:
.L_simem_size_0:
called_computation_lowered:
.L_overlay_start_0:
0x88: {  	s2 =	sld [smem:$0x3FD9]  }
0x89: {  	s3 =	sld [smem:$0x3FFE];
	_ =	sdelay $0x1  }
0x8a: {  	s1 =	srdreg.scid  }
0x8b: {  	s0 =	sand.u32 $0x1, s1  }
0x8c: {  	s17 =	sshll.u32 s0, $0xA;
	s2 =	sadd.s32 s3, s2  }
0x8d: {  	s2 =	sadd.s32 s2, s17  }
0x8e: {  	[smem:$0x3FBE] =	sst s2  }
0x8f: {  	_ = 	snop  }
0x90: {  	s2 =	sld [smem:$0x3FC9];
	(tm) =	ssettm $0x1  }
0x91: {  	s18 =	sld [smem:$0x3FFB];
	_ =	sdelay $0x3  }
0x92: {  	_ =	strace s18  }
0x93: {  	s3 =	sld [smem:$0x3FFC];
	_ =	sdelay $0x3  }
0x94: {  	_ =	strace s3  }
0x95: {  	s3 =	sld [smem:$0x3FFD];
	_ =	sdelay $0x3  }
0x96: {  	_ =	strace s3  }
0x97: {  	_ =	strace $0x8FFFFFFF  }
0x98: {  	s19 =	sld [smem:$0x3FDB];
	_ =	sdelay $0x1  }
0x99: {  	s4 =	simm.s32 $_scs_section_size  }
0x9a: {  	s5 =	simm.s32 $_size__tile_overlayer_lowered;
	s6 =	simm.s32 $_tile_overlayer_lowered  }
0x9b: {  	s22 =	simm.s32 $0x1BFF;
	s21 =	sshll.u32 s6, $0x1;
	s3 =	sadd.s32 s4, s19  }
0x9c: {  	s7 =	simm.s32 $0x0;
	s20 =	sshll.u32 s5, $0x1;
	s5 =	sadd.s32 s21, s3  }
0x9d: {  	[timem:s7], [sflag:s22] =	dma.local [hbm:s5], s20  }
0x9e: {  	_ =	swait.ge [sflag:s22], s20  }
0x9f: {  	s4 =	ssub.s32 $0x0, s20;
	[sflag:s22] =	ssyncset.done $0x0  }
0xa0: {  	[sflag:s22] =	ssyncadd.s32 s4;
	_ =	sdelay $0x1  }
0xa1: {  	s23 =	simm.s32 $0x1B8B  }
0xa2: {  	_ =	swait.ge [sflag:s23], $0x1  }
0xa3: {  	[sflag:s23] =	ssyncset.done $0x0  }
0xa4: {  	s25 =	simm.s32 $0x1B8E;
	s24 =	sld [smem:$0x3FFE];
	[sflag:s23] =	ssyncadd.s32 $0xFFFFFFFF  }
0xa5: {  	s26 =	simm.s32 $execute0_lowered;
	[smem:$0x3FD2] =	sst s25  }
0xa6: {  	s5 =	sshll.u32 s26, $0x1;
	_ =	strace $0x80000046;
	[dreg:$0x1] =	wrdreg $0xFFFFFFFF  }
0xa7: {  	s28 =	simm.s32 $_size_execute0_lowered;
	s3 =	sadd.s32 s3, s5;
	[dreg:$0x0] =	wrdreg $0x0  }
0xa8: {  	s5 =	sshll.u32 s28, $0x1;
	[dreg:$0x2] =	wrdreg s3  }
0xa9: {  	[dreg:$0x3] =	wrdreg s5  }
0xaa: {  	[dreg:$0x4] =	wrdreg $0xC0  }
0xab: {  	_ =	task [dreg:s7], $0x5FFFF  }
0xac: {  	[dreg:$0x1] =	wrdreg $0xFFFFFFFF  }
0xad: {  	[dreg:$0x0] =	wrdreg $0x60  }
0xae: {  	[dreg:$0x2] =	wrdreg s2  }
0xaf: {  	[dreg:$0x3] =	wrdreg s24  }
0xb0: {  	[dreg:$0x4] =	wrdreg $0xC0000  }
0xb1: {  	[dreg:$0x5] =	wrdreg $0x9  }
0xb2: {  	_ =	task.clear_ibuf [dreg:s7], $0x6FFFF;
	_ =	strace $0x90000046  }
0xb3: {  	s29 =	simm.s32 $0x9;
	_ =	strace $0x80000048  }
0xb4: {  	_ =	swait.ge [sflag:s29], $0x1  }
0xb5: {  	[sflag:s29] =	ssyncadd.s32 $0xFFFFFFFF  }
0xb6: {  	_ =	strace $0x90000048  }
0xb7: {  	_ =	sfence  }
0xb8: {  	s30 =	sld [smem:$0x0];
	_ =	sdelay $0x2  }
0xb9: {  	s31 =	sshll.u32 s1, $0xD;
	s1 =	sshrl.u32 s1, $0x2  }
0xba: {  	s3 =	sand.u32 $0x4000, s31;
	s1 =	sadd.s32 s1, s30  }
0xbb: {  	s0 =	sor.u32 s3, s0;
	s1 =	sshll.u32 s1, $0x11  }
0xbc: {  	s0 =	sor.u32 s1, s0  }
0xbd: {  	s0 =	sadd.s32 $0x8F2B, s0  }
0xbe: {  	[sflag:s0] =	ssyncadd.remote.s32 $0x1  }
0xbf: {  	_ =	sfence.sel $0xFFFF  }
0xc0: {  	[dreg:$0x0] =	wrdreg $0xFFFFFFFF;
	(pc) =	sbr.abs _section_cstart, $3  }
0xc1: {  	[dreg:$0x1] =	wrdreg $0xFFFFFFFF  }
0xc2: {  	_ =	task.clear_ibuf [dreg:s7], $0x2FFFF;
	_ =	strace $0x9FFFFFFF  }
0xc3: {  	(tm) =	ssettm $0x7FFFFFFF  }
tec
execute0_lowered:
.L_overlay_start_1:
0x0: {  	(tag) =	ssettag $0x1  }
0x1: {  	s1 =	rddreg [dreg:$0x0]  }
0x2: {  	s5 =	rddreg [dreg:$0x1]  }
0x3: {  	s3 =	rddreg [dreg:$0x2];
	s4 =	simm.s32 $0x0  }
0x4: {  	s19 =	simm.s32 $0x80;
	[smem:$0x7FF] =	sst s4  }
0x5: {  	s20 =	simm.s32 $0x100;
	_ =	strace $0x80000047;
	[dreg:$0x6] =	wrdreg s19  }
0x6: {  	s21 =	simm.s32 $0x180;
	[dreg:$0x7] =	wrdreg s20  }
0x7: {  	s22 =	simm.s32 $0x200;
	[dreg:$0x8] =	wrdreg s21  }
0x8: {  	s23 =	simm.s32 $0x1080;
	[dreg:$0x9] =	wrdreg s22  }
0x9: {  	s25 =	simm.s32 $0x280;
	[dreg:$0xa] =	wrdreg s23  }
0xa: {  	s26 =	simm.s32 $0x1100;
	[dreg:$0xb] =	wrdreg s25  }
0xb: {  	s7 =	simm.s32 $0x300;
	[dreg:$0xc] =	wrdreg s26  }
0xc: {  	s9 =	simm.s32 $0x1180;
	[dreg:$0xd] =	wrdreg s7  }
0xd: {  	s11 =	simm.s32 $0x380;
	[dreg:$0xe] =	wrdreg s9  }
0xe: {  	s12 =	simm.s32 $0x1200;
	[dreg:$0xf] =	wrdreg s11  }
0xf: {  	s13 =	simm.s32 $0x400;
	[dreg:$0x10] =	wrdreg s12  }
0x10: {  	s15 =	simm.s32 $0x1280;
	[dreg:$0x11] =	wrdreg s13  }
0x11: {  	s0 =	srdreg.scid;
	s16 =	simm.s32 $0x480;
	[dreg:$0x12] =	wrdreg s15  }
0x12: {  	s8 =	stileid.u32;
	s17 =	simm.s32 $0x1300;
	[dreg:$0x13] =	wrdreg s16  }
0x13: {  	s28 =	simm.s32 $0x1880;
	[dreg:$0x14] =	wrdreg s17;
	s19 =	simm.s32 $0x500  }
0x14: {  	s29 =	simm.s32 $0xA80;
	s21 =	simm.s32 $0x1380;
	[dreg:$0x15] =	wrdreg s19  }
0x15: {  	s30 =	simm.s32 $0x1900;
	s26 =	simm.s32 $0x1400;
	[dreg:$0x16] =	wrdreg s21  }
0x16: {  	s31 =	simm.s32 $0xB00;
	s9 =	simm.s32 $0x600;
	[dreg:$0x18] =	wrdreg s26  }
0x17: {  	s0 =	sand.u32 $0x1, s0;
	s11 =	simm.s32 $0x1480;
	[dreg:$0x19] =	wrdreg s9  }
0x18: {  	s2 =	sshll.u32 s8, $0x1;
	s12 =	simm.s32 $0x680;
	[dreg:$0x1a] =	wrdreg s11  }
0x19: {  	s2 =	sor.u32 s0, s2;
	s15 =	simm.s32 $0x700;
	[dreg:$0x1b] =	wrdreg s12  }
0x1a: {  	s24 =	smul.u32 $0x28000, s0;
	s16 =	simm.s32 $0x1580;
	[dreg:$0x1d] =	wrdreg s15  }
0x1b: {  	s0 =	ssub.s32 $0x2, s0;
	s17 =	simm.s32 $0x780;
	[dreg:$0x1e] =	wrdreg s16  }
0x1c: {  	s2 =	smul.u32 $0xA00, s2;
	[dreg:$0x1f] =	wrdreg s17;
	s19 =	simm.s32 $0x800  }
0x1d: {  	s10 =	sshrl.u32 s0, $0x1;
	s21 =	simm.s32 $0x880;
	[smem:$0x7F6] =	sst s19  }
0x1e: {  	s7 =	smul.u32 $0x50000, s8;
	s0 =	ssub.s32 s0, s10;
	[smem:$0x7F8] =	sst s21  }
0x1f: {  	s2 =	sadd.s32 s2, s5;
	s5 =	sadd.s32 s24, s5;
	s24 =	simm.s32 $0x580  }
0x20: {  	s14 =	sshrl.u32 s7, $0x2;
	s0 =	smax.u32 s0, $0x1;
	[dreg:$0x17] =	wrdreg s24  }
0x21: {  	s23 =	sadd.s32 s14, s3;
	s14 =	simm.s32 $0x1500;
	[smem:$0x7F4] =	sst s0  }
0x22: {  	s13 =	smul.u32 $0x2800, s8;
	s8 =	simm.s32 $0x1A80;
	[dreg:$0x1c] =	wrdreg s14  }
0x23: {  	s15 =	simm.s32 $0x3;
	s6 =	sadd.s32 $0x4000, s2;
	[smem:$0x7FD] =	sst s23  }
0x24: {  	s16 =	simm.s32 $0x1000;
	s2 =	sadd.s32 $0x18000, s2;
	[dreg:$0x4] =	wrdreg s6  }
0x25: {  	s17 =	simm.s32 $0x2;
	s18 =	sadd.s32 $0x5000, s23;
	[dreg:$0x5] =	wrdreg s2  }
0x26: {  	s9 =	simm.s32 $0x1B00;
	s20 =	sadd.s32 $0x7800, s23;
	[smem:$0x7EE] =	sst s18  }
0x27: {  	s11 =	simm.s32 $0x1C00;
	s22 =	sadd.s32 $0xA000, s23;
	[smem:$0x7EF] =	sst s20  }
0x28: {  	s12 =	simm.s32 $0x0;
	s25 =	sadd.s32 $0xC800, s23;
	[smem:$0x7F0] =	sst s22  }
0x29: {  	s19 =	simm.s32 $0x4800;
	s7 =	sadd.s32 $0xF000, s23;
	[smem:$0x7F1] =	sst s25  }
0x2a: {  	s21 =	simm.s32 $0x1;
	s10 =	sadd.s32 $0x11800, s23;
	[smem:$0x7F2] =	sst s7  }
0x2b: {  	s5 =	sadd.s32 $0x2C000, s5;
	s24 =	simm.s32 $0x900;
	[smem:$0x7F3] =	sst s10  }
0x2c: {  	s14 =	simm.s32 $0x2000;
	s6 =	sadd.s32 $0x2800, s23;
	[smem:$0x7FA] =	sst s24  }
0x2d: {  	s0 =	simm.s32 $0xB80;
	s18 =	simm.s32 $0x1600;
	[smem:$0x7ED] =	sst s6  }
0x2e: {  	s20 =	simm.s32 $0x1680;
	s22 =	simm.s32 $0x1700;
	[smem:$0x7F5] =	sst s18  }
0x2f: {  	s25 =	simm.s32 $0x1780;
	s26 =	sadd.s32 s13, s5;
	[smem:$0x7F7] =	sst s20  }
0x30: {  	s2 =	simm.s32 $0x1980;
	s7 =	simm.s32 $0xC00;
	[smem:$0x7F9] =	sst s22  }
0x31: {  	s10 =	simm.s32 $0x1B80;
	s18 =	simm.s32 $0x50;
	[smem:$0x7FB] =	sst s25  }
0x32: {  	s20 =	simm.s32 $0x7000;
	s22 =	simm.s32 $0x9800;
	[smem:$0x7FC] =	sst s26  }
0x33: {  	v0 =	vimm.f32 $0.0e+00;
	s25 =	simm.s32 $0x1800;
	s26 =	simm.s32 $0xA00;
	s6 =	simm.s32 $0x1A00  }
.LBB2_1:
0x34: {  	s5 =	sand.u32 $0xFE00, s4  }
0x35: {  	[smem:$0x7EC] =	sst s12;
	s24 =	sand.u32 $0x70, s4;
	s5 =	sshrl.u32 s5, $0x2  }
0x36: {  	s13 =	simm.s32 $0x40;
	s5 =	sor.u32 s24, s5;
	s24 =	simm.s32 $0x0  }
.LBB2_2:
0x37: {  	p0 =	sne.s32 s13, $0x9FC0  }
0x38: {  	[tilespmem:s5+$0x2000] =	vst v0;
	s24 =	sadd.s32 $0x10, s24;
	s5 =	smov.u32 s13;
	s13 =	sadd.s32 $0x40, s13  }
.Ltmp0:
0x39: {  	(pc) =	sbr.rel @p0 .LBB2_2-.Ltmp0, $4  }
0x3a: {  	_ = 	snop  }
0x3b: {  	s5 =	sand.u32 $0xFE00, s5  }
0x3c: {  	s12 =	sand.u32 $0x70, s24;
	s5 =	sshrl.u32 s5, $0x2  }
0x3d: {  	s5 =	sor.u32 s12, s5  }
0x3e: {  	[tilespmem:s5+$0x2000] =	vst v0  }
0x3f: {  	[spmem:s23] =	stream.linear.scatter [tilespmem:s14], [sflag:$0x3], $0x2800, $0x38;
	v63 =	vld [tilespmem:$0x0]  }
0x40: {  	_ =	swait.ge [sflag:s15], $0x2800  }
0x41: {  	s12 =	sld [smem:$0x7ED]  }
0x42: {  	[sflag:s15] =	ssyncset.done $0x0  }
0x43: {  	[sflag:s15] =	ssyncadd.s32 $0xFFFFD800  }
0x44: {  	[spmem:s12] =	stream.linear.scatter [tilespmem:s14], [sflag:$0x3], $0x2800, $0x38;
	v63 =	vld [tilespmem:$0x0]  }
0x45: {  	_ =	swait.ge [sflag:s15], $0x2800  }
0x46: {  	s13 =	sld [smem:$0x7EE]  }
0x47: {  	[sflag:s15] =	ssyncset.done $0x0  }
0x48: {  	[sflag:s15] =	ssyncadd.s32 $0xFFFFD800  }
0x49: {  	[spmem:s13] =	stream.linear.scatter [tilespmem:s14], [sflag:$0x3], $0x2800, $0x38;
	v63 =	vld [tilespmem:$0x0]  }
0x4a: {  	_ =	swait.ge [sflag:s15], $0x2800  }
0x4b: {  	s23 =	sld [smem:$0x7EF]  }
0x4c: {  	[sflag:s15] =	ssyncset.done $0x0  }
0x4d: {  	[sflag:s15] =	ssyncadd.s32 $0xFFFFD800  }
0x4e: {  	[spmem:s23] =	stream.linear.scatter [tilespmem:s14], [sflag:$0x3], $0x2800, $0x38;
	v63 =	vld [tilespmem:$0x0]  }
0x4f: {  	_ =	swait.ge [sflag:s15], $0x2800  }
0x50: {  	s24 =	sld [smem:$0x7F0]  }
0x51: {  	[sflag:s15] =	ssyncset.done $0x0  }
0x52: {  	[sflag:s15] =	ssyncadd.s32 $0xFFFFD800  }
0x53: {  	[spmem:s24] =	stream.linear.scatter [tilespmem:s14], [sflag:$0x3], $0x2800, $0x38;
	v63 =	vld [tilespmem:$0x0]  }
0x54: {  	_ =	swait.ge [sflag:s15], $0x2800  }
0x55: {  	s12 =	sld [smem:$0x7F1]  }
0x56: {  	[sflag:s15] =	ssyncset.done $0x0  }
0x57: {  	[sflag:s15] =	ssyncadd.s32 $0xFFFFD800  }
0x58: {  	[spmem:s12] =	stream.linear.scatter [tilespmem:s14], [sflag:$0x3], $0x2800, $0x38;
	v63 =	vld [tilespmem:$0x0]  }
0x59: {  	_ =	swait.ge [sflag:s15], $0x2800  }
0x5a: {  	s13 =	sld [smem:$0x7F2]  }
0x5b: {  	[sflag:s15] =	ssyncset.done $0x0  }
0x5c: {  	[sflag:s15] =	ssyncadd.s32 $0xFFFFD800  }
0x5d: {  	[spmem:s13] =	stream.linear.scatter [tilespmem:s14], [sflag:$0x3], $0x2800, $0x38;
	v63 =	vld [tilespmem:$0x0]  }
0x5e: {  	_ =	swait.ge [sflag:s15], $0x2800  }
0x5f: {  	s23 =	sld [smem:$0x7F3]  }
0x60: {  	[sflag:s15] =	ssyncset.done $0x0  }
0x61: {  	[sflag:s15] =	ssyncadd.s32 $0xFFFFD800  }
0x62: {  	[spmem:s23] =	stream.linear.scatter [tilespmem:s14], [sflag:$0x3], $0x2800, $0x38;
	v63 =	vld [tilespmem:$0x0]  }
0x63: {  	_ =	swait.ge [sflag:s15], $0x2800  }
0x64: {  	[sflag:s15] =	ssyncset.done $0x0  }
0x65: {  	[sflag:s15] =	ssyncadd.s32 $0xFFFFD800  }
0x66: {  	[bflag:$0x0] =	sbarrier.arrive $0xFFFF  }
0x67: {  	s24 =	rddreg [dreg:$0x4]  }
0x68: {  	s12 =	rddreg [dreg:$0x5];
	s5 =	sadd.s32 $0x0, s24  }
0x69: {  	[tilespmem:s4], [sflag:$0x2] =	stream.linear.gather [hbm4b:s5+s4], $0xC80, $0x38;
	v63 =	vld [tilespmem:$0x0]  }
0x6a: {  	s12 =	sadd.s32 $0x0, s12  }
0x6b: {  	[tilespmem:s16], [sflag:$0x2] =	stream.linear.gather [hbm4b:s12+s4], $0xC80, $0x38;
	v63 =	vld [tilespmem:$0x0]  }
0x6c: {  	_ =	swait.ge [sflag:s17], $0xC80  }
0x6d: {  	[sflag:s17] =	ssyncset.done $0x0  }
0x6e: {  	[sflag:s17] =	ssyncadd.s32 $0xFFFFF380  }
0x6f: {  	[tilespmem:s14], [sflag:$0x1] =	stream.indirect.gather [hbm4b:s1+s18], $0x80, s4, s18, $0xb8;
	v63 =	vld [tilespmem:$0x0]  }
0x70: {  	s13 =	rddreg [dreg:$0x6]  }
0x71: {  	[tilespmem:s19], [sflag:$0x1] =	stream.indirect.gather [hbm4b:s1+s18], $0x80, s13, s18, $0xb8;
	v63 =	vld [tilespmem:$0x0]  }
0x72: {  	s23 =	rddreg [dreg:$0x7]  }
0x73: {  	[tilespmem:s20], [sflag:$0x1] =	stream.indirect.gather [hbm4b:s1+s18], $0x80, s23, s18, $0xb8;
	v63 =	vld [tilespmem:$0x0]  }
0x74: {  	_ =	swait.ge [sflag:s17], $0xC80  }
0x75: {  	[sflag:s17] =	ssyncset.done $0x0  }
0x76: {  	[sflag:s17] =	ssyncadd.s32 $0xFFFFF380  }
0x77: {  	_ =	swait.ge [sflag:s21], $0x2800  }
0x78: {  	[sflag:s21] =	ssyncset.done $0x0  }
0x79: {  	s24 =	rddreg [dreg:$0x8];
	[sflag:s21] =	ssyncadd.s32 $0xFFFFD800  }
0x7a: {  	[tilespmem:s22], [sflag:$0x1] =	stream.indirect.gather [hbm4b:s1+s18], $0x80, s24, s18, $0xb8;
	v63 =	vld [tilespmem:$0x0]  }
0x7b: {  	_ = 	snop  }
0x7c: {  	[spmem:s3] =	stream.indirect.scatter.add.f32 [tilespmem:s14], [sflag:$0x3], $0x80, s16, s18, $0xb8;
	v63 =	vld [tilespmem:$0x0]  }
0x7d: {  	_ =	swait.ge [sflag:s15], $0x2800  }
0x7e: {  	[sflag:s15] =	ssyncset.done $0x0  }
0x7f: {  	[sflag:s15] =	ssyncadd.s32 $0xFFFFD800  }
0x80: {  	_ =	swait.ge [sflag:s21], $0x2800  }
0x81: {  	[sflag:s21] =	ssyncset.done $0x0  }
0x82: {  	s12 =	rddreg [dreg:$0x9];
	[sflag:s21] =	ssyncadd.s32 $0xFFFFD800  }
0x83: {  	[tilespmem:s14], [sflag:$0x1] =	stream.indirect.gather [hbm4b:s1+s18], $0x80, s12, s18, $0xb8;
	v63 =	vld [tilespmem:$0x0]  }
0x84: {  	s13 =	rddreg [dreg:$0xa]  }
0x85: {  	[spmem:s3] =	stream.indirect.scatter.add.f32 [tilespmem:s19], [sflag:$0x3], $0x80, s13, s18, $0xb8;
	v63 =	vld [tilespmem:$0x0]  }
0x86: {  	_ =	swait.ge [sflag:s15], $0x2800  }
0x87: {  	[sflag:s15] =	ssyncset.done $0x0  }
0x88: {  	[sflag:s15] =	ssyncadd.s32 $0xFFFFD800  }
0x89: {  	_ =	swait.ge [sflag:s21], $0x2800  }
0x8a: {  	[sflag:s21] =	ssyncset.done $0x0  }
0x8b: {  	s23 =	rddreg [dreg:$0xb];
	[sflag:s21] =	ssyncadd.s32 $0xFFFFD800  }
0x8c: {  	[tilespmem:s19], [sflag:$0x1] =	stream.indirect.gather [hbm4b:s1+s18], $0x80, s23, s18, $0xb8;
	v63 =	vld [tilespmem:$0x0]  }
0x8d: {  	s24 =	rddreg [dreg:$0xc]  }
0x8e: {  	[spmem:s3] =	stream.indirect.scatter.add.f32 [tilespmem:s20], [sflag:$0x3], $0x80, s24, s18, $0xb8;
	v63 =	vld [tilespmem:$0x0]  }
0x8f: {  	_ =	swait.ge [sflag:s15], $0x2800  }
0x90: {  	[sflag:s15] =	ssyncset.done $0x0  }
0x91: {  	[sflag:s15] =	ssyncadd.s32 $0xFFFFD800  }
0x92: {  	_ =	swait.ge [sflag:s21], $0x2800  }
0x93: {  	[sflag:s21] =	ssyncset.done $0x0  }
0x94: {  	s12 =	rddreg [dreg:$0xd];
	[sflag:s21] =	ssyncadd.s32 $0xFFFFD800  }
0x95: {  	[tilespmem:s20], [sflag:$0x1] =	stream.indirect.gather [hbm4b:s1+s18], $0x80, s12, s18, $0xb8;
	v63 =	vld [tilespmem:$0x0]  }
0x96: {  	s13 =	rddreg [dreg:$0xe]  }
0x97: {  	[spmem:s3] =	stream.indirect.scatter.add.f32 [tilespmem:s22], [sflag:$0x3], $0x80, s13, s18, $0xb8;
	v63 =	vld [tilespmem:$0x0]  }
0x98: {  	_ =	swait.ge [sflag:s15], $0x2800  }
0x99: {  	[sflag:s15] =	ssyncset.done $0x0  }
0x9a: {  	[sflag:s15] =	ssyncadd.s32 $0xFFFFD800  }
0x9b: {  	_ =	swait.ge [sflag:s21], $0x2800  }
0x9c: {  	[sflag:s21] =	ssyncset.done $0x0  }
0x9d: {  	s23 =	rddreg [dreg:$0xf];
	[sflag:s21] =	ssyncadd.s32 $0xFFFFD800  }
0x9e: {  	[tilespmem:s22], [sflag:$0x1] =	stream.indirect.gather [hbm4b:s1+s18], $0x80, s23, s18, $0xb8;
	v63 =	vld [tilespmem:$0x0]  }
0x9f: {  	s24 =	rddreg [dreg:$0x10]  }
0xa0: {  	[spmem:s3] =	stream.indirect.scatter.add.f32 [tilespmem:s14], [sflag:$0x3], $0x80, s24, s18, $0xb8;
	v63 =	vld [tilespmem:$0x0]  }
0xa1: {  	_ =	swait.ge [sflag:s15], $0x2800  }
0xa2: {  	[sflag:s15] =	ssyncset.done $0x0  }
0xa3: {  	[sflag:s15] =	ssyncadd.s32 $0xFFFFD800  }
0xa4: {  	_ =	swait.ge [sflag:s21], $0x2800  }
0xa5: {  	[sflag:s21] =	ssyncset.done $0x0  }
0xa6: {  	s12 =	rddreg [dreg:$0x11];
	[sflag:s21] =	ssyncadd.s32 $0xFFFFD800  }
0xa7: {  	[tilespmem:s14], [sflag:$0x1] =	stream.indirect.gather [hbm4b:s1+s18], $0x80, s12, s18, $0xb8;
	v63 =	vld [tilespmem:$0x0]  }
0xa8: {  	s13 =	rddreg [dreg:$0x12]  }
0xa9: {  	[spmem:s3] =	stream.indirect.scatter.add.f32 [tilespmem:s19], [sflag:$0x3], $0x80, s13, s18, $0xb8;
	v63 =	vld [tilespmem:$0x0]  }
0xaa: {  	_ =	swait.ge [sflag:s15], $0x2800  }
0xab: {  	[sflag:s15] =	ssyncset.done $0x0  }
0xac: {  	[sflag:s15] =	ssyncadd.s32 $0xFFFFD800  }
0xad: {  	_ =	swait.ge [sflag:s21], $0x2800  }
0xae: {  	[sflag:s21] =	ssyncset.done $0x0  }
0xaf: {  	s23 =	rddreg [dreg:$0x13];
	[sflag:s21] =	ssyncadd.s32 $0xFFFFD800  }
0xb0: {  	[tilespmem:s19], [sflag:$0x1] =	stream.indirect.gather [hbm4b:s1+s18], $0x80, s23, s18, $0xb8;
	v63 =	vld [tilespmem:$0x0]  }
0xb1: {  	s24 =	rddreg [dreg:$0x14]  }
0xb2: {  	[spmem:s3] =	stream.indirect.scatter.add.f32 [tilespmem:s20], [sflag:$0x3], $0x80, s24, s18, $0xb8;
	v63 =	vld [tilespmem:$0x0]  }
0xb3: {  	_ =	swait.ge [sflag:s15], $0x2800  }
0xb4: {  	[sflag:s15] =	ssyncset.done $0x0  }
0xb5: {  	[sflag:s15] =	ssyncadd.s32 $0xFFFFD800  }
0xb6: {  	_ =	swait.ge [sflag:s21], $0x2800  }
0xb7: {  	[sflag:s21] =	ssyncset.done $0x0  }
0xb8: {  	s12 =	rddreg [dreg:$0x15];
	[sflag:s21] =	ssyncadd.s32 $0xFFFFD800  }
0xb9: {  	[tilespmem:s20], [sflag:$0x1] =	stream.indirect.gather [hbm4b:s1+s18], $0x80, s12, s18, $0xb8;
	v63 =	vld [tilespmem:$0x0]  }
0xba: {  	s13 =	rddreg [dreg:$0x16]  }
0xbb: {  	[spmem:s3] =	stream.indirect.scatter.add.f32 [tilespmem:s22], [sflag:$0x3], $0x80, s13, s18, $0xb8;
	v63 =	vld [tilespmem:$0x0]  }
0xbc: {  	_ =	swait.ge [sflag:s15], $0x2800  }
0xbd: {  	[sflag:s15] =	ssyncset.done $0x0  }
0xbe: {  	[sflag:s15] =	ssyncadd.s32 $0xFFFFD800  }
0xbf: {  	_ =	swait.ge [sflag:s21], $0x2800  }
0xc0: {  	[sflag:s21] =	ssyncset.done $0x0  }
0xc1: {  	s23 =	rddreg [dreg:$0x17];
	[sflag:s21] =	ssyncadd.s32 $0xFFFFD800  }
0xc2: {  	[tilespmem:s22], [sflag:$0x1] =	stream.indirect.gather [hbm4b:s1+s18], $0x80, s23, s18, $0xb8;
	v63 =	vld [tilespmem:$0x0]  }
0xc3: {  	s24 =	rddreg [dreg:$0x18]  }
0xc4: {  	[spmem:s3] =	stream.indirect.scatter.add.f32 [tilespmem:s14], [sflag:$0x3], $0x80, s24, s18, $0xb8;
	v63 =	vld [tilespmem:$0x0]  }
0xc5: {  	_ =	swait.ge [sflag:s15], $0x2800  }
0xc6: {  	[sflag:s15] =	ssyncset.done $0x0  }
0xc7: {  	[sflag:s15] =	ssyncadd.s32 $0xFFFFD800  }
0xc8: {  	_ =	swait.ge [sflag:s21], $0x2800  }
0xc9: {  	[sflag:s21] =	ssyncset.done $0x0  }
0xca: {  	s12 =	rddreg [dreg:$0x19];
	[sflag:s21] =	ssyncadd.s32 $0xFFFFD800  }
0xcb: {  	[tilespmem:s14], [sflag:$0x1] =	stream.indirect.gather [hbm4b:s1+s18], $0x80, s12, s18, $0xb8;
	v63 =	vld [tilespmem:$0x0]  }
0xcc: {  	s13 =	rddreg [dreg:$0x1a]  }
0xcd: {  	[spmem:s3] =	stream.indirect.scatter.add.f32 [tilespmem:s19], [sflag:$0x3], $0x80, s13, s18, $0xb8;
	v63 =	vld [tilespmem:$0x0]  }
0xce: {  	_ =	swait.ge [sflag:s15], $0x2800  }
0xcf: {  	[sflag:s15] =	ssyncset.done $0x0  }
0xd0: {  	[sflag:s15] =	ssyncadd.s32 $0xFFFFD800  }
0xd1: {  	_ =	swait.ge [sflag:s21], $0x2800  }
0xd2: {  	[sflag:s21] =	ssyncset.done $0x0  }
0xd3: {  	s23 =	rddreg [dreg:$0x1b];
	[sflag:s21] =	ssyncadd.s32 $0xFFFFD800  }
0xd4: {  	[tilespmem:s19], [sflag:$0x1] =	stream.indirect.gather [hbm4b:s1+s18], $0x80, s23, s18, $0xb8;
	v63 =	vld [tilespmem:$0x0]  }
0xd5: {  	s24 =	rddreg [dreg:$0x1c]  }
0xd6: {  	[spmem:s3] =	stream.indirect.scatter.add.f32 [tilespmem:s20], [sflag:$0x3], $0x80, s24, s18, $0xb8;
	v63 =	vld [tilespmem:$0x0]  }
0xd7: {  	_ =	swait.ge [sflag:s15], $0x2800  }
0xd8: {  	[sflag:s15] =	ssyncset.done $0x0  }
0xd9: {  	[sflag:s15] =	ssyncadd.s32 $0xFFFFD800  }
0xda: {  	_ =	swait.ge [sflag:s21], $0x2800  }
0xdb: {  	[sflag:s21] =	ssyncset.done $0x0  }
0xdc: {  	s12 =	rddreg [dreg:$0x1d];
	[sflag:s21] =	ssyncadd.s32 $0xFFFFD800  }
0xdd: {  	[tilespmem:s20], [sflag:$0x1] =	stream.indirect.gather [hbm4b:s1+s18], $0x80, s12, s18, $0xb8;
	v63 =	vld [tilespmem:$0x0]  }
0xde: {  	s13 =	rddreg [dreg:$0x1e]  }
0xdf: {  	[spmem:s3] =	stream.indirect.scatter.add.f32 [tilespmem:s22], [sflag:$0x3], $0x80, s13, s18, $0xb8;
	v63 =	vld [tilespmem:$0x0]  }
0xe0: {  	_ =	swait.ge [sflag:s15], $0x2800  }
0xe1: {  	[sflag:s15] =	ssyncset.done $0x0  }
0xe2: {  	[sflag:s15] =	ssyncadd.s32 $0xFFFFD800  }
0xe3: {  	_ =	swait.ge [sflag:s21], $0x2800  }
0xe4: {  	s23 =	rddreg [dreg:$0x1f];
	[sflag:s21] =	ssyncset.done $0x0  }
0xe5: {  	s24 =	sld [smem:$0x7F5];
	[sflag:s21] =	ssyncadd.s32 $0xFFFFD800  }
0xe6: {  	[tilespmem:s22], [sflag:$0x1] =	stream.indirect.gather [hbm4b:s1+s18], $0x80, s23, s18, $0xb8;
	v63 =	vld [tilespmem:$0x0]  }
0xe7: {  	_ = 	snop  }
0xe8: {  	[spmem:s3] =	stream.indirect.scatter.add.f32 [tilespmem:s14], [sflag:$0x3], $0x80, s24, s18, $0xb8;
	v63 =	vld [tilespmem:$0x0]  }
0xe9: {  	_ =	swait.ge [sflag:s15], $0x2800  }
0xea: {  	[sflag:s15] =	ssyncset.done $0x0  }
0xeb: {  	[sflag:s15] =	ssyncadd.s32 $0xFFFFD800  }
0xec: {  	_ =	swait.ge [sflag:s21], $0x2800  }
0xed: {  	s12 =	sld [smem:$0x7F6]  }
0xee: {  	[sflag:s21] =	ssyncset.done $0x0  }
0xef: {  	s13 =	sld [smem:$0x7F7];
	[sflag:s21] =	ssyncadd.s32 $0xFFFFD800  }
0xf0: {  	[tilespmem:s14], [sflag:$0x1] =	stream.indirect.gather [hbm4b:s1+s18], $0x80, s12, s18, $0xb8;
	v63 =	vld [tilespmem:$0x0]  }
0xf1: {  	_ = 	snop  }
0xf2: {  	[spmem:s3] =	stream.indirect.scatter.add.f32 [tilespmem:s19], [sflag:$0x3], $0x80, s13, s18, $0xb8;
	v63 =	vld [tilespmem:$0x0]  }
0xf3: {  	_ =	swait.ge [sflag:s15], $0x2800  }
0xf4: {  	[sflag:s15] =	ssyncset.done $0x0  }
0xf5: {  	[sflag:s15] =	ssyncadd.s32 $0xFFFFD800  }
0xf6: {  	_ =	swait.ge [sflag:s21], $0x2800  }
0xf7: {  	s23 =	sld [smem:$0x7F8]  }
0xf8: {  	[sflag:s21] =	ssyncset.done $0x0  }
0xf9: {  	s24 =	sld [smem:$0x7F9];
	[sflag:s21] =	ssyncadd.s32 $0xFFFFD800  }
0xfa: {  	[tilespmem:s19], [sflag:$0x1] =	stream.indirect.gather [hbm4b:s1+s18], $0x80, s23, s18, $0xb8;
	v63 =	vld [tilespmem:$0x0]  }
0xfb: {  	_ = 	snop  }
0xfc: {  	[spmem:s3] =	stream.indirect.scatter.add.f32 [tilespmem:s20], [sflag:$0x3], $0x80, s24, s18, $0xb8;
	v63 =	vld [tilespmem:$0x0]  }
0xfd: {  	_ =	swait.ge [sflag:s15], $0x2800  }
0xfe: {  	[sflag:s15] =	ssyncset.done $0x0  }
0xff: {  	[sflag:s15] =	ssyncadd.s32 $0xFFFFD800  }
0x100: {  	_ =	swait.ge [sflag:s21], $0x2800  }
0x101: {  	s13 =	sld [smem:$0x7FA]  }
0x102: {  	[sflag:s21] =	ssyncset.done $0x0  }
0x103: {  	s23 =	sld [smem:$0x7FB];
	[sflag:s21] =	ssyncadd.s32 $0xFFFFD800  }
0x104: {  	[tilespmem:s20], [sflag:$0x1] =	stream.indirect.gather [hbm4b:s1+s18], $0x80, s13, s18, $0xb8;
	v63 =	vld [tilespmem:$0x0]  }
0x105: {  	_ = 	snop  }
0x106: {  	[spmem:s3] =	stream.indirect.scatter.add.f32 [tilespmem:s22], [sflag:$0x3], $0x80, s23, s18, $0xb8;
	v63 =	vld [tilespmem:$0x0]  }
0x107: {  	_ =	swait.ge [sflag:s15], $0x2800  }
0x108: {  	[sflag:s15] =	ssyncset.done $0x0  }
0x109: {  	[sflag:s15] =	ssyncadd.s32 $0xFFFFD800  }
0x10a: {  	_ =	swait.ge [sflag:s21], $0x2800  }
0x10b: {  	[sflag:s21] =	ssyncset.done $0x0  }
0x10c: {  	s24 =	simm.s32 $0x980;
	[sflag:s21] =	ssyncadd.s32 $0xFFFFD800  }
0x10d: {  	[tilespmem:s22], [sflag:$0x1] =	stream.indirect.gather [hbm4b:s1+s18], $0x80, s24, s18, $0xb8;
	v63 =	vld [tilespmem:$0x0]  }
0x10e: {  	_ = 	snop  }
0x10f: {  	[spmem:s3] =	stream.indirect.scatter.add.f32 [tilespmem:s14], [sflag:$0x3], $0x80, s25, s18, $0xb8;
	v63 =	vld [tilespmem:$0x0]  }
0x110: {  	_ =	swait.ge [sflag:s15], $0x2800  }
0x111: {  	[sflag:s15] =	ssyncset.done $0x0  }
0x112: {  	[sflag:s15] =	ssyncadd.s32 $0xFFFFD800  }
0x113: {  	_ =	swait.ge [sflag:s21], $0x2800  }
0x114: {  	[sflag:s21] =	ssyncset.done $0x0  }
0x115: {  	[sflag:s21] =	ssyncadd.s32 $0xFFFFD800  }
0x116: {  	[tilespmem:s14], [sflag:$0x1] =	stream.indirect.gather [hbm4b:s1+s18], $0x80, s26, s18, $0xb8;
	v63 =	vld [tilespmem:$0x0]  }
0x117: {  	_ = 	snop  }
0x118: {  	[spmem:s3] =	stream.indirect.scatter.add.f32 [tilespmem:s19], [sflag:$0x3], $0x80, s28, s18, $0xb8;
	v63 =	vld [tilespmem:$0x0]  }
0x119: {  	_ =	swait.ge [sflag:s15], $0x2800  }
0x11a: {  	[sflag:s15] =	ssyncset.done $0x0  }
0x11b: {  	[sflag:s15] =	ssyncadd.s32 $0xFFFFD800  }
0x11c: {  	_ =	swait.ge [sflag:s21], $0x2800  }
0x11d: {  	[sflag:s21] =	ssyncset.done $0x0  }
0x11e: {  	[sflag:s21] =	ssyncadd.s32 $0xFFFFD800  }
0x11f: {  	[tilespmem:s19], [sflag:$0x1] =	stream.indirect.gather [hbm4b:s1+s18], $0x80, s29, s18, $0xb8;
	v63 =	vld [tilespmem:$0x0]  }
0x120: {  	_ = 	snop  }
0x121: {  	[spmem:s3] =	stream.indirect.scatter.add.f32 [tilespmem:s20], [sflag:$0x3], $0x80, s30, s18, $0xb8;
	v63 =	vld [tilespmem:$0x0]  }
0x122: {  	_ =	swait.ge [sflag:s15], $0x2800  }
0x123: {  	[sflag:s15] =	ssyncset.done $0x0  }
0x124: {  	[sflag:s15] =	ssyncadd.s32 $0xFFFFD800  }
0x125: {  	_ =	swait.ge [sflag:s21], $0x2800  }
0x126: {  	[sflag:s21] =	ssyncset.done $0x0  }
0x127: {  	[sflag:s21] =	ssyncadd.s32 $0xFFFFD800  }
0x128: {  	[tilespmem:s20], [sflag:$0x1] =	stream.indirect.gather [hbm4b:s1+s18], $0x80, s31, s18, $0xb8;
	v63 =	vld [tilespmem:$0x0]  }
0x129: {  	_ = 	snop  }
0x12a: {  	[spmem:s3] =	stream.indirect.scatter.add.f32 [tilespmem:s22], [sflag:$0x3], $0x80, s2, s18, $0xb8;
	v63 =	vld [tilespmem:$0x0]  }
0x12b: {  	_ =	swait.ge [sflag:s15], $0x2800  }
0x12c: {  	[sflag:s15] =	ssyncset.done $0x0  }
0x12d: {  	[sflag:s15] =	ssyncadd.s32 $0xFFFFD800  }
0x12e: {  	_ =	swait.ge [sflag:s21], $0x2800  }
0x12f: {  	[sflag:s21] =	ssyncset.done $0x0  }
0x130: {  	[sflag:s21] =	ssyncadd.s32 $0xFFFFD800  }
0x131: {  	[tilespmem:s22], [sflag:$0x1] =	stream.indirect.gather [hbm4b:s1+s18], $0x80, s0, s18, $0xb8;
	v63 =	vld [tilespmem:$0x0]  }
0x132: {  	_ = 	snop  }
0x133: {  	[spmem:s3] =	stream.indirect.scatter.add.f32 [tilespmem:s14], [sflag:$0x3], $0x80, s6, s18, $0xb8;
	v63 =	vld [tilespmem:$0x0]  }
0x134: {  	_ =	swait.ge [sflag:s15], $0x2800  }
0x135: {  	[sflag:s15] =	ssyncset.done $0x0  }
0x136: {  	[sflag:s15] =	ssyncadd.s32 $0xFFFFD800  }
0x137: {  	_ =	swait.ge [sflag:s21], $0x2800  }
0x138: {  	[sflag:s21] =	ssyncset.done $0x0  }
0x139: {  	[sflag:s21] =	ssyncadd.s32 $0xFFFFD800  }
0x13a: {  	[tilespmem:s14], [sflag:$0x1] =	stream.indirect.gather [hbm4b:s1+s18], $0x80, s7, s18, $0xb8;
	v63 =	vld [tilespmem:$0x0]  }
0x13b: {  	_ = 	snop  }
0x13c: {  	[spmem:s3] =	stream.indirect.scatter.add.f32 [tilespmem:s19], [sflag:$0x3], $0x80, s8, s18, $0xb8;
	v63 =	vld [tilespmem:$0x0]  }
0x13d: {  	_ =	swait.ge [sflag:s15], $0x2800  }
0x13e: {  	[sflag:s15] =	ssyncset.done $0x0  }
0x13f: {  	[sflag:s15] =	ssyncadd.s32 $0xFFFFD800  }
0x140: {  	_ =	swait.ge [sflag:s21], $0x2800  }
0x141: {  	[sflag:s21] =	ssyncset.done $0x0  }
0x142: {  	[sflag:s21] =	ssyncadd.s32 $0xFFFFD800  }
0x143: {  	[spmem:s3] =	stream.indirect.scatter.add.f32 [tilespmem:s20], [sflag:$0x3], $0x80, s9, s18, $0xb8;
	v63 =	vld [tilespmem:$0x0]  }
0x144: {  	_ =	swait.ge [sflag:s15], $0x2800  }
0x145: {  	[sflag:s15] =	ssyncset.done $0x0  }
0x146: {  	[sflag:s15] =	ssyncadd.s32 $0xFFFFD800  }
0x147: {  	_ =	swait.ge [sflag:s21], $0x2800  }
0x148: {  	[sflag:s21] =	ssyncset.done $0x0  }
0x149: {  	[sflag:s21] =	ssyncadd.s32 $0xFFFFD800  }
0x14a: {  	[spmem:s3] =	stream.indirect.scatter.add.f32 [tilespmem:s22], [sflag:$0x3], $0x80, s10, s18, $0xb8;
	v63 =	vld [tilespmem:$0x0]  }
0x14b: {  	_ =	swait.ge [sflag:s15], $0x2800  }
0x14c: {  	[sflag:s15] =	ssyncset.done $0x0  }
0x14d: {  	[sflag:s15] =	ssyncadd.s32 $0xFFFFD800  }
0x14e: {  	_ =	swait.ge [sflag:s21], $0x2800  }
0x14f: {  	[sflag:s21] =	ssyncset.done $0x0  }
0x150: {  	[sflag:s21] =	ssyncadd.s32 $0xFFFFD800  }
0x151: {  	[spmem:s3] =	stream.indirect.scatter.add.f32 [tilespmem:s14], [sflag:$0x3], $0x80, s11, s18, $0xb8;
	v63 =	vld [tilespmem:$0x0]  }
0x152: {  	s13 =	simm.s32 $0x200;
	_ =	swait.ge [sflag:s15], $0x2800  }
0x153: {  	s24 =	simm.s32 $0x400;
	s5 =	rddreg [dreg:$0x4];
	[sflag:s15] =	ssyncset.done $0x0  }
.LBB2_4:
0x154: {  	[sflag:s15] =	ssyncadd.s32 $0xFFFFD800;
	s23 =	rddreg [dreg:$0x5];
	s5 =	sadd.s32 s13, s5  }
0x155: {  	[tilespmem:s4], [sflag:$0x2] =	stream.linear.gather [hbm4b:s5+s4], $0xC80, $0x38;
	v63 =	vld [tilespmem:$0x0]  }
0x156: {  	s5 =	sadd.s32 s13, s23  }
0x157: {  	[tilespmem:s16], [sflag:$0x2] =	stream.linear.gather [hbm4b:s5+s4], $0xC80, $0x38;
	v63 =	vld [tilespmem:$0x0]  }
0x158: {  	_ =	swait.ge [sflag:s17], $0xC80  }
0x159: {  	[sflag:s17] =	ssyncset.done $0x0  }
0x15a: {  	[sflag:s17] =	ssyncadd.s32 $0xFFFFF380  }
0x15b: {  	[tilespmem:s14], [sflag:$0x1] =	stream.indirect.gather [hbm4b:s1+s18], $0x80, s4, s18, $0xb8;
	v63 =	vld [tilespmem:$0x0]  }
0x15c: {  	s12 =	smov.u32 s24;
	s5 =	rddreg [dreg:$0x6]  }
0x15d: {  	[tilespmem:s19], [sflag:$0x1] =	stream.indirect.gather [hbm4b:s1+s18], $0x80, s5, s18, $0xb8;
	v63 =	vld [tilespmem:$0x0]  }
0x15e: {  	s13 =	smov.u32 s12;
	s12 =	rddreg [dreg:$0x7]  }
0x15f: {  	[tilespmem:s20], [sflag:$0x1] =	stream.indirect.gather [hbm4b:s1+s18], $0x80, s12, s18, $0xb8;
	v63 =	vld [tilespmem:$0x0]  }
0x160: {  	_ =	swait.ge [sflag:s17], $0xC80  }
0x161: {  	[sflag:s17] =	ssyncset.done $0x0  }
0x162: {  	[sflag:s17] =	ssyncadd.s32 $0xFFFFF380  }
0x163: {  	_ =	swait.ge [sflag:s21], $0x2800  }
0x164: {  	[sflag:s21] =	ssyncset.done $0x0  }
0x165: {  	s12 =	rddreg [dreg:$0x8];
	[sflag:s21] =	ssyncadd.s32 $0xFFFFD800  }
0x166: {  	[tilespmem:s22], [sflag:$0x1] =	stream.indirect.gather [hbm4b:s1+s18], $0x80, s12, s18, $0xb8;
	v63 =	vld [tilespmem:$0x0]  }
0x167: {  	_ = 	snop  }
0x168: {  	[spmem:s3] =	stream.indirect.scatter.add.f32 [tilespmem:s14], [sflag:$0x3], $0x80, s16, s18, $0xb8;
	v63 =	vld [tilespmem:$0x0]  }
0x169: {  	_ =	swait.ge [sflag:s15], $0x2800  }
0x16a: {  	[sflag:s15] =	ssyncset.done $0x0  }
0x16b: {  	[sflag:s15] =	ssyncadd.s32 $0xFFFFD800  }
0x16c: {  	_ =	swait.ge [sflag:s21], $0x2800  }
0x16d: {  	[sflag:s21] =	ssyncset.done $0x0  }
0x16e: {  	s5 =	rddreg [dreg:$0x9];
	[sflag:s21] =	ssyncadd.s32 $0xFFFFD800  }
0x16f: {  	[tilespmem:s14], [sflag:$0x1] =	stream.indirect.gather [hbm4b:s1+s18], $0x80, s5, s18, $0xb8;
	v63 =	vld [tilespmem:$0x0]  }
0x170: {  	s12 =	rddreg [dreg:$0xa]  }
0x171: {  	[spmem:s3] =	stream.indirect.scatter.add.f32 [tilespmem:s19], [sflag:$0x3], $0x80, s12, s18, $0xb8;
	v63 =	vld [tilespmem:$0x0]  }
0x172: {  	_ =	swait.ge [sflag:s15], $0x2800  }
0x173: {  	[sflag:s15] =	ssyncset.done $0x0  }
0x174: {  	[sflag:s15] =	ssyncadd.s32 $0xFFFFD800  }
0x175: {  	_ =	swait.ge [sflag:s21], $0x2800  }
0x176: {  	[sflag:s21] =	ssyncset.done $0x0  }
0x177: {  	s5 =	rddreg [dreg:$0xb];
	[sflag:s21] =	ssyncadd.s32 $0xFFFFD800  }
0x178: {  	[tilespmem:s19], [sflag:$0x1] =	stream.indirect.gather [hbm4b:s1+s18], $0x80, s5, s18, $0xb8;
	v63 =	vld [tilespmem:$0x0]  }
0x179: {  	s12 =	rddreg [dreg:$0xc]  }
0x17a: {  	[spmem:s3] =	stream.indirect.scatter.add.f32 [tilespmem:s20], [sflag:$0x3], $0x80, s12, s18, $0xb8;
	v63 =	vld [tilespmem:$0x0]  }
0x17b: {  	_ =	swait.ge [sflag:s15], $0x2800  }
0x17c: {  	[sflag:s15] =	ssyncset.done $0x0  }
0x17d: {  	[sflag:s15] =	ssyncadd.s32 $0xFFFFD800  }
0x17e: {  	_ =	swait.ge [sflag:s21], $0x2800  }
0x17f: {  	[sflag:s21] =	ssyncset.done $0x0  }
0x180: {  	s5 =	rddreg [dreg:$0xd];
	[sflag:s21] =	ssyncadd.s32 $0xFFFFD800  }
0x181: {  	[tilespmem:s20], [sflag:$0x1] =	stream.indirect.gather [hbm4b:s1+s18], $0x80, s5, s18, $0xb8;
	v63 =	vld [tilespmem:$0x0]  }
0x182: {  	s12 =	rddreg [dreg:$0xe]  }
0x183: {  	[spmem:s3] =	stream.indirect.scatter.add.f32 [tilespmem:s22], [sflag:$0x3], $0x80, s12, s18, $0xb8;
	v63 =	vld [tilespmem:$0x0]  }
0x184: {  	_ =	swait.ge [sflag:s15], $0x2800  }
0x185: {  	[sflag:s15] =	ssyncset.done $0x0  }
0x186: {  	[sflag:s15] =	ssyncadd.s32 $0xFFFFD800  }
0x187: {  	_ =	swait.ge [sflag:s21], $0x2800  }
0x188: {  	[sflag:s21] =	ssyncset.done $0x0  }
0x189: {  	s5 =	rddreg [dreg:$0xf];
	[sflag:s21] =	ssyncadd.s32 $0xFFFFD800  }
0x18a: {  	[tilespmem:s22], [sflag:$0x1] =	stream.indirect.gather [hbm4b:s1+s18], $0x80, s5, s18, $0xb8;
	v63 =	vld [tilespmem:$0x0]  }
0x18b: {  	s12 =	rddreg [dreg:$0x10]  }
0x18c: {  	[spmem:s3] =	stream.indirect.scatter.add.f32 [tilespmem:s14], [sflag:$0x3], $0x80, s12, s18, $0xb8;
	v63 =	vld [tilespmem:$0x0]  }
0x18d: {  	_ =	swait.ge [sflag:s15], $0x2800  }
0x18e: {  	[sflag:s15] =	ssyncset.done $0x0  }
0x18f: {  	[sflag:s15] =	ssyncadd.s32 $0xFFFFD800  }
0x190: {  	_ =	swait.ge [sflag:s21], $0x2800  }
0x191: {  	[sflag:s21] =	ssyncset.done $0x0  }
0x192: {  	s5 =	rddreg [dreg:$0x11];
	[sflag:s21] =	ssyncadd.s32 $0xFFFFD800  }
0x193: {  	[tilespmem:s14], [sflag:$0x1] =	stream.indirect.gather [hbm4b:s1+s18], $0x80, s5, s18, $0xb8;
	v63 =	vld [tilespmem:$0x0]  }
0x194: {  	s12 =	rddreg [dreg:$0x12]  }
0x195: {  	[spmem:s3] =	stream.indirect.scatter.add.f32 [tilespmem:s19], [sflag:$0x3], $0x80, s12, s18, $0xb8;
	v63 =	vld [tilespmem:$0x0]  }
0x196: {  	_ =	swait.ge [sflag:s15], $0x2800  }
0x197: {  	[sflag:s15] =	ssyncset.done $0x0  }
0x198: {  	[sflag:s15] =	ssyncadd.s32 $0xFFFFD800  }
0x199: {  	_ =	swait.ge [sflag:s21], $0x2800  }
0x19a: {  	[sflag:s21] =	ssyncset.done $0x0  }
0x19b: {  	s5 =	rddreg [dreg:$0x13];
	[sflag:s21] =	ssyncadd.s32 $0xFFFFD800  }
0x19c: {  	[tilespmem:s19], [sflag:$0x1] =	stream.indirect.gather [hbm4b:s1+s18], $0x80, s5, s18, $0xb8;
	v63 =	vld [tilespmem:$0x0]  }
0x19d: {  	s12 =	rddreg [dreg:$0x14]  }
0x19e: {  	[spmem:s3] =	stream.indirect.scatter.add.f32 [tilespmem:s20], [sflag:$0x3], $0x80, s12, s18, $0xb8;
	v63 =	vld [tilespmem:$0x0]  }
0x19f: {  	_ =	swait.ge [sflag:s15], $0x2800  }
0x1a0: {  	[sflag:s15] =	ssyncset.done $0x0  }
0x1a1: {  	[sflag:s15] =	ssyncadd.s32 $0xFFFFD800  }
0x1a2: {  	_ =	swait.ge [sflag:s21], $0x2800  }
0x1a3: {  	[sflag:s21] =	ssyncset.done $0x0  }
0x1a4: {  	s5 =	rddreg [dreg:$0x15];
	[sflag:s21] =	ssyncadd.s32 $0xFFFFD800  }
0x1a5: {  	[tilespmem:s20], [sflag:$0x1] =	stream.indirect.gather [hbm4b:s1+s18], $0x80, s5, s18, $0xb8;
	v63 =	vld [tilespmem:$0x0]  }
0x1a6: {  	s12 =	rddreg [dreg:$0x16]  }
0x1a7: {  	[spmem:s3] =	stream.indirect.scatter.add.f32 [tilespmem:s22], [sflag:$0x3], $0x80, s12, s18, $0xb8;
	v63 =	vld [tilespmem:$0x0]  }
0x1a8: {  	_ =	swait.ge [sflag:s15], $0x2800  }
0x1a9: {  	[sflag:s15] =	ssyncset.done $0x0  }
0x1aa: {  	[sflag:s15] =	ssyncadd.s32 $0xFFFFD800  }
0x1ab: {  	_ =	swait.ge [sflag:s21], $0x2800  }
0x1ac: {  	[sflag:s21] =	ssyncset.done $0x0  }
0x1ad: {  	s5 =	rddreg [dreg:$0x17];
	[sflag:s21] =	ssyncadd.s32 $0xFFFFD800  }
0x1ae: {  	[tilespmem:s22], [sflag:$0x1] =	stream.indirect.gather [hbm4b:s1+s18], $0x80, s5, s18, $0xb8;
	v63 =	vld [tilespmem:$0x0]  }
0x1af: {  	s12 =	rddreg [dreg:$0x18]  }
0x1b0: {  	[spmem:s3] =	stream.indirect.scatter.add.f32 [tilespmem:s14], [sflag:$0x3], $0x80, s12, s18, $0xb8;
	v63 =	vld [tilespmem:$0x0]  }
0x1b1: {  	_ =	swait.ge [sflag:s15], $0x2800  }
0x1b2: {  	[sflag:s15] =	ssyncset.done $0x0  }
0x1b3: {  	[sflag:s15] =	ssyncadd.s32 $0xFFFFD800  }
0x1b4: {  	_ =	swait.ge [sflag:s21], $0x2800  }
0x1b5: {  	[sflag:s21] =	ssyncset.done $0x0  }
0x1b6: {  	s5 =	rddreg [dreg:$0x19];
	[sflag:s21] =	ssyncadd.s32 $0xFFFFD800  }
0x1b7: {  	[tilespmem:s14], [sflag:$0x1] =	stream.indirect.gather [hbm4b:s1+s18], $0x80, s5, s18, $0xb8;
	v63 =	vld [tilespmem:$0x0]  }
0x1b8: {  	s12 =	rddreg [dreg:$0x1a]  }
0x1b9: {  	[spmem:s3] =	stream.indirect.scatter.add.f32 [tilespmem:s19], [sflag:$0x3], $0x80, s12, s18, $0xb8;
	v63 =	vld [tilespmem:$0x0]  }
0x1ba: {  	_ =	swait.ge [sflag:s15], $0x2800  }
0x1bb: {  	[sflag:s15] =	ssyncset.done $0x0  }
0x1bc: {  	[sflag:s15] =	ssyncadd.s32 $0xFFFFD800  }
0x1bd: {  	_ =	swait.ge [sflag:s21], $0x2800  }
0x1be: {  	[sflag:s21] =	ssyncset.done $0x0  }
0x1bf: {  	s5 =	rddreg [dreg:$0x1b];
	[sflag:s21] =	ssyncadd.s32 $0xFFFFD800  }
0x1c0: {  	[tilespmem:s19], [sflag:$0x1] =	stream.indirect.gather [hbm4b:s1+s18], $0x80, s5, s18, $0xb8;
	v63 =	vld [tilespmem:$0x0]  }
0x1c1: {  	s12 =	rddreg [dreg:$0x1c]  }
0x1c2: {  	[spmem:s3] =	stream.indirect.scatter.add.f32 [tilespmem:s20], [sflag:$0x3], $0x80, s12, s18, $0xb8;
	v63 =	vld [tilespmem:$0x0]  }
0x1c3: {  	_ =	swait.ge [sflag:s15], $0x2800  }
0x1c4: {  	[sflag:s15] =	ssyncset.done $0x0  }
0x1c5: {  	[sflag:s15] =	ssyncadd.s32 $0xFFFFD800  }
0x1c6: {  	_ =	swait.ge [sflag:s21], $0x2800  }
0x1c7: {  	[sflag:s21] =	ssyncset.done $0x0  }
0x1c8: {  	s5 =	rddreg [dreg:$0x1d];
	[sflag:s21] =	ssyncadd.s32 $0xFFFFD800  }
0x1c9: {  	[tilespmem:s20], [sflag:$0x1] =	stream.indirect.gather [hbm4b:s1+s18], $0x80, s5, s18, $0xb8;
	v63 =	vld [tilespmem:$0x0]  }
0x1ca: {  	s12 =	rddreg [dreg:$0x1e]  }
0x1cb: {  	[spmem:s3] =	stream.indirect.scatter.add.f32 [tilespmem:s22], [sflag:$0x3], $0x80, s12, s18, $0xb8;
	v63 =	vld [tilespmem:$0x0]  }
0x1cc: {  	_ =	swait.ge [sflag:s15], $0x2800  }
0x1cd: {  	[sflag:s15] =	ssyncset.done $0x0  }
0x1ce: {  	[sflag:s15] =	ssyncadd.s32 $0xFFFFD800  }
0x1cf: {  	_ =	swait.ge [sflag:s21], $0x2800  }
0x1d0: {  	s5 =	rddreg [dreg:$0x1f];
	[sflag:s21] =	ssyncset.done $0x0  }
0x1d1: {  	s12 =	sld [smem:$0x7F5];
	[sflag:s21] =	ssyncadd.s32 $0xFFFFD800  }
0x1d2: {  	[tilespmem:s22], [sflag:$0x1] =	stream.indirect.gather [hbm4b:s1+s18], $0x80, s5, s18, $0xb8;
	v63 =	vld [tilespmem:$0x0]  }
0x1d3: {  	_ = 	snop  }
0x1d4: {  	[spmem:s3] =	stream.indirect.scatter.add.f32 [tilespmem:s14], [sflag:$0x3], $0x80, s12, s18, $0xb8;
	v63 =	vld [tilespmem:$0x0]  }
0x1d5: {  	_ =	swait.ge [sflag:s15], $0x2800  }
0x1d6: {  	[sflag:s15] =	ssyncset.done $0x0  }
0x1d7: {  	[sflag:s15] =	ssyncadd.s32 $0xFFFFD800  }
0x1d8: {  	_ =	swait.ge [sflag:s21], $0x2800  }
0x1d9: {  	s5 =	sld [smem:$0x7F6]  }
0x1da: {  	[sflag:s21] =	ssyncset.done $0x0  }
0x1db: {  	s12 =	sld [smem:$0x7F7];
	[sflag:s21] =	ssyncadd.s32 $0xFFFFD800  }
0x1dc: {  	[tilespmem:s14], [sflag:$0x1] =	stream.indirect.gather [hbm4b:s1+s18], $0x80, s5, s18, $0xb8;
	v63 =	vld [tilespmem:$0x0]  }
0x1dd: {  	_ = 	snop  }
0x1de: {  	[spmem:s3] =	stream.indirect.scatter.add.f32 [tilespmem:s19], [sflag:$0x3], $0x80, s12, s18, $0xb8;
	v63 =	vld [tilespmem:$0x0]  }
0x1df: {  	_ =	swait.ge [sflag:s15], $0x2800  }
0x1e0: {  	[sflag:s15] =	ssyncset.done $0x0  }
0x1e1: {  	[sflag:s15] =	ssyncadd.s32 $0xFFFFD800  }
0x1e2: {  	_ =	swait.ge [sflag:s21], $0x2800  }
0x1e3: {  	s5 =	sld [smem:$0x7F8]  }
0x1e4: {  	[sflag:s21] =	ssyncset.done $0x0  }
0x1e5: {  	s12 =	sld [smem:$0x7F9];
	[sflag:s21] =	ssyncadd.s32 $0xFFFFD800  }
0x1e6: {  	[tilespmem:s19], [sflag:$0x1] =	stream.indirect.gather [hbm4b:s1+s18], $0x80, s5, s18, $0xb8;
	v63 =	vld [tilespmem:$0x0]  }
0x1e7: {  	_ = 	snop  }
0x1e8: {  	[spmem:s3] =	stream.indirect.scatter.add.f32 [tilespmem:s20], [sflag:$0x3], $0x80, s12, s18, $0xb8;
	v63 =	vld [tilespmem:$0x0]  }
0x1e9: {  	_ =	swait.ge [sflag:s15], $0x2800  }
0x1ea: {  	[sflag:s15] =	ssyncset.done $0x0  }
0x1eb: {  	[sflag:s15] =	ssyncadd.s32 $0xFFFFD800  }
0x1ec: {  	_ =	swait.ge [sflag:s21], $0x2800  }
0x1ed: {  	s5 =	sld [smem:$0x7FA]  }
0x1ee: {  	[sflag:s21] =	ssyncset.done $0x0  }
0x1ef: {  	s12 =	sld [smem:$0x7FB];
	[sflag:s21] =	ssyncadd.s32 $0xFFFFD800  }
0x1f0: {  	[tilespmem:s20], [sflag:$0x1] =	stream.indirect.gather [hbm4b:s1+s18], $0x80, s5, s18, $0xb8;
	v63 =	vld [tilespmem:$0x0]  }
0x1f1: {  	_ = 	snop  }
0x1f2: {  	[spmem:s3] =	stream.indirect.scatter.add.f32 [tilespmem:s22], [sflag:$0x3], $0x80, s12, s18, $0xb8;
	v63 =	vld [tilespmem:$0x0]  }
0x1f3: {  	_ =	swait.ge [sflag:s15], $0x2800  }
0x1f4: {  	[sflag:s15] =	ssyncset.done $0x0  }
0x1f5: {  	[sflag:s15] =	ssyncadd.s32 $0xFFFFD800  }
0x1f6: {  	_ =	swait.ge [sflag:s21], $0x2800  }
0x1f7: {  	[sflag:s21] =	ssyncset.done $0x0  }
0x1f8: {  	s23 =	simm.s32 $0x980;
	[sflag:s21] =	ssyncadd.s32 $0xFFFFD800  }
0x1f9: {  	[tilespmem:s22], [sflag:$0x1] =	stream.indirect.gather [hbm4b:s1+s18], $0x80, s23, s18, $0xb8;
	v63 =	vld [tilespmem:$0x0]  }
0x1fa: {  	_ = 	snop  }
0x1fb: {  	[spmem:s3] =	stream.indirect.scatter.add.f32 [tilespmem:s14], [sflag:$0x3], $0x80, s25, s18, $0xb8;
	v63 =	vld [tilespmem:$0x0]  }
0x1fc: {  	_ =	swait.ge [sflag:s15], $0x2800  }
0x1fd: {  	[sflag:s15] =	ssyncset.done $0x0  }
0x1fe: {  	[sflag:s15] =	ssyncadd.s32 $0xFFFFD800  }
0x1ff: {  	_ =	swait.ge [sflag:s21], $0x2800  }
0x200: {  	[sflag:s21] =	ssyncset.done $0x0  }
0x201: {  	[sflag:s21] =	ssyncadd.s32 $0xFFFFD800  }
0x202: {  	[tilespmem:s14], [sflag:$0x1] =	stream.indirect.gather [hbm4b:s1+s18], $0x80, s26, s18, $0xb8;
	v63 =	vld [tilespmem:$0x0]  }
0x203: {  	_ = 	snop  }
0x204: {  	[spmem:s3] =	stream.indirect.scatter.add.f32 [tilespmem:s19], [sflag:$0x3], $0x80, s28, s18, $0xb8;
	v63 =	vld [tilespmem:$0x0]  }
0x205: {  	_ =	swait.ge [sflag:s15], $0x2800  }
0x206: {  	[sflag:s15] =	ssyncset.done $0x0  }
0x207: {  	[sflag:s15] =	ssyncadd.s32 $0xFFFFD800  }
0x208: {  	_ =	swait.ge [sflag:s21], $0x2800  }
0x209: {  	[sflag:s21] =	ssyncset.done $0x0  }
0x20a: {  	[sflag:s21] =	ssyncadd.s32 $0xFFFFD800  }
0x20b: {  	[tilespmem:s19], [sflag:$0x1] =	stream.indirect.gather [hbm4b:s1+s18], $0x80, s29, s18, $0xb8;
	v63 =	vld [tilespmem:$0x0]  }
0x20c: {  	_ = 	snop  }
0x20d: {  	[spmem:s3] =	stream.indirect.scatter.add.f32 [tilespmem:s20], [sflag:$0x3], $0x80, s30, s18, $0xb8;
	v63 =	vld [tilespmem:$0x0]  }
0x20e: {  	_ =	swait.ge [sflag:s15], $0x2800  }
0x20f: {  	[sflag:s15] =	ssyncset.done $0x0  }
0x210: {  	[sflag:s15] =	ssyncadd.s32 $0xFFFFD800  }
0x211: {  	_ =	swait.ge [sflag:s21], $0x2800  }
0x212: {  	[sflag:s21] =	ssyncset.done $0x0  }
0x213: {  	[sflag:s21] =	ssyncadd.s32 $0xFFFFD800  }
0x214: {  	[tilespmem:s20], [sflag:$0x1] =	stream.indirect.gather [hbm4b:s1+s18], $0x80, s31, s18, $0xb8;
	v63 =	vld [tilespmem:$0x0]  }
0x215: {  	_ = 	snop  }
0x216: {  	[spmem:s3] =	stream.indirect.scatter.add.f32 [tilespmem:s22], [sflag:$0x3], $0x80, s2, s18, $0xb8;
	v63 =	vld [tilespmem:$0x0]  }
0x217: {  	_ =	swait.ge [sflag:s15], $0x2800  }
0x218: {  	[sflag:s15] =	ssyncset.done $0x0  }
0x219: {  	[sflag:s15] =	ssyncadd.s32 $0xFFFFD800  }
0x21a: {  	_ =	swait.ge [sflag:s21], $0x2800  }
0x21b: {  	[sflag:s21] =	ssyncset.done $0x0  }
0x21c: {  	[sflag:s21] =	ssyncadd.s32 $0xFFFFD800  }
0x21d: {  	[tilespmem:s22], [sflag:$0x1] =	stream.indirect.gather [hbm4b:s1+s18], $0x80, s0, s18, $0xb8;
	v63 =	vld [tilespmem:$0x0]  }
0x21e: {  	_ = 	snop  }
0x21f: {  	[spmem:s3] =	stream.indirect.scatter.add.f32 [tilespmem:s14], [sflag:$0x3], $0x80, s6, s18, $0xb8;
	v63 =	vld [tilespmem:$0x0]  }
0x220: {  	_ =	swait.ge [sflag:s15], $0x2800  }
0x221: {  	[sflag:s15] =	ssyncset.done $0x0  }
0x222: {  	[sflag:s15] =	ssyncadd.s32 $0xFFFFD800  }
0x223: {  	_ =	swait.ge [sflag:s21], $0x2800  }
0x224: {  	[sflag:s21] =	ssyncset.done $0x0  }
0x225: {  	[sflag:s21] =	ssyncadd.s32 $0xFFFFD800  }
0x226: {  	[tilespmem:s14], [sflag:$0x1] =	stream.indirect.gather [hbm4b:s1+s18], $0x80, s7, s18, $0xb8;
	v63 =	vld [tilespmem:$0x0]  }
0x227: {  	_ = 	snop  }
0x228: {  	[spmem:s3] =	stream.indirect.scatter.add.f32 [tilespmem:s19], [sflag:$0x3], $0x80, s8, s18, $0xb8;
	v63 =	vld [tilespmem:$0x0]  }
0x229: {  	_ =	swait.ge [sflag:s15], $0x2800  }
0x22a: {  	[sflag:s15] =	ssyncset.done $0x0  }
0x22b: {  	[sflag:s15] =	ssyncadd.s32 $0xFFFFD800  }
0x22c: {  	_ =	swait.ge [sflag:s21], $0x2800  }
0x22d: {  	[sflag:s21] =	ssyncset.done $0x0  }
0x22e: {  	[sflag:s21] =	ssyncadd.s32 $0xFFFFD800  }
0x22f: {  	[spmem:s3] =	stream.indirect.scatter.add.f32 [tilespmem:s20], [sflag:$0x3], $0x80, s9, s18, $0xb8;
	v63 =	vld [tilespmem:$0x0]  }
0x230: {  	_ =	swait.ge [sflag:s15], $0x2800  }
0x231: {  	[sflag:s15] =	ssyncset.done $0x0  }
0x232: {  	[sflag:s15] =	ssyncadd.s32 $0xFFFFD800  }
0x233: {  	_ =	swait.ge [sflag:s21], $0x2800  }
0x234: {  	[sflag:s21] =	ssyncset.done $0x0  }
0x235: {  	[sflag:s21] =	ssyncadd.s32 $0xFFFFD800  }
0x236: {  	[spmem:s3] =	stream.indirect.scatter.add.f32 [tilespmem:s22], [sflag:$0x3], $0x80, s10, s18, $0xb8;
	v63 =	vld [tilespmem:$0x0]  }
0x237: {  	_ =	swait.ge [sflag:s15], $0x2800  }
0x238: {  	[sflag:s15] =	ssyncset.done $0x0  }
0x239: {  	[sflag:s15] =	ssyncadd.s32 $0xFFFFD800  }
0x23a: {  	p0 =	sne.s32 s24, $0x800;
	_ =	swait.ge [sflag:s21], $0x2800  }
.Ltmp1:
0x23b: {  	[sflag:s21] =	ssyncset.done $0x0;
	(pc) =	sbr.rel @p0 .LBB2_4-.Ltmp1, $4  }
0x23c: {  	[sflag:s21] =	ssyncadd.s32 $0xFFFFD800  }
0x23d: {  	[spmem:s3] =	stream.indirect.scatter.add.f32 [tilespmem:s14], [sflag:$0x3], $0x80, s11, s18, $0xb8;
	v63 =	vld [tilespmem:$0x0]  }
0x23e: {  	_ =	swait.ge [sflag:s15], $0x2800  }
0x23f: {  	s24 =	sadd.s32 $0x200, s24;
	s5 =	rddreg [dreg:$0x4];
	[sflag:s15] =	ssyncset.done $0x0  }
0x240: {  	s12 =	rddreg [dreg:$0x5];
	[sflag:s15] =	ssyncadd.s32 $0xFFFFD800;
	s5 =	sadd.s32 s13, s5  }
0x241: {  	[tilespmem:s4], [sflag:$0x2] =	stream.linear.gather [hbm4b:s5+s4], $0xC80, $0x38;
	v63 =	vld [tilespmem:$0x0]  }
0x242: {  	s12 =	sadd.s32 s13, s12  }
0x243: {  	[tilespmem:s16], [sflag:$0x2] =	stream.linear.gather [hbm4b:s12+s4], $0xC80, $0x38;
	v63 =	vld [tilespmem:$0x0]  }
0x244: {  	_ =	swait.ge [sflag:s17], $0xC80  }
0x245: {  	[sflag:s17] =	ssyncset.done $0x0  }
0x246: {  	[sflag:s17] =	ssyncadd.s32 $0xFFFFF380  }
0x247: {  	[tilespmem:s14], [sflag:$0x1] =	stream.indirect.gather [hbm4b:s1+s18], $0x80, s4, s18, $0xb8;
	v63 =	vld [tilespmem:$0x0]  }
0x248: {  	s13 =	rddreg [dreg:$0x6]  }
0x249: {  	[tilespmem:s19], [sflag:$0x1] =	stream.indirect.gather [hbm4b:s1+s18], $0x80, s13, s18, $0xb8;
	v63 =	vld [tilespmem:$0x0]  }
0x24a: {  	s24 =	rddreg [dreg:$0x7]  }
0x24b: {  	[tilespmem:s20], [sflag:$0x1] =	stream.indirect.gather [hbm4b:s1+s18], $0x80, s24, s18, $0xb8;
	v63 =	vld [tilespmem:$0x0]  }
0x24c: {  	_ =	swait.ge [sflag:s17], $0xC80  }
0x24d: {  	[sflag:s17] =	ssyncset.done $0x0  }
0x24e: {  	[sflag:s17] =	ssyncadd.s32 $0xFFFFF380  }
0x24f: {  	_ =	swait.ge [sflag:s21], $0x2800  }
0x250: {  	[sflag:s21] =	ssyncset.done $0x0  }
0x251: {  	s12 =	rddreg [dreg:$0x8];
	[sflag:s21] =	ssyncadd.s32 $0xFFFFD800  }
0x252: {  	[tilespmem:s22], [sflag:$0x1] =	stream.indirect.gather [hbm4b:s1+s18], $0x80, s12, s18, $0xb8;
	v63 =	vld [tilespmem:$0x0]  }
0x253: {  	_ = 	snop  }
0x254: {  	[spmem:s3] =	stream.indirect.scatter.add.f32 [tilespmem:s14], [sflag:$0x3], $0x80, s16, s18, $0xb8;
	v63 =	vld [tilespmem:$0x0]  }
0x255: {  	_ =	swait.ge [sflag:s15], $0x2800  }
0x256: {  	[sflag:s15] =	ssyncset.done $0x0  }
0x257: {  	[sflag:s15] =	ssyncadd.s32 $0xFFFFD800  }
0x258: {  	_ =	swait.ge [sflag:s21], $0x2800  }
0x259: {  	[sflag:s21] =	ssyncset.done $0x0  }
0x25a: {  	s13 =	rddreg [dreg:$0x9];
	[sflag:s21] =	ssyncadd.s32 $0xFFFFD800  }
0x25b: {  	[tilespmem:s14], [sflag:$0x1] =	stream.indirect.gather [hbm4b:s1+s18], $0x80, s13, s18, $0xb8;
	v63 =	vld [tilespmem:$0x0]  }
0x25c: {  	s24 =	rddreg [dreg:$0xa]  }
0x25d: {  	[spmem:s3] =	stream.indirect.scatter.add.f32 [tilespmem:s19], [sflag:$0x3], $0x80, s24, s18, $0xb8;
	v63 =	vld [tilespmem:$0x0]  }
0x25e: {  	_ =	swait.ge [sflag:s15], $0x2800  }
0x25f: {  	[sflag:s15] =	ssyncset.done $0x0  }
0x260: {  	[sflag:s15] =	ssyncadd.s32 $0xFFFFD800  }
0x261: {  	_ =	swait.ge [sflag:s21], $0x2800  }
0x262: {  	[sflag:s21] =	ssyncset.done $0x0  }
0x263: {  	s13 =	rddreg [dreg:$0xb];
	[sflag:s21] =	ssyncadd.s32 $0xFFFFD800  }
0x264: {  	[tilespmem:s19], [sflag:$0x1] =	stream.indirect.gather [hbm4b:s1+s18], $0x80, s13, s18, $0xb8;
	v63 =	vld [tilespmem:$0x0]  }
0x265: {  	s24 =	rddreg [dreg:$0xc]  }
0x266: {  	[spmem:s3] =	stream.indirect.scatter.add.f32 [tilespmem:s20], [sflag:$0x3], $0x80, s24, s18, $0xb8;
	v63 =	vld [tilespmem:$0x0]  }
0x267: {  	_ =	swait.ge [sflag:s15], $0x2800  }
0x268: {  	[sflag:s15] =	ssyncset.done $0x0  }
0x269: {  	[sflag:s15] =	ssyncadd.s32 $0xFFFFD800  }
0x26a: {  	_ =	swait.ge [sflag:s21], $0x2800  }
0x26b: {  	[sflag:s21] =	ssyncset.done $0x0  }
0x26c: {  	s13 =	rddreg [dreg:$0xd];
	[sflag:s21] =	ssyncadd.s32 $0xFFFFD800  }
0x26d: {  	[tilespmem:s20], [sflag:$0x1] =	stream.indirect.gather [hbm4b:s1+s18], $0x80, s13, s18, $0xb8;
	v63 =	vld [tilespmem:$0x0]  }
0x26e: {  	s24 =	rddreg [dreg:$0xe]  }
0x26f: {  	[spmem:s3] =	stream.indirect.scatter.add.f32 [tilespmem:s22], [sflag:$0x3], $0x80, s24, s18, $0xb8;
	v63 =	vld [tilespmem:$0x0]  }
0x270: {  	_ =	swait.ge [sflag:s15], $0x2800  }
0x271: {  	[sflag:s15] =	ssyncset.done $0x0  }
0x272: {  	[sflag:s15] =	ssyncadd.s32 $0xFFFFD800  }
0x273: {  	_ =	swait.ge [sflag:s21], $0x2800  }
0x274: {  	[sflag:s21] =	ssyncset.done $0x0  }
0x275: {  	s13 =	rddreg [dreg:$0xf];
	[sflag:s21] =	ssyncadd.s32 $0xFFFFD800  }
0x276: {  	[tilespmem:s22], [sflag:$0x1] =	stream.indirect.gather [hbm4b:s1+s18], $0x80, s13, s18, $0xb8;
	v63 =	vld [tilespmem:$0x0]  }
0x277: {  	s24 =	rddreg [dreg:$0x10]  }
0x278: {  	[spmem:s3] =	stream.indirect.scatter.add.f32 [tilespmem:s14], [sflag:$0x3], $0x80, s24, s18, $0xb8;
	v63 =	vld [tilespmem:$0x0]  }
0x279: {  	_ =	swait.ge [sflag:s15], $0x2800  }
0x27a: {  	[sflag:s15] =	ssyncset.done $0x0  }
0x27b: {  	[sflag:s15] =	ssyncadd.s32 $0xFFFFD800  }
0x27c: {  	_ =	swait.ge [sflag:s21], $0x2800  }
0x27d: {  	[sflag:s21] =	ssyncset.done $0x0  }
0x27e: {  	s13 =	rddreg [dreg:$0x11];
	[sflag:s21] =	ssyncadd.s32 $0xFFFFD800  }
0x27f: {  	[tilespmem:s14], [sflag:$0x1] =	stream.indirect.gather [hbm4b:s1+s18], $0x80, s13, s18, $0xb8;
	v63 =	vld [tilespmem:$0x0]  }
0x280: {  	s24 =	rddreg [dreg:$0x12]  }
0x281: {  	[spmem:s3] =	stream.indirect.scatter.add.f32 [tilespmem:s19], [sflag:$0x3], $0x80, s24, s18, $0xb8;
	v63 =	vld [tilespmem:$0x0]  }
0x282: {  	_ =	swait.ge [sflag:s15], $0x2800  }
0x283: {  	[sflag:s15] =	ssyncset.done $0x0  }
0x284: {  	[sflag:s15] =	ssyncadd.s32 $0xFFFFD800  }
0x285: {  	_ =	swait.ge [sflag:s21], $0x2800  }
0x286: {  	[sflag:s21] =	ssyncset.done $0x0  }
0x287: {  	s13 =	rddreg [dreg:$0x13];
	[sflag:s21] =	ssyncadd.s32 $0xFFFFD800  }
0x288: {  	[tilespmem:s19], [sflag:$0x1] =	stream.indirect.gather [hbm4b:s1+s18], $0x80, s13, s18, $0xb8;
	v63 =	vld [tilespmem:$0x0]  }
0x289: {  	s24 =	rddreg [dreg:$0x14]  }
0x28a: {  	[spmem:s3] =	stream.indirect.scatter.add.f32 [tilespmem:s20], [sflag:$0x3], $0x80, s24, s18, $0xb8;
	v63 =	vld [tilespmem:$0x0]  }
0x28b: {  	_ =	swait.ge [sflag:s15], $0x2800  }
0x28c: {  	[sflag:s15] =	ssyncset.done $0x0  }
0x28d: {  	[sflag:s15] =	ssyncadd.s32 $0xFFFFD800  }
0x28e: {  	_ =	swait.ge [sflag:s21], $0x2800  }
0x28f: {  	[sflag:s21] =	ssyncset.done $0x0  }
0x290: {  	s13 =	rddreg [dreg:$0x15];
	[sflag:s21] =	ssyncadd.s32 $0xFFFFD800  }
0x291: {  	[tilespmem:s20], [sflag:$0x1] =	stream.indirect.gather [hbm4b:s1+s18], $0x80, s13, s18, $0xb8;
	v63 =	vld [tilespmem:$0x0]  }
0x292: {  	s24 =	rddreg [dreg:$0x16]  }
0x293: {  	[spmem:s3] =	stream.indirect.scatter.add.f32 [tilespmem:s22], [sflag:$0x3], $0x80, s24, s18, $0xb8;
	v63 =	vld [tilespmem:$0x0]  }
0x294: {  	_ =	swait.ge [sflag:s15], $0x2800  }
0x295: {  	[sflag:s15] =	ssyncset.done $0x0  }
0x296: {  	[sflag:s15] =	ssyncadd.s32 $0xFFFFD800  }
0x297: {  	_ =	swait.ge [sflag:s21], $0x2800  }
0x298: {  	[sflag:s21] =	ssyncset.done $0x0  }
0x299: {  	s13 =	rddreg [dreg:$0x17];
	[sflag:s21] =	ssyncadd.s32 $0xFFFFD800  }
0x29a: {  	[tilespmem:s22], [sflag:$0x1] =	stream.indirect.gather [hbm4b:s1+s18], $0x80, s13, s18, $0xb8;
	v63 =	vld [tilespmem:$0x0]  }
0x29b: {  	s24 =	rddreg [dreg:$0x18]  }
0x29c: {  	[spmem:s3] =	stream.indirect.scatter.add.f32 [tilespmem:s14], [sflag:$0x3], $0x80, s24, s18, $0xb8;
	v63 =	vld [tilespmem:$0x0]  }
0x29d: {  	_ =	swait.ge [sflag:s15], $0x2800  }
0x29e: {  	[sflag:s15] =	ssyncset.done $0x0  }
0x29f: {  	[sflag:s15] =	ssyncadd.s32 $0xFFFFD800  }
0x2a0: {  	_ =	swait.ge [sflag:s21], $0x2800  }
0x2a1: {  	[sflag:s21] =	ssyncset.done $0x0  }
0x2a2: {  	s13 =	rddreg [dreg:$0x19];
	[sflag:s21] =	ssyncadd.s32 $0xFFFFD800  }
0x2a3: {  	[tilespmem:s14], [sflag:$0x1] =	stream.indirect.gather [hbm4b:s1+s18], $0x80, s13, s18, $0xb8;
	v63 =	vld [tilespmem:$0x0]  }
0x2a4: {  	s24 =	rddreg [dreg:$0x1a]  }
0x2a5: {  	[spmem:s3] =	stream.indirect.scatter.add.f32 [tilespmem:s19], [sflag:$0x3], $0x80, s24, s18, $0xb8;
	v63 =	vld [tilespmem:$0x0]  }
0x2a6: {  	_ =	swait.ge [sflag:s15], $0x2800  }
0x2a7: {  	[sflag:s15] =	ssyncset.done $0x0  }
0x2a8: {  	[sflag:s15] =	ssyncadd.s32 $0xFFFFD800  }
0x2a9: {  	_ =	swait.ge [sflag:s21], $0x2800  }
0x2aa: {  	[sflag:s21] =	ssyncset.done $0x0  }
0x2ab: {  	s13 =	rddreg [dreg:$0x1b];
	[sflag:s21] =	ssyncadd.s32 $0xFFFFD800  }
0x2ac: {  	[tilespmem:s19], [sflag:$0x1] =	stream.indirect.gather [hbm4b:s1+s18], $0x80, s13, s18, $0xb8;
	v63 =	vld [tilespmem:$0x0]  }
0x2ad: {  	s24 =	rddreg [dreg:$0x1c]  }
0x2ae: {  	[spmem:s3] =	stream.indirect.scatter.add.f32 [tilespmem:s20], [sflag:$0x3], $0x80, s24, s18, $0xb8;
	v63 =	vld [tilespmem:$0x0]  }
0x2af: {  	_ =	swait.ge [sflag:s15], $0x2800  }
0x2b0: {  	[sflag:s15] =	ssyncset.done $0x0  }
0x2b1: {  	[sflag:s15] =	ssyncadd.s32 $0xFFFFD800  }
0x2b2: {  	_ =	swait.ge [sflag:s21], $0x2800  }
0x2b3: {  	[sflag:s21] =	ssyncset.done $0x0  }
0x2b4: {  	s13 =	rddreg [dreg:$0x1d];
	[sflag:s21] =	ssyncadd.s32 $0xFFFFD800  }
0x2b5: {  	[tilespmem:s20], [sflag:$0x1] =	stream.indirect.gather [hbm4b:s1+s18], $0x80, s13, s18, $0xb8;
	v63 =	vld [tilespmem:$0x0]  }
0x2b6: {  	s24 =	rddreg [dreg:$0x1e]  }
0x2b7: {  	[spmem:s3] =	stream.indirect.scatter.add.f32 [tilespmem:s22], [sflag:$0x3], $0x80, s24, s18, $0xb8;
	v63 =	vld [tilespmem:$0x0]  }
0x2b8: {  	_ =	swait.ge [sflag:s15], $0x2800  }
0x2b9: {  	[sflag:s15] =	ssyncset.done $0x0  }
0x2ba: {  	[sflag:s15] =	ssyncadd.s32 $0xFFFFD800  }
0x2bb: {  	_ =	swait.ge [sflag:s21], $0x2800  }
0x2bc: {  	s13 =	rddreg [dreg:$0x1f];
	[sflag:s21] =	ssyncset.done $0x0  }
0x2bd: {  	s24 =	sld [smem:$0x7F5];
	[sflag:s21] =	ssyncadd.s32 $0xFFFFD800  }
0x2be: {  	[tilespmem:s22], [sflag:$0x1] =	stream.indirect.gather [hbm4b:s1+s18], $0x80, s13, s18, $0xb8;
	v63 =	vld [tilespmem:$0x0]  }
0x2bf: {  	_ = 	snop  }
0x2c0: {  	[spmem:s3] =	stream.indirect.scatter.add.f32 [tilespmem:s14], [sflag:$0x3], $0x80, s24, s18, $0xb8;
	v63 =	vld [tilespmem:$0x0]  }
0x2c1: {  	_ =	swait.ge [sflag:s15], $0x2800  }
0x2c2: {  	[sflag:s15] =	ssyncset.done $0x0  }
0x2c3: {  	[sflag:s15] =	ssyncadd.s32 $0xFFFFD800  }
0x2c4: {  	_ =	swait.ge [sflag:s21], $0x2800  }
0x2c5: {  	s13 =	sld [smem:$0x7F6]  }
0x2c6: {  	[sflag:s21] =	ssyncset.done $0x0  }
0x2c7: {  	s24 =	sld [smem:$0x7F7];
	[sflag:s21] =	ssyncadd.s32 $0xFFFFD800  }
0x2c8: {  	[tilespmem:s14], [sflag:$0x1] =	stream.indirect.gather [hbm4b:s1+s18], $0x80, s13, s18, $0xb8;
	v63 =	vld [tilespmem:$0x0]  }
0x2c9: {  	_ = 	snop  }
0x2ca: {  	[spmem:s3] =	stream.indirect.scatter.add.f32 [tilespmem:s19], [sflag:$0x3], $0x80, s24, s18, $0xb8;
	v63 =	vld [tilespmem:$0x0]  }
0x2cb: {  	_ =	swait.ge [sflag:s15], $0x2800  }
0x2cc: {  	[sflag:s15] =	ssyncset.done $0x0  }
0x2cd: {  	[sflag:s15] =	ssyncadd.s32 $0xFFFFD800  }
0x2ce: {  	_ =	swait.ge [sflag:s21], $0x2800  }
0x2cf: {  	s13 =	sld [smem:$0x7F8]  }
0x2d0: {  	[sflag:s21] =	ssyncset.done $0x0  }
0x2d1: {  	s24 =	sld [smem:$0x7F9];
	[sflag:s21] =	ssyncadd.s32 $0xFFFFD800  }
0x2d2: {  	[tilespmem:s19], [sflag:$0x1] =	stream.indirect.gather [hbm4b:s1+s18], $0x80, s13, s18, $0xb8;
	v63 =	vld [tilespmem:$0x0]  }
0x2d3: {  	_ = 	snop  }
0x2d4: {  	[spmem:s3] =	stream.indirect.scatter.add.f32 [tilespmem:s20], [sflag:$0x3], $0x80, s24, s18, $0xb8;
	v63 =	vld [tilespmem:$0x0]  }
0x2d5: {  	_ =	swait.ge [sflag:s15], $0x2800  }
0x2d6: {  	[sflag:s15] =	ssyncset.done $0x0  }
0x2d7: {  	[sflag:s15] =	ssyncadd.s32 $0xFFFFD800  }
0x2d8: {  	_ =	swait.ge [sflag:s21], $0x2800  }
0x2d9: {  	s13 =	sld [smem:$0x7FA]  }
0x2da: {  	[sflag:s21] =	ssyncset.done $0x0  }
0x2db: {  	s24 =	sld [smem:$0x7FB];
	[sflag:s21] =	ssyncadd.s32 $0xFFFFD800  }
0x2dc: {  	[tilespmem:s20], [sflag:$0x1] =	stream.indirect.gather [hbm4b:s1+s18], $0x80, s13, s18, $0xb8;
	v63 =	vld [tilespmem:$0x0]  }
0x2dd: {  	_ = 	snop  }
0x2de: {  	[spmem:s3] =	stream.indirect.scatter.add.f32 [tilespmem:s22], [sflag:$0x3], $0x80, s24, s18, $0xb8;
	v63 =	vld [tilespmem:$0x0]  }
0x2df: {  	_ =	swait.ge [sflag:s15], $0x2800  }
0x2e0: {  	[sflag:s15] =	ssyncset.done $0x0  }
0x2e1: {  	[sflag:s15] =	ssyncadd.s32 $0xFFFFD800  }
0x2e2: {  	_ =	swait.ge [sflag:s21], $0x2800  }
0x2e3: {  	[sflag:s21] =	ssyncset.done $0x0  }
0x2e4: {  	[sflag:s21] =	ssyncadd.s32 $0xFFFFD800  }
0x2e5: {  	[tilespmem:s22], [sflag:$0x1] =	stream.indirect.gather [hbm4b:s1+s18], $0x80, s23, s18, $0xb8;
	v63 =	vld [tilespmem:$0x0]  }
0x2e6: {  	_ = 	snop  }
0x2e7: {  	[spmem:s3] =	stream.indirect.scatter.add.f32 [tilespmem:s14], [sflag:$0x3], $0x80, s25, s18, $0xb8;
	v63 =	vld [tilespmem:$0x0]  }
0x2e8: {  	_ =	swait.ge [sflag:s15], $0x2800  }
0x2e9: {  	[sflag:s15] =	ssyncset.done $0x0  }
0x2ea: {  	[sflag:s15] =	ssyncadd.s32 $0xFFFFD800  }
0x2eb: {  	_ =	swait.ge [sflag:s21], $0x2800  }
0x2ec: {  	[sflag:s21] =	ssyncset.done $0x0  }
0x2ed: {  	[sflag:s21] =	ssyncadd.s32 $0xFFFFD800  }
0x2ee: {  	[tilespmem:s14], [sflag:$0x1] =	stream.indirect.gather [hbm4b:s1+s18], $0x80, s26, s18, $0xb8;
	v63 =	vld [tilespmem:$0x0]  }
0x2ef: {  	_ = 	snop  }
0x2f0: {  	[spmem:s3] =	stream.indirect.scatter.add.f32 [tilespmem:s19], [sflag:$0x3], $0x80, s28, s18, $0xb8;
	v63 =	vld [tilespmem:$0x0]  }
0x2f1: {  	_ =	swait.ge [sflag:s15], $0x2800  }
0x2f2: {  	[sflag:s15] =	ssyncset.done $0x0  }
0x2f3: {  	[sflag:s15] =	ssyncadd.s32 $0xFFFFD800  }
0x2f4: {  	_ =	swait.ge [sflag:s21], $0x2800  }
0x2f5: {  	[sflag:s21] =	ssyncset.done $0x0  }
0x2f6: {  	[sflag:s21] =	ssyncadd.s32 $0xFFFFD800  }
0x2f7: {  	[tilespmem:s19], [sflag:$0x1] =	stream.indirect.gather [hbm4b:s1+s18], $0x80, s29, s18, $0xb8;
	v63 =	vld [tilespmem:$0x0]  }
0x2f8: {  	_ = 	snop  }
0x2f9: {  	[spmem:s3] =	stream.indirect.scatter.add.f32 [tilespmem:s20], [sflag:$0x3], $0x80, s30, s18, $0xb8;
	v63 =	vld [tilespmem:$0x0]  }
0x2fa: {  	_ =	swait.ge [sflag:s15], $0x2800  }
0x2fb: {  	[sflag:s15] =	ssyncset.done $0x0  }
0x2fc: {  	[sflag:s15] =	ssyncadd.s32 $0xFFFFD800  }
0x2fd: {  	_ =	swait.ge [sflag:s21], $0x2800  }
0x2fe: {  	[sflag:s21] =	ssyncset.done $0x0  }
0x2ff: {  	[sflag:s21] =	ssyncadd.s32 $0xFFFFD800  }
0x300: {  	[tilespmem:s20], [sflag:$0x1] =	stream.indirect.gather [hbm4b:s1+s18], $0x80, s31, s18, $0xb8;
	v63 =	vld [tilespmem:$0x0]  }
0x301: {  	_ = 	snop  }
0x302: {  	[spmem:s3] =	stream.indirect.scatter.add.f32 [tilespmem:s22], [sflag:$0x3], $0x80, s2, s18, $0xb8;
	v63 =	vld [tilespmem:$0x0]  }
0x303: {  	_ =	swait.ge [sflag:s15], $0x2800  }
0x304: {  	[sflag:s15] =	ssyncset.done $0x0  }
0x305: {  	[sflag:s15] =	ssyncadd.s32 $0xFFFFD800  }
0x306: {  	_ =	swait.ge [sflag:s21], $0x2800  }
0x307: {  	[sflag:s21] =	ssyncset.done $0x0  }
0x308: {  	[sflag:s21] =	ssyncadd.s32 $0xFFFFD800  }
0x309: {  	[tilespmem:s22], [sflag:$0x1] =	stream.indirect.gather [hbm4b:s1+s18], $0x80, s0, s18, $0xb8;
	v63 =	vld [tilespmem:$0x0]  }
0x30a: {  	_ = 	snop  }
0x30b: {  	[spmem:s3] =	stream.indirect.scatter.add.f32 [tilespmem:s14], [sflag:$0x3], $0x80, s6, s18, $0xb8;
	v63 =	vld [tilespmem:$0x0]  }
0x30c: {  	_ =	swait.ge [sflag:s15], $0x2800  }
0x30d: {  	[sflag:s15] =	ssyncset.done $0x0  }
0x30e: {  	[sflag:s15] =	ssyncadd.s32 $0xFFFFD800  }
0x30f: {  	_ =	swait.ge [sflag:s21], $0x2800  }
0x310: {  	[sflag:s21] =	ssyncset.done $0x0  }
0x311: {  	[sflag:s21] =	ssyncadd.s32 $0xFFFFD800  }
0x312: {  	[tilespmem:s14], [sflag:$0x1] =	stream.indirect.gather [hbm4b:s1+s18], $0x80, s7, s18, $0xb8;
	v63 =	vld [tilespmem:$0x0]  }
0x313: {  	_ = 	snop  }
0x314: {  	[spmem:s3] =	stream.indirect.scatter.add.f32 [tilespmem:s19], [sflag:$0x3], $0x80, s8, s18, $0xb8;
	v63 =	vld [tilespmem:$0x0]  }
0x315: {  	_ =	swait.ge [sflag:s15], $0x2800  }
0x316: {  	[sflag:s15] =	ssyncset.done $0x0  }
0x317: {  	[sflag:s15] =	ssyncadd.s32 $0xFFFFD800  }
0x318: {  	_ =	swait.ge [sflag:s21], $0x2800  }
0x319: {  	[sflag:s21] =	ssyncset.done $0x0  }
0x31a: {  	[sflag:s21] =	ssyncadd.s32 $0xFFFFD800  }
0x31b: {  	[spmem:s3] =	stream.indirect.scatter.add.f32 [tilespmem:s20], [sflag:$0x3], $0x80, s9, s18, $0xb8;
	v63 =	vld [tilespmem:$0x0]  }
0x31c: {  	_ =	swait.ge [sflag:s15], $0x2800  }
0x31d: {  	[sflag:s15] =	ssyncset.done $0x0  }
0x31e: {  	[sflag:s15] =	ssyncadd.s32 $0xFFFFD800  }
0x31f: {  	_ =	swait.ge [sflag:s21], $0x2800  }
0x320: {  	[sflag:s21] =	ssyncset.done $0x0  }
0x321: {  	[sflag:s21] =	ssyncadd.s32 $0xFFFFD800  }
0x322: {  	[spmem:s3] =	stream.indirect.scatter.add.f32 [tilespmem:s22], [sflag:$0x3], $0x80, s10, s18, $0xb8;
	v63 =	vld [tilespmem:$0x0]  }
0x323: {  	_ =	swait.ge [sflag:s15], $0x2800  }
0x324: {  	[sflag:s15] =	ssyncset.done $0x0  }
0x325: {  	[sflag:s15] =	ssyncadd.s32 $0xFFFFD800  }
0x326: {  	_ =	swait.ge [sflag:s21], $0x2800  }
0x327: {  	[sflag:s21] =	ssyncset.done $0x0  }
0x328: {  	[sflag:s21] =	ssyncadd.s32 $0xFFFFD800  }
0x329: {  	[spmem:s3] =	stream.indirect.scatter.add.f32 [tilespmem:s14], [sflag:$0x3], $0x80, s11, s18, $0xb8;
	v63 =	vld [tilespmem:$0x0]  }
0x32a: {  	_ =	swait.ge [sflag:s15], $0x2800  }
0x32b: {  	[sflag:s15] =	ssyncset.done $0x0  }
0x32c: {  	[sflag:s15] =	ssyncadd.s32 $0xFFFFD800  }
0x32d: {  	[bflag:$0x0] =	sbarrier.arrive $0xFFFF  }
0x32e: {  	s23 =	sld [smem:$0x7FD]  }
0x32f: {  	s12 =	stileid.u32;
	s24 =	sld [smem:$0x7FC]  }
0x330: {  	s5 =	sshll.u32 s12, $0x6  }
0x331: {  	s5 =	sor.u32 $0x1C03, s5;
	s13 =	sshrl.u32 s23, $0x3  }
0x332: {  	[hbm:s24], [sflag:s5] =	dma.local [spmem:s13], $0x2800  }
0x333: {  	_ =	swait.ge [sflag:s15], $0x2800  }
0x334: {  	s13 =	sld [smem:$0x7EC]  }
0x335: {  	s24 =	sld [smem:$0x7F4];
	_ =	sdelay $0x1  }
0x336: {  	s12 =	sadd.s32 $0x1, s13  }
0x337: {  	p0 =	sne.s32 s12, s24  }
.Ltmp2:
0x338: {  	_ = 	snop;
	(pc) =	sbr.rel @p0 .LBB2_1-.Ltmp2, $3  }
0x339: {  	_ =	sdelay $0x1  }
0x33a: {  	[sflag:s15] =	ssyncset.done $0x0  }
0x33b: {  	[sflag:s15] =	ssyncadd.s32 $0xFFFFD800  }
0x33c: {  	_ =	sfence.sel $0x180000  }
0x33d: {  	[bflag:$0x0] =	sbarrier.arrive $0xFFFF  }
0x33e: {  	_ =	strace $0x90000047  }
0x33f: {  	s0 =	stileid.u32;
	[bflag:$0x2] =	sbarrier.arrive $0xFFFF  }
0x340: {  	p0 =	sne.s32 s0, $0x0;
	s0 =	rddreg [dreg:$0x3]  }
0x341: {  	s0 =	sadd.s32 @!p0 $0x100000, s0  }
0x342: {  	[sflag:s0] =	ssyncadd.tile.s32 @!p0 $0x1;
	_ =	shalt  }
.Lfunc_end2:
_tile_overlayer_lowered:
.L_overlay_start_2:
0x343: {  	(tag) =	ssettag $0x2  }
0x344: {  	s0 =	rddreg [dreg:$0x0];
	s2 =	stileid.u32  }
0x345: {  	s1 =	rddreg [dreg:$0x1];
	p0 =	sne.s32 s2, $0x0  }
0x346: {  	s3 =	rddreg [dreg:$0x2];
	[bflag:$0x3] =	sbarrier.arrive $0xFFFF;
	s2 =	simm.s32 @!p0 $0x1C03  }
0x347: {  	[timem:s3], [sflag:s2] =	dma.local @!p0 [hbm:s0], s1  }
0x348: {  	s0 =	simm.s32 @!p0 $0x3  }
0x349: {  	_ =	swait.ge @!p0 [sflag:s0], s1  }
0x34a: {  	s1 =	ssub.s32 @!p0 $0x0, s1;
	[sflag:s0] =	ssyncset.done @!p0 $0x0  }
0x34b: {  	[sflag:s0] =	ssyncadd.s32 @!p0 s1  }
0x34c: {  	[bflag:$0x3] =	sbarrier.arrive $0xFFFF  }
0x34d: {  	_ =	shalt  }

</sc_bundles>
